<compile_context>
chip_gen: v7x
topology: tpu7x:2x2x1
jax: 0.10.2.dev20260603
libtpu: 0.0.44.dev20260713+nightly
codegen_flags: <defaults>
</compile_context>

<pallas_src>
import functools

import jax
import jax.numpy as jnp
from jax import lax
from jax.experimental import pallas as pl
from jax.experimental.pallas import tpu as pltpu
from jax.experimental.pallas import tpu_sc as plsc

_B = 16
_N = 2048
_L = 16
_NCHUNK = _N // _L
_NW = 32
_ROWS_PER_W = (_B * _N) // _NW


def _sqrt16(v):
    i = lax.bitcast_convert_type(v, jnp.int32)
    i = jnp.int32(0x5F3759DF) - lax.shift_right_logical(i, 1)
    y = lax.bitcast_convert_type(i, jnp.float32)
    h = jnp.float32(0.5) * v
    for _ in range(3):
        y = y * (jnp.float32(1.5) - h * y * y)
    return v * y


def _sc_body(x_hbm, out_hbm, xs, ys, zs, dbufa, dbufb, cbufa, cbufb, outv):
    nc = 2
    wid = lax.axis_index("s") * nc + lax.axis_index("c")
    b = wid // 2
    row0 = (wid % 2) * _ROWS_PER_W

    pltpu.sync_copy(x_hbm.at[pl.ds(b * (3 * _N), _N)], xs)
    pltpu.sync_copy(x_hbm.at[pl.ds(b * (3 * _N) + _N, _N)], ys)
    pltpu.sync_copy(x_hbm.at[pl.ds(b * (3 * _N) + 2 * _N, _N)], zs)

    inf16 = jnp.full((_L,), jnp.inf, dtype=jnp.float32)

    def row_group(ii, carry):
        s1, s2 = carry
        base = pl.multiple_of(row0 + ii * _L, _L)
        qxv = xs[pl.ds(base, _L)]
        qyv = ys[pl.ds(base, _L)]
        qzv = zs[pl.ds(base, _L)]
        for j in range(0, _L, 2):
            qxa, qxb = qxv[j], qxv[j + 1]
            qya, qyb = qyv[j], qyv[j + 1]
            qza, qzb = qzv[j], qzv[j + 1]

            def dist_step(g, carry):
                ma, mb = carry
                o = pl.multiple_of(g * _L, _L)
                px = xs[pl.ds(o, _L)]
                py = ys[pl.ds(o, _L)]
                pz = zs[pl.ds(o, _L)]
                dxa = px - qxa
                dya = py - qya
                dza = pz - qza
                da = dxa * dxa + dya * dya + dza * dza
                dxb = px - qxb
                dyb = py - qyb
                dzb = pz - qzb
                db = dxb * dxb + dyb * dyb + dzb * dzb
                dbufa[pl.ds(o, _L)] = da
                dbufb[pl.ds(o, _L)] = db
                return jnp.minimum(ma, da), jnp.minimum(mb, db)

            ma, mb = lax.fori_loop(0, _NCHUNK, dist_step, (inf16, inf16))
            ta = jnp.max(ma)
            tb = jnp.max(mb)

            def compress_step(g, carry):
                oa, ob = carry
                o = pl.multiple_of(g * _L, _L)
                da = dbufa[pl.ds(o, _L)]
                db = dbufb[pl.ds(o, _L)]
                mska = da <= ta
                mskb = db <= tb
                ca = plsc.all_reduce_population_count(mska)[0]
                cb = plsc.all_reduce_population_count(mskb)[0]
                plsc.store_compressed(cbufa.at[pl.ds(oa, _L)], da, mask=mska)
                plsc.store_compressed(cbufb.at[pl.ds(ob, _L)], db, mask=mskb)
                return oa + ca, ob + cb

            zero = jnp.int32(0)
            oa, ob = lax.fori_loop(0, _NCHUNK, compress_step, (zero, zero))
            cbufa[pl.ds(oa, _L)] = inf16
            cbufb[pl.ds(ob, _L)] = inf16

            nva = (oa + (_L - 1)) // _L
            nvb = (ob + (_L - 1)) // _L

            def merge_step(g, carry):
                ba, bb = carry
                c_a = cbufa[pl.ds(g * _L, _L)]
                c_b = cbufb[pl.ds(g * _L, _L)]
                na = jnp.sort(jnp.minimum(ba, jnp.flip(jnp.sort(c_a))))
                nb = jnp.sort(jnp.minimum(bb, jnp.flip(jnp.sort(c_b))))
                ba = jnp.where(g < nva, na, ba)
                bb = jnp.where(g < nvb, nb, bb)
                return ba, bb

            besta, bestb = lax.fori_loop(
                0, jnp.maximum(nva, nvb), merge_step, (inf16, inf16))

            for best in (besta, bestb):
                dist = _sqrt16(best + jnp.float32(1e-12))
                tot = jnp.sum(dist)
                mn = jnp.min(dist)
                m = (tot - mn) * jnp.float32(1.0 / 15.0)
                s1 = s1 + m
                s2 = s2 + m * m
        return s1, s2

    s1, s2 = lax.fori_loop(
        0, _ROWS_PER_W // _L, row_group,
        (jnp.float32(0.0), jnp.float32(0.0)))

    lanes = lax.iota(jnp.int32, _L)
    res = jnp.where(lanes == 0, s1, jnp.where(lanes == 1, s2, 0.0))
    res = res.astype(jnp.float32)
    outv[...] = res
    pltpu.sync_copy(outv, out_hbm.at[wid])


@jax.jit
def kernel(x):
    xt = jnp.transpose(x, (0, 2, 1)).reshape(-1)
    mesh = plsc.VectorSubcoreMesh(core_axis_name="c", subcore_axis_name="s")
    run = functools.partial(
        pl.kernel,
        out_type=jax.ShapeDtypeStruct((_NW, _L), jnp.float32),
        mesh=mesh,
        scratch_types=[
            pltpu.VMEM((_N,), jnp.float32),
            pltpu.VMEM((_N,), jnp.float32),
            pltpu.VMEM((_N,), jnp.float32),
            pltpu.VMEM((_N,), jnp.float32),
            pltpu.VMEM((_N,), jnp.float32),
            pltpu.VMEM((_N + _L,), jnp.float32),
            pltpu.VMEM((_N + _L,), jnp.float32),
            pltpu.VMEM((_L,), jnp.float32),
        ],
        compiler_params=pltpu.CompilerParams(needs_layout_passes=False),
    )(_sc_body)
    parts = run(xt)
    parts = parts.reshape(_B, 2, _L)
    s1 = parts[:, 0, 0] + parts[:, 1, 0]
    s2 = parts[:, 0, 1] + parts[:, 1, 1]
    n = jnp.float32(_N)
    var = (s2 - s1 * s1 / n) / (n - 1.0)
    return jnp.sqrt(jnp.maximum(var, 0.0))

# --- scband reference (transcript-rebuilt; emitter-appended) ---
"""Pipeline reference for scband-our-88699664597868 (READ-ONLY COPY).

The authoritative reference and input builder live on the scoring server;
editing this copy changes nothing except your own understanding.
"""

import jax, jax.numpy as jnp
import numpy as np


def setup_inputs(seed: int = 0) -> dict:
    key = jax.random.key(seed)
    x = jax.random.normal(key, (16, 2048, 3), dtype=jnp.float32)
    return {"x": x}


def reference(x):
    # Faithful translation of ModelLoss.density_loss (the kNN retrieval kernel
    # actually exercised by this model on fps-subsampled fine point clouds):
    #   x1 = x.unsqueeze(1); x2 = x.unsqueeze(2)
    #   diff = (x1 - x2).norm(dim=-1)
    #   diff, idx = diff.topk(16, largest=False)
    #   loss = diff[:, :, 1:].mean(2).std(1)
    x1 = x[:, None, :, :]          # [B, 1, N, 3]
    x2 = x[:, :, None, :]          # [B, N, 1, 3]
    sq = jnp.sum((x1 - x2) ** 2, axis=-1)   # [B, N, N]
    dist = jnp.sqrt(sq + 1e-12)             # eps for grad-safety at self-distance 0
    neg_vals, idx = jax.lax.top_k(-dist, 16)  # smallest-16 via negated top_k
    vals = -neg_vals                          # ascending nearest distances, [B, N, 16]
    # drop self (distance 0), mean over 15 neighbors, unbiased std over points
    loss = jnp.std(jnp.mean(vals[:, :, 1:], axis=2), axis=1, ddof=1)  # [B]
    return loss

if __name__ == "__main__":
    import jax
    _d = setup_inputs()
    print(jax.jit(kernel)(*tuple(_d.values())))

</pallas_src>

<mosaic_0001>
#map = affine_map<(d0, d1) -> (0)>
#map1 = affine_map<(d0, d1) -> (0, 0)>
module attributes {stable_mosaic.version = 14 : i64} {
  func.func @_sc_body(%arg0: i32, %arg1: i32, %arg2: memref<98304xf32, #tpu.memory_space<hbm>>, %arg3: memref<32x16xf32, #tpu.memory_space<hbm>>, %arg4: memref<2048xf32, #tpu.memory_space<vmem>>, %arg5: memref<2048xf32, #tpu.memory_space<vmem>>, %arg6: memref<2048xf32, #tpu.memory_space<vmem>>, %arg7: memref<2048xf32, #tpu.memory_space<vmem>>, %arg8: memref<2048xf32, #tpu.memory_space<vmem>>, %arg9: memref<2064xf32, #tpu.memory_space<vmem>>, %arg10: memref<2064xf32, #tpu.memory_space<vmem>>, %arg11: memref<16xf32, #tpu.memory_space<vmem>>) attributes {dimension_semantics = [#tpu.dimension_semantics<core_parallel>, #tpu.dimension_semantics<subcore_parallel>], iteration_bounds = array<i64: 2, 16>, scalar_prefetch = 0 : i64, scratch_operands = 8 : i64, tpu.core_type = #tpu.core_type<sc_vector_subcore>, window_params = [{transform_indices = #map}, {transform_indices = #map1}]} {
    %mul3A = arith.constant 2 : i32
    %mul3A_0 = arith.muli %arg1, %mul3A : i32
    %add3A = arith.addi %mul3A_0, %arg0 : i32
    %jit3A = arith.constant 2 : i32
    %div3A = arith.divsi %add3A, %jit3A : i32
    %sign3A = arith.constant 0 : i32
    %sign3A_1 = arith.cmpi sgt, %add3A, %sign3A : i32
    %sign3A_2 = arith.extui %sign3A_1 : i1 to i32
    %sign3A_3 = arith.constant 0 : i32
    %sign3A_4 = arith.cmpi slt, %add3A, %sign3A_3 : i32
    %sign3A_5 = arith.extui %sign3A_4 : i1 to i32
    %sign3A_6 = arith.subi %sign3A_2, %sign3A_5 : i32
    %sign3A_7 = arith.constant 0 : i32
    %sign3A_8 = arith.cmpi sgt, %jit3A, %sign3A_7 : i32
    %sign3A_9 = arith.extui %sign3A_8 : i1 to i32
    %sign3A_10 = arith.constant 0 : i32
    %sign3A_11 = arith.cmpi slt, %jit3A, %sign3A_10 : i32
    %sign3A_12 = arith.extui %sign3A_11 : i1 to i32
    %sign3A_13 = arith.subi %sign3A_9, %sign3A_12 : i32
    %ne3A = arith.cmpi ne, %sign3A_6, %sign3A_13 : i32
    %rem3A = arith.remsi %add3A, %jit3A : i32
    %ne3A_14 = arith.constant 0 : i32
    %ne3A_15 = arith.cmpi ne, %rem3A, %ne3A_14 : i32
    %and3A = arith.andi %ne3A, %ne3A_15 : i1
    %sub3A = arith.constant 1 : i32
    %sub3A_16 = arith.subi %div3A, %sub3A : i32
    %select_n3A = arith.select %and3A, %sub3A_16, %div3A : i32
    %jit3A_17 = arith.constant 2 : i32
    %eq3A = arith.constant 0 : i32
    %eq3A_18 = arith.cmpi eq, %jit3A_17, %eq3A : i32
    %jit3A_19 = arith.constant 1 : i32
    %select_n3A_20 = arith.select %eq3A_18, %jit3A_19, %jit3A_17 : i32
    %rem3A_21 = arith.remsi %add3A, %select_n3A_20 : i32
    %ne3A_22 = arith.constant 0 : i32
    %ne3A_23 = arith.cmpi ne, %rem3A_21, %ne3A_22 : i32
    %lt3A = arith.constant 0 : i32
    %lt3A_24 = arith.cmpi slt, %rem3A_21, %lt3A : i32
    %lt3A_25 = arith.constant 0 : i32
    %lt3A_26 = arith.cmpi slt, %select_n3A_20, %lt3A_25 : i32
    %ne3A_27 = arith.xori %lt3A_24, %lt3A_26 : i1
    %and3A_28 = arith.andi %ne3A_27, %ne3A_23 : i1
    %add3A_29 = arith.addi %rem3A_21, %select_n3A_20 : i32
    %select_n3A_30 = arith.select %and3A_28, %add3A_29, %rem3A_21 : i32
    %mul3A_31 = arith.constant 1024 : i32
    %mul3A_32 = arith.muli %select_n3A_30, %mul3A_31 : i32
    %mul3A_33 = arith.constant 6144 : i32
    %mul3A_34 = arith.muli %select_n3A, %mul3A_33 : i32
    "tpu.region"() ({
      %run_scoped3A = tpu.sem_alloc : memref<!tpu.dma_semaphore, #tpu.memory_space<semaphore_mem>>
      %dma_start3A = tpu.memref_slice %arg2[%mul3A_34] : memref<98304xf32, #tpu.memory_space<hbm>> -> memref<2048xf32, #tpu.memory_space<hbm>>
      %dma_start3A_64 = tpu.memref_slice %arg2[%mul3A_34] : memref<98304xf32, #tpu.memory_space<hbm>> -> memref<2048xf32, #tpu.memory_space<hbm>>
      tpu.enqueue_dma source(%dma_start3A_64 : memref<2048xf32, #tpu.memory_space<hbm>>) target(%arg4 : memref<2048xf32, #tpu.memory_space<vmem>>) target_semaphore(%run_scoped3A : memref<!tpu.dma_semaphore, #tpu.memory_space<semaphore_mem>>)
      %dma_wait3A = tpu.memref_slice %arg2[%mul3A_34] : memref<98304xf32, #tpu.memory_space<hbm>> -> memref<2048xf32, #tpu.memory_space<hbm>>
      %dma_wait3A_65 = tpu.memref_slice %arg2[%mul3A_34] : memref<98304xf32, #tpu.memory_space<hbm>> -> memref<2048xf32, #tpu.memory_space<hbm>>
      tpu.wait_dma2 semaphore(%run_scoped3A : memref<!tpu.dma_semaphore, #tpu.memory_space<semaphore_mem>>) src(%dma_wait3A_65 : memref<2048xf32, #tpu.memory_space<hbm>>) dst(%arg4 : memref<2048xf32, #tpu.memory_space<vmem>>)
      tpu.yield
    }) : () -> ()
    %mul3A_35 = arith.constant 6144 : i32
    %mul3A_36 = arith.muli %select_n3A, %mul3A_35 : i32
    %add3A_37 = arith.constant 2048 : i32
    %add3A_38 = arith.addi %mul3A_36, %add3A_37 : i32
    "tpu.region"() ({
      %run_scoped3A = tpu.sem_alloc : memref<!tpu.dma_semaphore, #tpu.memory_space<semaphore_mem>>
      %dma_start3A = tpu.memref_slice %arg2[%add3A_38] : memref<98304xf32, #tpu.memory_space<hbm>> -> memref<2048xf32, #tpu.memory_space<hbm>>
      %dma_start3A_64 = tpu.memref_slice %arg2[%add3A_38] : memref<98304xf32, #tpu.memory_space<hbm>> -> memref<2048xf32, #tpu.memory_space<hbm>>
      tpu.enqueue_dma source(%dma_start3A_64 : memref<2048xf32, #tpu.memory_space<hbm>>) target(%arg5 : memref<2048xf32, #tpu.memory_space<vmem>>) target_semaphore(%run_scoped3A : memref<!tpu.dma_semaphore, #tpu.memory_space<semaphore_mem>>)
      %dma_wait3A = tpu.memref_slice %arg2[%add3A_38] : memref<98304xf32, #tpu.memory_space<hbm>> -> memref<2048xf32, #tpu.memory_space<hbm>>
      %dma_wait3A_65 = tpu.memref_slice %arg2[%add3A_38] : memref<98304xf32, #tpu.memory_space<hbm>> -> memref<2048xf32, #tpu.memory_space<hbm>>
      tpu.wait_dma2 semaphore(%run_scoped3A : memref<!tpu.dma_semaphore, #tpu.memory_space<semaphore_mem>>) src(%dma_wait3A_65 : memref<2048xf32, #tpu.memory_space<hbm>>) dst(%arg5 : memref<2048xf32, #tpu.memory_space<vmem>>)
      tpu.yield
    }) : () -> ()
    %mul3A_39 = arith.constant 6144 : i32
    %mul3A_40 = arith.muli %select_n3A, %mul3A_39 : i32
    %add3A_41 = arith.constant 4096 : i32
    %add3A_42 = arith.addi %mul3A_40, %add3A_41 : i32
    "tpu.region"() ({
      %run_scoped3A = tpu.sem_alloc : memref<!tpu.dma_semaphore, #tpu.memory_space<semaphore_mem>>
      %dma_start3A = tpu.memref_slice %arg2[%add3A_42] : memref<98304xf32, #tpu.memory_space<hbm>> -> memref<2048xf32, #tpu.memory_space<hbm>>
      %dma_start3A_64 = tpu.memref_slice %arg2[%add3A_42] : memref<98304xf32, #tpu.memory_space<hbm>> -> memref<2048xf32, #tpu.memory_space<hbm>>
      tpu.enqueue_dma source(%dma_start3A_64 : memref<2048xf32, #tpu.memory_space<hbm>>) target(%arg6 : memref<2048xf32, #tpu.memory_space<vmem>>) target_semaphore(%run_scoped3A : memref<!tpu.dma_semaphore, #tpu.memory_space<semaphore_mem>>)
      %dma_wait3A = tpu.memref_slice %arg2[%add3A_42] : memref<98304xf32, #tpu.memory_space<hbm>> -> memref<2048xf32, #tpu.memory_space<hbm>>
      %dma_wait3A_65 = tpu.memref_slice %arg2[%add3A_42] : memref<98304xf32, #tpu.memory_space<hbm>> -> memref<2048xf32, #tpu.memory_space<hbm>>
      tpu.wait_dma2 semaphore(%run_scoped3A : memref<!tpu.dma_semaphore, #tpu.memory_space<semaphore_mem>>) src(%dma_wait3A_65 : memref<2048xf32, #tpu.memory_space<hbm>>) dst(%arg6 : memref<2048xf32, #tpu.memory_space<vmem>>)
      tpu.yield
    }) : () -> ()
    %broadcast_in_dim3A = arith.constant 0x7F800000 : f32
    %broadcast_in_dim3A_43 = vector.broadcast %broadcast_in_dim3A : f32 to vector<16xf32>
    %scan3A = arith.constant 0.000000e+00 : f32
    %scan3A_44 = arith.constant 0.000000e+00 : f32
    %scan3A_45 = arith.constant 0 : i32
    %scan3A_46 = arith.constant 64 : i32
    %scan3A_47 = arith.addi %scan3A_45, %scan3A_46 : i32
    %scan3A_48 = arith.constant 1 : i32
    %scan3A_49:2 = scf.for %scan3A_64 = %scan3A_45 to %scan3A_47 step %scan3A_48 iter_args(%scan3A_65 = %scan3A, %scan3A_66 = %scan3A_44) -> (f32, f32)  : i32 {
      %mul3A_67 = arith.constant 16 : i32
      %mul3A_68 = arith.muli %scan3A_64, %mul3A_67 : i32
      %add3A_69 = arith.addi %mul3A_32, %mul3A_68 : i32
      %multiple_of3A = tpu.assume_multiple %add3A_69, 16 : i32
      %get3A = arith.index_cast %multiple_of3A : i32 to index
      %get3A_70 = tpu.vector_load %arg4[%get3A] {strides = array<i32>} : memref<2048xf32, #tpu.memory_space<vmem>>, vector<16xf32>,
      %get3A_71 = arith.index_cast %multiple_of3A : i32 to index
      %get3A_72 = tpu.vector_load %arg5[%get3A_71] {strides = array<i32>} : memref<2048xf32, #tpu.memory_space<vmem>>, vector<16xf32>,
      %get3A_73 = arith.index_cast %multiple_of3A : i32 to index
      %get3A_74 = tpu.vector_load %arg6[%get3A_73] {strides = array<i32>} : memref<2048xf32, #tpu.memory_space<vmem>>, vector<16xf32>,
      %slice3A = vector.extract_strided_slice %get3A_70 {offsets = [0], sizes = [1], strides = [1]} : vector<16xf32> to vector<1xf32>
      %squeeze3A = vector.extract %slice3A[0] : f32 from vector<1xf32>
      %slice3A_75 = vector.extract_strided_slice %get3A_70 {offsets = [1], sizes = [1], strides = [1]} : vector<16xf32> to vector<1xf32>
      %squeeze3A_76 = vector.extract %slice3A_75[0] : f32 from vector<1xf32>
      %slice3A_77 = vector.extract_strided_slice %get3A_72 {offsets = [0], sizes = [1], strides = [1]} : vector<16xf32> to vector<1xf32>
      %squeeze3A_78 = vector.extract %slice3A_77[0] : f32 from vector<1xf32>
      %slice3A_79 = vector.extract_strided_slice %get3A_72 {offsets = [1], sizes = [1], strides = [1]} : vector<16xf32> to vector<1xf32>
      %squeeze3A_80 = vector.extract %slice3A_79[0] : f32 from vector<1xf32>
      %slice3A_81 = vector.extract_strided_slice %get3A_74 {offsets = [0], sizes = [1], strides = [1]} : vector<16xf32> to vector<1xf32>
      %squeeze3A_82 = vector.extract %slice3A_81[0] : f32 from vector<1xf32>
      %slice3A_83 = vector.extract_strided_slice %get3A_74 {offsets = [1], sizes = [1], strides = [1]} : vector<16xf32> to vector<1xf32>
      %squeeze3A_84 = vector.extract %slice3A_83[0] : f32 from vector<1xf32>
      %scan3A_85 = arith.constant 0 : i32
      %scan3A_86 = arith.constant 128 : i32
      %scan3A_87 = arith.addi %scan3A_85, %scan3A_86 : i32
      %scan3A_88 = arith.constant 1 : i32
      %scan3A_89:2 = scf.for %scan3A_1634 = %scan3A_85 to %scan3A_87 step %scan3A_88 iter_args(%scan3A_1635 = %broadcast_in_dim3A_43, %scan3A_1636 = %broadcast_in_dim3A_43) -> (vector<16xf32>, vector<16xf32>)  : i32 {
        %mul3A_1637 = arith.constant 16 : i32
        %mul3A_1638 = arith.muli %scan3A_1634, %mul3A_1637 : i32
        %multiple_of3A_1639 = tpu.assume_multiple %mul3A_1638, 16 : i32
        %get3A_1640 = arith.index_cast %multiple_of3A_1639 : i32 to index
        %get3A_1641 = tpu.vector_load %arg4[%get3A_1640] {strides = array<i32>} : memref<2048xf32, #tpu.memory_space<vmem>>, vector<16xf32>,
        %get3A_1642 = arith.index_cast %multiple_of3A_1639 : i32 to index
        %get3A_1643 = tpu.vector_load %arg5[%get3A_1642] {strides = array<i32>} : memref<2048xf32, #tpu.memory_space<vmem>>, vector<16xf32>,
        %get3A_1644 = arith.index_cast %multiple_of3A_1639 : i32 to index
        %get3A_1645 = tpu.vector_load %arg6[%get3A_1644] {strides = array<i32>} : memref<2048xf32, #tpu.memory_space<vmem>>, vector<16xf32>,
        %sub3A_1646 = vector.broadcast %squeeze3A : f32 to vector<16xf32>
        %sub3A_1647 = arith.subf %get3A_1641, %sub3A_1646 : vector<16xf32>
        %sub3A_1648 = vector.broadcast %squeeze3A_78 : f32 to vector<16xf32>
        %sub3A_1649 = arith.subf %get3A_1643, %sub3A_1648 : vector<16xf32>
        %sub3A_1650 = vector.broadcast %squeeze3A_82 : f32 to vector<16xf32>
        %sub3A_1651 = arith.subf %get3A_1645, %sub3A_1650 : vector<16xf32>
        %mul3A_1652 = arith.mulf %sub3A_1647, %sub3A_1647 : vector<16xf32>
        %mul3A_1653 = arith.mulf %sub3A_1649, %sub3A_1649 : vector<16xf32>
        %add3A_1654 = arith.addf %mul3A_1652, %mul3A_1653 : vector<16xf32>
        %mul3A_1655 = arith.mulf %sub3A_1651, %sub3A_1651 : vector<16xf32>
        %add3A_1656 = arith.addf %add3A_1654, %mul3A_1655 : vector<16xf32>
        %sub3A_1657 = vector.broadcast %squeeze3A_76 : f32 to vector<16xf32>
        %sub3A_1658 = arith.subf %get3A_1641, %sub3A_1657 : vector<16xf32>
        %sub3A_1659 = vector.broadcast %squeeze3A_80 : f32 to vector<16xf32>
        %sub3A_1660 = arith.subf %get3A_1643, %sub3A_1659 : vector<16xf32>
        %sub3A_1661 = vector.broadcast %squeeze3A_84 : f32 to vector<16xf32>
        %sub3A_1662 = arith.subf %get3A_1645, %sub3A_1661 : vector<16xf32>
        %mul3A_1663 = arith.mulf %sub3A_1658, %sub3A_1658 : vector<16xf32>
        %mul3A_1664 = arith.mulf %sub3A_1660, %sub3A_1660 : vector<16xf32>
        %add3A_1665 = arith.addf %mul3A_1663, %mul3A_1664 : vector<16xf32>
        %mul3A_1666 = arith.mulf %sub3A_1662, %sub3A_1662 : vector<16xf32>
        %add3A_1667 = arith.addf %add3A_1665, %mul3A_1666 : vector<16xf32>
        %swap3A_1668 = arith.index_cast %multiple_of3A_1639 : i32 to index
        %swap3A_1669 = tpu.vector_load %arg7[%swap3A_1668] {strides = array<i32>} : memref<2048xf32, #tpu.memory_space<vmem>>, vector<16xf32>,
        tpu.vector_store %arg7[%swap3A_1668], %add3A_1656 {strides = array<i32>} : memref<2048xf32, #tpu.memory_space<vmem>>, vector<16xf32>,
        %swap3A_1670 = arith.index_cast %multiple_of3A_1639 : i32 to index
        %swap3A_1671 = tpu.vector_load %arg8[%swap3A_1670] {strides = array<i32>} : memref<2048xf32, #tpu.memory_space<vmem>>, vector<16xf32>,
        tpu.vector_store %arg8[%swap3A_1670], %add3A_1667 {strides = array<i32>} : memref<2048xf32, #tpu.memory_space<vmem>>, vector<16xf32>,
        %min3A = arith.minimumf %scan3A_1635, %add3A_1656 : vector<16xf32>
        %min3A_1672 = arith.minimumf %scan3A_1636, %add3A_1667 : vector<16xf32>
        scf.yield %min3A, %min3A_1672 : vector<16xf32>, vector<16xf32>
      }
      %scan3A_90 = arith.constant 128 : i32
      %reduce_max3A = arith.constant true
      %reduce_max3A_91 = vector.broadcast %reduce_max3A : i1 to vector<16xi1>
      %reduce_max3A_92 = tpu.scan <max>, %scan3A_89#0 masked %reduce_max3A_91 : vector<16xf32>, vector<16xi1> -> vector<16xf32>
      %reduce_max3A_93 = vector.extract %reduce_max3A_92[15] : f32 from vector<16xf32>
      %reduce_max3A_94 = arith.constant true
      %reduce_max3A_95 = vector.broadcast %reduce_max3A_94 : i1 to vector<16xi1>
      %reduce_max3A_96 = tpu.scan <max>, %scan3A_89#1 masked %reduce_max3A_95 : vector<16xf32>, vector<16xi1> -> vector<16xf32>
      %reduce_max3A_97 = vector.extract %reduce_max3A_96[15] : f32 from vector<16xf32>
      %scan3A_98 = arith.constant 0 : i32
      %scan3A_99 = arith.constant 0 : i32
      %scan3A_100 = arith.constant 0 : i32
      %scan3A_101 = arith.constant 128 : i32
      %scan3A_102 = arith.addi %scan3A_100, %scan3A_101 : i32
      %scan3A_103 = arith.constant 1 : i32
      %scan3A_104:2 = scf.for %scan3A_1634 = %scan3A_100 to %scan3A_102 step %scan3A_103 iter_args(%scan3A_1635 = %scan3A_98, %scan3A_1636 = %scan3A_99) -> (i32, i32)  : i32 {
        %mul3A_1637 = arith.constant 16 : i32
        %mul3A_1638 = arith.muli %scan3A_1634, %mul3A_1637 : i32
        %multiple_of3A_1639 = tpu.assume_multiple %mul3A_1638, 16 : i32
        %get3A_1640 = arith.index_cast %multiple_of3A_1639 : i32 to index
        %get3A_1641 = tpu.vector_load %arg7[%get3A_1640] {strides = array<i32>} : memref<2048xf32, #tpu.memory_space<vmem>>, vector<16xf32>,
        %get3A_1642 = arith.index_cast %multiple_of3A_1639 : i32 to index
        %get3A_1643 = tpu.vector_load %arg8[%get3A_1642] {strides = array<i32>} : memref<2048xf32, #tpu.memory_space<vmem>>, vector<16xf32>,
        %le3A = vector.broadcast %reduce_max3A_93 : f32 to vector<16xf32>
        %le3A_1644 = arith.cmpf ole, %get3A_1641, %le3A : vector<16xf32>
        %le3A_1645 = vector.broadcast %reduce_max3A_97 : f32 to vector<16xf32>
        %le3A_1646 = arith.cmpf ole, %get3A_1643, %le3A_1645 : vector<16xf32>
        %all_reduce_population_count3A = tpu.all_reduce %le3A_1644 {dim = 0 : i64, kind = #tpu.reduction_kind<sum>} : vector<16xi1> -> vector<16xi32>
        %slice3A_1647 = vector.extract_strided_slice %all_reduce_population_count3A {offsets = [0], sizes = [1], strides = [1]} : vector<16xi32> to vector<1xi32>
        %squeeze3A_1648 = vector.extract %slice3A_1647[0] : i32 from vector<1xi32>
        %all_reduce_population_count3A_1649 = tpu.all_reduce %le3A_1646 {dim = 0 : i64, kind = #tpu.reduction_kind<sum>} : vector<16xi1> -> vector<16xi32>
        %slice3A_1650 = vector.extract_strided_slice %all_reduce_population_count3A_1649 {offsets = [0], sizes = [1], strides = [1]} : vector<16xi32> to vector<1xi32>
        %squeeze3A_1651 = vector.extract %slice3A_1650[0] : i32 from vector<1xi32>
        %swap3A_1652 = arith.index_cast %scan3A_1635 : i32 to index
        %swap3A_1653 = tpu.vector_load %arg9[%swap3A_1652] masked %le3A_1644 {strides = array<i32>} : memref<2064xf32, #tpu.memory_space<vmem>>, vector<16xf32>, vector<16xi1>
        tpu.vector_store %arg9[%swap3A_1652], %get3A_1641 masked %le3A_1644 {strides = array<i32>} : memref<2064xf32, #tpu.memory_space<vmem>>, vector<16xf32>, vector<16xi1>
        %swap3A_1654 = arith.index_cast %scan3A_1636 : i32 to index
        %swap3A_1655 = tpu.vector_load %arg10[%swap3A_1654] masked %le3A_1646 {strides = array<i32>} : memref<2064xf32, #tpu.memory_space<vmem>>, vector<16xf32>, vector<16xi1>
        tpu.vector_store %arg10[%swap3A_1654], %get3A_1643 masked %le3A_1646 {strides = array<i32>} : memref<2064xf32, #tpu.memory_space<vmem>>, vector<16xf32>, vector<16xi1>
        %add3A_1656 = arith.addi %scan3A_1635, %squeeze3A_1648 : i32
        %add3A_1657 = arith.addi %scan3A_1636, %squeeze3A_1651 : i32
        scf.yield %add3A_1656, %add3A_1657 : i32, i32
      }
      %scan3A_105 = arith.constant 128 : i32
      %swap3A_106 = arith.index_cast %scan3A_104#0 : i32 to index
      %swap3A_107 = tpu.vector_load %arg9[%swap3A_106] {strides = array<i32>} : memref<2064xf32, #tpu.memory_space<vmem>>, vector<16xf32>,
      tpu.vector_store %arg9[%swap3A_106], %broadcast_in_dim3A_43 {strides = array<i32>} : memref<2064xf32, #tpu.memory_space<vmem>>, vector<16xf32>,
      %swap3A_108 = arith.index_cast %scan3A_104#1 : i32 to index
      %swap3A_109 = tpu.vector_load %arg10[%swap3A_108] {strides = array<i32>} : memref<2064xf32, #tpu.memory_space<vmem>>, vector<16xf32>,
      tpu.vector_store %arg10[%swap3A_108], %broadcast_in_dim3A_43 {strides = array<i32>} : memref<2064xf32, #tpu.memory_space<vmem>>, vector<16xf32>,
      %add3A_110 = arith.constant 15 : i32
      %add3A_111 = arith.addi %scan3A_104#0, %add3A_110 : i32
      %jit3A_112 = arith.constant 16 : i32
      %div3A_113 = arith.divsi %add3A_111, %jit3A_112 : i32
      %sign3A_114 = arith.constant 0 : i32
      %sign3A_115 = arith.cmpi sgt, %add3A_111, %sign3A_114 : i32
      %sign3A_116 = arith.extui %sign3A_115 : i1 to i32
      %sign3A_117 = arith.constant 0 : i32
      %sign3A_118 = arith.cmpi slt, %add3A_111, %sign3A_117 : i32
      %sign3A_119 = arith.extui %sign3A_118 : i1 to i32
      %sign3A_120 = arith.subi %sign3A_116, %sign3A_119 : i32
      %sign3A_121 = arith.constant 0 : i32
      %sign3A_122 = arith.cmpi sgt, %jit3A_112, %sign3A_121 : i32
      %sign3A_123 = arith.extui %sign3A_122 : i1 to i32
      %sign3A_124 = arith.constant 0 : i32
      %sign3A_125 = arith.cmpi slt, %jit3A_112, %sign3A_124 : i32
      %sign3A_126 = arith.extui %sign3A_125 : i1 to i32
      %sign3A_127 = arith.subi %sign3A_123, %sign3A_126 : i32
      %ne3A_128 = arith.cmpi ne, %sign3A_120, %sign3A_127 : i32
      %rem3A_129 = arith.remsi %add3A_111, %jit3A_112 : i32
      %ne3A_130 = arith.constant 0 : i32
      %ne3A_131 = arith.cmpi ne, %rem3A_129, %ne3A_130 : i32
      %and3A_132 = arith.andi %ne3A_128, %ne3A_131 : i1
      %sub3A_133 = arith.constant 1 : i32
      %sub3A_134 = arith.subi %div3A_113, %sub3A_133 : i32
      %select_n3A_135 = arith.select %and3A_132, %sub3A_134, %div3A_113 : i32
      %add3A_136 = arith.constant 15 : i32
      %add3A_137 = arith.addi %scan3A_104#1, %add3A_136 : i32
      %jit3A_138 = arith.constant 16 : i32
      %div3A_139 = arith.divsi %add3A_137, %jit3A_138 : i32
      %sign3A_140 = arith.constant 0 : i32
      %sign3A_141 = arith.cmpi sgt, %add3A_137, %sign3A_140 : i32
      %sign3A_142 = arith.extui %sign3A_141 : i1 to i32
      %sign3A_143 = arith.constant 0 : i32
      %sign3A_144 = arith.cmpi slt, %add3A_137, %sign3A_143 : i32
      %sign3A_145 = arith.extui %sign3A_144 : i1 to i32
      %sign3A_146 = arith.subi %sign3A_142, %sign3A_145 : i32
      %sign3A_147 = arith.constant 0 : i32
      %sign3A_148 = arith.cmpi sgt, %jit3A_138, %sign3A_147 : i32
      %sign3A_149 = arith.extui %sign3A_148 : i1 to i32
      %sign3A_150 = arith.constant 0 : i32
      %sign3A_151 = arith.cmpi slt, %jit3A_138, %sign3A_150 : i32
      %sign3A_152 = arith.extui %sign3A_151 : i1 to i32
      %sign3A_153 = arith.subi %sign3A_149, %sign3A_152 : i32
      %ne3A_154 = arith.cmpi ne, %sign3A_146, %sign3A_153 : i32
      %rem3A_155 = arith.remsi %add3A_137, %jit3A_138 : i32
      %ne3A_156 = arith.constant 0 : i32
      %ne3A_157 = arith.cmpi ne, %rem3A_155, %ne3A_156 : i32
      %and3A_158 = arith.andi %ne3A_154, %ne3A_157 : i1
      %sub3A_159 = arith.constant 1 : i32
      %sub3A_160 = arith.subi %div3A_139, %sub3A_159 : i32
      %select_n3A_161 = arith.select %and3A_158, %sub3A_160, %div3A_139 : i32
      %max3A = arith.maxsi %select_n3A_135, %select_n3A_161 : i32
      %while3A = arith.constant 0 : i32
      %while3A_162 = arith.subi %max3A, %while3A : i32
      %while3A_163 = arith.addi %while3A, %while3A_162 : i32
      %while3A_164 = arith.constant 1 : i32
      %while3A_165 = arith.divsi %while3A_162, %while3A_164 : i32
      %while3A_166 = arith.muli %while3A_165, %while3A_164 : i32
      %while3A_167 = arith.addi %while3A, %while3A_166 : i32
      %while3A_168 = arith.constant 1 : i32
      %while3A_169:2 = scf.for %while3A_1634 = %while3A to %while3A_167 step %while3A_168 iter_args(%while3A_1635 = %broadcast_in_dim3A_43, %while3A_1636 = %broadcast_in_dim3A_43) -> (vector<16xf32>, vector<16xf32>)  : i32 {
        %mul3A_1637 = arith.constant 16 : i32
        %mul3A_1638 = arith.muli %while3A_1634, %mul3A_1637 : i32
        %get3A_1639 = arith.index_cast %mul3A_1638 : i32 to index
        %get3A_1640 = tpu.vector_load %arg9[%get3A_1639] {strides = array<i32>} : memref<2064xf32, #tpu.memory_space<vmem>>, vector<16xf32>,
        %mul3A_1641 = arith.constant 16 : i32
        %mul3A_1642 = arith.muli %while3A_1634, %mul3A_1641 : i32
        %get3A_1643 = arith.index_cast %mul3A_1642 : i32 to index
        %get3A_1644 = tpu.vector_load %arg10[%get3A_1643] {strides = array<i32>} : memref<2064xf32, #tpu.memory_space<vmem>>, vector<16xf32>,
        %sort3A = arith.constant dense<true> : vector<16xi1>
        %sort3A_1645, %sort3A_1646, %sort3A_1647 = tpu.sort %get3A_1640, %get3A_1640 masked %sort3A : (vector<16xf32>, vector<16xf32>, vector<16xi1>) -> (vector<16xi1>, vector<16xf32>, vector<16xf32>)
        %rev3A = arith.constant 15 : i32
        %rev3A_1648 = vector.broadcast %rev3A : i32 to vector<16xi32>
        %rev3A_1649 = tpu.iota {dimensions = array<i32: 0>} : vector<16xi32>
        %rev3A_1650 = arith.subi %rev3A_1648, %rev3A_1649 : vector<16xi32>
        %rev3A_1651 = tpu.dynamic_gather %sort3A_1646[%rev3A_1650] in [0] : vector<16xf32>, vector<16xi32> -> vector<16xf32>
        %min3A = arith.minimumf %while3A_1635, %rev3A_1651 : vector<16xf32>
        %sort3A_1652 = arith.constant dense<true> : vector<16xi1>
        %sort3A_1653, %sort3A_1654, %sort3A_1655 = tpu.sort %min3A, %min3A masked %sort3A_1652 : (vector<16xf32>, vector<16xf32>, vector<16xi1>) -> (vector<16xi1>, vector<16xf32>, vector<16xf32>)
        %sort3A_1656 = arith.constant dense<true> : vector<16xi1>
        %sort3A_1657, %sort3A_1658, %sort3A_1659 = tpu.sort %get3A_1644, %get3A_1644 masked %sort3A_1656 : (vector<16xf32>, vector<16xf32>, vector<16xi1>) -> (vector<16xi1>, vector<16xf32>, vector<16xf32>)
        %rev3A_1660 = arith.constant 15 : i32
        %rev3A_1661 = vector.broadcast %rev3A_1660 : i32 to vector<16xi32>
        %rev3A_1662 = tpu.iota {dimensions = array<i32: 0>} : vector<16xi32>
        %rev3A_1663 = arith.subi %rev3A_1661, %rev3A_1662 : vector<16xi32>
        %rev3A_1664 = tpu.dynamic_gather %sort3A_1658[%rev3A_1663] in [0] : vector<16xf32>, vector<16xi32> -> vector<16xf32>
        %min3A_1665 = arith.minimumf %while3A_1636, %rev3A_1664 : vector<16xf32>
        %sort3A_1666 = arith.constant dense<true> : vector<16xi1>
        %sort3A_1667, %sort3A_1668, %sort3A_1669 = tpu.sort %min3A_1665, %min3A_1665 masked %sort3A_1666 : (vector<16xf32>, vector<16xf32>, vector<16xi1>) -> (vector<16xi1>, vector<16xf32>, vector<16xf32>)
        %lt3A_1670 = arith.cmpi slt, %while3A_1634, %select_n3A_135 : i32
        %select_n3A_1671 = arith.select %lt3A_1670, %sort3A_1654, %while3A_1635 : vector<16xf32>
        %lt3A_1672 = arith.cmpi slt, %while3A_1634, %select_n3A_161 : i32
        %select_n3A_1673 = arith.select %lt3A_1672, %sort3A_1668, %while3A_1636 : vector<16xf32>
        scf.yield %select_n3A_1671, %select_n3A_1673 : vector<16xf32>, vector<16xf32>
      }
      %while3A_170 = arith.constant 1 : i32
      %while3A_171:2 = scf.for %while3A_1634 = %while3A_167 to %while3A_163 step %while3A_170 iter_args(%while3A_1635 = %while3A_169#0, %while3A_1636 = %while3A_169#1) -> (vector<16xf32>, vector<16xf32>)  : i32 {
        %mul3A_1637 = arith.constant 16 : i32
        %mul3A_1638 = arith.muli %while3A_1634, %mul3A_1637 : i32
        %get3A_1639 = arith.index_cast %mul3A_1638 : i32 to index
        %get3A_1640 = tpu.vector_load %arg9[%get3A_1639] {strides = array<i32>} : memref<2064xf32, #tpu.memory_space<vmem>>, vector<16xf32>,
        %mul3A_1641 = arith.constant 16 : i32
        %mul3A_1642 = arith.muli %while3A_1634, %mul3A_1641 : i32
        %get3A_1643 = arith.index_cast %mul3A_1642 : i32 to index
        %get3A_1644 = tpu.vector_load %arg10[%get3A_1643] {strides = array<i32>} : memref<2064xf32, #tpu.memory_space<vmem>>, vector<16xf32>,
        %sort3A = arith.constant dense<true> : vector<16xi1>
        %sort3A_1645, %sort3A_1646, %sort3A_1647 = tpu.sort %get3A_1640, %get3A_1640 masked %sort3A : (vector<16xf32>, vector<16xf32>, vector<16xi1>) -> (vector<16xi1>, vector<16xf32>, vector<16xf32>)
        %rev3A = arith.constant 15 : i32
        %rev3A_1648 = vector.broadcast %rev3A : i32 to vector<16xi32>
        %rev3A_1649 = tpu.iota {dimensions = array<i32: 0>} : vector<16xi32>
        %rev3A_1650 = arith.subi %rev3A_1648, %rev3A_1649 : vector<16xi32>
        %rev3A_1651 = tpu.dynamic_gather %sort3A_1646[%rev3A_1650] in [0] : vector<16xf32>, vector<16xi32> -> vector<16xf32>
        %min3A = arith.minimumf %while3A_1635, %rev3A_1651 : vector<16xf32>
        %sort3A_1652 = arith.constant dense<true> : vector<16xi1>
        %sort3A_1653, %sort3A_1654, %sort3A_1655 = tpu.sort %min3A, %min3A masked %sort3A_1652 : (vector<16xf32>, vector<16xf32>, vector<16xi1>) -> (vector<16xi1>, vector<16xf32>, vector<16xf32>)
        %sort3A_1656 = arith.constant dense<true> : vector<16xi1>
        %sort3A_1657, %sort3A_1658, %sort3A_1659 = tpu.sort %get3A_1644, %get3A_1644 masked %sort3A_1656 : (vector<16xf32>, vector<16xf32>, vector<16xi1>) -> (vector<16xi1>, vector<16xf32>, vector<16xf32>)
        %rev3A_1660 = arith.constant 15 : i32
        %rev3A_1661 = vector.broadcast %rev3A_1660 : i32 to vector<16xi32>
        %rev3A_1662 = tpu.iota {dimensions = array<i32: 0>} : vector<16xi32>
        %rev3A_1663 = arith.subi %rev3A_1661, %rev3A_1662 : vector<16xi32>
        %rev3A_1664 = tpu.dynamic_gather %sort3A_1658[%rev3A_1663] in [0] : vector<16xf32>, vector<16xi32> -> vector<16xf32>
        %min3A_1665 = arith.minimumf %while3A_1636, %rev3A_1664 : vector<16xf32>
        %sort3A_1666 = arith.constant dense<true> : vector<16xi1>
        %sort3A_1667, %sort3A_1668, %sort3A_1669 = tpu.sort %min3A_1665, %min3A_1665 masked %sort3A_1666 : (vector<16xf32>, vector<16xf32>, vector<16xi1>) -> (vector<16xi1>, vector<16xf32>, vector<16xf32>)
        %lt3A_1670 = arith.cmpi slt, %while3A_1634, %select_n3A_135 : i32
        %select_n3A_1671 = arith.select %lt3A_1670, %sort3A_1654, %while3A_1635 : vector<16xf32>
        %lt3A_1672 = arith.cmpi slt, %while3A_1634, %select_n3A_161 : i32
        %select_n3A_1673 = arith.select %lt3A_1672, %sort3A_1668, %while3A_1636 : vector<16xf32>
        scf.yield %select_n3A_1671, %select_n3A_1673 : vector<16xf32>, vector<16xf32>
      }
      %add3A_172 = arith.constant 9.99999996E-13 : f32
      %add3A_173 = vector.broadcast %add3A_172 : f32 to vector<16xf32>
      %add3A_174 = arith.addf %while3A_171#0, %add3A_173 : vector<16xf32>
      %bitcast_convert_type3A = tpu.bitcast %add3A_174 : vector<16xf32> -> vector<16xi32>
      %shift_right_logical3A = arith.constant 1 : i32
      %shift_right_logical3A_175 = vector.broadcast %shift_right_logical3A : i32 to vector<16xi32>
      %shift_right_logical3A_176 = arith.shrui %bitcast_convert_type3A, %shift_right_logical3A_175 : vector<16xi32>
      %sub3A_177 = arith.constant 1597463007 : i32
      %sub3A_178 = vector.broadcast %sub3A_177 : i32 to vector<16xi32>
      %sub3A_179 = arith.subi %sub3A_178, %shift_right_logical3A_176 : vector<16xi32>
      %bitcast_convert_type3A_180 = tpu.bitcast %sub3A_179 : vector<16xi32> -> vector<16xf32>
      %mul3A_181 = arith.constant 5.000000e-01 : f32
      %mul3A_182 = vector.broadcast %mul3A_181 : f32 to vector<16xf32>
      %mul3A_183 = arith.mulf %mul3A_182, %add3A_174 : vector<16xf32>
      %mul3A_184 = arith.mulf %mul3A_183, %bitcast_convert_type3A_180 : vector<16xf32>
      %mul3A_185 = arith.mulf %mul3A_184, %bitcast_convert_type3A_180 : vector<16xf32>
      %sub3A_186 = arith.constant 1.500000e+00 : f32
      %sub3A_187 = vector.broadcast %sub3A_186 : f32 to vector<16xf32>
      %sub3A_188 = arith.subf %sub3A_187, %mul3A_185 : vector<16xf32>
      %mul3A_189 = arith.mulf %bitcast_convert_type3A_180, %sub3A_188 : vector<16xf32>
      %mul3A_190 = arith.mulf %mul3A_183, %mul3A_189 : vector<16xf32>
      %mul3A_191 = arith.mulf %mul3A_190, %mul3A_189 : vector<16xf32>
      %sub3A_192 = arith.constant 1.500000e+00 : f32
      %sub3A_193 = vector.broadcast %sub3A_192 : f32 to vector<16xf32>
      %sub3A_194 = arith.subf %sub3A_193, %mul3A_191 : vector<16xf32>
      %mul3A_195 = arith.mulf %mul3A_189, %sub3A_194 : vector<16xf32>
      %mul3A_196 = arith.mulf %mul3A_183, %mul3A_195 : vector<16xf32>
      %mul3A_197 = arith.mulf %mul3A_196, %mul3A_195 : vector<16xf32>
      %sub3A_198 = arith.constant 1.500000e+00 : f32
      %sub3A_199 = vector.broadcast %sub3A_198 : f32 to vector<16xf32>
      %sub3A_200 = arith.subf %sub3A_199, %mul3A_197 : vector<16xf32>
      %mul3A_201 = arith.mulf %mul3A_195, %sub3A_200 : vector<16xf32>
      %mul3A_202 = arith.mulf %add3A_174, %mul3A_201 : vector<16xf32>
      %reduce_sum3A = arith.constant true
      %reduce_sum3A_203 = vector.broadcast %reduce_sum3A : i1 to vector<16xi1>
      %reduce_sum3A_204 = tpu.scan <sum>, %mul3A_202 masked %reduce_sum3A_203 : vector<16xf32>, vector<16xi1> -> vector<16xf32>
      %reduce_sum3A_205 = vector.extract %reduce_sum3A_204[15] : f32 from vector<16xf32>
      %reduce_min3A = arith.constant true
      %reduce_min3A_206 = vector.broadcast %reduce_min3A : i1 to vector<16xi1>
      %reduce_min3A_207 = tpu.scan <min>, %mul3A_202 masked %reduce_min3A_206 : vector<16xf32>, vector<16xi1> -> vector<16xf32>
      %reduce_min3A_208 = vector.extract %reduce_min3A_207[15] : f32 from vector<16xf32>
      %sub3A_209 = arith.subf %reduce_sum3A_205, %reduce_min3A_208 : f32
      %mul3A_210 = arith.constant 0.0666666701 : f32
      %mul3A_211 = arith.mulf %sub3A_209, %mul3A_210 : f32
      %add3A_212 = arith.addf %scan3A_65, %mul3A_211 : f32
      %mul3A_213 = arith.mulf %mul3A_211, %mul3A_211 : f32
      %add3A_214 = arith.addf %scan3A_66, %mul3A_213 : f32
      %add3A_215 = arith.constant 9.99999996E-13 : f32
      %add3A_216 = vector.broadcast %add3A_215 : f32 to vector<16xf32>
      %add3A_217 = arith.addf %while3A_171#1, %add3A_216 : vector<16xf32>
      %bitcast_convert_type3A_218 = tpu.bitcast %add3A_217 : vector<16xf32> -> vector<16xi32>
      %shift_right_logical3A_219 = arith.constant 1 : i32
      %shift_right_logical3A_220 = vector.broadcast %shift_right_logical3A_219 : i32 to vector<16xi32>
      %shift_right_logical3A_221 = arith.shrui %bitcast_convert_type3A_218, %shift_right_logical3A_220 : vector<16xi32>
      %sub3A_222 = arith.constant 1597463007 : i32
      %sub3A_223 = vector.broadcast %sub3A_222 : i32 to vector<16xi32>
      %sub3A_224 = arith.subi %sub3A_223, %shift_right_logical3A_221 : vector<16xi32>
      %bitcast_convert_type3A_225 = tpu.bitcast %sub3A_224 : vector<16xi32> -> vector<16xf32>
      %mul3A_226 = arith.constant 5.000000e-01 : f32
      %mul3A_227 = vector.broadcast %mul3A_226 : f32 to vector<16xf32>
      %mul3A_228 = arith.mulf %mul3A_227, %add3A_217 : vector<16xf32>
      %mul3A_229 = arith.mulf %mul3A_228, %bitcast_convert_type3A_225 : vector<16xf32>
      %mul3A_230 = arith.mulf %mul3A_229, %bitcast_convert_type3A_225 : vector<16xf32>
      %sub3A_231 = arith.constant 1.500000e+00 : f32
      %sub3A_232 = vector.broadcast %sub3A_231 : f32 to vector<16xf32>
      %sub3A_233 = arith.subf %sub3A_232, %mul3A_230 : vector<16xf32>
      %mul3A_234 = arith.mulf %bitcast_convert_type3A_225, %sub3A_233 : vector<16xf32>
      %mul3A_235 = arith.mulf %mul3A_228, %mul3A_234 : vector<16xf32>
      %mul3A_236 = arith.mulf %mul3A_235, %mul3A_234 : vector<16xf32>
      %sub3A_237 = arith.constant 1.500000e+00 : f32
      %sub3A_238 = vector.broadcast %sub3A_237 : f32 to vector<16xf32>
      %sub3A_239 = arith.subf %sub3A_238, %mul3A_236 : vector<16xf32>
      %mul3A_240 = arith.mulf %mul3A_234, %sub3A_239 : vector<16xf32>
      %mul3A_241 = arith.mulf %mul3A_228, %mul3A_240 : vector<16xf32>
      %mul3A_242 = arith.mulf %mul3A_241, %mul3A_240 : vector<16xf32>
      %sub3A_243 = arith.constant 1.500000e+00 : f32
      %sub3A_244 = vector.broadcast %sub3A_243 : f32 to vector<16xf32>
      %sub3A_245 = arith.subf %sub3A_244, %mul3A_242 : vector<16xf32>
      %mul3A_246 = arith.mulf %mul3A_240, %sub3A_245 : vector<16xf32>
      %mul3A_247 = arith.mulf %add3A_217, %mul3A_246 : vector<16xf32>
      %reduce_sum3A_248 = arith.constant true
      %reduce_sum3A_249 = vector.broadcast %reduce_sum3A_248 : i1 to vector<16xi1>
      %reduce_sum3A_250 = tpu.scan <sum>, %mul3A_247 masked %reduce_sum3A_249 : vector<16xf32>, vector<16xi1> -> vector<16xf32>
      %reduce_sum3A_251 = vector.extract %reduce_sum3A_250[15] : f32 from vector<16xf32>
      %reduce_min3A_252 = arith.constant true
      %reduce_min3A_253 = vector.broadcast %reduce_min3A_252 : i1 to vector<16xi1>
      %reduce_min3A_254 = tpu.scan <min>, %mul3A_247 masked %reduce_min3A_253 : vector<16xf32>, vector<16xi1> -> vector<16xf32>
      %reduce_min3A_255 = vector.extract %reduce_min3A_254[15] : f32 from vector<16xf32>
      %sub3A_256 = arith.subf %reduce_sum3A_251, %reduce_min3A_255 : f32
      %mul3A_257 = arith.constant 0.0666666701 : f32
      %mul3A_258 = arith.mulf %sub3A_256, %mul3A_257 : f32
      %add3A_259 = arith.addf %add3A_212, %mul3A_258 : f32
      %mul3A_260 = arith.mulf %mul3A_258, %mul3A_258 : f32
      %add3A_261 = arith.addf %add3A_214, %mul3A_260 : f32
      %slice3A_262 = vector.extract_strided_slice %get3A_70 {offsets = [2], sizes = [1], strides = [1]} : vector<16xf32> to vector<1xf32>
      %squeeze3A_263 = vector.extract %slice3A_262[0] : f32 from vector<1xf32>
      %slice3A_264 = vector.extract_strided_slice %get3A_70 {offsets = [3], sizes = [1], strides = [1]} : vector<16xf32> to vector<1xf32>
      %squeeze3A_265 = vector.extract %slice3A_264[0] : f32 from vector<1xf32>
      %slice3A_266 = vector.extract_strided_slice %get3A_72 {offsets = [2], sizes = [1], strides = [1]} : vector<16xf32> to vector<1xf32>
      %squeeze3A_267 = vector.extract %slice3A_266[0] : f32 from vector<1xf32>
      %slice3A_268 = vector.extract_strided_slice %get3A_72 {offsets = [3], sizes = [1], strides = [1]} : vector<16xf32> to vector<1xf32>
      %squeeze3A_269 = vector.extract %slice3A_268[0] : f32 from vector<1xf32>
      %slice3A_270 = vector.extract_strided_slice %get3A_74 {offsets = [2], sizes = [1], strides = [1]} : vector<16xf32> to vector<1xf32>
      %squeeze3A_271 = vector.extract %slice3A_270[0] : f32 from vector<1xf32>
      %slice3A_272 = vector.extract_strided_slice %get3A_74 {offsets = [3], sizes = [1], strides = [1]} : vector<16xf32> to vector<1xf32>
      %squeeze3A_273 = vector.extract %slice3A_272[0] : f32 from vector<1xf32>
      %scan3A_274 = arith.constant 0 : i32
      %scan3A_275 = arith.constant 128 : i32
      %scan3A_276 = arith.addi %scan3A_274, %scan3A_275 : i32
      %scan3A_277 = arith.constant 1 : i32
      %scan3A_278:2 = scf.for %scan3A_1634 = %scan3A_274 to %scan3A_276 step %scan3A_277 iter_args(%scan3A_1635 = %broadcast_in_dim3A_43, %scan3A_1636 = %broadcast_in_dim3A_43) -> (vector<16xf32>, vector<16xf32>)  : i32 {
        %mul3A_1637 = arith.constant 16 : i32
        %mul3A_1638 = arith.muli %scan3A_1634, %mul3A_1637 : i32
        %multiple_of3A_1639 = tpu.assume_multiple %mul3A_1638, 16 : i32
        %get3A_1640 = arith.index_cast %multiple_of3A_1639 : i32 to index
        %get3A_1641 = tpu.vector_load %arg4[%get3A_1640] {strides = array<i32>} : memref<2048xf32, #tpu.memory_space<vmem>>, vector<16xf32>,
        %get3A_1642 = arith.index_cast %multiple_of3A_1639 : i32 to index
        %get3A_1643 = tpu.vector_load %arg5[%get3A_1642] {strides = array<i32>} : memref<2048xf32, #tpu.memory_space<vmem>>, vector<16xf32>,
        %get3A_1644 = arith.index_cast %multiple_of3A_1639 : i32 to index
        %get3A_1645 = tpu.vector_load %arg6[%get3A_1644] {strides = array<i32>} : memref<2048xf32, #tpu.memory_space<vmem>>, vector<16xf32>,
        %sub3A_1646 = vector.broadcast %squeeze3A_263 : f32 to vector<16xf32>
        %sub3A_1647 = arith.subf %get3A_1641, %sub3A_1646 : vector<16xf32>
        %sub3A_1648 = vector.broadcast %squeeze3A_267 : f32 to vector<16xf32>
        %sub3A_1649 = arith.subf %get3A_1643, %sub3A_1648 : vector<16xf32>
        %sub3A_1650 = vector.broadcast %squeeze3A_271 : f32 to vector<16xf32>
        %sub3A_1651 = arith.subf %get3A_1645, %sub3A_1650 : vector<16xf32>
        %mul3A_1652 = arith.mulf %sub3A_1647, %sub3A_1647 : vector<16xf32>
        %mul3A_1653 = arith.mulf %sub3A_1649, %sub3A_1649 : vector<16xf32>
        %add3A_1654 = arith.addf %mul3A_1652, %mul3A_1653 : vector<16xf32>
        %mul3A_1655 = arith.mulf %sub3A_1651, %sub3A_1651 : vector<16xf32>
        %add3A_1656 = arith.addf %add3A_1654, %mul3A_1655 : vector<16xf32>
        %sub3A_1657 = vector.broadcast %squeeze3A_265 : f32 to vector<16xf32>
        %sub3A_1658 = arith.subf %get3A_1641, %sub3A_1657 : vector<16xf32>
        %sub3A_1659 = vector.broadcast %squeeze3A_269 : f32 to vector<16xf32>
        %sub3A_1660 = arith.subf %get3A_1643, %sub3A_1659 : vector<16xf32>
        %sub3A_1661 = vector.broadcast %squeeze3A_273 : f32 to vector<16xf32>
        %sub3A_1662 = arith.subf %get3A_1645, %sub3A_1661 : vector<16xf32>
        %mul3A_1663 = arith.mulf %sub3A_1658, %sub3A_1658 : vector<16xf32>
        %mul3A_1664 = arith.mulf %sub3A_1660, %sub3A_1660 : vector<16xf32>
        %add3A_1665 = arith.addf %mul3A_1663, %mul3A_1664 : vector<16xf32>
        %mul3A_1666 = arith.mulf %sub3A_1662, %sub3A_1662 : vector<16xf32>
        %add3A_1667 = arith.addf %add3A_1665, %mul3A_1666 : vector<16xf32>
        %swap3A_1668 = arith.index_cast %multiple_of3A_1639 : i32 to index
        %swap3A_1669 = tpu.vector_load %arg7[%swap3A_1668] {strides = array<i32>} : memref<2048xf32, #tpu.memory_space<vmem>>, vector<16xf32>,
        tpu.vector_store %arg7[%swap3A_1668], %add3A_1656 {strides = array<i32>} : memref<2048xf32, #tpu.memory_space<vmem>>, vector<16xf32>,
        %swap3A_1670 = arith.index_cast %multiple_of3A_1639 : i32 to index
        %swap3A_1671 = tpu.vector_load %arg8[%swap3A_1670] {strides = array<i32>} : memref<2048xf32, #tpu.memory_space<vmem>>, vector<16xf32>,
        tpu.vector_store %arg8[%swap3A_1670], %add3A_1667 {strides = array<i32>} : memref<2048xf32, #tpu.memory_space<vmem>>, vector<16xf32>,
        %min3A = arith.minimumf %scan3A_1635, %add3A_1656 : vector<16xf32>
        %min3A_1672 = arith.minimumf %scan3A_1636, %add3A_1667 : vector<16xf32>
        scf.yield %min3A, %min3A_1672 : vector<16xf32>, vector<16xf32>
      }
      %scan3A_279 = arith.constant 128 : i32
      %reduce_max3A_280 = arith.constant true
      %reduce_max3A_281 = vector.broadcast %reduce_max3A_280 : i1 to vector<16xi1>
      %reduce_max3A_282 = tpu.scan <max>, %scan3A_278#0 masked %reduce_max3A_281 : vector<16xf32>, vector<16xi1> -> vector<16xf32>
      %reduce_max3A_283 = vector.extract %reduce_max3A_282[15] : f32 from vector<16xf32>
      %reduce_max3A_284 = arith.constant true
      %reduce_max3A_285 = vector.broadcast %reduce_max3A_284 : i1 to vector<16xi1>
      %reduce_max3A_286 = tpu.scan <max>, %scan3A_278#1 masked %reduce_max3A_285 : vector<16xf32>, vector<16xi1> -> vector<16xf32>
      %reduce_max3A_287 = vector.extract %reduce_max3A_286[15] : f32 from vector<16xf32>
      %scan3A_288 = arith.constant 0 : i32
      %scan3A_289 = arith.constant 0 : i32
      %scan3A_290 = arith.constant 0 : i32
      %scan3A_291 = arith.constant 128 : i32
      %scan3A_292 = arith.addi %scan3A_290, %scan3A_291 : i32
      %scan3A_293 = arith.constant 1 : i32
      %scan3A_294:2 = scf.for %scan3A_1634 = %scan3A_290 to %scan3A_292 step %scan3A_293 iter_args(%scan3A_1635 = %scan3A_288, %scan3A_1636 = %scan3A_289) -> (i32, i32)  : i32 {
        %mul3A_1637 = arith.constant 16 : i32
        %mul3A_1638 = arith.muli %scan3A_1634, %mul3A_1637 : i32
        %multiple_of3A_1639 = tpu.assume_multiple %mul3A_1638, 16 : i32
        %get3A_1640 = arith.index_cast %multiple_of3A_1639 : i32 to index
        %get3A_1641 = tpu.vector_load %arg7[%get3A_1640] {strides = array<i32>} : memref<2048xf32, #tpu.memory_space<vmem>>, vector<16xf32>,
        %get3A_1642 = arith.index_cast %multiple_of3A_1639 : i32 to index
        %get3A_1643 = tpu.vector_load %arg8[%get3A_1642] {strides = array<i32>} : memref<2048xf32, #tpu.memory_space<vmem>>, vector<16xf32>,
        %le3A = vector.broadcast %reduce_max3A_283 : f32 to vector<16xf32>
        %le3A_1644 = arith.cmpf ole, %get3A_1641, %le3A : vector<16xf32>
        %le3A_1645 = vector.broadcast %reduce_max3A_287 : f32 to vector<16xf32>
        %le3A_1646 = arith.cmpf ole, %get3A_1643, %le3A_1645 : vector<16xf32>
        %all_reduce_population_count3A = tpu.all_reduce %le3A_1644 {dim = 0 : i64, kind = #tpu.reduction_kind<sum>} : vector<16xi1> -> vector<16xi32>
        %slice3A_1647 = vector.extract_strided_slice %all_reduce_population_count3A {offsets = [0], sizes = [1], strides = [1]} : vector<16xi32> to vector<1xi32>
        %squeeze3A_1648 = vector.extract %slice3A_1647[0] : i32 from vector<1xi32>
        %all_reduce_population_count3A_1649 = tpu.all_reduce %le3A_1646 {dim = 0 : i64, kind = #tpu.reduction_kind<sum>} : vector<16xi1> -> vector<16xi32>
        %slice3A_1650 = vector.extract_strided_slice %all_reduce_population_count3A_1649 {offsets = [0], sizes = [1], strides = [1]} : vector<16xi32> to vector<1xi32>
        %squeeze3A_1651 = vector.extract %slice3A_1650[0] : i32 from vector<1xi32>
        %swap3A_1652 = arith.index_cast %scan3A_1635 : i32 to index
        %swap3A_1653 = tpu.vector_load %arg9[%swap3A_1652] masked %le3A_1644 {strides = array<i32>} : memref<2064xf32, #tpu.memory_space<vmem>>, vector<16xf32>, vector<16xi1>
        tpu.vector_store %arg9[%swap3A_1652], %get3A_1641 masked %le3A_1644 {strides = array<i32>} : memref<2064xf32, #tpu.memory_space<vmem>>, vector<16xf32>, vector<16xi1>
        %swap3A_1654 = arith.index_cast %scan3A_1636 : i32 to index
        %swap3A_1655 = tpu.vector_load %arg10[%swap3A_1654] masked %le3A_1646 {strides = array<i32>} : memref<2064xf32, #tpu.memory_space<vmem>>, vector<16xf32>, vector<16xi1>
        tpu.vector_store %arg10[%swap3A_1654], %get3A_1643 masked %le3A_1646 {strides = array<i32>} : memref<2064xf32, #tpu.memory_space<vmem>>, vector<16xf32>, vector<16xi1>
        %add3A_1656 = arith.addi %scan3A_1635, %squeeze3A_1648 : i32
        %add3A_1657 = arith.addi %scan3A_1636, %squeeze3A_1651 : i32
        scf.yield %add3A_1656, %add3A_1657 : i32, i32
      }
      %scan3A_295 = arith.constant 128 : i32
      %swap3A_296 = arith.index_cast %scan3A_294#0 : i32 to index
      %swap3A_297 = tpu.vector_load %arg9[%swap3A_296] {strides = array<i32>} : memref<2064xf32, #tpu.memory_space<vmem>>, vector<16xf32>,
      tpu.vector_store %arg9[%swap3A_296], %broadcast_in_dim3A_43 {strides = array<i32>} : memref<2064xf32, #tpu.memory_space<vmem>>, vector<16xf32>,
      %swap3A_298 = arith.index_cast %scan3A_294#1 : i32 to index
      %swap3A_299 = tpu.vector_load %arg10[%swap3A_298] {strides = array<i32>} : memref<2064xf32, #tpu.memory_space<vmem>>, vector<16xf32>,
      tpu.vector_store %arg10[%swap3A_298], %broadcast_in_dim3A_43 {strides = array<i32>} : memref<2064xf32, #tpu.memory_space<vmem>>, vector<16xf32>,
      %add3A_300 = arith.constant 15 : i32
      %add3A_301 = arith.addi %scan3A_294#0, %add3A_300 : i32
      %jit3A_302 = arith.constant 16 : i32
      %div3A_303 = arith.divsi %add3A_301, %jit3A_302 : i32
      %sign3A_304 = arith.constant 0 : i32
      %sign3A_305 = arith.cmpi sgt, %add3A_301, %sign3A_304 : i32
      %sign3A_306 = arith.extui %sign3A_305 : i1 to i32
      %sign3A_307 = arith.constant 0 : i32
      %sign3A_308 = arith.cmpi slt, %add3A_301, %sign3A_307 : i32
      %sign3A_309 = arith.extui %sign3A_308 : i1 to i32
      %sign3A_310 = arith.subi %sign3A_306, %sign3A_309 : i32
      %sign3A_311 = arith.constant 0 : i32
      %sign3A_312 = arith.cmpi sgt, %jit3A_302, %sign3A_311 : i32
      %sign3A_313 = arith.extui %sign3A_312 : i1 to i32
      %sign3A_314 = arith.constant 0 : i32
      %sign3A_315 = arith.cmpi slt, %jit3A_302, %sign3A_314 : i32
      %sign3A_316 = arith.extui %sign3A_315 : i1 to i32
      %sign3A_317 = arith.subi %sign3A_313, %sign3A_316 : i32
      %ne3A_318 = arith.cmpi ne, %sign3A_310, %sign3A_317 : i32
      %rem3A_319 = arith.remsi %add3A_301, %jit3A_302 : i32
      %ne3A_320 = arith.constant 0 : i32
      %ne3A_321 = arith.cmpi ne, %rem3A_319, %ne3A_320 : i32
      %and3A_322 = arith.andi %ne3A_318, %ne3A_321 : i1
      %sub3A_323 = arith.constant 1 : i32
      %sub3A_324 = arith.subi %div3A_303, %sub3A_323 : i32
      %select_n3A_325 = arith.select %and3A_322, %sub3A_324, %div3A_303 : i32
      %add3A_326 = arith.constant 15 : i32
      %add3A_327 = arith.addi %scan3A_294#1, %add3A_326 : i32
      %jit3A_328 = arith.constant 16 : i32
      %div3A_329 = arith.divsi %add3A_327, %jit3A_328 : i32
      %sign3A_330 = arith.constant 0 : i32
      %sign3A_331 = arith.cmpi sgt, %add3A_327, %sign3A_330 : i32
      %sign3A_332 = arith.extui %sign3A_331 : i1 to i32
      %sign3A_333 = arith.constant 0 : i32
      %sign3A_334 = arith.cmpi slt, %add3A_327, %sign3A_333 : i32
      %sign3A_335 = arith.extui %sign3A_334 : i1 to i32
      %sign3A_336 = arith.subi %sign3A_332, %sign3A_335 : i32
      %sign3A_337 = arith.constant 0 : i32
      %sign3A_338 = arith.cmpi sgt, %jit3A_328, %sign3A_337 : i32
      %sign3A_339 = arith.extui %sign3A_338 : i1 to i32
      %sign3A_340 = arith.constant 0 : i32
      %sign3A_341 = arith.cmpi slt, %jit3A_328, %sign3A_340 : i32
      %sign3A_342 = arith.extui %sign3A_341 : i1 to i32
      %sign3A_343 = arith.subi %sign3A_339, %sign3A_342 : i32
      %ne3A_344 = arith.cmpi ne, %sign3A_336, %sign3A_343 : i32
      %rem3A_345 = arith.remsi %add3A_327, %jit3A_328 : i32
      %ne3A_346 = arith.constant 0 : i32
      %ne3A_347 = arith.cmpi ne, %rem3A_345, %ne3A_346 : i32
      %and3A_348 = arith.andi %ne3A_344, %ne3A_347 : i1
      %sub3A_349 = arith.constant 1 : i32
      %sub3A_350 = arith.subi %div3A_329, %sub3A_349 : i32
      %select_n3A_351 = arith.select %and3A_348, %sub3A_350, %div3A_329 : i32
      %max3A_352 = arith.maxsi %select_n3A_325, %select_n3A_351 : i32
      %while3A_353 = arith.constant 0 : i32
      %while3A_354 = arith.subi %max3A_352, %while3A_353 : i32
      %while3A_355 = arith.addi %while3A_353, %while3A_354 : i32
      %while3A_356 = arith.constant 1 : i32
      %while3A_357 = arith.divsi %while3A_354, %while3A_356 : i32
      %while3A_358 = arith.muli %while3A_357, %while3A_356 : i32
      %while3A_359 = arith.addi %while3A_353, %while3A_358 : i32
      %while3A_360 = arith.constant 1 : i32
      %while3A_361:2 = scf.for %while3A_1634 = %while3A_353 to %while3A_359 step %while3A_360 iter_args(%while3A_1635 = %broadcast_in_dim3A_43, %while3A_1636 = %broadcast_in_dim3A_43) -> (vector<16xf32>, vector<16xf32>)  : i32 {
        %mul3A_1637 = arith.constant 16 : i32
        %mul3A_1638 = arith.muli %while3A_1634, %mul3A_1637 : i32
        %get3A_1639 = arith.index_cast %mul3A_1638 : i32 to index
        %get3A_1640 = tpu.vector_load %arg9[%get3A_1639] {strides = array<i32>} : memref<2064xf32, #tpu.memory_space<vmem>>, vector<16xf32>,
        %mul3A_1641 = arith.constant 16 : i32
        %mul3A_1642 = arith.muli %while3A_1634, %mul3A_1641 : i32
        %get3A_1643 = arith.index_cast %mul3A_1642 : i32 to index
        %get3A_1644 = tpu.vector_load %arg10[%get3A_1643] {strides = array<i32>} : memref<2064xf32, #tpu.memory_space<vmem>>, vector<16xf32>,
        %sort3A = arith.constant dense<true> : vector<16xi1>
        %sort3A_1645, %sort3A_1646, %sort3A_1647 = tpu.sort %get3A_1640, %get3A_1640 masked %sort3A : (vector<16xf32>, vector<16xf32>, vector<16xi1>) -> (vector<16xi1>, vector<16xf32>, vector<16xf32>)
        %rev3A = arith.constant 15 : i32
        %rev3A_1648 = vector.broadcast %rev3A : i32 to vector<16xi32>
        %rev3A_1649 = tpu.iota {dimensions = array<i32: 0>} : vector<16xi32>
        %rev3A_1650 = arith.subi %rev3A_1648, %rev3A_1649 : vector<16xi32>
        %rev3A_1651 = tpu.dynamic_gather %sort3A_1646[%rev3A_1650] in [0] : vector<16xf32>, vector<16xi32> -> vector<16xf32>
        %min3A = arith.minimumf %while3A_1635, %rev3A_1651 : vector<16xf32>
        %sort3A_1652 = arith.constant dense<true> : vector<16xi1>
        %sort3A_1653, %sort3A_1654, %sort3A_1655 = tpu.sort %min3A, %min3A masked %sort3A_1652 : (vector<16xf32>, vector<16xf32>, vector<16xi1>) -> (vector<16xi1>, vector<16xf32>, vector<16xf32>)
        %sort3A_1656 = arith.constant dense<true> : vector<16xi1>
        %sort3A_1657, %sort3A_1658, %sort3A_1659 = tpu.sort %get3A_1644, %get3A_1644 masked %sort3A_1656 : (vector<16xf32>, vector<16xf32>, vector<16xi1>) -> (vector<16xi1>, vector<16xf32>, vector<16xf32>)
        %rev3A_1660 = arith.constant 15 : i32
        %rev3A_1661 = vector.broadcast %rev3A_1660 : i32 to vector<16xi32>
        %rev3A_1662 = tpu.iota {dimensions = array<i32: 0>} : vector<16xi32>
        %rev3A_1663 = arith.subi %rev3A_1661, %rev3A_1662 : vector<16xi32>
        %rev3A_1664 = tpu.dynamic_gather %sort3A_1658[%rev3A_1663] in [0] : vector<16xf32>, vector<16xi32> -> vector<16xf32>
        %min3A_1665 = arith.minimumf %while3A_1636, %rev3A_1664 : vector<16xf32>
        %sort3A_1666 = arith.constant dense<true> : vector<16xi1>
        %sort3A_1667, %sort3A_1668, %sort3A_1669 = tpu.sort %min3A_1665, %min3A_1665 masked %sort3A_1666 : (vector<16xf32>, vector<16xf32>, vector<16xi1>) -> (vector<16xi1>, vector<16xf32>, vector<16xf32>)
        %lt3A_1670 = arith.cmpi slt, %while3A_1634, %select_n3A_325 : i32
        %select_n3A_1671 = arith.select %lt3A_1670, %sort3A_1654, %while3A_1635 : vector<16xf32>
        %lt3A_1672 = arith.cmpi slt, %while3A_1634, %select_n3A_351 : i32
        %select_n3A_1673 = arith.select %lt3A_1672, %sort3A_1668, %while3A_1636 : vector<16xf32>
        scf.yield %select_n3A_1671, %select_n3A_1673 : vector<16xf32>, vector<16xf32>
      }
      %while3A_362 = arith.constant 1 : i32
      %while3A_363:2 = scf.for %while3A_1634 = %while3A_359 to %while3A_355 step %while3A_362 iter_args(%while3A_1635 = %while3A_361#0, %while3A_1636 = %while3A_361#1) -> (vector<16xf32>, vector<16xf32>)  : i32 {
        %mul3A_1637 = arith.constant 16 : i32
        %mul3A_1638 = arith.muli %while3A_1634, %mul3A_1637 : i32
        %get3A_1639 = arith.index_cast %mul3A_1638 : i32 to index
        %get3A_1640 = tpu.vector_load %arg9[%get3A_1639] {strides = array<i32>} : memref<2064xf32, #tpu.memory_space<vmem>>, vector<16xf32>,
        %mul3A_1641 = arith.constant 16 : i32
        %mul3A_1642 = arith.muli %while3A_1634, %mul3A_1641 : i32
        %get3A_1643 = arith.index_cast %mul3A_1642 : i32 to index
        %get3A_1644 = tpu.vector_load %arg10[%get3A_1643] {strides = array<i32>} : memref<2064xf32, #tpu.memory_space<vmem>>, vector<16xf32>,
        %sort3A = arith.constant dense<true> : vector<16xi1>
        %sort3A_1645, %sort3A_1646, %sort3A_1647 = tpu.sort %get3A_1640, %get3A_1640 masked %sort3A : (vector<16xf32>, vector<16xf32>, vector<16xi1>) -> (vector<16xi1>, vector<16xf32>, vector<16xf32>)
        %rev3A = arith.constant 15 : i32
        %rev3A_1648 = vector.broadcast %rev3A : i32 to vector<16xi32>
        %rev3A_1649 = tpu.iota {dimensions = array<i32: 0>} : vector<16xi32>
        %rev3A_1650 = arith.subi %rev3A_1648, %rev3A_1649 : vector<16xi32>
        %rev3A_1651 = tpu.dynamic_gather %sort3A_1646[%rev3A_1650] in [0] : vector<16xf32>, vector<16xi32> -> vector<16xf32>
        %min3A = arith.minimumf %while3A_1635, %rev3A_1651 : vector<16xf32>
        %sort3A_1652 = arith.constant dense<true> : vector<16xi1>
        %sort3A_1653, %sort3A_1654, %sort3A_1655 = tpu.sort %min3A, %min3A masked %sort3A_1652 : (vector<16xf32>, vector<16xf32>, vector<16xi1>) -> (vector<16xi1>, vector<16xf32>, vector<16xf32>)
        %sort3A_1656 = arith.constant dense<true> : vector<16xi1>
        %sort3A_1657, %sort3A_1658, %sort3A_1659 = tpu.sort %get3A_1644, %get3A_1644 masked %sort3A_1656 : (vector<16xf32>, vector<16xf32>, vector<16xi1>) -> (vector<16xi1>, vector<16xf32>, vector<16xf32>)
        %rev3A_1660 = arith.constant 15 : i32
        %rev3A_1661 = vector.broadcast %rev3A_1660 : i32 to vector<16xi32>
        %rev3A_1662 = tpu.iota {dimensions = array<i32: 0>} : vector<16xi32>
        %rev3A_1663 = arith.subi %rev3A_1661, %rev3A_1662 : vector<16xi32>
        %rev3A_1664 = tpu.dynamic_gather %sort3A_1658[%rev3A_1663] in [0] : vector<16xf32>, vector<16xi32> -> vector<16xf32>
        %min3A_1665 = arith.minimumf %while3A_1636, %rev3A_1664 : vector<16xf32>
        %sort3A_1666 = arith.constant dense<true> : vector<16xi1>
        %sort3A_1667, %sort3A_1668, %sort3A_1669 = tpu.sort %min3A_1665, %min3A_1665 masked %sort3A_1666 : (vector<16xf32>, vector<16xf32>, vector<16xi1>) -> (vector<16xi1>, vector<16xf32>, vector<16xf32>)
        %lt3A_1670 = arith.cmpi slt, %while3A_1634, %select_n3A_325 : i32
        %select_n3A_1671 = arith.select %lt3A_1670, %sort3A_1654, %while3A_1635 : vector<16xf32>
        %lt3A_1672 = arith.cmpi slt, %while3A_1634, %select_n3A_351 : i32
        %select_n3A_1673 = arith.select %lt3A_1672, %sort3A_1668, %while3A_1636 : vector<16xf32>
        scf.yield %select_n3A_1671, %select_n3A_1673 : vector<16xf32>, vector<16xf32>
      }
      %add3A_364 = arith.constant 9.99999996E-13 : f32
      %add3A_365 = vector.broadcast %add3A_364 : f32 to vector<16xf32>
      %add3A_366 = arith.addf %while3A_363#0, %add3A_365 : vector<16xf32>
      %bitcast_convert_type3A_367 = tpu.bitcast %add3A_366 : vector<16xf32> -> vector<16xi32>
      %shift_right_logical3A_368 = arith.constant 1 : i32
      %shift_right_logical3A_369 = vector.broadcast %shift_right_logical3A_368 : i32 to vector<16xi32>
      %shift_right_logical3A_370 = arith.shrui %bitcast_convert_type3A_367, %shift_right_logical3A_369 : vector<16xi32>
      %sub3A_371 = arith.constant 1597463007 : i32
      %sub3A_372 = vector.broadcast %sub3A_371 : i32 to vector<16xi32>
      %sub3A_373 = arith.subi %sub3A_372, %shift_right_logical3A_370 : vector<16xi32>
      %bitcast_convert_type3A_374 = tpu.bitcast %sub3A_373 : vector<16xi32> -> vector<16xf32>
      %mul3A_375 = arith.constant 5.000000e-01 : f32
      %mul3A_376 = vector.broadcast %mul3A_375 : f32 to vector<16xf32>
      %mul3A_377 = arith.mulf %mul3A_376, %add3A_366 : vector<16xf32>
      %mul3A_378 = arith.mulf %mul3A_377, %bitcast_convert_type3A_374 : vector<16xf32>
      %mul3A_379 = arith.mulf %mul3A_378, %bitcast_convert_type3A_374 : vector<16xf32>
      %sub3A_380 = arith.constant 1.500000e+00 : f32
      %sub3A_381 = vector.broadcast %sub3A_380 : f32 to vector<16xf32>
      %sub3A_382 = arith.subf %sub3A_381, %mul3A_379 : vector<16xf32>
      %mul3A_383 = arith.mulf %bitcast_convert_type3A_374, %sub3A_382 : vector<16xf32>
      %mul3A_384 = arith.mulf %mul3A_377, %mul3A_383 : vector<16xf32>
      %mul3A_385 = arith.mulf %mul3A_384, %mul3A_383 : vector<16xf32>
      %sub3A_386 = arith.constant 1.500000e+00 : f32
      %sub3A_387 = vector.broadcast %sub3A_386 : f32 to vector<16xf32>
      %sub3A_388 = arith.subf %sub3A_387, %mul3A_385 : vector<16xf32>
      %mul3A_389 = arith.mulf %mul3A_383, %sub3A_388 : vector<16xf32>
      %mul3A_390 = arith.mulf %mul3A_377, %mul3A_389 : vector<16xf32>
      %mul3A_391 = arith.mulf %mul3A_390, %mul3A_389 : vector<16xf32>
      %sub3A_392 = arith.constant 1.500000e+00 : f32
      %sub3A_393 = vector.broadcast %sub3A_392 : f32 to vector<16xf32>
      %sub3A_394 = arith.subf %sub3A_393, %mul3A_391 : vector<16xf32>
      %mul3A_395 = arith.mulf %mul3A_389, %sub3A_394 : vector<16xf32>
      %mul3A_396 = arith.mulf %add3A_366, %mul3A_395 : vector<16xf32>
      %reduce_sum3A_397 = arith.constant true
      %reduce_sum3A_398 = vector.broadcast %reduce_sum3A_397 : i1 to vector<16xi1>
      %reduce_sum3A_399 = tpu.scan <sum>, %mul3A_396 masked %reduce_sum3A_398 : vector<16xf32>, vector<16xi1> -> vector<16xf32>
      %reduce_sum3A_400 = vector.extract %reduce_sum3A_399[15] : f32 from vector<16xf32>
      %reduce_min3A_401 = arith.constant true
      %reduce_min3A_402 = vector.broadcast %reduce_min3A_401 : i1 to vector<16xi1>
      %reduce_min3A_403 = tpu.scan <min>, %mul3A_396 masked %reduce_min3A_402 : vector<16xf32>, vector<16xi1> -> vector<16xf32>
      %reduce_min3A_404 = vector.extract %reduce_min3A_403[15] : f32 from vector<16xf32>
      %sub3A_405 = arith.subf %reduce_sum3A_400, %reduce_min3A_404 : f32
      %mul3A_406 = arith.constant 0.0666666701 : f32
      %mul3A_407 = arith.mulf %sub3A_405, %mul3A_406 : f32
      %add3A_408 = arith.addf %add3A_259, %mul3A_407 : f32
      %mul3A_409 = arith.mulf %mul3A_407, %mul3A_407 : f32
      %add3A_410 = arith.addf %add3A_261, %mul3A_409 : f32
      %add3A_411 = arith.constant 9.99999996E-13 : f32
      %add3A_412 = vector.broadcast %add3A_411 : f32 to vector<16xf32>
      %add3A_413 = arith.addf %while3A_363#1, %add3A_412 : vector<16xf32>
      %bitcast_convert_type3A_414 = tpu.bitcast %add3A_413 : vector<16xf32> -> vector<16xi32>
      %shift_right_logical3A_415 = arith.constant 1 : i32
      %shift_right_logical3A_416 = vector.broadcast %shift_right_logical3A_415 : i32 to vector<16xi32>
      %shift_right_logical3A_417 = arith.shrui %bitcast_convert_type3A_414, %shift_right_logical3A_416 : vector<16xi32>
      %sub3A_418 = arith.constant 1597463007 : i32
      %sub3A_419 = vector.broadcast %sub3A_418 : i32 to vector<16xi32>
      %sub3A_420 = arith.subi %sub3A_419, %shift_right_logical3A_417 : vector<16xi32>
      %bitcast_convert_type3A_421 = tpu.bitcast %sub3A_420 : vector<16xi32> -> vector<16xf32>
      %mul3A_422 = arith.constant 5.000000e-01 : f32
      %mul3A_423 = vector.broadcast %mul3A_422 : f32 to vector<16xf32>
      %mul3A_424 = arith.mulf %mul3A_423, %add3A_413 : vector<16xf32>
      %mul3A_425 = arith.mulf %mul3A_424, %bitcast_convert_type3A_421 : vector<16xf32>
      %mul3A_426 = arith.mulf %mul3A_425, %bitcast_convert_type3A_421 : vector<16xf32>
      %sub3A_427 = arith.constant 1.500000e+00 : f32
      %sub3A_428 = vector.broadcast %sub3A_427 : f32 to vector<16xf32>
      %sub3A_429 = arith.subf %sub3A_428, %mul3A_426 : vector<16xf32>
      %mul3A_430 = arith.mulf %bitcast_convert_type3A_421, %sub3A_429 : vector<16xf32>
      %mul3A_431 = arith.mulf %mul3A_424, %mul3A_430 : vector<16xf32>
      %mul3A_432 = arith.mulf %mul3A_431, %mul3A_430 : vector<16xf32>
      %sub3A_433 = arith.constant 1.500000e+00 : f32
      %sub3A_434 = vector.broadcast %sub3A_433 : f32 to vector<16xf32>
      %sub3A_435 = arith.subf %sub3A_434, %mul3A_432 : vector<16xf32>
      %mul3A_436 = arith.mulf %mul3A_430, %sub3A_435 : vector<16xf32>
      %mul3A_437 = arith.mulf %mul3A_424, %mul3A_436 : vector<16xf32>
      %mul3A_438 = arith.mulf %mul3A_437, %mul3A_436 : vector<16xf32>
      %sub3A_439 = arith.constant 1.500000e+00 : f32
      %sub3A_440 = vector.broadcast %sub3A_439 : f32 to vector<16xf32>
      %sub3A_441 = arith.subf %sub3A_440, %mul3A_438 : vector<16xf32>
      %mul3A_442 = arith.mulf %mul3A_436, %sub3A_441 : vector<16xf32>
      %mul3A_443 = arith.mulf %add3A_413, %mul3A_442 : vector<16xf32>
      %reduce_sum3A_444 = arith.constant true
      %reduce_sum3A_445 = vector.broadcast %reduce_sum3A_444 : i1 to vector<16xi1>
      %reduce_sum3A_446 = tpu.scan <sum>, %mul3A_443 masked %reduce_sum3A_445 : vector<16xf32>, vector<16xi1> -> vector<16xf32>
      %reduce_sum3A_447 = vector.extract %reduce_sum3A_446[15] : f32 from vector<16xf32>
      %reduce_min3A_448 = arith.constant true
      %reduce_min3A_449 = vector.broadcast %reduce_min3A_448 : i1 to vector<16xi1>
      %reduce_min3A_450 = tpu.scan <min>, %mul3A_443 masked %reduce_min3A_449 : vector<16xf32>, vector<16xi1> -> vector<16xf32>
      %reduce_min3A_451 = vector.extract %reduce_min3A_450[15] : f32 from vector<16xf32>
      %sub3A_452 = arith.subf %reduce_sum3A_447, %reduce_min3A_451 : f32
      %mul3A_453 = arith.constant 0.0666666701 : f32
      %mul3A_454 = arith.mulf %sub3A_452, %mul3A_453 : f32
      %add3A_455 = arith.addf %add3A_408, %mul3A_454 : f32
      %mul3A_456 = arith.mulf %mul3A_454, %mul3A_454 : f32
      %add3A_457 = arith.addf %add3A_410, %mul3A_456 : f32
      %slice3A_458 = vector.extract_strided_slice %get3A_70 {offsets = [4], sizes = [1], strides = [1]} : vector<16xf32> to vector<1xf32>
      %squeeze3A_459 = vector.extract %slice3A_458[0] : f32 from vector<1xf32>
      %slice3A_460 = vector.extract_strided_slice %get3A_70 {offsets = [5], sizes = [1], strides = [1]} : vector<16xf32> to vector<1xf32>
      %squeeze3A_461 = vector.extract %slice3A_460[0] : f32 from vector<1xf32>
      %slice3A_462 = vector.extract_strided_slice %get3A_72 {offsets = [4], sizes = [1], strides = [1]} : vector<16xf32> to vector<1xf32>
      %squeeze3A_463 = vector.extract %slice3A_462[0] : f32 from vector<1xf32>
      %slice3A_464 = vector.extract_strided_slice %get3A_72 {offsets = [5], sizes = [1], strides = [1]} : vector<16xf32> to vector<1xf32>
      %squeeze3A_465 = vector.extract %slice3A_464[0] : f32 from vector<1xf32>
      %slice3A_466 = vector.extract_strided_slice %get3A_74 {offsets = [4], sizes = [1], strides = [1]} : vector<16xf32> to vector<1xf32>
      %squeeze3A_467 = vector.extract %slice3A_466[0] : f32 from vector<1xf32>
      %slice3A_468 = vector.extract_strided_slice %get3A_74 {offsets = [5], sizes = [1], strides = [1]} : vector<16xf32> to vector<1xf32>
      %squeeze3A_469 = vector.extract %slice3A_468[0] : f32 from vector<1xf32>
      %scan3A_470 = arith.constant 0 : i32
      %scan3A_471 = arith.constant 128 : i32
      %scan3A_472 = arith.addi %scan3A_470, %scan3A_471 : i32
      %scan3A_473 = arith.constant 1 : i32
      %scan3A_474:2 = scf.for %scan3A_1634 = %scan3A_470 to %scan3A_472 step %scan3A_473 iter_args(%scan3A_1635 = %broadcast_in_dim3A_43, %scan3A_1636 = %broadcast_in_dim3A_43) -> (vector<16xf32>, vector<16xf32>)  : i32 {
        %mul3A_1637 = arith.constant 16 : i32
        %mul3A_1638 = arith.muli %scan3A_1634, %mul3A_1637 : i32
        %multiple_of3A_1639 = tpu.assume_multiple %mul3A_1638, 16 : i32
        %get3A_1640 = arith.index_cast %multiple_of3A_1639 : i32 to index
        %get3A_1641 = tpu.vector_load %arg4[%get3A_1640] {strides = array<i32>} : memref<2048xf32, #tpu.memory_space<vmem>>, vector<16xf32>,
        %get3A_1642 = arith.index_cast %multiple_of3A_1639 : i32 to index
        %get3A_1643 = tpu.vector_load %arg5[%get3A_1642] {strides = array<i32>} : memref<2048xf32, #tpu.memory_space<vmem>>, vector<16xf32>,
        %get3A_1644 = arith.index_cast %multiple_of3A_1639 : i32 to index
        %get3A_1645 = tpu.vector_load %arg6[%get3A_1644] {strides = array<i32>} : memref<2048xf32, #tpu.memory_space<vmem>>, vector<16xf32>,
        %sub3A_1646 = vector.broadcast %squeeze3A_459 : f32 to vector<16xf32>
        %sub3A_1647 = arith.subf %get3A_1641, %sub3A_1646 : vector<16xf32>
        %sub3A_1648 = vector.broadcast %squeeze3A_463 : f32 to vector<16xf32>
        %sub3A_1649 = arith.subf %get3A_1643, %sub3A_1648 : vector<16xf32>
        %sub3A_1650 = vector.broadcast %squeeze3A_467 : f32 to vector<16xf32>
        %sub3A_1651 = arith.subf %get3A_1645, %sub3A_1650 : vector<16xf32>
        %mul3A_1652 = arith.mulf %sub3A_1647, %sub3A_1647 : vector<16xf32>
        %mul3A_1653 = arith.mulf %sub3A_1649, %sub3A_1649 : vector<16xf32>
        %add3A_1654 = arith.addf %mul3A_1652, %mul3A_1653 : vector<16xf32>
        %mul3A_1655 = arith.mulf %sub3A_1651, %sub3A_1651 : vector<16xf32>
        %add3A_1656 = arith.addf %add3A_1654, %mul3A_1655 : vector<16xf32>
        %sub3A_1657 = vector.broadcast %squeeze3A_461 : f32 to vector<16xf32>
        %sub3A_1658 = arith.subf %get3A_1641, %sub3A_1657 : vector<16xf32>
        %sub3A_1659 = vector.broadcast %squeeze3A_465 : f32 to vector<16xf32>
        %sub3A_1660 = arith.subf %get3A_1643, %sub3A_1659 : vector<16xf32>
        %sub3A_1661 = vector.broadcast %squeeze3A_469 : f32 to vector<16xf32>
        %sub3A_1662 = arith.subf %get3A_1645, %sub3A_1661 : vector<16xf32>
        %mul3A_1663 = arith.mulf %sub3A_1658, %sub3A_1658 : vector<16xf32>
        %mul3A_1664 = arith.mulf %sub3A_1660, %sub3A_1660 : vector<16xf32>
        %add3A_1665 = arith.addf %mul3A_1663, %mul3A_1664 : vector<16xf32>
        %mul3A_1666 = arith.mulf %sub3A_1662, %sub3A_1662 : vector<16xf32>
        %add3A_1667 = arith.addf %add3A_1665, %mul3A_1666 : vector<16xf32>
        %swap3A_1668 = arith.index_cast %multiple_of3A_1639 : i32 to index
        %swap3A_1669 = tpu.vector_load %arg7[%swap3A_1668] {strides = array<i32>} : memref<2048xf32, #tpu.memory_space<vmem>>, vector<16xf32>,
        tpu.vector_store %arg7[%swap3A_1668], %add3A_1656 {strides = array<i32>} : memref<2048xf32, #tpu.memory_space<vmem>>, vector<16xf32>,
        %swap3A_1670 = arith.index_cast %multiple_of3A_1639 : i32 to index
        %swap3A_1671 = tpu.vector_load %arg8[%swap3A_1670] {strides = array<i32>} : memref<2048xf32, #tpu.memory_space<vmem>>, vector<16xf32>,
        tpu.vector_store %arg8[%swap3A_1670], %add3A_1667 {strides = array<i32>} : memref<2048xf32, #tpu.memory_space<vmem>>, vector<16xf32>,
        %min3A = arith.minimumf %scan3A_1635, %add3A_1656 : vector<16xf32>
        %min3A_1672 = arith.minimumf %scan3A_1636, %add3A_1667 : vector<16xf32>
        scf.yield %min3A, %min3A_1672 : vector<16xf32>, vector<16xf32>
      }
      %scan3A_475 = arith.constant 128 : i32
      %reduce_max3A_476 = arith.constant true
      %reduce_max3A_477 = vector.broadcast %reduce_max3A_476 : i1 to vector<16xi1>
      %reduce_max3A_478 = tpu.scan <max>, %scan3A_474#0 masked %reduce_max3A_477 : vector<16xf32>, vector<16xi1> -> vector<16xf32>
      %reduce_max3A_479 = vector.extract %reduce_max3A_478[15] : f32 from vector<16xf32>
      %reduce_max3A_480 = arith.constant true
      %reduce_max3A_481 = vector.broadcast %reduce_max3A_480 : i1 to vector<16xi1>
      %reduce_max3A_482 = tpu.scan <max>, %scan3A_474#1 masked %reduce_max3A_481 : vector<16xf32>, vector<16xi1> -> vector<16xf32>
      %reduce_max3A_483 = vector.extract %reduce_max3A_482[15] : f32 from vector<16xf32>
      %scan3A_484 = arith.constant 0 : i32
      %scan3A_485 = arith.constant 0 : i32
      %scan3A_486 = arith.constant 0 : i32
      %scan3A_487 = arith.constant 128 : i32
      %scan3A_488 = arith.addi %scan3A_486, %scan3A_487 : i32
      %scan3A_489 = arith.constant 1 : i32
      %scan3A_490:2 = scf.for %scan3A_1634 = %scan3A_486 to %scan3A_488 step %scan3A_489 iter_args(%scan3A_1635 = %scan3A_484, %scan3A_1636 = %scan3A_485) -> (i32, i32)  : i32 {
        %mul3A_1637 = arith.constant 16 : i32
        %mul3A_1638 = arith.muli %scan3A_1634, %mul3A_1637 : i32
        %multiple_of3A_1639 = tpu.assume_multiple %mul3A_1638, 16 : i32
        %get3A_1640 = arith.index_cast %multiple_of3A_1639 : i32 to index
        %get3A_1641 = tpu.vector_load %arg7[%get3A_1640] {strides = array<i32>} : memref<2048xf32, #tpu.memory_space<vmem>>, vector<16xf32>,
        %get3A_1642 = arith.index_cast %multiple_of3A_1639 : i32 to index
        %get3A_1643 = tpu.vector_load %arg8[%get3A_1642] {strides = array<i32>} : memref<2048xf32, #tpu.memory_space<vmem>>, vector<16xf32>,
        %le3A = vector.broadcast %reduce_max3A_479 : f32 to vector<16xf32>
        %le3A_1644 = arith.cmpf ole, %get3A_1641, %le3A : vector<16xf32>
        %le3A_1645 = vector.broadcast %reduce_max3A_483 : f32 to vector<16xf32>
        %le3A_1646 = arith.cmpf ole, %get3A_1643, %le3A_1645 : vector<16xf32>
        %all_reduce_population_count3A = tpu.all_reduce %le3A_1644 {dim = 0 : i64, kind = #tpu.reduction_kind<sum>} : vector<16xi1> -> vector<16xi32>
        %slice3A_1647 = vector.extract_strided_slice %all_reduce_population_count3A {offsets = [0], sizes = [1], strides = [1]} : vector<16xi32> to vector<1xi32>
        %squeeze3A_1648 = vector.extract %slice3A_1647[0] : i32 from vector<1xi32>
        %all_reduce_population_count3A_1649 = tpu.all_reduce %le3A_1646 {dim = 0 : i64, kind = #tpu.reduction_kind<sum>} : vector<16xi1> -> vector<16xi32>
        %slice3A_1650 = vector.extract_strided_slice %all_reduce_population_count3A_1649 {offsets = [0], sizes = [1], strides = [1]} : vector<16xi32> to vector<1xi32>
        %squeeze3A_1651 = vector.extract %slice3A_1650[0] : i32 from vector<1xi32>
        %swap3A_1652 = arith.index_cast %scan3A_1635 : i32 to index
        %swap3A_1653 = tpu.vector_load %arg9[%swap3A_1652] masked %le3A_1644 {strides = array<i32>} : memref<2064xf32, #tpu.memory_space<vmem>>, vector<16xf32>, vector<16xi1>
        tpu.vector_store %arg9[%swap3A_1652], %get3A_1641 masked %le3A_1644 {strides = array<i32>} : memref<2064xf32, #tpu.memory_space<vmem>>, vector<16xf32>, vector<16xi1>
        %swap3A_1654 = arith.index_cast %scan3A_1636 : i32 to index
        %swap3A_1655 = tpu.vector_load %arg10[%swap3A_1654] masked %le3A_1646 {strides = array<i32>} : memref<2064xf32, #tpu.memory_space<vmem>>, vector<16xf32>, vector<16xi1>
        tpu.vector_store %arg10[%swap3A_1654], %get3A_1643 masked %le3A_1646 {strides = array<i32>} : memref<2064xf32, #tpu.memory_space<vmem>>, vector<16xf32>, vector<16xi1>
        %add3A_1656 = arith.addi %scan3A_1635, %squeeze3A_1648 : i32
        %add3A_1657 = arith.addi %scan3A_1636, %squeeze3A_1651 : i32
        scf.yield %add3A_1656, %add3A_1657 : i32, i32
      }
      %scan3A_491 = arith.constant 128 : i32
      %swap3A_492 = arith.index_cast %scan3A_490#0 : i32 to index
      %swap3A_493 = tpu.vector_load %arg9[%swap3A_492] {strides = array<i32>} : memref<2064xf32, #tpu.memory_space<vmem>>, vector<16xf32>,
      tpu.vector_store %arg9[%swap3A_492], %broadcast_in_dim3A_43 {strides = array<i32>} : memref<2064xf32, #tpu.memory_space<vmem>>, vector<16xf32>,
      %swap3A_494 = arith.index_cast %scan3A_490#1 : i32 to index
      %swap3A_495 = tpu.vector_load %arg10[%swap3A_494] {strides = array<i32>} : memref<2064xf32, #tpu.memory_space<vmem>>, vector<16xf32>,
      tpu.vector_store %arg10[%swap3A_494], %broadcast_in_dim3A_43 {strides = array<i32>} : memref<2064xf32, #tpu.memory_space<vmem>>, vector<16xf32>,
      %add3A_496 = arith.constant 15 : i32
      %add3A_497 = arith.addi %scan3A_490#0, %add3A_496 : i32
      %jit3A_498 = arith.constant 16 : i32
      %div3A_499 = arith.divsi %add3A_497, %jit3A_498 : i32
      %sign3A_500 = arith.constant 0 : i32
      %sign3A_501 = arith.cmpi sgt, %add3A_497, %sign3A_500 : i32
      %sign3A_502 = arith.extui %sign3A_501 : i1 to i32
      %sign3A_503 = arith.constant 0 : i32
      %sign3A_504 = arith.cmpi slt, %add3A_497, %sign3A_503 : i32
      %sign3A_505 = arith.extui %sign3A_504 : i1 to i32
      %sign3A_506 = arith.subi %sign3A_502, %sign3A_505 : i32
      %sign3A_507 = arith.constant 0 : i32
      %sign3A_508 = arith.cmpi sgt, %jit3A_498, %sign3A_507 : i32
      %sign3A_509 = arith.extui %sign3A_508 : i1 to i32
      %sign3A_510 = arith.constant 0 : i32
      %sign3A_511 = arith.cmpi slt, %jit3A_498, %sign3A_510 : i32
      %sign3A_512 = arith.extui %sign3A_511 : i1 to i32
      %sign3A_513 = arith.subi %sign3A_509, %sign3A_512 : i32
      %ne3A_514 = arith.cmpi ne, %sign3A_506, %sign3A_513 : i32
      %rem3A_515 = arith.remsi %add3A_497, %jit3A_498 : i32
      %ne3A_516 = arith.constant 0 : i32
      %ne3A_517 = arith.cmpi ne, %rem3A_515, %ne3A_516 : i32
      %and3A_518 = arith.andi %ne3A_514, %ne3A_517 : i1
      %sub3A_519 = arith.constant 1 : i32
      %sub3A_520 = arith.subi %div3A_499, %sub3A_519 : i32
      %select_n3A_521 = arith.select %and3A_518, %sub3A_520, %div3A_499 : i32
      %add3A_522 = arith.constant 15 : i32
      %add3A_523 = arith.addi %scan3A_490#1, %add3A_522 : i32
      %jit3A_524 = arith.constant 16 : i32
      %div3A_525 = arith.divsi %add3A_523, %jit3A_524 : i32
      %sign3A_526 = arith.constant 0 : i32
      %sign3A_527 = arith.cmpi sgt, %add3A_523, %sign3A_526 : i32
      %sign3A_528 = arith.extui %sign3A_527 : i1 to i32
      %sign3A_529 = arith.constant 0 : i32
      %sign3A_530 = arith.cmpi slt, %add3A_523, %sign3A_529 : i32
      %sign3A_531 = arith.extui %sign3A_530 : i1 to i32
      %sign3A_532 = arith.subi %sign3A_528, %sign3A_531 : i32
      %sign3A_533 = arith.constant 0 : i32
      %sign3A_534 = arith.cmpi sgt, %jit3A_524, %sign3A_533 : i32
      %sign3A_535 = arith.extui %sign3A_534 : i1 to i32
      %sign3A_536 = arith.constant 0 : i32
      %sign3A_537 = arith.cmpi slt, %jit3A_524, %sign3A_536 : i32
      %sign3A_538 = arith.extui %sign3A_537 : i1 to i32
      %sign3A_539 = arith.subi %sign3A_535, %sign3A_538 : i32
      %ne3A_540 = arith.cmpi ne, %sign3A_532, %sign3A_539 : i32
      %rem3A_541 = arith.remsi %add3A_523, %jit3A_524 : i32
      %ne3A_542 = arith.constant 0 : i32
      %ne3A_543 = arith.cmpi ne, %rem3A_541, %ne3A_542 : i32
      %and3A_544 = arith.andi %ne3A_540, %ne3A_543 : i1
      %sub3A_545 = arith.constant 1 : i32
      %sub3A_546 = arith.subi %div3A_525, %sub3A_545 : i32
      %select_n3A_547 = arith.select %and3A_544, %sub3A_546, %div3A_525 : i32
      %max3A_548 = arith.maxsi %select_n3A_521, %select_n3A_547 : i32
      %while3A_549 = arith.constant 0 : i32
      %while3A_550 = arith.subi %max3A_548, %while3A_549 : i32
      %while3A_551 = arith.addi %while3A_549, %while3A_550 : i32
      %while3A_552 = arith.constant 1 : i32
      %while3A_553 = arith.divsi %while3A_550, %while3A_552 : i32
      %while3A_554 = arith.muli %while3A_553, %while3A_552 : i32
      %while3A_555 = arith.addi %while3A_549, %while3A_554 : i32
      %while3A_556 = arith.constant 1 : i32
      %while3A_557:2 = scf.for %while3A_1634 = %while3A_549 to %while3A_555 step %while3A_556 iter_args(%while3A_1635 = %broadcast_in_dim3A_43, %while3A_1636 = %broadcast_in_dim3A_43) -> (vector<16xf32>, vector<16xf32>)  : i32 {
        %mul3A_1637 = arith.constant 16 : i32
        %mul3A_1638 = arith.muli %while3A_1634, %mul3A_1637 : i32
        %get3A_1639 = arith.index_cast %mul3A_1638 : i32 to index
        %get3A_1640 = tpu.vector_load %arg9[%get3A_1639] {strides = array<i32>} : memref<2064xf32, #tpu.memory_space<vmem>>, vector<16xf32>,
        %mul3A_1641 = arith.constant 16 : i32
        %mul3A_1642 = arith.muli %while3A_1634, %mul3A_1641 : i32
        %get3A_1643 = arith.index_cast %mul3A_1642 : i32 to index
        %get3A_1644 = tpu.vector_load %arg10[%get3A_1643] {strides = array<i32>} : memref<2064xf32, #tpu.memory_space<vmem>>, vector<16xf32>,
        %sort3A = arith.constant dense<true> : vector<16xi1>
        %sort3A_1645, %sort3A_1646, %sort3A_1647 = tpu.sort %get3A_1640, %get3A_1640 masked %sort3A : (vector<16xf32>, vector<16xf32>, vector<16xi1>) -> (vector<16xi1>, vector<16xf32>, vector<16xf32>)
        %rev3A = arith.constant 15 : i32
        %rev3A_1648 = vector.broadcast %rev3A : i32 to vector<16xi32>
        %rev3A_1649 = tpu.iota {dimensions = array<i32: 0>} : vector<16xi32>
        %rev3A_1650 = arith.subi %rev3A_1648, %rev3A_1649 : vector<16xi32>
        %rev3A_1651 = tpu.dynamic_gather %sort3A_1646[%rev3A_1650] in [0] : vector<16xf32>, vector<16xi32> -> vector<16xf32>
        %min3A = arith.minimumf %while3A_1635, %rev3A_1651 : vector<16xf32>
        %sort3A_1652 = arith.constant dense<true> : vector<16xi1>
        %sort3A_1653, %sort3A_1654, %sort3A_1655 = tpu.sort %min3A, %min3A masked %sort3A_1652 : (vector<16xf32>, vector<16xf32>, vector<16xi1>) -> (vector<16xi1>, vector<16xf32>, vector<16xf32>)
        %sort3A_1656 = arith.constant dense<true> : vector<16xi1>
        %sort3A_1657, %sort3A_1658, %sort3A_1659 = tpu.sort %get3A_1644, %get3A_1644 masked %sort3A_1656 : (vector<16xf32>, vector<16xf32>, vector<16xi1>) -> (vector<16xi1>, vector<16xf32>, vector<16xf32>)
        %rev3A_1660 = arith.constant 15 : i32
        %rev3A_1661 = vector.broadcast %rev3A_1660 : i32 to vector<16xi32>
        %rev3A_1662 = tpu.iota {dimensions = array<i32: 0>} : vector<16xi32>
        %rev3A_1663 = arith.subi %rev3A_1661, %rev3A_1662 : vector<16xi32>
        %rev3A_1664 = tpu.dynamic_gather %sort3A_1658[%rev3A_1663] in [0] : vector<16xf32>, vector<16xi32> -> vector<16xf32>
        %min3A_1665 = arith.minimumf %while3A_1636, %rev3A_1664 : vector<16xf32>
        %sort3A_1666 = arith.constant dense<true> : vector<16xi1>
        %sort3A_1667, %sort3A_1668, %sort3A_1669 = tpu.sort %min3A_1665, %min3A_1665 masked %sort3A_1666 : (vector<16xf32>, vector<16xf32>, vector<16xi1>) -> (vector<16xi1>, vector<16xf32>, vector<16xf32>)
        %lt3A_1670 = arith.cmpi slt, %while3A_1634, %select_n3A_521 : i32
        %select_n3A_1671 = arith.select %lt3A_1670, %sort3A_1654, %while3A_1635 : vector<16xf32>
        %lt3A_1672 = arith.cmpi slt, %while3A_1634, %select_n3A_547 : i32
        %select_n3A_1673 = arith.select %lt3A_1672, %sort3A_1668, %while3A_1636 : vector<16xf32>
        scf.yield %select_n3A_1671, %select_n3A_1673 : vector<16xf32>, vector<16xf32>
      }
      %while3A_558 = arith.constant 1 : i32
      %while3A_559:2 = scf.for %while3A_1634 = %while3A_555 to %while3A_551 step %while3A_558 iter_args(%while3A_1635 = %while3A_557#0, %while3A_1636 = %while3A_557#1) -> (vector<16xf32>, vector<16xf32>)  : i32 {
        %mul3A_1637 = arith.constant 16 : i32
        %mul3A_1638 = arith.muli %while3A_1634, %mul3A_1637 : i32
        %get3A_1639 = arith.index_cast %mul3A_1638 : i32 to index
        %get3A_1640 = tpu.vector_load %arg9[%get3A_1639] {strides = array<i32>} : memref<2064xf32, #tpu.memory_space<vmem>>, vector<16xf32>,
        %mul3A_1641 = arith.constant 16 : i32
        %mul3A_1642 = arith.muli %while3A_1634, %mul3A_1641 : i32
        %get3A_1643 = arith.index_cast %mul3A_1642 : i32 to index
        %get3A_1644 = tpu.vector_load %arg10[%get3A_1643] {strides = array<i32>} : memref<2064xf32, #tpu.memory_space<vmem>>, vector<16xf32>,
        %sort3A = arith.constant dense<true> : vector<16xi1>
        %sort3A_1645, %sort3A_1646, %sort3A_1647 = tpu.sort %get3A_1640, %get3A_1640 masked %sort3A : (vector<16xf32>, vector<16xf32>, vector<16xi1>) -> (vector<16xi1>, vector<16xf32>, vector<16xf32>)
        %rev3A = arith.constant 15 : i32
        %rev3A_1648 = vector.broadcast %rev3A : i32 to vector<16xi32>
        %rev3A_1649 = tpu.iota {dimensions = array<i32: 0>} : vector<16xi32>
        %rev3A_1650 = arith.subi %rev3A_1648, %rev3A_1649 : vector<16xi32>
        %rev3A_1651 = tpu.dynamic_gather %sort3A_1646[%rev3A_1650] in [0] : vector<16xf32>, vector<16xi32> -> vector<16xf32>
        %min3A = arith.minimumf %while3A_1635, %rev3A_1651 : vector<16xf32>
        %sort3A_1652 = arith.constant dense<true> : vector<16xi1>
        %sort3A_1653, %sort3A_1654, %sort3A_1655 = tpu.sort %min3A, %min3A masked %sort3A_1652 : (vector<16xf32>, vector<16xf32>, vector<16xi1>) -> (vector<16xi1>, vector<16xf32>, vector<16xf32>)
        %sort3A_1656 = arith.constant dense<true> : vector<16xi1>
        %sort3A_1657, %sort3A_1658, %sort3A_1659 = tpu.sort %get3A_1644, %get3A_1644 masked %sort3A_1656 : (vector<16xf32>, vector<16xf32>, vector<16xi1>) -> (vector<16xi1>, vector<16xf32>, vector<16xf32>)
        %rev3A_1660 = arith.constant 15 : i32
        %rev3A_1661 = vector.broadcast %rev3A_1660 : i32 to vector<16xi32>
        %rev3A_1662 = tpu.iota {dimensions = array<i32: 0>} : vector<16xi32>
        %rev3A_1663 = arith.subi %rev3A_1661, %rev3A_1662 : vector<16xi32>
        %rev3A_1664 = tpu.dynamic_gather %sort3A_1658[%rev3A_1663] in [0] : vector<16xf32>, vector<16xi32> -> vector<16xf32>
        %min3A_1665 = arith.minimumf %while3A_1636, %rev3A_1664 : vector<16xf32>
        %sort3A_1666 = arith.constant dense<true> : vector<16xi1>
        %sort3A_1667, %sort3A_1668, %sort3A_1669 = tpu.sort %min3A_1665, %min3A_1665 masked %sort3A_1666 : (vector<16xf32>, vector<16xf32>, vector<16xi1>) -> (vector<16xi1>, vector<16xf32>, vector<16xf32>)
        %lt3A_1670 = arith.cmpi slt, %while3A_1634, %select_n3A_521 : i32
        %select_n3A_1671 = arith.select %lt3A_1670, %sort3A_1654, %while3A_1635 : vector<16xf32>
        %lt3A_1672 = arith.cmpi slt, %while3A_1634, %select_n3A_547 : i32
        %select_n3A_1673 = arith.select %lt3A_1672, %sort3A_1668, %while3A_1636 : vector<16xf32>
        scf.yield %select_n3A_1671, %select_n3A_1673 : vector<16xf32>, vector<16xf32>
      }
      %add3A_560 = arith.constant 9.99999996E-13 : f32
      %add3A_561 = vector.broadcast %add3A_560 : f32 to vector<16xf32>
      %add3A_562 = arith.addf %while3A_559#0, %add3A_561 : vector<16xf32>
      %bitcast_convert_type3A_563 = tpu.bitcast %add3A_562 : vector<16xf32> -> vector<16xi32>
      %shift_right_logical3A_564 = arith.constant 1 : i32
      %shift_right_logical3A_565 = vector.broadcast %shift_right_logical3A_564 : i32 to vector<16xi32>
      %shift_right_logical3A_566 = arith.shrui %bitcast_convert_type3A_563, %shift_right_logical3A_565 : vector<16xi32>
      %sub3A_567 = arith.constant 1597463007 : i32
      %sub3A_568 = vector.broadcast %sub3A_567 : i32 to vector<16xi32>
      %sub3A_569 = arith.subi %sub3A_568, %shift_right_logical3A_566 : vector<16xi32>
      %bitcast_convert_type3A_570 = tpu.bitcast %sub3A_569 : vector<16xi32> -> vector<16xf32>
      %mul3A_571 = arith.constant 5.000000e-01 : f32
      %mul3A_572 = vector.broadcast %mul3A_571 : f32 to vector<16xf32>
      %mul3A_573 = arith.mulf %mul3A_572, %add3A_562 : vector<16xf32>
      %mul3A_574 = arith.mulf %mul3A_573, %bitcast_convert_type3A_570 : vector<16xf32>
      %mul3A_575 = arith.mulf %mul3A_574, %bitcast_convert_type3A_570 : vector<16xf32>
      %sub3A_576 = arith.constant 1.500000e+00 : f32
      %sub3A_577 = vector.broadcast %sub3A_576 : f32 to vector<16xf32>
      %sub3A_578 = arith.subf %sub3A_577, %mul3A_575 : vector<16xf32>
      %mul3A_579 = arith.mulf %bitcast_convert_type3A_570, %sub3A_578 : vector<16xf32>
      %mul3A_580 = arith.mulf %mul3A_573, %mul3A_579 : vector<16xf32>
      %mul3A_581 = arith.mulf %mul3A_580, %mul3A_579 : vector<16xf32>
      %sub3A_582 = arith.constant 1.500000e+00 : f32
      %sub3A_583 = vector.broadcast %sub3A_582 : f32 to vector<16xf32>
      %sub3A_584 = arith.subf %sub3A_583, %mul3A_581 : vector<16xf32>
      %mul3A_585 = arith.mulf %mul3A_579, %sub3A_584 : vector<16xf32>
      %mul3A_586 = arith.mulf %mul3A_573, %mul3A_585 : vector<16xf32>
      %mul3A_587 = arith.mulf %mul3A_586, %mul3A_585 : vector<16xf32>
      %sub3A_588 = arith.constant 1.500000e+00 : f32
      %sub3A_589 = vector.broadcast %sub3A_588 : f32 to vector<16xf32>
      %sub3A_590 = arith.subf %sub3A_589, %mul3A_587 : vector<16xf32>
      %mul3A_591 = arith.mulf %mul3A_585, %sub3A_590 : vector<16xf32>
      %mul3A_592 = arith.mulf %add3A_562, %mul3A_591 : vector<16xf32>
      %reduce_sum3A_593 = arith.constant true
      %reduce_sum3A_594 = vector.broadcast %reduce_sum3A_593 : i1 to vector<16xi1>
      %reduce_sum3A_595 = tpu.scan <sum>, %mul3A_592 masked %reduce_sum3A_594 : vector<16xf32>, vector<16xi1> -> vector<16xf32>
      %reduce_sum3A_596 = vector.extract %reduce_sum3A_595[15] : f32 from vector<16xf32>
      %reduce_min3A_597 = arith.constant true
      %reduce_min3A_598 = vector.broadcast %reduce_min3A_597 : i1 to vector<16xi1>
      %reduce_min3A_599 = tpu.scan <min>, %mul3A_592 masked %reduce_min3A_598 : vector<16xf32>, vector<16xi1> -> vector<16xf32>
      %reduce_min3A_600 = vector.extract %reduce_min3A_599[15] : f32 from vector<16xf32>
      %sub3A_601 = arith.subf %reduce_sum3A_596, %reduce_min3A_600 : f32
      %mul3A_602 = arith.constant 0.0666666701 : f32
      %mul3A_603 = arith.mulf %sub3A_601, %mul3A_602 : f32
      %add3A_604 = arith.addf %add3A_455, %mul3A_603 : f32
      %mul3A_605 = arith.mulf %mul3A_603, %mul3A_603 : f32
      %add3A_606 = arith.addf %add3A_457, %mul3A_605 : f32
      %add3A_607 = arith.constant 9.99999996E-13 : f32
      %add3A_608 = vector.broadcast %add3A_607 : f32 to vector<16xf32>
      %add3A_609 = arith.addf %while3A_559#1, %add3A_608 : vector<16xf32>
      %bitcast_convert_type3A_610 = tpu.bitcast %add3A_609 : vector<16xf32> -> vector<16xi32>
      %shift_right_logical3A_611 = arith.constant 1 : i32
      %shift_right_logical3A_612 = vector.broadcast %shift_right_logical3A_611 : i32 to vector<16xi32>
      %shift_right_logical3A_613 = arith.shrui %bitcast_convert_type3A_610, %shift_right_logical3A_612 : vector<16xi32>
      %sub3A_614 = arith.constant 1597463007 : i32
      %sub3A_615 = vector.broadcast %sub3A_614 : i32 to vector<16xi32>
      %sub3A_616 = arith.subi %sub3A_615, %shift_right_logical3A_613 : vector<16xi32>
      %bitcast_convert_type3A_617 = tpu.bitcast %sub3A_616 : vector<16xi32> -> vector<16xf32>
      %mul3A_618 = arith.constant 5.000000e-01 : f32
      %mul3A_619 = vector.broadcast %mul3A_618 : f32 to vector<16xf32>
      %mul3A_620 = arith.mulf %mul3A_619, %add3A_609 : vector<16xf32>
      %mul3A_621 = arith.mulf %mul3A_620, %bitcast_convert_type3A_617 : vector<16xf32>
      %mul3A_622 = arith.mulf %mul3A_621, %bitcast_convert_type3A_617 : vector<16xf32>
      %sub3A_623 = arith.constant 1.500000e+00 : f32
      %sub3A_624 = vector.broadcast %sub3A_623 : f32 to vector<16xf32>
      %sub3A_625 = arith.subf %sub3A_624, %mul3A_622 : vector<16xf32>
      %mul3A_626 = arith.mulf %bitcast_convert_type3A_617, %sub3A_625 : vector<16xf32>
      %mul3A_627 = arith.mulf %mul3A_620, %mul3A_626 : vector<16xf32>
      %mul3A_628 = arith.mulf %mul3A_627, %mul3A_626 : vector<16xf32>
      %sub3A_629 = arith.constant 1.500000e+00 : f32
      %sub3A_630 = vector.broadcast %sub3A_629 : f32 to vector<16xf32>
      %sub3A_631 = arith.subf %sub3A_630, %mul3A_628 : vector<16xf32>
      %mul3A_632 = arith.mulf %mul3A_626, %sub3A_631 : vector<16xf32>
      %mul3A_633 = arith.mulf %mul3A_620, %mul3A_632 : vector<16xf32>
      %mul3A_634 = arith.mulf %mul3A_633, %mul3A_632 : vector<16xf32>
      %sub3A_635 = arith.constant 1.500000e+00 : f32
      %sub3A_636 = vector.broadcast %sub3A_635 : f32 to vector<16xf32>
      %sub3A_637 = arith.subf %sub3A_636, %mul3A_634 : vector<16xf32>
      %mul3A_638 = arith.mulf %mul3A_632, %sub3A_637 : vector<16xf32>
      %mul3A_639 = arith.mulf %add3A_609, %mul3A_638 : vector<16xf32>
      %reduce_sum3A_640 = arith.constant true
      %reduce_sum3A_641 = vector.broadcast %reduce_sum3A_640 : i1 to vector<16xi1>
      %reduce_sum3A_642 = tpu.scan <sum>, %mul3A_639 masked %reduce_sum3A_641 : vector<16xf32>, vector<16xi1> -> vector<16xf32>
      %reduce_sum3A_643 = vector.extract %reduce_sum3A_642[15] : f32 from vector<16xf32>
      %reduce_min3A_644 = arith.constant true
      %reduce_min3A_645 = vector.broadcast %reduce_min3A_644 : i1 to vector<16xi1>
      %reduce_min3A_646 = tpu.scan <min>, %mul3A_639 masked %reduce_min3A_645 : vector<16xf32>, vector<16xi1> -> vector<16xf32>
      %reduce_min3A_647 = vector.extract %reduce_min3A_646[15] : f32 from vector<16xf32>
      %sub3A_648 = arith.subf %reduce_sum3A_643, %reduce_min3A_647 : f32
      %mul3A_649 = arith.constant 0.0666666701 : f32
      %mul3A_650 = arith.mulf %sub3A_648, %mul3A_649 : f32
      %add3A_651 = arith.addf %add3A_604, %mul3A_650 : f32
      %mul3A_652 = arith.mulf %mul3A_650, %mul3A_650 : f32
      %add3A_653 = arith.addf %add3A_606, %mul3A_652 : f32
      %slice3A_654 = vector.extract_strided_slice %get3A_70 {offsets = [6], sizes = [1], strides = [1]} : vector<16xf32> to vector<1xf32>
      %squeeze3A_655 = vector.extract %slice3A_654[0] : f32 from vector<1xf32>
      %slice3A_656 = vector.extract_strided_slice %get3A_70 {offsets = [7], sizes = [1], strides = [1]} : vector<16xf32> to vector<1xf32>
      %squeeze3A_657 = vector.extract %slice3A_656[0] : f32 from vector<1xf32>
      %slice3A_658 = vector.extract_strided_slice %get3A_72 {offsets = [6], sizes = [1], strides = [1]} : vector<16xf32> to vector<1xf32>
      %squeeze3A_659 = vector.extract %slice3A_658[0] : f32 from vector<1xf32>
      %slice3A_660 = vector.extract_strided_slice %get3A_72 {offsets = [7], sizes = [1], strides = [1]} : vector<16xf32> to vector<1xf32>
      %squeeze3A_661 = vector.extract %slice3A_660[0] : f32 from vector<1xf32>
      %slice3A_662 = vector.extract_strided_slice %get3A_74 {offsets = [6], sizes = [1], strides = [1]} : vector<16xf32> to vector<1xf32>
      %squeeze3A_663 = vector.extract %slice3A_662[0] : f32 from vector<1xf32>
      %slice3A_664 = vector.extract_strided_slice %get3A_74 {offsets = [7], sizes = [1], strides = [1]} : vector<16xf32> to vector<1xf32>
      %squeeze3A_665 = vector.extract %slice3A_664[0] : f32 from vector<1xf32>
      %scan3A_666 = arith.constant 0 : i32
      %scan3A_667 = arith.constant 128 : i32
      %scan3A_668 = arith.addi %scan3A_666, %scan3A_667 : i32
      %scan3A_669 = arith.constant 1 : i32
      %scan3A_670:2 = scf.for %scan3A_1634 = %scan3A_666 to %scan3A_668 step %scan3A_669 iter_args(%scan3A_1635 = %broadcast_in_dim3A_43, %scan3A_1636 = %broadcast_in_dim3A_43) -> (vector<16xf32>, vector<16xf32>)  : i32 {
        %mul3A_1637 = arith.constant 16 : i32
        %mul3A_1638 = arith.muli %scan3A_1634, %mul3A_1637 : i32
        %multiple_of3A_1639 = tpu.assume_multiple %mul3A_1638, 16 : i32
        %get3A_1640 = arith.index_cast %multiple_of3A_1639 : i32 to index
        %get3A_1641 = tpu.vector_load %arg4[%get3A_1640] {strides = array<i32>} : memref<2048xf32, #tpu.memory_space<vmem>>, vector<16xf32>,
        %get3A_1642 = arith.index_cast %multiple_of3A_1639 : i32 to index
        %get3A_1643 = tpu.vector_load %arg5[%get3A_1642] {strides = array<i32>} : memref<2048xf32, #tpu.memory_space<vmem>>, vector<16xf32>,
        %get3A_1644 = arith.index_cast %multiple_of3A_1639 : i32 to index
        %get3A_1645 = tpu.vector_load %arg6[%get3A_1644] {strides = array<i32>} : memref<2048xf32, #tpu.memory_space<vmem>>, vector<16xf32>,
        %sub3A_1646 = vector.broadcast %squeeze3A_655 : f32 to vector<16xf32>
        %sub3A_1647 = arith.subf %get3A_1641, %sub3A_1646 : vector<16xf32>
        %sub3A_1648 = vector.broadcast %squeeze3A_659 : f32 to vector<16xf32>
        %sub3A_1649 = arith.subf %get3A_1643, %sub3A_1648 : vector<16xf32>
        %sub3A_1650 = vector.broadcast %squeeze3A_663 : f32 to vector<16xf32>
        %sub3A_1651 = arith.subf %get3A_1645, %sub3A_1650 : vector<16xf32>
        %mul3A_1652 = arith.mulf %sub3A_1647, %sub3A_1647 : vector<16xf32>
        %mul3A_1653 = arith.mulf %sub3A_1649, %sub3A_1649 : vector<16xf32>
        %add3A_1654 = arith.addf %mul3A_1652, %mul3A_1653 : vector<16xf32>
        %mul3A_1655 = arith.mulf %sub3A_1651, %sub3A_1651 : vector<16xf32>
        %add3A_1656 = arith.addf %add3A_1654, %mul3A_1655 : vector<16xf32>
        %sub3A_1657 = vector.broadcast %squeeze3A_657 : f32 to vector<16xf32>
        %sub3A_1658 = arith.subf %get3A_1641, %sub3A_1657 : vector<16xf32>
        %sub3A_1659 = vector.broadcast %squeeze3A_661 : f32 to vector<16xf32>
        %sub3A_1660 = arith.subf %get3A_1643, %sub3A_1659 : vector<16xf32>
        %sub3A_1661 = vector.broadcast %squeeze3A_665 : f32 to vector<16xf32>
        %sub3A_1662 = arith.subf %get3A_1645, %sub3A_1661 : vector<16xf32>
        %mul3A_1663 = arith.mulf %sub3A_1658, %sub3A_1658 : vector<16xf32>
        %mul3A_1664 = arith.mulf %sub3A_1660, %sub3A_1660 : vector<16xf32>
        %add3A_1665 = arith.addf %mul3A_1663, %mul3A_1664 : vector<16xf32>
        %mul3A_1666 = arith.mulf %sub3A_1662, %sub3A_1662 : vector<16xf32>
        %add3A_1667 = arith.addf %add3A_1665, %mul3A_1666 : vector<16xf32>
        %swap3A_1668 = arith.index_cast %multiple_of3A_1639 : i32 to index
        %swap3A_1669 = tpu.vector_load %arg7[%swap3A_1668] {strides = array<i32>} : memref<2048xf32, #tpu.memory_space<vmem>>, vector<16xf32>,
        tpu.vector_store %arg7[%swap3A_1668], %add3A_1656 {strides = array<i32>} : memref<2048xf32, #tpu.memory_space<vmem>>, vector<16xf32>,
        %swap3A_1670 = arith.index_cast %multiple_of3A_1639 : i32 to index
        %swap3A_1671 = tpu.vector_load %arg8[%swap3A_1670] {strides = array<i32>} : memref<2048xf32, #tpu.memory_space<vmem>>, vector<16xf32>,
        tpu.vector_store %arg8[%swap3A_1670], %add3A_1667 {strides = array<i32>} : memref<2048xf32, #tpu.memory_space<vmem>>, vector<16xf32>,
        %min3A = arith.minimumf %scan3A_1635, %add3A_1656 : vector<16xf32>
        %min3A_1672 = arith.minimumf %scan3A_1636, %add3A_1667 : vector<16xf32>
        scf.yield %min3A, %min3A_1672 : vector<16xf32>, vector<16xf32>
      }
      %scan3A_671 = arith.constant 128 : i32
      %reduce_max3A_672 = arith.constant true
      %reduce_max3A_673 = vector.broadcast %reduce_max3A_672 : i1 to vector<16xi1>
      %reduce_max3A_674 = tpu.scan <max>, %scan3A_670#0 masked %reduce_max3A_673 : vector<16xf32>, vector<16xi1> -> vector<16xf32>
      %reduce_max3A_675 = vector.extract %reduce_max3A_674[15] : f32 from vector<16xf32>
      %reduce_max3A_676 = arith.constant true
      %reduce_max3A_677 = vector.broadcast %reduce_max3A_676 : i1 to vector<16xi1>
      %reduce_max3A_678 = tpu.scan <max>, %scan3A_670#1 masked %reduce_max3A_677 : vector<16xf32>, vector<16xi1> -> vector<16xf32>
      %reduce_max3A_679 = vector.extract %reduce_max3A_678[15] : f32 from vector<16xf32>
      %scan3A_680 = arith.constant 0 : i32
      %scan3A_681 = arith.constant 0 : i32
      %scan3A_682 = arith.constant 0 : i32
      %scan3A_683 = arith.constant 128 : i32
      %scan3A_684 = arith.addi %scan3A_682, %scan3A_683 : i32
      %scan3A_685 = arith.constant 1 : i32
      %scan3A_686:2 = scf.for %scan3A_1634 = %scan3A_682 to %scan3A_684 step %scan3A_685 iter_args(%scan3A_1635 = %scan3A_680, %scan3A_1636 = %scan3A_681) -> (i32, i32)  : i32 {
        %mul3A_1637 = arith.constant 16 : i32
        %mul3A_1638 = arith.muli %scan3A_1634, %mul3A_1637 : i32
        %multiple_of3A_1639 = tpu.assume_multiple %mul3A_1638, 16 : i32
        %get3A_1640 = arith.index_cast %multiple_of3A_1639 : i32 to index
        %get3A_1641 = tpu.vector_load %arg7[%get3A_1640] {strides = array<i32>} : memref<2048xf32, #tpu.memory_space<vmem>>, vector<16xf32>,
        %get3A_1642 = arith.index_cast %multiple_of3A_1639 : i32 to index
        %get3A_1643 = tpu.vector_load %arg8[%get3A_1642] {strides = array<i32>} : memref<2048xf32, #tpu.memory_space<vmem>>, vector<16xf32>,
        %le3A = vector.broadcast %reduce_max3A_675 : f32 to vector<16xf32>
        %le3A_1644 = arith.cmpf ole, %get3A_1641, %le3A : vector<16xf32>
        %le3A_1645 = vector.broadcast %reduce_max3A_679 : f32 to vector<16xf32>
        %le3A_1646 = arith.cmpf ole, %get3A_1643, %le3A_1645 : vector<16xf32>
        %all_reduce_population_count3A = tpu.all_reduce %le3A_1644 {dim = 0 : i64, kind = #tpu.reduction_kind<sum>} : vector<16xi1> -> vector<16xi32>
        %slice3A_1647 = vector.extract_strided_slice %all_reduce_population_count3A {offsets = [0], sizes = [1], strides = [1]} : vector<16xi32> to vector<1xi32>
        %squeeze3A_1648 = vector.extract %slice3A_1647[0] : i32 from vector<1xi32>
        %all_reduce_population_count3A_1649 = tpu.all_reduce %le3A_1646 {dim = 0 : i64, kind = #tpu.reduction_kind<sum>} : vector<16xi1> -> vector<16xi32>
        %slice3A_1650 = vector.extract_strided_slice %all_reduce_population_count3A_1649 {offsets = [0], sizes = [1], strides = [1]} : vector<16xi32> to vector<1xi32>
        %squeeze3A_1651 = vector.extract %slice3A_1650[0] : i32 from vector<1xi32>
        %swap3A_1652 = arith.index_cast %scan3A_1635 : i32 to index
        %swap3A_1653 = tpu.vector_load %arg9[%swap3A_1652] masked %le3A_1644 {strides = array<i32>} : memref<2064xf32, #tpu.memory_space<vmem>>, vector<16xf32>, vector<16xi1>
        tpu.vector_store %arg9[%swap3A_1652], %get3A_1641 masked %le3A_1644 {strides = array<i32>} : memref<2064xf32, #tpu.memory_space<vmem>>, vector<16xf32>, vector<16xi1>
        %swap3A_1654 = arith.index_cast %scan3A_1636 : i32 to index
        %swap3A_1655 = tpu.vector_load %arg10[%swap3A_1654] masked %le3A_1646 {strides = array<i32>} : memref<2064xf32, #tpu.memory_space<vmem>>, vector<16xf32>, vector<16xi1>
        tpu.vector_store %arg10[%swap3A_1654], %get3A_1643 masked %le3A_1646 {strides = array<i32>} : memref<2064xf32, #tpu.memory_space<vmem>>, vector<16xf32>, vector<16xi1>
        %add3A_1656 = arith.addi %scan3A_1635, %squeeze3A_1648 : i32
        %add3A_1657 = arith.addi %scan3A_1636, %squeeze3A_1651 : i32
        scf.yield %add3A_1656, %add3A_1657 : i32, i32
      }
      %scan3A_687 = arith.constant 128 : i32
      %swap3A_688 = arith.index_cast %scan3A_686#0 : i32 to index
      %swap3A_689 = tpu.vector_load %arg9[%swap3A_688] {strides = array<i32>} : memref<2064xf32, #tpu.memory_space<vmem>>, vector<16xf32>,
      tpu.vector_store %arg9[%swap3A_688], %broadcast_in_dim3A_43 {strides = array<i32>} : memref<2064xf32, #tpu.memory_space<vmem>>, vector<16xf32>,
      %swap3A_690 = arith.index_cast %scan3A_686#1 : i32 to index
      %swap3A_691 = tpu.vector_load %arg10[%swap3A_690] {strides = array<i32>} : memref<2064xf32, #tpu.memory_space<vmem>>, vector<16xf32>,
      tpu.vector_store %arg10[%swap3A_690], %broadcast_in_dim3A_43 {strides = array<i32>} : memref<2064xf32, #tpu.memory_space<vmem>>, vector<16xf32>,
      %add3A_692 = arith.constant 15 : i32
      %add3A_693 = arith.addi %scan3A_686#0, %add3A_692 : i32
      %jit3A_694 = arith.constant 16 : i32
      %div3A_695 = arith.divsi %add3A_693, %jit3A_694 : i32
      %sign3A_696 = arith.constant 0 : i32
      %sign3A_697 = arith.cmpi sgt, %add3A_693, %sign3A_696 : i32
      %sign3A_698 = arith.extui %sign3A_697 : i1 to i32
      %sign3A_699 = arith.constant 0 : i32
      %sign3A_700 = arith.cmpi slt, %add3A_693, %sign3A_699 : i32
      %sign3A_701 = arith.extui %sign3A_700 : i1 to i32
      %sign3A_702 = arith.subi %sign3A_698, %sign3A_701 : i32
      %sign3A_703 = arith.constant 0 : i32
      %sign3A_704 = arith.cmpi sgt, %jit3A_694, %sign3A_703 : i32
      %sign3A_705 = arith.extui %sign3A_704 : i1 to i32
      %sign3A_706 = arith.constant 0 : i32
      %sign3A_707 = arith.cmpi slt, %jit3A_694, %sign3A_706 : i32
      %sign3A_708 = arith.extui %sign3A_707 : i1 to i32
      %sign3A_709 = arith.subi %sign3A_705, %sign3A_708 : i32
      %ne3A_710 = arith.cmpi ne, %sign3A_702, %sign3A_709 : i32
      %rem3A_711 = arith.remsi %add3A_693, %jit3A_694 : i32
      %ne3A_712 = arith.constant 0 : i32
      %ne3A_713 = arith.cmpi ne, %rem3A_711, %ne3A_712 : i32
      %and3A_714 = arith.andi %ne3A_710, %ne3A_713 : i1
      %sub3A_715 = arith.constant 1 : i32
      %sub3A_716 = arith.subi %div3A_695, %sub3A_715 : i32
      %select_n3A_717 = arith.select %and3A_714, %sub3A_716, %div3A_695 : i32
      %add3A_718 = arith.constant 15 : i32
      %add3A_719 = arith.addi %scan3A_686#1, %add3A_718 : i32
      %jit3A_720 = arith.constant 16 : i32
      %div3A_721 = arith.divsi %add3A_719, %jit3A_720 : i32
      %sign3A_722 = arith.constant 0 : i32
      %sign3A_723 = arith.cmpi sgt, %add3A_719, %sign3A_722 : i32
      %sign3A_724 = arith.extui %sign3A_723 : i1 to i32
      %sign3A_725 = arith.constant 0 : i32
      %sign3A_726 = arith.cmpi slt, %add3A_719, %sign3A_725 : i32
      %sign3A_727 = arith.extui %sign3A_726 : i1 to i32
      %sign3A_728 = arith.subi %sign3A_724, %sign3A_727 : i32
      %sign3A_729 = arith.constant 0 : i32
      %sign3A_730 = arith.cmpi sgt, %jit3A_720, %sign3A_729 : i32
      %sign3A_731 = arith.extui %sign3A_730 : i1 to i32
      %sign3A_732 = arith.constant 0 : i32
      %sign3A_733 = arith.cmpi slt, %jit3A_720, %sign3A_732 : i32
      %sign3A_734 = arith.extui %sign3A_733 : i1 to i32
      %sign3A_735 = arith.subi %sign3A_731, %sign3A_734 : i32
      %ne3A_736 = arith.cmpi ne, %sign3A_728, %sign3A_735 : i32
      %rem3A_737 = arith.remsi %add3A_719, %jit3A_720 : i32
      %ne3A_738 = arith.constant 0 : i32
      %ne3A_739 = arith.cmpi ne, %rem3A_737, %ne3A_738 : i32
      %and3A_740 = arith.andi %ne3A_736, %ne3A_739 : i1
      %sub3A_741 = arith.constant 1 : i32
      %sub3A_742 = arith.subi %div3A_721, %sub3A_741 : i32
      %select_n3A_743 = arith.select %and3A_740, %sub3A_742, %div3A_721 : i32
      %max3A_744 = arith.maxsi %select_n3A_717, %select_n3A_743 : i32
      %while3A_745 = arith.constant 0 : i32
      %while3A_746 = arith.subi %max3A_744, %while3A_745 : i32
      %while3A_747 = arith.addi %while3A_745, %while3A_746 : i32
      %while3A_748 = arith.constant 1 : i32
      %while3A_749 = arith.divsi %while3A_746, %while3A_748 : i32
      %while3A_750 = arith.muli %while3A_749, %while3A_748 : i32
      %while3A_751 = arith.addi %while3A_745, %while3A_750 : i32
      %while3A_752 = arith.constant 1 : i32
      %while3A_753:2 = scf.for %while3A_1634 = %while3A_745 to %while3A_751 step %while3A_752 iter_args(%while3A_1635 = %broadcast_in_dim3A_43, %while3A_1636 = %broadcast_in_dim3A_43) -> (vector<16xf32>, vector<16xf32>)  : i32 {
        %mul3A_1637 = arith.constant 16 : i32
        %mul3A_1638 = arith.muli %while3A_1634, %mul3A_1637 : i32
        %get3A_1639 = arith.index_cast %mul3A_1638 : i32 to index
        %get3A_1640 = tpu.vector_load %arg9[%get3A_1639] {strides = array<i32>} : memref<2064xf32, #tpu.memory_space<vmem>>, vector<16xf32>,
        %mul3A_1641 = arith.constant 16 : i32
        %mul3A_1642 = arith.muli %while3A_1634, %mul3A_1641 : i32
        %get3A_1643 = arith.index_cast %mul3A_1642 : i32 to index
        %get3A_1644 = tpu.vector_load %arg10[%get3A_1643] {strides = array<i32>} : memref<2064xf32, #tpu.memory_space<vmem>>, vector<16xf32>,
        %sort3A = arith.constant dense<true> : vector<16xi1>
        %sort3A_1645, %sort3A_1646, %sort3A_1647 = tpu.sort %get3A_1640, %get3A_1640 masked %sort3A : (vector<16xf32>, vector<16xf32>, vector<16xi1>) -> (vector<16xi1>, vector<16xf32>, vector<16xf32>)
        %rev3A = arith.constant 15 : i32
        %rev3A_1648 = vector.broadcast %rev3A : i32 to vector<16xi32>
        %rev3A_1649 = tpu.iota {dimensions = array<i32: 0>} : vector<16xi32>
        %rev3A_1650 = arith.subi %rev3A_1648, %rev3A_1649 : vector<16xi32>
        %rev3A_1651 = tpu.dynamic_gather %sort3A_1646[%rev3A_1650] in [0] : vector<16xf32>, vector<16xi32> -> vector<16xf32>
        %min3A = arith.minimumf %while3A_1635, %rev3A_1651 : vector<16xf32>
        %sort3A_1652 = arith.constant dense<true> : vector<16xi1>
        %sort3A_1653, %sort3A_1654, %sort3A_1655 = tpu.sort %min3A, %min3A masked %sort3A_1652 : (vector<16xf32>, vector<16xf32>, vector<16xi1>) -> (vector<16xi1>, vector<16xf32>, vector<16xf32>)
        %sort3A_1656 = arith.constant dense<true> : vector<16xi1>
        %sort3A_1657, %sort3A_1658, %sort3A_1659 = tpu.sort %get3A_1644, %get3A_1644 masked %sort3A_1656 : (vector<16xf32>, vector<16xf32>, vector<16xi1>) -> (vector<16xi1>, vector<16xf32>, vector<16xf32>)
        %rev3A_1660 = arith.constant 15 : i32
        %rev3A_1661 = vector.broadcast %rev3A_1660 : i32 to vector<16xi32>
        %rev3A_1662 = tpu.iota {dimensions = array<i32: 0>} : vector<16xi32>
        %rev3A_1663 = arith.subi %rev3A_1661, %rev3A_1662 : vector<16xi32>
        %rev3A_1664 = tpu.dynamic_gather %sort3A_1658[%rev3A_1663] in [0] : vector<16xf32>, vector<16xi32> -> vector<16xf32>
        %min3A_1665 = arith.minimumf %while3A_1636, %rev3A_1664 : vector<16xf32>
        %sort3A_1666 = arith.constant dense<true> : vector<16xi1>
        %sort3A_1667, %sort3A_1668, %sort3A_1669 = tpu.sort %min3A_1665, %min3A_1665 masked %sort3A_1666 : (vector<16xf32>, vector<16xf32>, vector<16xi1>) -> (vector<16xi1>, vector<16xf32>, vector<16xf32>)
        %lt3A_1670 = arith.cmpi slt, %while3A_1634, %select_n3A_717 : i32
        %select_n3A_1671 = arith.select %lt3A_1670, %sort3A_1654, %while3A_1635 : vector<16xf32>
        %lt3A_1672 = arith.cmpi slt, %while3A_1634, %select_n3A_743 : i32
        %select_n3A_1673 = arith.select %lt3A_1672, %sort3A_1668, %while3A_1636 : vector<16xf32>
        scf.yield %select_n3A_1671, %select_n3A_1673 : vector<16xf32>, vector<16xf32>
      }
      %while3A_754 = arith.constant 1 : i32
      %while3A_755:2 = scf.for %while3A_1634 = %while3A_751 to %while3A_747 step %while3A_754 iter_args(%while3A_1635 = %while3A_753#0, %while3A_1636 = %while3A_753#1) -> (vector<16xf32>, vector<16xf32>)  : i32 {
        %mul3A_1637 = arith.constant 16 : i32
        %mul3A_1638 = arith.muli %while3A_1634, %mul3A_1637 : i32
        %get3A_1639 = arith.index_cast %mul3A_1638 : i32 to index
        %get3A_1640 = tpu.vector_load %arg9[%get3A_1639] {strides = array<i32>} : memref<2064xf32, #tpu.memory_space<vmem>>, vector<16xf32>,
        %mul3A_1641 = arith.constant 16 : i32
        %mul3A_1642 = arith.muli %while3A_1634, %mul3A_1641 : i32
        %get3A_1643 = arith.index_cast %mul3A_1642 : i32 to index
        %get3A_1644 = tpu.vector_load %arg10[%get3A_1643] {strides = array<i32>} : memref<2064xf32, #tpu.memory_space<vmem>>, vector<16xf32>,
        %sort3A = arith.constant dense<true> : vector<16xi1>
        %sort3A_1645, %sort3A_1646, %sort3A_1647 = tpu.sort %get3A_1640, %get3A_1640 masked %sort3A : (vector<16xf32>, vector<16xf32>, vector<16xi1>) -> (vector<16xi1>, vector<16xf32>, vector<16xf32>)
        %rev3A = arith.constant 15 : i32
        %rev3A_1648 = vector.broadcast %rev3A : i32 to vector<16xi32>
        %rev3A_1649 = tpu.iota {dimensions = array<i32: 0>} : vector<16xi32>
        %rev3A_1650 = arith.subi %rev3A_1648, %rev3A_1649 : vector<16xi32>
        %rev3A_1651 = tpu.dynamic_gather %sort3A_1646[%rev3A_1650] in [0] : vector<16xf32>, vector<16xi32> -> vector<16xf32>
        %min3A = arith.minimumf %while3A_1635, %rev3A_1651 : vector<16xf32>
        %sort3A_1652 = arith.constant dense<true> : vector<16xi1>
        %sort3A_1653, %sort3A_1654, %sort3A_1655 = tpu.sort %min3A, %min3A masked %sort3A_1652 : (vector<16xf32>, vector<16xf32>, vector<16xi1>) -> (vector<16xi1>, vector<16xf32>, vector<16xf32>)
        %sort3A_1656 = arith.constant dense<true> : vector<16xi1>
        %sort3A_1657, %sort3A_1658, %sort3A_1659 = tpu.sort %get3A_1644, %get3A_1644 masked %sort3A_1656 : (vector<16xf32>, vector<16xf32>, vector<16xi1>) -> (vector<16xi1>, vector<16xf32>, vector<16xf32>)
        %rev3A_1660 = arith.constant 15 : i32
        %rev3A_1661 = vector.broadcast %rev3A_1660 : i32 to vector<16xi32>
        %rev3A_1662 = tpu.iota {dimensions = array<i32: 0>} : vector<16xi32>
        %rev3A_1663 = arith.subi %rev3A_1661, %rev3A_1662 : vector<16xi32>
        %rev3A_1664 = tpu.dynamic_gather %sort3A_1658[%rev3A_1663] in [0] : vector<16xf32>, vector<16xi32> -> vector<16xf32>
        %min3A_1665 = arith.minimumf %while3A_1636, %rev3A_1664 : vector<16xf32>
        %sort3A_1666 = arith.constant dense<true> : vector<16xi1>
        %sort3A_1667, %sort3A_1668, %sort3A_1669 = tpu.sort %min3A_1665, %min3A_1665 masked %sort3A_1666 : (vector<16xf32>, vector<16xf32>, vector<16xi1>) -> (vector<16xi1>, vector<16xf32>, vector<16xf32>)
        %lt3A_1670 = arith.cmpi slt, %while3A_1634, %select_n3A_717 : i32
        %select_n3A_1671 = arith.select %lt3A_1670, %sort3A_1654, %while3A_1635 : vector<16xf32>
        %lt3A_1672 = arith.cmpi slt, %while3A_1634, %select_n3A_743 : i32
        %select_n3A_1673 = arith.select %lt3A_1672, %sort3A_1668, %while3A_1636 : vector<16xf32>
        scf.yield %select_n3A_1671, %select_n3A_1673 : vector<16xf32>, vector<16xf32>
      }
      %add3A_756 = arith.constant 9.99999996E-13 : f32
      %add3A_757 = vector.broadcast %add3A_756 : f32 to vector<16xf32>
      %add3A_758 = arith.addf %while3A_755#0, %add3A_757 : vector<16xf32>
      %bitcast_convert_type3A_759 = tpu.bitcast %add3A_758 : vector<16xf32> -> vector<16xi32>
      %shift_right_logical3A_760 = arith.constant 1 : i32
      %shift_right_logical3A_761 = vector.broadcast %shift_right_logical3A_760 : i32 to vector<16xi32>
      %shift_right_logical3A_762 = arith.shrui %bitcast_convert_type3A_759, %shift_right_logical3A_761 : vector<16xi32>
      %sub3A_763 = arith.constant 1597463007 : i32
      %sub3A_764 = vector.broadcast %sub3A_763 : i32 to vector<16xi32>
      %sub3A_765 = arith.subi %sub3A_764, %shift_right_logical3A_762 : vector<16xi32>
      %bitcast_convert_type3A_766 = tpu.bitcast %sub3A_765 : vector<16xi32> -> vector<16xf32>
      %mul3A_767 = arith.constant 5.000000e-01 : f32
      %mul3A_768 = vector.broadcast %mul3A_767 : f32 to vector<16xf32>
      %mul3A_769 = arith.mulf %mul3A_768, %add3A_758 : vector<16xf32>
      %mul3A_770 = arith.mulf %mul3A_769, %bitcast_convert_type3A_766 : vector<16xf32>
      %mul3A_771 = arith.mulf %mul3A_770, %bitcast_convert_type3A_766 : vector<16xf32>
      %sub3A_772 = arith.constant 1.500000e+00 : f32
      %sub3A_773 = vector.broadcast %sub3A_772 : f32 to vector<16xf32>
      %sub3A_774 = arith.subf %sub3A_773, %mul3A_771 : vector<16xf32>
      %mul3A_775 = arith.mulf %bitcast_convert_type3A_766, %sub3A_774 : vector<16xf32>
      %mul3A_776 = arith.mulf %mul3A_769, %mul3A_775 : vector<16xf32>
      %mul3A_777 = arith.mulf %mul3A_776, %mul3A_775 : vector<16xf32>
      %sub3A_778 = arith.constant 1.500000e+00 : f32
      %sub3A_779 = vector.broadcast %sub3A_778 : f32 to vector<16xf32>
      %sub3A_780 = arith.subf %sub3A_779, %mul3A_777 : vector<16xf32>
      %mul3A_781 = arith.mulf %mul3A_775, %sub3A_780 : vector<16xf32>
      %mul3A_782 = arith.mulf %mul3A_769, %mul3A_781 : vector<16xf32>
      %mul3A_783 = arith.mulf %mul3A_782, %mul3A_781 : vector<16xf32>
      %sub3A_784 = arith.constant 1.500000e+00 : f32
      %sub3A_785 = vector.broadcast %sub3A_784 : f32 to vector<16xf32>
      %sub3A_786 = arith.subf %sub3A_785, %mul3A_783 : vector<16xf32>
      %mul3A_787 = arith.mulf %mul3A_781, %sub3A_786 : vector<16xf32>
      %mul3A_788 = arith.mulf %add3A_758, %mul3A_787 : vector<16xf32>
      %reduce_sum3A_789 = arith.constant true
      %reduce_sum3A_790 = vector.broadcast %reduce_sum3A_789 : i1 to vector<16xi1>
      %reduce_sum3A_791 = tpu.scan <sum>, %mul3A_788 masked %reduce_sum3A_790 : vector<16xf32>, vector<16xi1> -> vector<16xf32>
      %reduce_sum3A_792 = vector.extract %reduce_sum3A_791[15] : f32 from vector<16xf32>
      %reduce_min3A_793 = arith.constant true
      %reduce_min3A_794 = vector.broadcast %reduce_min3A_793 : i1 to vector<16xi1>
      %reduce_min3A_795 = tpu.scan <min>, %mul3A_788 masked %reduce_min3A_794 : vector<16xf32>, vector<16xi1> -> vector<16xf32>
      %reduce_min3A_796 = vector.extract %reduce_min3A_795[15] : f32 from vector<16xf32>
      %sub3A_797 = arith.subf %reduce_sum3A_792, %reduce_min3A_796 : f32
      %mul3A_798 = arith.constant 0.0666666701 : f32
      %mul3A_799 = arith.mulf %sub3A_797, %mul3A_798 : f32
      %add3A_800 = arith.addf %add3A_651, %mul3A_799 : f32
      %mul3A_801 = arith.mulf %mul3A_799, %mul3A_799 : f32
      %add3A_802 = arith.addf %add3A_653, %mul3A_801 : f32
      %add3A_803 = arith.constant 9.99999996E-13 : f32
      %add3A_804 = vector.broadcast %add3A_803 : f32 to vector<16xf32>
      %add3A_805 = arith.addf %while3A_755#1, %add3A_804 : vector<16xf32>
      %bitcast_convert_type3A_806 = tpu.bitcast %add3A_805 : vector<16xf32> -> vector<16xi32>
      %shift_right_logical3A_807 = arith.constant 1 : i32
      %shift_right_logical3A_808 = vector.broadcast %shift_right_logical3A_807 : i32 to vector<16xi32>
      %shift_right_logical3A_809 = arith.shrui %bitcast_convert_type3A_806, %shift_right_logical3A_808 : vector<16xi32>
      %sub3A_810 = arith.constant 1597463007 : i32
      %sub3A_811 = vector.broadcast %sub3A_810 : i32 to vector<16xi32>
      %sub3A_812 = arith.subi %sub3A_811, %shift_right_logical3A_809 : vector<16xi32>
      %bitcast_convert_type3A_813 = tpu.bitcast %sub3A_812 : vector<16xi32> -> vector<16xf32>
      %mul3A_814 = arith.constant 5.000000e-01 : f32
      %mul3A_815 = vector.broadcast %mul3A_814 : f32 to vector<16xf32>
      %mul3A_816 = arith.mulf %mul3A_815, %add3A_805 : vector<16xf32>
      %mul3A_817 = arith.mulf %mul3A_816, %bitcast_convert_type3A_813 : vector<16xf32>
      %mul3A_818 = arith.mulf %mul3A_817, %bitcast_convert_type3A_813 : vector<16xf32>
      %sub3A_819 = arith.constant 1.500000e+00 : f32
      %sub3A_820 = vector.broadcast %sub3A_819 : f32 to vector<16xf32>
      %sub3A_821 = arith.subf %sub3A_820, %mul3A_818 : vector<16xf32>
      %mul3A_822 = arith.mulf %bitcast_convert_type3A_813, %sub3A_821 : vector<16xf32>
      %mul3A_823 = arith.mulf %mul3A_816, %mul3A_822 : vector<16xf32>
      %mul3A_824 = arith.mulf %mul3A_823, %mul3A_822 : vector<16xf32>
      %sub3A_825 = arith.constant 1.500000e+00 : f32
      %sub3A_826 = vector.broadcast %sub3A_825 : f32 to vector<16xf32>
      %sub3A_827 = arith.subf %sub3A_826, %mul3A_824 : vector<16xf32>
      %mul3A_828 = arith.mulf %mul3A_822, %sub3A_827 : vector<16xf32>
      %mul3A_829 = arith.mulf %mul3A_816, %mul3A_828 : vector<16xf32>
      %mul3A_830 = arith.mulf %mul3A_829, %mul3A_828 : vector<16xf32>
      %sub3A_831 = arith.constant 1.500000e+00 : f32
      %sub3A_832 = vector.broadcast %sub3A_831 : f32 to vector<16xf32>
      %sub3A_833 = arith.subf %sub3A_832, %mul3A_830 : vector<16xf32>
      %mul3A_834 = arith.mulf %mul3A_828, %sub3A_833 : vector<16xf32>
      %mul3A_835 = arith.mulf %add3A_805, %mul3A_834 : vector<16xf32>
      %reduce_sum3A_836 = arith.constant true
      %reduce_sum3A_837 = vector.broadcast %reduce_sum3A_836 : i1 to vector<16xi1>
      %reduce_sum3A_838 = tpu.scan <sum>, %mul3A_835 masked %reduce_sum3A_837 : vector<16xf32>, vector<16xi1> -> vector<16xf32>
      %reduce_sum3A_839 = vector.extract %reduce_sum3A_838[15] : f32 from vector<16xf32>
      %reduce_min3A_840 = arith.constant true
      %reduce_min3A_841 = vector.broadcast %reduce_min3A_840 : i1 to vector<16xi1>
      %reduce_min3A_842 = tpu.scan <min>, %mul3A_835 masked %reduce_min3A_841 : vector<16xf32>, vector<16xi1> -> vector<16xf32>
      %reduce_min3A_843 = vector.extract %reduce_min3A_842[15] : f32 from vector<16xf32>
      %sub3A_844 = arith.subf %reduce_sum3A_839, %reduce_min3A_843 : f32
      %mul3A_845 = arith.constant 0.0666666701 : f32
      %mul3A_846 = arith.mulf %sub3A_844, %mul3A_845 : f32
      %add3A_847 = arith.addf %add3A_800, %mul3A_846 : f32
      %mul3A_848 = arith.mulf %mul3A_846, %mul3A_846 : f32
      %add3A_849 = arith.addf %add3A_802, %mul3A_848 : f32
      %slice3A_850 = vector.extract_strided_slice %get3A_70 {offsets = [8], sizes = [1], strides = [1]} : vector<16xf32> to vector<1xf32>
      %squeeze3A_851 = vector.extract %slice3A_850[0] : f32 from vector<1xf32>
      %slice3A_852 = vector.extract_strided_slice %get3A_70 {offsets = [9], sizes = [1], strides = [1]} : vector<16xf32> to vector<1xf32>
      %squeeze3A_853 = vector.extract %slice3A_852[0] : f32 from vector<1xf32>
      %slice3A_854 = vector.extract_strided_slice %get3A_72 {offsets = [8], sizes = [1], strides = [1]} : vector<16xf32> to vector<1xf32>
      %squeeze3A_855 = vector.extract %slice3A_854[0] : f32 from vector<1xf32>
      %slice3A_856 = vector.extract_strided_slice %get3A_72 {offsets = [9], sizes = [1], strides = [1]} : vector<16xf32> to vector<1xf32>
      %squeeze3A_857 = vector.extract %slice3A_856[0] : f32 from vector<1xf32>
      %slice3A_858 = vector.extract_strided_slice %get3A_74 {offsets = [8], sizes = [1], strides = [1]} : vector<16xf32> to vector<1xf32>
      %squeeze3A_859 = vector.extract %slice3A_858[0] : f32 from vector<1xf32>
      %slice3A_860 = vector.extract_strided_slice %get3A_74 {offsets = [9], sizes = [1], strides = [1]} : vector<16xf32> to vector<1xf32>
      %squeeze3A_861 = vector.extract %slice3A_860[0] : f32 from vector<1xf32>
      %scan3A_862 = arith.constant 0 : i32
      %scan3A_863 = arith.constant 128 : i32
      %scan3A_864 = arith.addi %scan3A_862, %scan3A_863 : i32
      %scan3A_865 = arith.constant 1 : i32
      %scan3A_866:2 = scf.for %scan3A_1634 = %scan3A_862 to %scan3A_864 step %scan3A_865 iter_args(%scan3A_1635 = %broadcast_in_dim3A_43, %scan3A_1636 = %broadcast_in_dim3A_43) -> (vector<16xf32>, vector<16xf32>)  : i32 {
        %mul3A_1637 = arith.constant 16 : i32
        %mul3A_1638 = arith.muli %scan3A_1634, %mul3A_1637 : i32
        %multiple_of3A_1639 = tpu.assume_multiple %mul3A_1638, 16 : i32
        %get3A_1640 = arith.index_cast %multiple_of3A_1639 : i32 to index
        %get3A_1641 = tpu.vector_load %arg4[%get3A_1640] {strides = array<i32>} : memref<2048xf32, #tpu.memory_space<vmem>>, vector<16xf32>,
        %get3A_1642 = arith.index_cast %multiple_of3A_1639 : i32 to index
        %get3A_1643 = tpu.vector_load %arg5[%get3A_1642] {strides = array<i32>} : memref<2048xf32, #tpu.memory_space<vmem>>, vector<16xf32>,
        %get3A_1644 = arith.index_cast %multiple_of3A_1639 : i32 to index
        %get3A_1645 = tpu.vector_load %arg6[%get3A_1644] {strides = array<i32>} : memref<2048xf32, #tpu.memory_space<vmem>>, vector<16xf32>,
        %sub3A_1646 = vector.broadcast %squeeze3A_851 : f32 to vector<16xf32>
        %sub3A_1647 = arith.subf %get3A_1641, %sub3A_1646 : vector<16xf32>
        %sub3A_1648 = vector.broadcast %squeeze3A_855 : f32 to vector<16xf32>
        %sub3A_1649 = arith.subf %get3A_1643, %sub3A_1648 : vector<16xf32>
        %sub3A_1650 = vector.broadcast %squeeze3A_859 : f32 to vector<16xf32>
        %sub3A_1651 = arith.subf %get3A_1645, %sub3A_1650 : vector<16xf32>
        %mul3A_1652 = arith.mulf %sub3A_1647, %sub3A_1647 : vector<16xf32>
        %mul3A_1653 = arith.mulf %sub3A_1649, %sub3A_1649 : vector<16xf32>
        %add3A_1654 = arith.addf %mul3A_1652, %mul3A_1653 : vector<16xf32>
        %mul3A_1655 = arith.mulf %sub3A_1651, %sub3A_1651 : vector<16xf32>
        %add3A_1656 = arith.addf %add3A_1654, %mul3A_1655 : vector<16xf32>
        %sub3A_1657 = vector.broadcast %squeeze3A_853 : f32 to vector<16xf32>
        %sub3A_1658 = arith.subf %get3A_1641, %sub3A_1657 : vector<16xf32>
        %sub3A_1659 = vector.broadcast %squeeze3A_857 : f32 to vector<16xf32>
        %sub3A_1660 = arith.subf %get3A_1643, %sub3A_1659 : vector<16xf32>
        %sub3A_1661 = vector.broadcast %squeeze3A_861 : f32 to vector<16xf32>
        %sub3A_1662 = arith.subf %get3A_1645, %sub3A_1661 : vector<16xf32>
        %mul3A_1663 = arith.mulf %sub3A_1658, %sub3A_1658 : vector<16xf32>
        %mul3A_1664 = arith.mulf %sub3A_1660, %sub3A_1660 : vector<16xf32>
        %add3A_1665 = arith.addf %mul3A_1663, %mul3A_1664 : vector<16xf32>
        %mul3A_1666 = arith.mulf %sub3A_1662, %sub3A_1662 : vector<16xf32>
        %add3A_1667 = arith.addf %add3A_1665, %mul3A_1666 : vector<16xf32>
        %swap3A_1668 = arith.index_cast %multiple_of3A_1639 : i32 to index
        %swap3A_1669 = tpu.vector_load %arg7[%swap3A_1668] {strides = array<i32>} : memref<2048xf32, #tpu.memory_space<vmem>>, vector<16xf32>,
        tpu.vector_store %arg7[%swap3A_1668], %add3A_1656 {strides = array<i32>} : memref<2048xf32, #tpu.memory_space<vmem>>, vector<16xf32>,
        %swap3A_1670 = arith.index_cast %multiple_of3A_1639 : i32 to index
        %swap3A_1671 = tpu.vector_load %arg8[%swap3A_1670] {strides = array<i32>} : memref<2048xf32, #tpu.memory_space<vmem>>, vector<16xf32>,
        tpu.vector_store %arg8[%swap3A_1670], %add3A_1667 {strides = array<i32>} : memref<2048xf32, #tpu.memory_space<vmem>>, vector<16xf32>,
        %min3A = arith.minimumf %scan3A_1635, %add3A_1656 : vector<16xf32>
        %min3A_1672 = arith.minimumf %scan3A_1636, %add3A_1667 : vector<16xf32>
        scf.yield %min3A, %min3A_1672 : vector<16xf32>, vector<16xf32>
      }
      %scan3A_867 = arith.constant 128 : i32
      %reduce_max3A_868 = arith.constant true
      %reduce_max3A_869 = vector.broadcast %reduce_max3A_868 : i1 to vector<16xi1>
      %reduce_max3A_870 = tpu.scan <max>, %scan3A_866#0 masked %reduce_max3A_869 : vector<16xf32>, vector<16xi1> -> vector<16xf32>
      %reduce_max3A_871 = vector.extract %reduce_max3A_870[15] : f32 from vector<16xf32>
      %reduce_max3A_872 = arith.constant true
      %reduce_max3A_873 = vector.broadcast %reduce_max3A_872 : i1 to vector<16xi1>
      %reduce_max3A_874 = tpu.scan <max>, %scan3A_866#1 masked %reduce_max3A_873 : vector<16xf32>, vector<16xi1> -> vector<16xf32>
      %reduce_max3A_875 = vector.extract %reduce_max3A_874[15] : f32 from vector<16xf32>
      %scan3A_876 = arith.constant 0 : i32
      %scan3A_877 = arith.constant 0 : i32
      %scan3A_878 = arith.constant 0 : i32
      %scan3A_879 = arith.constant 128 : i32
      %scan3A_880 = arith.addi %scan3A_878, %scan3A_879 : i32
      %scan3A_881 = arith.constant 1 : i32
      %scan3A_882:2 = scf.for %scan3A_1634 = %scan3A_878 to %scan3A_880 step %scan3A_881 iter_args(%scan3A_1635 = %scan3A_876, %scan3A_1636 = %scan3A_877) -> (i32, i32)  : i32 {
        %mul3A_1637 = arith.constant 16 : i32
        %mul3A_1638 = arith.muli %scan3A_1634, %mul3A_1637 : i32
        %multiple_of3A_1639 = tpu.assume_multiple %mul3A_1638, 16 : i32
        %get3A_1640 = arith.index_cast %multiple_of3A_1639 : i32 to index
        %get3A_1641 = tpu.vector_load %arg7[%get3A_1640] {strides = array<i32>} : memref<2048xf32, #tpu.memory_space<vmem>>, vector<16xf32>,
        %get3A_1642 = arith.index_cast %multiple_of3A_1639 : i32 to index
        %get3A_1643 = tpu.vector_load %arg8[%get3A_1642] {strides = array<i32>} : memref<2048xf32, #tpu.memory_space<vmem>>, vector<16xf32>,
        %le3A = vector.broadcast %reduce_max3A_871 : f32 to vector<16xf32>
        %le3A_1644 = arith.cmpf ole, %get3A_1641, %le3A : vector<16xf32>
        %le3A_1645 = vector.broadcast %reduce_max3A_875 : f32 to vector<16xf32>
        %le3A_1646 = arith.cmpf ole, %get3A_1643, %le3A_1645 : vector<16xf32>
        %all_reduce_population_count3A = tpu.all_reduce %le3A_1644 {dim = 0 : i64, kind = #tpu.reduction_kind<sum>} : vector<16xi1> -> vector<16xi32>
        %slice3A_1647 = vector.extract_strided_slice %all_reduce_population_count3A {offsets = [0], sizes = [1], strides = [1]} : vector<16xi32> to vector<1xi32>
        %squeeze3A_1648 = vector.extract %slice3A_1647[0] : i32 from vector<1xi32>
        %all_reduce_population_count3A_1649 = tpu.all_reduce %le3A_1646 {dim = 0 : i64, kind = #tpu.reduction_kind<sum>} : vector<16xi1> -> vector<16xi32>
        %slice3A_1650 = vector.extract_strided_slice %all_reduce_population_count3A_1649 {offsets = [0], sizes = [1], strides = [1]} : vector<16xi32> to vector<1xi32>
        %squeeze3A_1651 = vector.extract %slice3A_1650[0] : i32 from vector<1xi32>
        %swap3A_1652 = arith.index_cast %scan3A_1635 : i32 to index
        %swap3A_1653 = tpu.vector_load %arg9[%swap3A_1652] masked %le3A_1644 {strides = array<i32>} : memref<2064xf32, #tpu.memory_space<vmem>>, vector<16xf32>, vector<16xi1>
        tpu.vector_store %arg9[%swap3A_1652], %get3A_1641 masked %le3A_1644 {strides = array<i32>} : memref<2064xf32, #tpu.memory_space<vmem>>, vector<16xf32>, vector<16xi1>
        %swap3A_1654 = arith.index_cast %scan3A_1636 : i32 to index
        %swap3A_1655 = tpu.vector_load %arg10[%swap3A_1654] masked %le3A_1646 {strides = array<i32>} : memref<2064xf32, #tpu.memory_space<vmem>>, vector<16xf32>, vector<16xi1>
        tpu.vector_store %arg10[%swap3A_1654], %get3A_1643 masked %le3A_1646 {strides = array<i32>} : memref<2064xf32, #tpu.memory_space<vmem>>, vector<16xf32>, vector<16xi1>
        %add3A_1656 = arith.addi %scan3A_1635, %squeeze3A_1648 : i32
        %add3A_1657 = arith.addi %scan3A_1636, %squeeze3A_1651 : i32
        scf.yield %add3A_1656, %add3A_1657 : i32, i32
      }
      %scan3A_883 = arith.constant 128 : i32
      %swap3A_884 = arith.index_cast %scan3A_882#0 : i32 to index
      %swap3A_885 = tpu.vector_load %arg9[%swap3A_884] {strides = array<i32>} : memref<2064xf32, #tpu.memory_space<vmem>>, vector<16xf32>,
      tpu.vector_store %arg9[%swap3A_884], %broadcast_in_dim3A_43 {strides = array<i32>} : memref<2064xf32, #tpu.memory_space<vmem>>, vector<16xf32>,
      %swap3A_886 = arith.index_cast %scan3A_882#1 : i32 to index
      %swap3A_887 = tpu.vector_load %arg10[%swap3A_886] {strides = array<i32>} : memref<2064xf32, #tpu.memory_space<vmem>>, vector<16xf32>,
      tpu.vector_store %arg10[%swap3A_886], %broadcast_in_dim3A_43 {strides = array<i32>} : memref<2064xf32, #tpu.memory_space<vmem>>, vector<16xf32>,
      %add3A_888 = arith.constant 15 : i32
      %add3A_889 = arith.addi %scan3A_882#0, %add3A_888 : i32
      %jit3A_890 = arith.constant 16 : i32
      %div3A_891 = arith.divsi %add3A_889, %jit3A_890 : i32
      %sign3A_892 = arith.constant 0 : i32
      %sign3A_893 = arith.cmpi sgt, %add3A_889, %sign3A_892 : i32
      %sign3A_894 = arith.extui %sign3A_893 : i1 to i32
      %sign3A_895 = arith.constant 0 : i32
      %sign3A_896 = arith.cmpi slt, %add3A_889, %sign3A_895 : i32
      %sign3A_897 = arith.extui %sign3A_896 : i1 to i32
      %sign3A_898 = arith.subi %sign3A_894, %sign3A_897 : i32
      %sign3A_899 = arith.constant 0 : i32
      %sign3A_900 = arith.cmpi sgt, %jit3A_890, %sign3A_899 : i32
      %sign3A_901 = arith.extui %sign3A_900 : i1 to i32
      %sign3A_902 = arith.constant 0 : i32
      %sign3A_903 = arith.cmpi slt, %jit3A_890, %sign3A_902 : i32
      %sign3A_904 = arith.extui %sign3A_903 : i1 to i32
      %sign3A_905 = arith.subi %sign3A_901, %sign3A_904 : i32
      %ne3A_906 = arith.cmpi ne, %sign3A_898, %sign3A_905 : i32
      %rem3A_907 = arith.remsi %add3A_889, %jit3A_890 : i32
      %ne3A_908 = arith.constant 0 : i32
      %ne3A_909 = arith.cmpi ne, %rem3A_907, %ne3A_908 : i32
      %and3A_910 = arith.andi %ne3A_906, %ne3A_909 : i1
      %sub3A_911 = arith.constant 1 : i32
      %sub3A_912 = arith.subi %div3A_891, %sub3A_911 : i32
      %select_n3A_913 = arith.select %and3A_910, %sub3A_912, %div3A_891 : i32
      %add3A_914 = arith.constant 15 : i32
      %add3A_915 = arith.addi %scan3A_882#1, %add3A_914 : i32
      %jit3A_916 = arith.constant 16 : i32
      %div3A_917 = arith.divsi %add3A_915, %jit3A_916 : i32
      %sign3A_918 = arith.constant 0 : i32
      %sign3A_919 = arith.cmpi sgt, %add3A_915, %sign3A_918 : i32
      %sign3A_920 = arith.extui %sign3A_919 : i1 to i32
      %sign3A_921 = arith.constant 0 : i32
      %sign3A_922 = arith.cmpi slt, %add3A_915, %sign3A_921 : i32
      %sign3A_923 = arith.extui %sign3A_922 : i1 to i32
      %sign3A_924 = arith.subi %sign3A_920, %sign3A_923 : i32
      %sign3A_925 = arith.constant 0 : i32
      %sign3A_926 = arith.cmpi sgt, %jit3A_916, %sign3A_925 : i32
      %sign3A_927 = arith.extui %sign3A_926 : i1 to i32
      %sign3A_928 = arith.constant 0 : i32
      %sign3A_929 = arith.cmpi slt, %jit3A_916, %sign3A_928 : i32
      %sign3A_930 = arith.extui %sign3A_929 : i1 to i32
      %sign3A_931 = arith.subi %sign3A_927, %sign3A_930 : i32
      %ne3A_932 = arith.cmpi ne, %sign3A_924, %sign3A_931 : i32
      %rem3A_933 = arith.remsi %add3A_915, %jit3A_916 : i32
      %ne3A_934 = arith.constant 0 : i32
      %ne3A_935 = arith.cmpi ne, %rem3A_933, %ne3A_934 : i32
      %and3A_936 = arith.andi %ne3A_932, %ne3A_935 : i1
      %sub3A_937 = arith.constant 1 : i32
      %sub3A_938 = arith.subi %div3A_917, %sub3A_937 : i32
      %select_n3A_939 = arith.select %and3A_936, %sub3A_938, %div3A_917 : i32
      %max3A_940 = arith.maxsi %select_n3A_913, %select_n3A_939 : i32
      %while3A_941 = arith.constant 0 : i32
      %while3A_942 = arith.subi %max3A_940, %while3A_941 : i32
      %while3A_943 = arith.addi %while3A_941, %while3A_942 : i32
      %while3A_944 = arith.constant 1 : i32
      %while3A_945 = arith.divsi %while3A_942, %while3A_944 : i32
      %while3A_946 = arith.muli %while3A_945, %while3A_944 : i32
      %while3A_947 = arith.addi %while3A_941, %while3A_946 : i32
      %while3A_948 = arith.constant 1 : i32
      %while3A_949:2 = scf.for %while3A_1634 = %while3A_941 to %while3A_947 step %while3A_948 iter_args(%while3A_1635 = %broadcast_in_dim3A_43, %while3A_1636 = %broadcast_in_dim3A_43) -> (vector<16xf32>, vector<16xf32>)  : i32 {
        %mul3A_1637 = arith.constant 16 : i32
        %mul3A_1638 = arith.muli %while3A_1634, %mul3A_1637 : i32
        %get3A_1639 = arith.index_cast %mul3A_1638 : i32 to index
        %get3A_1640 = tpu.vector_load %arg9[%get3A_1639] {strides = array<i32>} : memref<2064xf32, #tpu.memory_space<vmem>>, vector<16xf32>,
        %mul3A_1641 = arith.constant 16 : i32
        %mul3A_1642 = arith.muli %while3A_1634, %mul3A_1641 : i32
        %get3A_1643 = arith.index_cast %mul3A_1642 : i32 to index
        %get3A_1644 = tpu.vector_load %arg10[%get3A_1643] {strides = array<i32>} : memref<2064xf32, #tpu.memory_space<vmem>>, vector<16xf32>,
        %sort3A = arith.constant dense<true> : vector<16xi1>
        %sort3A_1645, %sort3A_1646, %sort3A_1647 = tpu.sort %get3A_1640, %get3A_1640 masked %sort3A : (vector<16xf32>, vector<16xf32>, vector<16xi1>) -> (vector<16xi1>, vector<16xf32>, vector<16xf32>)
        %rev3A = arith.constant 15 : i32
        %rev3A_1648 = vector.broadcast %rev3A : i32 to vector<16xi32>
        %rev3A_1649 = tpu.iota {dimensions = array<i32: 0>} : vector<16xi32>
        %rev3A_1650 = arith.subi %rev3A_1648, %rev3A_1649 : vector<16xi32>
        %rev3A_1651 = tpu.dynamic_gather %sort3A_1646[%rev3A_1650] in [0] : vector<16xf32>, vector<16xi32> -> vector<16xf32>
        %min3A = arith.minimumf %while3A_1635, %rev3A_1651 : vector<16xf32>
        %sort3A_1652 = arith.constant dense<true> : vector<16xi1>
        %sort3A_1653, %sort3A_1654, %sort3A_1655 = tpu.sort %min3A, %min3A masked %sort3A_1652 : (vector<16xf32>, vector<16xf32>, vector<16xi1>) -> (vector<16xi1>, vector<16xf32>, vector<16xf32>)
        %sort3A_1656 = arith.constant dense<true> : vector<16xi1>
        %sort3A_1657, %sort3A_1658, %sort3A_1659 = tpu.sort %get3A_1644, %get3A_1644 masked %sort3A_1656 : (vector<16xf32>, vector<16xf32>, vector<16xi1>) -> (vector<16xi1>, vector<16xf32>, vector<16xf32>)
        %rev3A_1660 = arith.constant 15 : i32
        %rev3A_1661 = vector.broadcast %rev3A_1660 : i32 to vector<16xi32>
        %rev3A_1662 = tpu.iota {dimensions = array<i32: 0>} : vector<16xi32>
        %rev3A_1663 = arith.subi %rev3A_1661, %rev3A_1662 : vector<16xi32>
        %rev3A_1664 = tpu.dynamic_gather %sort3A_1658[%rev3A_1663] in [0] : vector<16xf32>, vector<16xi32> -> vector<16xf32>
        %min3A_1665 = arith.minimumf %while3A_1636, %rev3A_1664 : vector<16xf32>
        %sort3A_1666 = arith.constant dense<true> : vector<16xi1>
        %sort3A_1667, %sort3A_1668, %sort3A_1669 = tpu.sort %min3A_1665, %min3A_1665 masked %sort3A_1666 : (vector<16xf32>, vector<16xf32>, vector<16xi1>) -> (vector<16xi1>, vector<16xf32>, vector<16xf32>)
        %lt3A_1670 = arith.cmpi slt, %while3A_1634, %select_n3A_913 : i32
        %select_n3A_1671 = arith.select %lt3A_1670, %sort3A_1654, %while3A_1635 : vector<16xf32>
        %lt3A_1672 = arith.cmpi slt, %while3A_1634, %select_n3A_939 : i32
        %select_n3A_1673 = arith.select %lt3A_1672, %sort3A_1668, %while3A_1636 : vector<16xf32>
        scf.yield %select_n3A_1671, %select_n3A_1673 : vector<16xf32>, vector<16xf32>
      }
      %while3A_950 = arith.constant 1 : i32
      %while3A_951:2 = scf.for %while3A_1634 = %while3A_947 to %while3A_943 step %while3A_950 iter_args(%while3A_1635 = %while3A_949#0, %while3A_1636 = %while3A_949#1) -> (vector<16xf32>, vector<16xf32>)  : i32 {
        %mul3A_1637 = arith.constant 16 : i32
        %mul3A_1638 = arith.muli %while3A_1634, %mul3A_1637 : i32
        %get3A_1639 = arith.index_cast %mul3A_1638 : i32 to index
        %get3A_1640 = tpu.vector_load %arg9[%get3A_1639] {strides = array<i32>} : memref<2064xf32, #tpu.memory_space<vmem>>, vector<16xf32>,
        %mul3A_1641 = arith.constant 16 : i32
        %mul3A_1642 = arith.muli %while3A_1634, %mul3A_1641 : i32
        %get3A_1643 = arith.index_cast %mul3A_1642 : i32 to index
        %get3A_1644 = tpu.vector_load %arg10[%get3A_1643] {strides = array<i32>} : memref<2064xf32, #tpu.memory_space<vmem>>, vector<16xf32>,
        %sort3A = arith.constant dense<true> : vector<16xi1>
        %sort3A_1645, %sort3A_1646, %sort3A_1647 = tpu.sort %get3A_1640, %get3A_1640 masked %sort3A : (vector<16xf32>, vector<16xf32>, vector<16xi1>) -> (vector<16xi1>, vector<16xf32>, vector<16xf32>)
        %rev3A = arith.constant 15 : i32
        %rev3A_1648 = vector.broadcast %rev3A : i32 to vector<16xi32>
        %rev3A_1649 = tpu.iota {dimensions = array<i32: 0>} : vector<16xi32>
        %rev3A_1650 = arith.subi %rev3A_1648, %rev3A_1649 : vector<16xi32>
        %rev3A_1651 = tpu.dynamic_gather %sort3A_1646[%rev3A_1650] in [0] : vector<16xf32>, vector<16xi32> -> vector<16xf32>
        %min3A = arith.minimumf %while3A_1635, %rev3A_1651 : vector<16xf32>
        %sort3A_1652 = arith.constant dense<true> : vector<16xi1>
        %sort3A_1653, %sort3A_1654, %sort3A_1655 = tpu.sort %min3A, %min3A masked %sort3A_1652 : (vector<16xf32>, vector<16xf32>, vector<16xi1>) -> (vector<16xi1>, vector<16xf32>, vector<16xf32>)
        %sort3A_1656 = arith.constant dense<true> : vector<16xi1>
        %sort3A_1657, %sort3A_1658, %sort3A_1659 = tpu.sort %get3A_1644, %get3A_1644 masked %sort3A_1656 : (vector<16xf32>, vector<16xf32>, vector<16xi1>) -> (vector<16xi1>, vector<16xf32>, vector<16xf32>)
        %rev3A_1660 = arith.constant 15 : i32
        %rev3A_1661 = vector.broadcast %rev3A_1660 : i32 to vector<16xi32>
        %rev3A_1662 = tpu.iota {dimensions = array<i32: 0>} : vector<16xi32>
        %rev3A_1663 = arith.subi %rev3A_1661, %rev3A_1662 : vector<16xi32>
        %rev3A_1664 = tpu.dynamic_gather %sort3A_1658[%rev3A_1663] in [0] : vector<16xf32>, vector<16xi32> -> vector<16xf32>
        %min3A_1665 = arith.minimumf %while3A_1636, %rev3A_1664 : vector<16xf32>
        %sort3A_1666 = arith.constant dense<true> : vector<16xi1>
        %sort3A_1667, %sort3A_1668, %sort3A_1669 = tpu.sort %min3A_1665, %min3A_1665 masked %sort3A_1666 : (vector<16xf32>, vector<16xf32>, vector<16xi1>) -> (vector<16xi1>, vector<16xf32>, vector<16xf32>)
        %lt3A_1670 = arith.cmpi slt, %while3A_1634, %select_n3A_913 : i32
        %select_n3A_1671 = arith.select %lt3A_1670, %sort3A_1654, %while3A_1635 : vector<16xf32>
        %lt3A_1672 = arith.cmpi slt, %while3A_1634, %select_n3A_939 : i32
        %select_n3A_1673 = arith.select %lt3A_1672, %sort3A_1668, %while3A_1636 : vector<16xf32>
        scf.yield %select_n3A_1671, %select_n3A_1673 : vector<16xf32>, vector<16xf32>
      }
      %add3A_952 = arith.constant 9.99999996E-13 : f32
      %add3A_953 = vector.broadcast %add3A_952 : f32 to vector<16xf32>
      %add3A_954 = arith.addf %while3A_951#0, %add3A_953 : vector<16xf32>
      %bitcast_convert_type3A_955 = tpu.bitcast %add3A_954 : vector<16xf32> -> vector<16xi32>
      %shift_right_logical3A_956 = arith.constant 1 : i32
      %shift_right_logical3A_957 = vector.broadcast %shift_right_logical3A_956 : i32 to vector<16xi32>
      %shift_right_logical3A_958 = arith.shrui %bitcast_convert_type3A_955, %shift_right_logical3A_957 : vector<16xi32>
      %sub3A_959 = arith.constant 1597463007 : i32
      %sub3A_960 = vector.broadcast %sub3A_959 : i32 to vector<16xi32>
      %sub3A_961 = arith.subi %sub3A_960, %shift_right_logical3A_958 : vector<16xi32>
      %bitcast_convert_type3A_962 = tpu.bitcast %sub3A_961 : vector<16xi32> -> vector<16xf32>
      %mul3A_963 = arith.constant 5.000000e-01 : f32
      %mul3A_964 = vector.broadcast %mul3A_963 : f32 to vector<16xf32>
      %mul3A_965 = arith.mulf %mul3A_964, %add3A_954 : vector<16xf32>
      %mul3A_966 = arith.mulf %mul3A_965, %bitcast_convert_type3A_962 : vector<16xf32>
      %mul3A_967 = arith.mulf %mul3A_966, %bitcast_convert_type3A_962 : vector<16xf32>
      %sub3A_968 = arith.constant 1.500000e+00 : f32
      %sub3A_969 = vector.broadcast %sub3A_968 : f32 to vector<16xf32>
      %sub3A_970 = arith.subf %sub3A_969, %mul3A_967 : vector<16xf32>
      %mul3A_971 = arith.mulf %bitcast_convert_type3A_962, %sub3A_970 : vector<16xf32>
      %mul3A_972 = arith.mulf %mul3A_965, %mul3A_971 : vector<16xf32>
      %mul3A_973 = arith.mulf %mul3A_972, %mul3A_971 : vector<16xf32>
      %sub3A_974 = arith.constant 1.500000e+00 : f32
      %sub3A_975 = vector.broadcast %sub3A_974 : f32 to vector<16xf32>
      %sub3A_976 = arith.subf %sub3A_975, %mul3A_973 : vector<16xf32>
      %mul3A_977 = arith.mulf %mul3A_971, %sub3A_976 : vector<16xf32>
      %mul3A_978 = arith.mulf %mul3A_965, %mul3A_977 : vector<16xf32>
      %mul3A_979 = arith.mulf %mul3A_978, %mul3A_977 : vector<16xf32>
      %sub3A_980 = arith.constant 1.500000e+00 : f32
      %sub3A_981 = vector.broadcast %sub3A_980 : f32 to vector<16xf32>
      %sub3A_982 = arith.subf %sub3A_981, %mul3A_979 : vector<16xf32>
      %mul3A_983 = arith.mulf %mul3A_977, %sub3A_982 : vector<16xf32>
      %mul3A_984 = arith.mulf %add3A_954, %mul3A_983 : vector<16xf32>
      %reduce_sum3A_985 = arith.constant true
      %reduce_sum3A_986 = vector.broadcast %reduce_sum3A_985 : i1 to vector<16xi1>
      %reduce_sum3A_987 = tpu.scan <sum>, %mul3A_984 masked %reduce_sum3A_986 : vector<16xf32>, vector<16xi1> -> vector<16xf32>
      %reduce_sum3A_988 = vector.extract %reduce_sum3A_987[15] : f32 from vector<16xf32>
      %reduce_min3A_989 = arith.constant true
      %reduce_min3A_990 = vector.broadcast %reduce_min3A_989 : i1 to vector<16xi1>
      %reduce_min3A_991 = tpu.scan <min>, %mul3A_984 masked %reduce_min3A_990 : vector<16xf32>, vector<16xi1> -> vector<16xf32>
      %reduce_min3A_992 = vector.extract %reduce_min3A_991[15] : f32 from vector<16xf32>
      %sub3A_993 = arith.subf %reduce_sum3A_988, %reduce_min3A_992 : f32
      %mul3A_994 = arith.constant 0.0666666701 : f32
      %mul3A_995 = arith.mulf %sub3A_993, %mul3A_994 : f32
      %add3A_996 = arith.addf %add3A_847, %mul3A_995 : f32
      %mul3A_997 = arith.mulf %mul3A_995, %mul3A_995 : f32
      %add3A_998 = arith.addf %add3A_849, %mul3A_997 : f32
      %add3A_999 = arith.constant 9.99999996E-13 : f32
      %add3A_1000 = vector.broadcast %add3A_999 : f32 to vector<16xf32>
      %add3A_1001 = arith.addf %while3A_951#1, %add3A_1000 : vector<16xf32>
      %bitcast_convert_type3A_1002 = tpu.bitcast %add3A_1001 : vector<16xf32> -> vector<16xi32>
      %shift_right_logical3A_1003 = arith.constant 1 : i32
      %shift_right_logical3A_1004 = vector.broadcast %shift_right_logical3A_1003 : i32 to vector<16xi32>
      %shift_right_logical3A_1005 = arith.shrui %bitcast_convert_type3A_1002, %shift_right_logical3A_1004 : vector<16xi32>
      %sub3A_1006 = arith.constant 1597463007 : i32
      %sub3A_1007 = vector.broadcast %sub3A_1006 : i32 to vector<16xi32>
      %sub3A_1008 = arith.subi %sub3A_1007, %shift_right_logical3A_1005 : vector<16xi32>
      %bitcast_convert_type3A_1009 = tpu.bitcast %sub3A_1008 : vector<16xi32> -> vector<16xf32>
      %mul3A_1010 = arith.constant 5.000000e-01 : f32
      %mul3A_1011 = vector.broadcast %mul3A_1010 : f32 to vector<16xf32>
      %mul3A_1012 = arith.mulf %mul3A_1011, %add3A_1001 : vector<16xf32>
      %mul3A_1013 = arith.mulf %mul3A_1012, %bitcast_convert_type3A_1009 : vector<16xf32>
      %mul3A_1014 = arith.mulf %mul3A_1013, %bitcast_convert_type3A_1009 : vector<16xf32>
      %sub3A_1015 = arith.constant 1.500000e+00 : f32
      %sub3A_1016 = vector.broadcast %sub3A_1015 : f32 to vector<16xf32>
      %sub3A_1017 = arith.subf %sub3A_1016, %mul3A_1014 : vector<16xf32>
      %mul3A_1018 = arith.mulf %bitcast_convert_type3A_1009, %sub3A_1017 : vector<16xf32>
      %mul3A_1019 = arith.mulf %mul3A_1012, %mul3A_1018 : vector<16xf32>
      %mul3A_1020 = arith.mulf %mul3A_1019, %mul3A_1018 : vector<16xf32>
      %sub3A_1021 = arith.constant 1.500000e+00 : f32
      %sub3A_1022 = vector.broadcast %sub3A_1021 : f32 to vector<16xf32>
      %sub3A_1023 = arith.subf %sub3A_1022, %mul3A_1020 : vector<16xf32>
      %mul3A_1024 = arith.mulf %mul3A_1018, %sub3A_1023 : vector<16xf32>
      %mul3A_1025 = arith.mulf %mul3A_1012, %mul3A_1024 : vector<16xf32>
      %mul3A_1026 = arith.mulf %mul3A_1025, %mul3A_1024 : vector<16xf32>
      %sub3A_1027 = arith.constant 1.500000e+00 : f32
      %sub3A_1028 = vector.broadcast %sub3A_1027 : f32 to vector<16xf32>
      %sub3A_1029 = arith.subf %sub3A_1028, %mul3A_1026 : vector<16xf32>
      %mul3A_1030 = arith.mulf %mul3A_1024, %sub3A_1029 : vector<16xf32>
      %mul3A_1031 = arith.mulf %add3A_1001, %mul3A_1030 : vector<16xf32>
      %reduce_sum3A_1032 = arith.constant true
      %reduce_sum3A_1033 = vector.broadcast %reduce_sum3A_1032 : i1 to vector<16xi1>
      %reduce_sum3A_1034 = tpu.scan <sum>, %mul3A_1031 masked %reduce_sum3A_1033 : vector<16xf32>, vector<16xi1> -> vector<16xf32>
      %reduce_sum3A_1035 = vector.extract %reduce_sum3A_1034[15] : f32 from vector<16xf32>
      %reduce_min3A_1036 = arith.constant true
      %reduce_min3A_1037 = vector.broadcast %reduce_min3A_1036 : i1 to vector<16xi1>
      %reduce_min3A_1038 = tpu.scan <min>, %mul3A_1031 masked %reduce_min3A_1037 : vector<16xf32>, vector<16xi1> -> vector<16xf32>
      %reduce_min3A_1039 = vector.extract %reduce_min3A_1038[15] : f32 from vector<16xf32>
      %sub3A_1040 = arith.subf %reduce_sum3A_1035, %reduce_min3A_1039 : f32
      %mul3A_1041 = arith.constant 0.0666666701 : f32
      %mul3A_1042 = arith.mulf %sub3A_1040, %mul3A_1041 : f32
      %add3A_1043 = arith.addf %add3A_996, %mul3A_1042 : f32
      %mul3A_1044 = arith.mulf %mul3A_1042, %mul3A_1042 : f32
      %add3A_1045 = arith.addf %add3A_998, %mul3A_1044 : f32
      %slice3A_1046 = vector.extract_strided_slice %get3A_70 {offsets = [10], sizes = [1], strides = [1]} : vector<16xf32> to vector<1xf32>
      %squeeze3A_1047 = vector.extract %slice3A_1046[0] : f32 from vector<1xf32>
      %slice3A_1048 = vector.extract_strided_slice %get3A_70 {offsets = [11], sizes = [1], strides = [1]} : vector<16xf32> to vector<1xf32>
      %squeeze3A_1049 = vector.extract %slice3A_1048[0] : f32 from vector<1xf32>
      %slice3A_1050 = vector.extract_strided_slice %get3A_72 {offsets = [10], sizes = [1], strides = [1]} : vector<16xf32> to vector<1xf32>
      %squeeze3A_1051 = vector.extract %slice3A_1050[0] : f32 from vector<1xf32>
      %slice3A_1052 = vector.extract_strided_slice %get3A_72 {offsets = [11], sizes = [1], strides = [1]} : vector<16xf32> to vector<1xf32>
      %squeeze3A_1053 = vector.extract %slice3A_1052[0] : f32 from vector<1xf32>
      %slice3A_1054 = vector.extract_strided_slice %get3A_74 {offsets = [10], sizes = [1], strides = [1]} : vector<16xf32> to vector<1xf32>
      %squeeze3A_1055 = vector.extract %slice3A_1054[0] : f32 from vector<1xf32>
      %slice3A_1056 = vector.extract_strided_slice %get3A_74 {offsets = [11], sizes = [1], strides = [1]} : vector<16xf32> to vector<1xf32>
      %squeeze3A_1057 = vector.extract %slice3A_1056[0] : f32 from vector<1xf32>
      %scan3A_1058 = arith.constant 0 : i32
      %scan3A_1059 = arith.constant 128 : i32
      %scan3A_1060 = arith.addi %scan3A_1058, %scan3A_1059 : i32
      %scan3A_1061 = arith.constant 1 : i32
      %scan3A_1062:2 = scf.for %scan3A_1634 = %scan3A_1058 to %scan3A_1060 step %scan3A_1061 iter_args(%scan3A_1635 = %broadcast_in_dim3A_43, %scan3A_1636 = %broadcast_in_dim3A_43) -> (vector<16xf32>, vector<16xf32>)  : i32 {
        %mul3A_1637 = arith.constant 16 : i32
        %mul3A_1638 = arith.muli %scan3A_1634, %mul3A_1637 : i32
        %multiple_of3A_1639 = tpu.assume_multiple %mul3A_1638, 16 : i32
        %get3A_1640 = arith.index_cast %multiple_of3A_1639 : i32 to index
        %get3A_1641 = tpu.vector_load %arg4[%get3A_1640] {strides = array<i32>} : memref<2048xf32, #tpu.memory_space<vmem>>, vector<16xf32>,
        %get3A_1642 = arith.index_cast %multiple_of3A_1639 : i32 to index
        %get3A_1643 = tpu.vector_load %arg5[%get3A_1642] {strides = array<i32>} : memref<2048xf32, #tpu.memory_space<vmem>>, vector<16xf32>,
        %get3A_1644 = arith.index_cast %multiple_of3A_1639 : i32 to index
        %get3A_1645 = tpu.vector_load %arg6[%get3A_1644] {strides = array<i32>} : memref<2048xf32, #tpu.memory_space<vmem>>, vector<16xf32>,
        %sub3A_1646 = vector.broadcast %squeeze3A_1047 : f32 to vector<16xf32>
        %sub3A_1647 = arith.subf %get3A_1641, %sub3A_1646 : vector<16xf32>
        %sub3A_1648 = vector.broadcast %squeeze3A_1051 : f32 to vector<16xf32>
        %sub3A_1649 = arith.subf %get3A_1643, %sub3A_1648 : vector<16xf32>
        %sub3A_1650 = vector.broadcast %squeeze3A_1055 : f32 to vector<16xf32>
        %sub3A_1651 = arith.subf %get3A_1645, %sub3A_1650 : vector<16xf32>
        %mul3A_1652 = arith.mulf %sub3A_1647, %sub3A_1647 : vector<16xf32>
        %mul3A_1653 = arith.mulf %sub3A_1649, %sub3A_1649 : vector<16xf32>
        %add3A_1654 = arith.addf %mul3A_1652, %mul3A_1653 : vector<16xf32>
        %mul3A_1655 = arith.mulf %sub3A_1651, %sub3A_1651 : vector<16xf32>
        %add3A_1656 = arith.addf %add3A_1654, %mul3A_1655 : vector<16xf32>
        %sub3A_1657 = vector.broadcast %squeeze3A_1049 : f32 to vector<16xf32>
        %sub3A_1658 = arith.subf %get3A_1641, %sub3A_1657 : vector<16xf32>
        %sub3A_1659 = vector.broadcast %squeeze3A_1053 : f32 to vector<16xf32>
        %sub3A_1660 = arith.subf %get3A_1643, %sub3A_1659 : vector<16xf32>
        %sub3A_1661 = vector.broadcast %squeeze3A_1057 : f32 to vector<16xf32>
        %sub3A_1662 = arith.subf %get3A_1645, %sub3A_1661 : vector<16xf32>
        %mul3A_1663 = arith.mulf %sub3A_1658, %sub3A_1658 : vector<16xf32>
        %mul3A_1664 = arith.mulf %sub3A_1660, %sub3A_1660 : vector<16xf32>
        %add3A_1665 = arith.addf %mul3A_1663, %mul3A_1664 : vector<16xf32>
        %mul3A_1666 = arith.mulf %sub3A_1662, %sub3A_1662 : vector<16xf32>
        %add3A_1667 = arith.addf %add3A_1665, %mul3A_1666 : vector<16xf32>
        %swap3A_1668 = arith.index_cast %multiple_of3A_1639 : i32 to index
        %swap3A_1669 = tpu.vector_load %arg7[%swap3A_1668] {strides = array<i32>} : memref<2048xf32, #tpu.memory_space<vmem>>, vector<16xf32>,
        tpu.vector_store %arg7[%swap3A_1668], %add3A_1656 {strides = array<i32>} : memref<2048xf32, #tpu.memory_space<vmem>>, vector<16xf32>,
        %swap3A_1670 = arith.index_cast %multiple_of3A_1639 : i32 to index
        %swap3A_1671 = tpu.vector_load %arg8[%swap3A_1670] {strides = array<i32>} : memref<2048xf32, #tpu.memory_space<vmem>>, vector<16xf32>,
        tpu.vector_store %arg8[%swap3A_1670], %add3A_1667 {strides = array<i32>} : memref<2048xf32, #tpu.memory_space<vmem>>, vector<16xf32>,
        %min3A = arith.minimumf %scan3A_1635, %add3A_1656 : vector<16xf32>
        %min3A_1672 = arith.minimumf %scan3A_1636, %add3A_1667 : vector<16xf32>
        scf.yield %min3A, %min3A_1672 : vector<16xf32>, vector<16xf32>
      }
      %scan3A_1063 = arith.constant 128 : i32
      %reduce_max3A_1064 = arith.constant true
      %reduce_max3A_1065 = vector.broadcast %reduce_max3A_1064 : i1 to vector<16xi1>
      %reduce_max3A_1066 = tpu.scan <max>, %scan3A_1062#0 masked %reduce_max3A_1065 : vector<16xf32>, vector<16xi1> -> vector<16xf32>
      %reduce_max3A_1067 = vector.extract %reduce_max3A_1066[15] : f32 from vector<16xf32>
      %reduce_max3A_1068 = arith.constant true
      %reduce_max3A_1069 = vector.broadcast %reduce_max3A_1068 : i1 to vector<16xi1>
      %reduce_max3A_1070 = tpu.scan <max>, %scan3A_1062#1 masked %reduce_max3A_1069 : vector<16xf32>, vector<16xi1> -> vector<16xf32>
      %reduce_max3A_1071 = vector.extract %reduce_max3A_1070[15] : f32 from vector<16xf32>
      %scan3A_1072 = arith.constant 0 : i32
      %scan3A_1073 = arith.constant 0 : i32
      %scan3A_1074 = arith.constant 0 : i32
      %scan3A_1075 = arith.constant 128 : i32
      %scan3A_1076 = arith.addi %scan3A_1074, %scan3A_1075 : i32
      %scan3A_1077 = arith.constant 1 : i32
      %scan3A_1078:2 = scf.for %scan3A_1634 = %scan3A_1074 to %scan3A_1076 step %scan3A_1077 iter_args(%scan3A_1635 = %scan3A_1072, %scan3A_1636 = %scan3A_1073) -> (i32, i32)  : i32 {
        %mul3A_1637 = arith.constant 16 : i32
        %mul3A_1638 = arith.muli %scan3A_1634, %mul3A_1637 : i32
        %multiple_of3A_1639 = tpu.assume_multiple %mul3A_1638, 16 : i32
        %get3A_1640 = arith.index_cast %multiple_of3A_1639 : i32 to index
        %get3A_1641 = tpu.vector_load %arg7[%get3A_1640] {strides = array<i32>} : memref<2048xf32, #tpu.memory_space<vmem>>, vector<16xf32>,
        %get3A_1642 = arith.index_cast %multiple_of3A_1639 : i32 to index
        %get3A_1643 = tpu.vector_load %arg8[%get3A_1642] {strides = array<i32>} : memref<2048xf32, #tpu.memory_space<vmem>>, vector<16xf32>,
        %le3A = vector.broadcast %reduce_max3A_1067 : f32 to vector<16xf32>
        %le3A_1644 = arith.cmpf ole, %get3A_1641, %le3A : vector<16xf32>
        %le3A_1645 = vector.broadcast %reduce_max3A_1071 : f32 to vector<16xf32>
        %le3A_1646 = arith.cmpf ole, %get3A_1643, %le3A_1645 : vector<16xf32>
        %all_reduce_population_count3A = tpu.all_reduce %le3A_1644 {dim = 0 : i64, kind = #tpu.reduction_kind<sum>} : vector<16xi1> -> vector<16xi32>
        %slice3A_1647 = vector.extract_strided_slice %all_reduce_population_count3A {offsets = [0], sizes = [1], strides = [1]} : vector<16xi32> to vector<1xi32>
        %squeeze3A_1648 = vector.extract %slice3A_1647[0] : i32 from vector<1xi32>
        %all_reduce_population_count3A_1649 = tpu.all_reduce %le3A_1646 {dim = 0 : i64, kind = #tpu.reduction_kind<sum>} : vector<16xi1> -> vector<16xi32>
        %slice3A_1650 = vector.extract_strided_slice %all_reduce_population_count3A_1649 {offsets = [0], sizes = [1], strides = [1]} : vector<16xi32> to vector<1xi32>
        %squeeze3A_1651 = vector.extract %slice3A_1650[0] : i32 from vector<1xi32>
        %swap3A_1652 = arith.index_cast %scan3A_1635 : i32 to index
        %swap3A_1653 = tpu.vector_load %arg9[%swap3A_1652] masked %le3A_1644 {strides = array<i32>} : memref<2064xf32, #tpu.memory_space<vmem>>, vector<16xf32>, vector<16xi1>
        tpu.vector_store %arg9[%swap3A_1652], %get3A_1641 masked %le3A_1644 {strides = array<i32>} : memref<2064xf32, #tpu.memory_space<vmem>>, vector<16xf32>, vector<16xi1>
        %swap3A_1654 = arith.index_cast %scan3A_1636 : i32 to index
        %swap3A_1655 = tpu.vector_load %arg10[%swap3A_1654] masked %le3A_1646 {strides = array<i32>} : memref<2064xf32, #tpu.memory_space<vmem>>, vector<16xf32>, vector<16xi1>
        tpu.vector_store %arg10[%swap3A_1654], %get3A_1643 masked %le3A_1646 {strides = array<i32>} : memref<2064xf32, #tpu.memory_space<vmem>>, vector<16xf32>, vector<16xi1>
        %add3A_1656 = arith.addi %scan3A_1635, %squeeze3A_1648 : i32
        %add3A_1657 = arith.addi %scan3A_1636, %squeeze3A_1651 : i32
        scf.yield %add3A_1656, %add3A_1657 : i32, i32
      }
      %scan3A_1079 = arith.constant 128 : i32
      %swap3A_1080 = arith.index_cast %scan3A_1078#0 : i32 to index
      %swap3A_1081 = tpu.vector_load %arg9[%swap3A_1080] {strides = array<i32>} : memref<2064xf32, #tpu.memory_space<vmem>>, vector<16xf32>,
      tpu.vector_store %arg9[%swap3A_1080], %broadcast_in_dim3A_43 {strides = array<i32>} : memref<2064xf32, #tpu.memory_space<vmem>>, vector<16xf32>,
      %swap3A_1082 = arith.index_cast %scan3A_1078#1 : i32 to index
      %swap3A_1083 = tpu.vector_load %arg10[%swap3A_1082] {strides = array<i32>} : memref<2064xf32, #tpu.memory_space<vmem>>, vector<16xf32>,
      tpu.vector_store %arg10[%swap3A_1082], %broadcast_in_dim3A_43 {strides = array<i32>} : memref<2064xf32, #tpu.memory_space<vmem>>, vector<16xf32>,
      %add3A_1084 = arith.constant 15 : i32
      %add3A_1085 = arith.addi %scan3A_1078#0, %add3A_1084 : i32
      %jit3A_1086 = arith.constant 16 : i32
      %div3A_1087 = arith.divsi %add3A_1085, %jit3A_1086 : i32
      %sign3A_1088 = arith.constant 0 : i32
      %sign3A_1089 = arith.cmpi sgt, %add3A_1085, %sign3A_1088 : i32
      %sign3A_1090 = arith.extui %sign3A_1089 : i1 to i32
      %sign3A_1091 = arith.constant 0 : i32
      %sign3A_1092 = arith.cmpi slt, %add3A_1085, %sign3A_1091 : i32
      %sign3A_1093 = arith.extui %sign3A_1092 : i1 to i32
      %sign3A_1094 = arith.subi %sign3A_1090, %sign3A_1093 : i32
      %sign3A_1095 = arith.constant 0 : i32
      %sign3A_1096 = arith.cmpi sgt, %jit3A_1086, %sign3A_1095 : i32
      %sign3A_1097 = arith.extui %sign3A_1096 : i1 to i32
      %sign3A_1098 = arith.constant 0 : i32
      %sign3A_1099 = arith.cmpi slt, %jit3A_1086, %sign3A_1098 : i32
      %sign3A_1100 = arith.extui %sign3A_1099 : i1 to i32
      %sign3A_1101 = arith.subi %sign3A_1097, %sign3A_1100 : i32
      %ne3A_1102 = arith.cmpi ne, %sign3A_1094, %sign3A_1101 : i32
      %rem3A_1103 = arith.remsi %add3A_1085, %jit3A_1086 : i32
      %ne3A_1104 = arith.constant 0 : i32
      %ne3A_1105 = arith.cmpi ne, %rem3A_1103, %ne3A_1104 : i32
      %and3A_1106 = arith.andi %ne3A_1102, %ne3A_1105 : i1
      %sub3A_1107 = arith.constant 1 : i32
      %sub3A_1108 = arith.subi %div3A_1087, %sub3A_1107 : i32
      %select_n3A_1109 = arith.select %and3A_1106, %sub3A_1108, %div3A_1087 : i32
      %add3A_1110 = arith.constant 15 : i32
      %add3A_1111 = arith.addi %scan3A_1078#1, %add3A_1110 : i32
      %jit3A_1112 = arith.constant 16 : i32
      %div3A_1113 = arith.divsi %add3A_1111, %jit3A_1112 : i32
      %sign3A_1114 = arith.constant 0 : i32
      %sign3A_1115 = arith.cmpi sgt, %add3A_1111, %sign3A_1114 : i32
      %sign3A_1116 = arith.extui %sign3A_1115 : i1 to i32
      %sign3A_1117 = arith.constant 0 : i32
      %sign3A_1118 = arith.cmpi slt, %add3A_1111, %sign3A_1117 : i32
      %sign3A_1119 = arith.extui %sign3A_1118 : i1 to i32
      %sign3A_1120 = arith.subi %sign3A_1116, %sign3A_1119 : i32
      %sign3A_1121 = arith.constant 0 : i32
      %sign3A_1122 = arith.cmpi sgt, %jit3A_1112, %sign3A_1121 : i32
      %sign3A_1123 = arith.extui %sign3A_1122 : i1 to i32
      %sign3A_1124 = arith.constant 0 : i32
      %sign3A_1125 = arith.cmpi slt, %jit3A_1112, %sign3A_1124 : i32
      %sign3A_1126 = arith.extui %sign3A_1125 : i1 to i32
      %sign3A_1127 = arith.subi %sign3A_1123, %sign3A_1126 : i32
      %ne3A_1128 = arith.cmpi ne, %sign3A_1120, %sign3A_1127 : i32
      %rem3A_1129 = arith.remsi %add3A_1111, %jit3A_1112 : i32
      %ne3A_1130 = arith.constant 0 : i32
      %ne3A_1131 = arith.cmpi ne, %rem3A_1129, %ne3A_1130 : i32
      %and3A_1132 = arith.andi %ne3A_1128, %ne3A_1131 : i1
      %sub3A_1133 = arith.constant 1 : i32
      %sub3A_1134 = arith.subi %div3A_1113, %sub3A_1133 : i32
      %select_n3A_1135 = arith.select %and3A_1132, %sub3A_1134, %div3A_1113 : i32
      %max3A_1136 = arith.maxsi %select_n3A_1109, %select_n3A_1135 : i32
      %while3A_1137 = arith.constant 0 : i32
      %while3A_1138 = arith.subi %max3A_1136, %while3A_1137 : i32
      %while3A_1139 = arith.addi %while3A_1137, %while3A_1138 : i32
      %while3A_1140 = arith.constant 1 : i32
      %while3A_1141 = arith.divsi %while3A_1138, %while3A_1140 : i32
      %while3A_1142 = arith.muli %while3A_1141, %while3A_1140 : i32
      %while3A_1143 = arith.addi %while3A_1137, %while3A_1142 : i32
      %while3A_1144 = arith.constant 1 : i32
      %while3A_1145:2 = scf.for %while3A_1634 = %while3A_1137 to %while3A_1143 step %while3A_1144 iter_args(%while3A_1635 = %broadcast_in_dim3A_43, %while3A_1636 = %broadcast_in_dim3A_43) -> (vector<16xf32>, vector<16xf32>)  : i32 {
        %mul3A_1637 = arith.constant 16 : i32
        %mul3A_1638 = arith.muli %while3A_1634, %mul3A_1637 : i32
        %get3A_1639 = arith.index_cast %mul3A_1638 : i32 to index
        %get3A_1640 = tpu.vector_load %arg9[%get3A_1639] {strides = array<i32>} : memref<2064xf32, #tpu.memory_space<vmem>>, vector<16xf32>,
        %mul3A_1641 = arith.constant 16 : i32
        %mul3A_1642 = arith.muli %while3A_1634, %mul3A_1641 : i32
        %get3A_1643 = arith.index_cast %mul3A_1642 : i32 to index
        %get3A_1644 = tpu.vector_load %arg10[%get3A_1643] {strides = array<i32>} : memref<2064xf32, #tpu.memory_space<vmem>>, vector<16xf32>,
        %sort3A = arith.constant dense<true> : vector<16xi1>
        %sort3A_1645, %sort3A_1646, %sort3A_1647 = tpu.sort %get3A_1640, %get3A_1640 masked %sort3A : (vector<16xf32>, vector<16xf32>, vector<16xi1>) -> (vector<16xi1>, vector<16xf32>, vector<16xf32>)
        %rev3A = arith.constant 15 : i32
        %rev3A_1648 = vector.broadcast %rev3A : i32 to vector<16xi32>
        %rev3A_1649 = tpu.iota {dimensions = array<i32: 0>} : vector<16xi32>
        %rev3A_1650 = arith.subi %rev3A_1648, %rev3A_1649 : vector<16xi32>
        %rev3A_1651 = tpu.dynamic_gather %sort3A_1646[%rev3A_1650] in [0] : vector<16xf32>, vector<16xi32> -> vector<16xf32>
        %min3A = arith.minimumf %while3A_1635, %rev3A_1651 : vector<16xf32>
        %sort3A_1652 = arith.constant dense<true> : vector<16xi1>
        %sort3A_1653, %sort3A_1654, %sort3A_1655 = tpu.sort %min3A, %min3A masked %sort3A_1652 : (vector<16xf32>, vector<16xf32>, vector<16xi1>) -> (vector<16xi1>, vector<16xf32>, vector<16xf32>)
        %sort3A_1656 = arith.constant dense<true> : vector<16xi1>
        %sort3A_1657, %sort3A_1658, %sort3A_1659 = tpu.sort %get3A_1644, %get3A_1644 masked %sort3A_1656 : (vector<16xf32>, vector<16xf32>, vector<16xi1>) -> (vector<16xi1>, vector<16xf32>, vector<16xf32>)
        %rev3A_1660 = arith.constant 15 : i32
        %rev3A_1661 = vector.broadcast %rev3A_1660 : i32 to vector<16xi32>
        %rev3A_1662 = tpu.iota {dimensions = array<i32: 0>} : vector<16xi32>
        %rev3A_1663 = arith.subi %rev3A_1661, %rev3A_1662 : vector<16xi32>
        %rev3A_1664 = tpu.dynamic_gather %sort3A_1658[%rev3A_1663] in [0] : vector<16xf32>, vector<16xi32> -> vector<16xf32>
        %min3A_1665 = arith.minimumf %while3A_1636, %rev3A_1664 : vector<16xf32>
        %sort3A_1666 = arith.constant dense<true> : vector<16xi1>
        %sort3A_1667, %sort3A_1668, %sort3A_1669 = tpu.sort %min3A_1665, %min3A_1665 masked %sort3A_1666 : (vector<16xf32>, vector<16xf32>, vector<16xi1>) -> (vector<16xi1>, vector<16xf32>, vector<16xf32>)
        %lt3A_1670 = arith.cmpi slt, %while3A_1634, %select_n3A_1109 : i32
        %select_n3A_1671 = arith.select %lt3A_1670, %sort3A_1654, %while3A_1635 : vector<16xf32>
        %lt3A_1672 = arith.cmpi slt, %while3A_1634, %select_n3A_1135 : i32
        %select_n3A_1673 = arith.select %lt3A_1672, %sort3A_1668, %while3A_1636 : vector<16xf32>
        scf.yield %select_n3A_1671, %select_n3A_1673 : vector<16xf32>, vector<16xf32>
      }
      %while3A_1146 = arith.constant 1 : i32
      %while3A_1147:2 = scf.for %while3A_1634 = %while3A_1143 to %while3A_1139 step %while3A_1146 iter_args(%while3A_1635 = %while3A_1145#0, %while3A_1636 = %while3A_1145#1) -> (vector<16xf32>, vector<16xf32>)  : i32 {
        %mul3A_1637 = arith.constant 16 : i32
        %mul3A_1638 = arith.muli %while3A_1634, %mul3A_1637 : i32
        %get3A_1639 = arith.index_cast %mul3A_1638 : i32 to index
        %get3A_1640 = tpu.vector_load %arg9[%get3A_1639] {strides = array<i32>} : memref<2064xf32, #tpu.memory_space<vmem>>, vector<16xf32>,
        %mul3A_1641 = arith.constant 16 : i32
        %mul3A_1642 = arith.muli %while3A_1634, %mul3A_1641 : i32
        %get3A_1643 = arith.index_cast %mul3A_1642 : i32 to index
        %get3A_1644 = tpu.vector_load %arg10[%get3A_1643] {strides = array<i32>} : memref<2064xf32, #tpu.memory_space<vmem>>, vector<16xf32>,
        %sort3A = arith.constant dense<true> : vector<16xi1>
        %sort3A_1645, %sort3A_1646, %sort3A_1647 = tpu.sort %get3A_1640, %get3A_1640 masked %sort3A : (vector<16xf32>, vector<16xf32>, vector<16xi1>) -> (vector<16xi1>, vector<16xf32>, vector<16xf32>)
        %rev3A = arith.constant 15 : i32
        %rev3A_1648 = vector.broadcast %rev3A : i32 to vector<16xi32>
        %rev3A_1649 = tpu.iota {dimensions = array<i32: 0>} : vector<16xi32>
        %rev3A_1650 = arith.subi %rev3A_1648, %rev3A_1649 : vector<16xi32>
        %rev3A_1651 = tpu.dynamic_gather %sort3A_1646[%rev3A_1650] in [0] : vector<16xf32>, vector<16xi32> -> vector<16xf32>
        %min3A = arith.minimumf %while3A_1635, %rev3A_1651 : vector<16xf32>
        %sort3A_1652 = arith.constant dense<true> : vector<16xi1>
        %sort3A_1653, %sort3A_1654, %sort3A_1655 = tpu.sort %min3A, %min3A masked %sort3A_1652 : (vector<16xf32>, vector<16xf32>, vector<16xi1>) -> (vector<16xi1>, vector<16xf32>, vector<16xf32>)
        %sort3A_1656 = arith.constant dense<true> : vector<16xi1>
        %sort3A_1657, %sort3A_1658, %sort3A_1659 = tpu.sort %get3A_1644, %get3A_1644 masked %sort3A_1656 : (vector<16xf32>, vector<16xf32>, vector<16xi1>) -> (vector<16xi1>, vector<16xf32>, vector<16xf32>)
        %rev3A_1660 = arith.constant 15 : i32
        %rev3A_1661 = vector.broadcast %rev3A_1660 : i32 to vector<16xi32>
        %rev3A_1662 = tpu.iota {dimensions = array<i32: 0>} : vector<16xi32>
        %rev3A_1663 = arith.subi %rev3A_1661, %rev3A_1662 : vector<16xi32>
        %rev3A_1664 = tpu.dynamic_gather %sort3A_1658[%rev3A_1663] in [0] : vector<16xf32>, vector<16xi32> -> vector<16xf32>
        %min3A_1665 = arith.minimumf %while3A_1636, %rev3A_1664 : vector<16xf32>
        %sort3A_1666 = arith.constant dense<true> : vector<16xi1>
        %sort3A_1667, %sort3A_1668, %sort3A_1669 = tpu.sort %min3A_1665, %min3A_1665 masked %sort3A_1666 : (vector<16xf32>, vector<16xf32>, vector<16xi1>) -> (vector<16xi1>, vector<16xf32>, vector<16xf32>)
        %lt3A_1670 = arith.cmpi slt, %while3A_1634, %select_n3A_1109 : i32
        %select_n3A_1671 = arith.select %lt3A_1670, %sort3A_1654, %while3A_1635 : vector<16xf32>
        %lt3A_1672 = arith.cmpi slt, %while3A_1634, %select_n3A_1135 : i32
        %select_n3A_1673 = arith.select %lt3A_1672, %sort3A_1668, %while3A_1636 : vector<16xf32>
        scf.yield %select_n3A_1671, %select_n3A_1673 : vector<16xf32>, vector<16xf32>
      }
      %add3A_1148 = arith.constant 9.99999996E-13 : f32
      %add3A_1149 = vector.broadcast %add3A_1148 : f32 to vector<16xf32>
      %add3A_1150 = arith.addf %while3A_1147#0, %add3A_1149 : vector<16xf32>
      %bitcast_convert_type3A_1151 = tpu.bitcast %add3A_1150 : vector<16xf32> -> vector<16xi32>
      %shift_right_logical3A_1152 = arith.constant 1 : i32
      %shift_right_logical3A_1153 = vector.broadcast %shift_right_logical3A_1152 : i32 to vector<16xi32>
      %shift_right_logical3A_1154 = arith.shrui %bitcast_convert_type3A_1151, %shift_right_logical3A_1153 : vector<16xi32>
      %sub3A_1155 = arith.constant 1597463007 : i32
      %sub3A_1156 = vector.broadcast %sub3A_1155 : i32 to vector<16xi32>
      %sub3A_1157 = arith.subi %sub3A_1156, %shift_right_logical3A_1154 : vector<16xi32>
      %bitcast_convert_type3A_1158 = tpu.bitcast %sub3A_1157 : vector<16xi32> -> vector<16xf32>
      %mul3A_1159 = arith.constant 5.000000e-01 : f32
      %mul3A_1160 = vector.broadcast %mul3A_1159 : f32 to vector<16xf32>
      %mul3A_1161 = arith.mulf %mul3A_1160, %add3A_1150 : vector<16xf32>
      %mul3A_1162 = arith.mulf %mul3A_1161, %bitcast_convert_type3A_1158 : vector<16xf32>
      %mul3A_1163 = arith.mulf %mul3A_1162, %bitcast_convert_type3A_1158 : vector<16xf32>
      %sub3A_1164 = arith.constant 1.500000e+00 : f32
      %sub3A_1165 = vector.broadcast %sub3A_1164 : f32 to vector<16xf32>
      %sub3A_1166 = arith.subf %sub3A_1165, %mul3A_1163 : vector<16xf32>
      %mul3A_1167 = arith.mulf %bitcast_convert_type3A_1158, %sub3A_1166 : vector<16xf32>
      %mul3A_1168 = arith.mulf %mul3A_1161, %mul3A_1167 : vector<16xf32>
      %mul3A_1169 = arith.mulf %mul3A_1168, %mul3A_1167 : vector<16xf32>
      %sub3A_1170 = arith.constant 1.500000e+00 : f32
      %sub3A_1171 = vector.broadcast %sub3A_1170 : f32 to vector<16xf32>
      %sub3A_1172 = arith.subf %sub3A_1171, %mul3A_1169 : vector<16xf32>
      %mul3A_1173 = arith.mulf %mul3A_1167, %sub3A_1172 : vector<16xf32>
      %mul3A_1174 = arith.mulf %mul3A_1161, %mul3A_1173 : vector<16xf32>
      %mul3A_1175 = arith.mulf %mul3A_1174, %mul3A_1173 : vector<16xf32>
      %sub3A_1176 = arith.constant 1.500000e+00 : f32
      %sub3A_1177 = vector.broadcast %sub3A_1176 : f32 to vector<16xf32>
      %sub3A_1178 = arith.subf %sub3A_1177, %mul3A_1175 : vector<16xf32>
      %mul3A_1179 = arith.mulf %mul3A_1173, %sub3A_1178 : vector<16xf32>
      %mul3A_1180 = arith.mulf %add3A_1150, %mul3A_1179 : vector<16xf32>
      %reduce_sum3A_1181 = arith.constant true
      %reduce_sum3A_1182 = vector.broadcast %reduce_sum3A_1181 : i1 to vector<16xi1>
      %reduce_sum3A_1183 = tpu.scan <sum>, %mul3A_1180 masked %reduce_sum3A_1182 : vector<16xf32>, vector<16xi1> -> vector<16xf32>
      %reduce_sum3A_1184 = vector.extract %reduce_sum3A_1183[15] : f32 from vector<16xf32>
      %reduce_min3A_1185 = arith.constant true
      %reduce_min3A_1186 = vector.broadcast %reduce_min3A_1185 : i1 to vector<16xi1>
      %reduce_min3A_1187 = tpu.scan <min>, %mul3A_1180 masked %reduce_min3A_1186 : vector<16xf32>, vector<16xi1> -> vector<16xf32>
      %reduce_min3A_1188 = vector.extract %reduce_min3A_1187[15] : f32 from vector<16xf32>
      %sub3A_1189 = arith.subf %reduce_sum3A_1184, %reduce_min3A_1188 : f32
      %mul3A_1190 = arith.constant 0.0666666701 : f32
      %mul3A_1191 = arith.mulf %sub3A_1189, %mul3A_1190 : f32
      %add3A_1192 = arith.addf %add3A_1043, %mul3A_1191 : f32
      %mul3A_1193 = arith.mulf %mul3A_1191, %mul3A_1191 : f32
      %add3A_1194 = arith.addf %add3A_1045, %mul3A_1193 : f32
      %add3A_1195 = arith.constant 9.99999996E-13 : f32
      %add3A_1196 = vector.broadcast %add3A_1195 : f32 to vector<16xf32>
      %add3A_1197 = arith.addf %while3A_1147#1, %add3A_1196 : vector<16xf32>
      %bitcast_convert_type3A_1198 = tpu.bitcast %add3A_1197 : vector<16xf32> -> vector<16xi32>
      %shift_right_logical3A_1199 = arith.constant 1 : i32
      %shift_right_logical3A_1200 = vector.broadcast %shift_right_logical3A_1199 : i32 to vector<16xi32>
      %shift_right_logical3A_1201 = arith.shrui %bitcast_convert_type3A_1198, %shift_right_logical3A_1200 : vector<16xi32>
      %sub3A_1202 = arith.constant 1597463007 : i32
      %sub3A_1203 = vector.broadcast %sub3A_1202 : i32 to vector<16xi32>
      %sub3A_1204 = arith.subi %sub3A_1203, %shift_right_logical3A_1201 : vector<16xi32>
      %bitcast_convert_type3A_1205 = tpu.bitcast %sub3A_1204 : vector<16xi32> -> vector<16xf32>
      %mul3A_1206 = arith.constant 5.000000e-01 : f32
      %mul3A_1207 = vector.broadcast %mul3A_1206 : f32 to vector<16xf32>
      %mul3A_1208 = arith.mulf %mul3A_1207, %add3A_1197 : vector<16xf32>
      %mul3A_1209 = arith.mulf %mul3A_1208, %bitcast_convert_type3A_1205 : vector<16xf32>
      %mul3A_1210 = arith.mulf %mul3A_1209, %bitcast_convert_type3A_1205 : vector<16xf32>
      %sub3A_1211 = arith.constant 1.500000e+00 : f32
      %sub3A_1212 = vector.broadcast %sub3A_1211 : f32 to vector<16xf32>
      %sub3A_1213 = arith.subf %sub3A_1212, %mul3A_1210 : vector<16xf32>
      %mul3A_1214 = arith.mulf %bitcast_convert_type3A_1205, %sub3A_1213 : vector<16xf32>
      %mul3A_1215 = arith.mulf %mul3A_1208, %mul3A_1214 : vector<16xf32>
      %mul3A_1216 = arith.mulf %mul3A_1215, %mul3A_1214 : vector<16xf32>
      %sub3A_1217 = arith.constant 1.500000e+00 : f32
      %sub3A_1218 = vector.broadcast %sub3A_1217 : f32 to vector<16xf32>
      %sub3A_1219 = arith.subf %sub3A_1218, %mul3A_1216 : vector<16xf32>
      %mul3A_1220 = arith.mulf %mul3A_1214, %sub3A_1219 : vector<16xf32>
      %mul3A_1221 = arith.mulf %mul3A_1208, %mul3A_1220 : vector<16xf32>
      %mul3A_1222 = arith.mulf %mul3A_1221, %mul3A_1220 : vector<16xf32>
      %sub3A_1223 = arith.constant 1.500000e+00 : f32
      %sub3A_1224 = vector.broadcast %sub3A_1223 : f32 to vector<16xf32>
      %sub3A_1225 = arith.subf %sub3A_1224, %mul3A_1222 : vector<16xf32>
      %mul3A_1226 = arith.mulf %mul3A_1220, %sub3A_1225 : vector<16xf32>
      %mul3A_1227 = arith.mulf %add3A_1197, %mul3A_1226 : vector<16xf32>
      %reduce_sum3A_1228 = arith.constant true
      %reduce_sum3A_1229 = vector.broadcast %reduce_sum3A_1228 : i1 to vector<16xi1>
      %reduce_sum3A_1230 = tpu.scan <sum>, %mul3A_1227 masked %reduce_sum3A_1229 : vector<16xf32>, vector<16xi1> -> vector<16xf32>
      %reduce_sum3A_1231 = vector.extract %reduce_sum3A_1230[15] : f32 from vector<16xf32>
      %reduce_min3A_1232 = arith.constant true
      %reduce_min3A_1233 = vector.broadcast %reduce_min3A_1232 : i1 to vector<16xi1>
      %reduce_min3A_1234 = tpu.scan <min>, %mul3A_1227 masked %reduce_min3A_1233 : vector<16xf32>, vector<16xi1> -> vector<16xf32>
      %reduce_min3A_1235 = vector.extract %reduce_min3A_1234[15] : f32 from vector<16xf32>
      %sub3A_1236 = arith.subf %reduce_sum3A_1231, %reduce_min3A_1235 : f32
      %mul3A_1237 = arith.constant 0.0666666701 : f32
      %mul3A_1238 = arith.mulf %sub3A_1236, %mul3A_1237 : f32
      %add3A_1239 = arith.addf %add3A_1192, %mul3A_1238 : f32
      %mul3A_1240 = arith.mulf %mul3A_1238, %mul3A_1238 : f32
      %add3A_1241 = arith.addf %add3A_1194, %mul3A_1240 : f32
      %slice3A_1242 = vector.extract_strided_slice %get3A_70 {offsets = [12], sizes = [1], strides = [1]} : vector<16xf32> to vector<1xf32>
      %squeeze3A_1243 = vector.extract %slice3A_1242[0] : f32 from vector<1xf32>
      %slice3A_1244 = vector.extract_strided_slice %get3A_70 {offsets = [13], sizes = [1], strides = [1]} : vector<16xf32> to vector<1xf32>
      %squeeze3A_1245 = vector.extract %slice3A_1244[0] : f32 from vector<1xf32>
      %slice3A_1246 = vector.extract_strided_slice %get3A_72 {offsets = [12], sizes = [1], strides = [1]} : vector<16xf32> to vector<1xf32>
      %squeeze3A_1247 = vector.extract %slice3A_1246[0] : f32 from vector<1xf32>
      %slice3A_1248 = vector.extract_strided_slice %get3A_72 {offsets = [13], sizes = [1], strides = [1]} : vector<16xf32> to vector<1xf32>
      %squeeze3A_1249 = vector.extract %slice3A_1248[0] : f32 from vector<1xf32>
      %slice3A_1250 = vector.extract_strided_slice %get3A_74 {offsets = [12], sizes = [1], strides = [1]} : vector<16xf32> to vector<1xf32>
      %squeeze3A_1251 = vector.extract %slice3A_1250[0] : f32 from vector<1xf32>
      %slice3A_1252 = vector.extract_strided_slice %get3A_74 {offsets = [13], sizes = [1], strides = [1]} : vector<16xf32> to vector<1xf32>
      %squeeze3A_1253 = vector.extract %slice3A_1252[0] : f32 from vector<1xf32>
      %scan3A_1254 = arith.constant 0 : i32
      %scan3A_1255 = arith.constant 128 : i32
      %scan3A_1256 = arith.addi %scan3A_1254, %scan3A_1255 : i32
      %scan3A_1257 = arith.constant 1 : i32
      %scan3A_1258:2 = scf.for %scan3A_1634 = %scan3A_1254 to %scan3A_1256 step %scan3A_1257 iter_args(%scan3A_1635 = %broadcast_in_dim3A_43, %scan3A_1636 = %broadcast_in_dim3A_43) -> (vector<16xf32>, vector<16xf32>)  : i32 {
        %mul3A_1637 = arith.constant 16 : i32
        %mul3A_1638 = arith.muli %scan3A_1634, %mul3A_1637 : i32
        %multiple_of3A_1639 = tpu.assume_multiple %mul3A_1638, 16 : i32
        %get3A_1640 = arith.index_cast %multiple_of3A_1639 : i32 to index
        %get3A_1641 = tpu.vector_load %arg4[%get3A_1640] {strides = array<i32>} : memref<2048xf32, #tpu.memory_space<vmem>>, vector<16xf32>,
        %get3A_1642 = arith.index_cast %multiple_of3A_1639 : i32 to index
        %get3A_1643 = tpu.vector_load %arg5[%get3A_1642] {strides = array<i32>} : memref<2048xf32, #tpu.memory_space<vmem>>, vector<16xf32>,
        %get3A_1644 = arith.index_cast %multiple_of3A_1639 : i32 to index
        %get3A_1645 = tpu.vector_load %arg6[%get3A_1644] {strides = array<i32>} : memref<2048xf32, #tpu.memory_space<vmem>>, vector<16xf32>,
        %sub3A_1646 = vector.broadcast %squeeze3A_1243 : f32 to vector<16xf32>
        %sub3A_1647 = arith.subf %get3A_1641, %sub3A_1646 : vector<16xf32>
        %sub3A_1648 = vector.broadcast %squeeze3A_1247 : f32 to vector<16xf32>
        %sub3A_1649 = arith.subf %get3A_1643, %sub3A_1648 : vector<16xf32>
        %sub3A_1650 = vector.broadcast %squeeze3A_1251 : f32 to vector<16xf32>
        %sub3A_1651 = arith.subf %get3A_1645, %sub3A_1650 : vector<16xf32>
        %mul3A_1652 = arith.mulf %sub3A_1647, %sub3A_1647 : vector<16xf32>
        %mul3A_1653 = arith.mulf %sub3A_1649, %sub3A_1649 : vector<16xf32>
        %add3A_1654 = arith.addf %mul3A_1652, %mul3A_1653 : vector<16xf32>
        %mul3A_1655 = arith.mulf %sub3A_1651, %sub3A_1651 : vector<16xf32>
        %add3A_1656 = arith.addf %add3A_1654, %mul3A_1655 : vector<16xf32>
        %sub3A_1657 = vector.broadcast %squeeze3A_1245 : f32 to vector<16xf32>
        %sub3A_1658 = arith.subf %get3A_1641, %sub3A_1657 : vector<16xf32>
        %sub3A_1659 = vector.broadcast %squeeze3A_1249 : f32 to vector<16xf32>
        %sub3A_1660 = arith.subf %get3A_1643, %sub3A_1659 : vector<16xf32>
        %sub3A_1661 = vector.broadcast %squeeze3A_1253 : f32 to vector<16xf32>
        %sub3A_1662 = arith.subf %get3A_1645, %sub3A_1661 : vector<16xf32>
        %mul3A_1663 = arith.mulf %sub3A_1658, %sub3A_1658 : vector<16xf32>
        %mul3A_1664 = arith.mulf %sub3A_1660, %sub3A_1660 : vector<16xf32>
        %add3A_1665 = arith.addf %mul3A_1663, %mul3A_1664 : vector<16xf32>
        %mul3A_1666 = arith.mulf %sub3A_1662, %sub3A_1662 : vector<16xf32>
        %add3A_1667 = arith.addf %add3A_1665, %mul3A_1666 : vector<16xf32>
        %swap3A_1668 = arith.index_cast %multiple_of3A_1639 : i32 to index
        %swap3A_1669 = tpu.vector_load %arg7[%swap3A_1668] {strides = array<i32>} : memref<2048xf32, #tpu.memory_space<vmem>>, vector<16xf32>,
        tpu.vector_store %arg7[%swap3A_1668], %add3A_1656 {strides = array<i32>} : memref<2048xf32, #tpu.memory_space<vmem>>, vector<16xf32>,
        %swap3A_1670 = arith.index_cast %multiple_of3A_1639 : i32 to index
        %swap3A_1671 = tpu.vector_load %arg8[%swap3A_1670] {strides = array<i32>} : memref<2048xf32, #tpu.memory_space<vmem>>, vector<16xf32>,
        tpu.vector_store %arg8[%swap3A_1670], %add3A_1667 {strides = array<i32>} : memref<2048xf32, #tpu.memory_space<vmem>>, vector<16xf32>,
        %min3A = arith.minimumf %scan3A_1635, %add3A_1656 : vector<16xf32>
        %min3A_1672 = arith.minimumf %scan3A_1636, %add3A_1667 : vector<16xf32>
        scf.yield %min3A, %min3A_1672 : vector<16xf32>, vector<16xf32>
      }
      %scan3A_1259 = arith.constant 128 : i32
      %reduce_max3A_1260 = arith.constant true
      %reduce_max3A_1261 = vector.broadcast %reduce_max3A_1260 : i1 to vector<16xi1>
      %reduce_max3A_1262 = tpu.scan <max>, %scan3A_1258#0 masked %reduce_max3A_1261 : vector<16xf32>, vector<16xi1> -> vector<16xf32>
      %reduce_max3A_1263 = vector.extract %reduce_max3A_1262[15] : f32 from vector<16xf32>
      %reduce_max3A_1264 = arith.constant true
      %reduce_max3A_1265 = vector.broadcast %reduce_max3A_1264 : i1 to vector<16xi1>
      %reduce_max3A_1266 = tpu.scan <max>, %scan3A_1258#1 masked %reduce_max3A_1265 : vector<16xf32>, vector<16xi1> -> vector<16xf32>
      %reduce_max3A_1267 = vector.extract %reduce_max3A_1266[15] : f32 from vector<16xf32>
      %scan3A_1268 = arith.constant 0 : i32
      %scan3A_1269 = arith.constant 0 : i32
      %scan3A_1270 = arith.constant 0 : i32
      %scan3A_1271 = arith.constant 128 : i32
      %scan3A_1272 = arith.addi %scan3A_1270, %scan3A_1271 : i32
      %scan3A_1273 = arith.constant 1 : i32
      %scan3A_1274:2 = scf.for %scan3A_1634 = %scan3A_1270 to %scan3A_1272 step %scan3A_1273 iter_args(%scan3A_1635 = %scan3A_1268, %scan3A_1636 = %scan3A_1269) -> (i32, i32)  : i32 {
        %mul3A_1637 = arith.constant 16 : i32
        %mul3A_1638 = arith.muli %scan3A_1634, %mul3A_1637 : i32
        %multiple_of3A_1639 = tpu.assume_multiple %mul3A_1638, 16 : i32
        %get3A_1640 = arith.index_cast %multiple_of3A_1639 : i32 to index
        %get3A_1641 = tpu.vector_load %arg7[%get3A_1640] {strides = array<i32>} : memref<2048xf32, #tpu.memory_space<vmem>>, vector<16xf32>,
        %get3A_1642 = arith.index_cast %multiple_of3A_1639 : i32 to index
        %get3A_1643 = tpu.vector_load %arg8[%get3A_1642] {strides = array<i32>} : memref<2048xf32, #tpu.memory_space<vmem>>, vector<16xf32>,
        %le3A = vector.broadcast %reduce_max3A_1263 : f32 to vector<16xf32>
        %le3A_1644 = arith.cmpf ole, %get3A_1641, %le3A : vector<16xf32>
        %le3A_1645 = vector.broadcast %reduce_max3A_1267 : f32 to vector<16xf32>
        %le3A_1646 = arith.cmpf ole, %get3A_1643, %le3A_1645 : vector<16xf32>
        %all_reduce_population_count3A = tpu.all_reduce %le3A_1644 {dim = 0 : i64, kind = #tpu.reduction_kind<sum>} : vector<16xi1> -> vector<16xi32>
        %slice3A_1647 = vector.extract_strided_slice %all_reduce_population_count3A {offsets = [0], sizes = [1], strides = [1]} : vector<16xi32> to vector<1xi32>
        %squeeze3A_1648 = vector.extract %slice3A_1647[0] : i32 from vector<1xi32>
        %all_reduce_population_count3A_1649 = tpu.all_reduce %le3A_1646 {dim = 0 : i64, kind = #tpu.reduction_kind<sum>} : vector<16xi1> -> vector<16xi32>
        %slice3A_1650 = vector.extract_strided_slice %all_reduce_population_count3A_1649 {offsets = [0], sizes = [1], strides = [1]} : vector<16xi32> to vector<1xi32>
        %squeeze3A_1651 = vector.extract %slice3A_1650[0] : i32 from vector<1xi32>
        %swap3A_1652 = arith.index_cast %scan3A_1635 : i32 to index
        %swap3A_1653 = tpu.vector_load %arg9[%swap3A_1652] masked %le3A_1644 {strides = array<i32>} : memref<2064xf32, #tpu.memory_space<vmem>>, vector<16xf32>, vector<16xi1>
        tpu.vector_store %arg9[%swap3A_1652], %get3A_1641 masked %le3A_1644 {strides = array<i32>} : memref<2064xf32, #tpu.memory_space<vmem>>, vector<16xf32>, vector<16xi1>
        %swap3A_1654 = arith.index_cast %scan3A_1636 : i32 to index
        %swap3A_1655 = tpu.vector_load %arg10[%swap3A_1654] masked %le3A_1646 {strides = array<i32>} : memref<2064xf32, #tpu.memory_space<vmem>>, vector<16xf32>, vector<16xi1>
        tpu.vector_store %arg10[%swap3A_1654], %get3A_1643 masked %le3A_1646 {strides = array<i32>} : memref<2064xf32, #tpu.memory_space<vmem>>, vector<16xf32>, vector<16xi1>
        %add3A_1656 = arith.addi %scan3A_1635, %squeeze3A_1648 : i32
        %add3A_1657 = arith.addi %scan3A_1636, %squeeze3A_1651 : i32
        scf.yield %add3A_1656, %add3A_1657 : i32, i32
      }
      %scan3A_1275 = arith.constant 128 : i32
      %swap3A_1276 = arith.index_cast %scan3A_1274#0 : i32 to index
      %swap3A_1277 = tpu.vector_load %arg9[%swap3A_1276] {strides = array<i32>} : memref<2064xf32, #tpu.memory_space<vmem>>, vector<16xf32>,
      tpu.vector_store %arg9[%swap3A_1276], %broadcast_in_dim3A_43 {strides = array<i32>} : memref<2064xf32, #tpu.memory_space<vmem>>, vector<16xf32>,
      %swap3A_1278 = arith.index_cast %scan3A_1274#1 : i32 to index
      %swap3A_1279 = tpu.vector_load %arg10[%swap3A_1278] {strides = array<i32>} : memref<2064xf32, #tpu.memory_space<vmem>>, vector<16xf32>,
      tpu.vector_store %arg10[%swap3A_1278], %broadcast_in_dim3A_43 {strides = array<i32>} : memref<2064xf32, #tpu.memory_space<vmem>>, vector<16xf32>,
      %add3A_1280 = arith.constant 15 : i32
      %add3A_1281 = arith.addi %scan3A_1274#0, %add3A_1280 : i32
      %jit3A_1282 = arith.constant 16 : i32
      %div3A_1283 = arith.divsi %add3A_1281, %jit3A_1282 : i32
      %sign3A_1284 = arith.constant 0 : i32
      %sign3A_1285 = arith.cmpi sgt, %add3A_1281, %sign3A_1284 : i32
      %sign3A_1286 = arith.extui %sign3A_1285 : i1 to i32
      %sign3A_1287 = arith.constant 0 : i32
      %sign3A_1288 = arith.cmpi slt, %add3A_1281, %sign3A_1287 : i32
      %sign3A_1289 = arith.extui %sign3A_1288 : i1 to i32
      %sign3A_1290 = arith.subi %sign3A_1286, %sign3A_1289 : i32
      %sign3A_1291 = arith.constant 0 : i32
      %sign3A_1292 = arith.cmpi sgt, %jit3A_1282, %sign3A_1291 : i32
      %sign3A_1293 = arith.extui %sign3A_1292 : i1 to i32
      %sign3A_1294 = arith.constant 0 : i32
      %sign3A_1295 = arith.cmpi slt, %jit3A_1282, %sign3A_1294 : i32
      %sign3A_1296 = arith.extui %sign3A_1295 : i1 to i32
      %sign3A_1297 = arith.subi %sign3A_1293, %sign3A_1296 : i32
      %ne3A_1298 = arith.cmpi ne, %sign3A_1290, %sign3A_1297 : i32
      %rem3A_1299 = arith.remsi %add3A_1281, %jit3A_1282 : i32
      %ne3A_1300 = arith.constant 0 : i32
      %ne3A_1301 = arith.cmpi ne, %rem3A_1299, %ne3A_1300 : i32
      %and3A_1302 = arith.andi %ne3A_1298, %ne3A_1301 : i1
      %sub3A_1303 = arith.constant 1 : i32
      %sub3A_1304 = arith.subi %div3A_1283, %sub3A_1303 : i32
      %select_n3A_1305 = arith.select %and3A_1302, %sub3A_1304, %div3A_1283 : i32
      %add3A_1306 = arith.constant 15 : i32
      %add3A_1307 = arith.addi %scan3A_1274#1, %add3A_1306 : i32
      %jit3A_1308 = arith.constant 16 : i32
      %div3A_1309 = arith.divsi %add3A_1307, %jit3A_1308 : i32
      %sign3A_1310 = arith.constant 0 : i32
      %sign3A_1311 = arith.cmpi sgt, %add3A_1307, %sign3A_1310 : i32
      %sign3A_1312 = arith.extui %sign3A_1311 : i1 to i32
      %sign3A_1313 = arith.constant 0 : i32
      %sign3A_1314 = arith.cmpi slt, %add3A_1307, %sign3A_1313 : i32
      %sign3A_1315 = arith.extui %sign3A_1314 : i1 to i32
      %sign3A_1316 = arith.subi %sign3A_1312, %sign3A_1315 : i32
      %sign3A_1317 = arith.constant 0 : i32
      %sign3A_1318 = arith.cmpi sgt, %jit3A_1308, %sign3A_1317 : i32
      %sign3A_1319 = arith.extui %sign3A_1318 : i1 to i32
      %sign3A_1320 = arith.constant 0 : i32
      %sign3A_1321 = arith.cmpi slt, %jit3A_1308, %sign3A_1320 : i32
      %sign3A_1322 = arith.extui %sign3A_1321 : i1 to i32
      %sign3A_1323 = arith.subi %sign3A_1319, %sign3A_1322 : i32
      %ne3A_1324 = arith.cmpi ne, %sign3A_1316, %sign3A_1323 : i32
      %rem3A_1325 = arith.remsi %add3A_1307, %jit3A_1308 : i32
      %ne3A_1326 = arith.constant 0 : i32
      %ne3A_1327 = arith.cmpi ne, %rem3A_1325, %ne3A_1326 : i32
      %and3A_1328 = arith.andi %ne3A_1324, %ne3A_1327 : i1
      %sub3A_1329 = arith.constant 1 : i32
      %sub3A_1330 = arith.subi %div3A_1309, %sub3A_1329 : i32
      %select_n3A_1331 = arith.select %and3A_1328, %sub3A_1330, %div3A_1309 : i32
      %max3A_1332 = arith.maxsi %select_n3A_1305, %select_n3A_1331 : i32
      %while3A_1333 = arith.constant 0 : i32
      %while3A_1334 = arith.subi %max3A_1332, %while3A_1333 : i32
      %while3A_1335 = arith.addi %while3A_1333, %while3A_1334 : i32
      %while3A_1336 = arith.constant 1 : i32
      %while3A_1337 = arith.divsi %while3A_1334, %while3A_1336 : i32
      %while3A_1338 = arith.muli %while3A_1337, %while3A_1336 : i32
      %while3A_1339 = arith.addi %while3A_1333, %while3A_1338 : i32
      %while3A_1340 = arith.constant 1 : i32
      %while3A_1341:2 = scf.for %while3A_1634 = %while3A_1333 to %while3A_1339 step %while3A_1340 iter_args(%while3A_1635 = %broadcast_in_dim3A_43, %while3A_1636 = %broadcast_in_dim3A_43) -> (vector<16xf32>, vector<16xf32>)  : i32 {
        %mul3A_1637 = arith.constant 16 : i32
        %mul3A_1638 = arith.muli %while3A_1634, %mul3A_1637 : i32
        %get3A_1639 = arith.index_cast %mul3A_1638 : i32 to index
        %get3A_1640 = tpu.vector_load %arg9[%get3A_1639] {strides = array<i32>} : memref<2064xf32, #tpu.memory_space<vmem>>, vector<16xf32>,
        %mul3A_1641 = arith.constant 16 : i32
        %mul3A_1642 = arith.muli %while3A_1634, %mul3A_1641 : i32
        %get3A_1643 = arith.index_cast %mul3A_1642 : i32 to index
        %get3A_1644 = tpu.vector_load %arg10[%get3A_1643] {strides = array<i32>} : memref<2064xf32, #tpu.memory_space<vmem>>, vector<16xf32>,
        %sort3A = arith.constant dense<true> : vector<16xi1>
        %sort3A_1645, %sort3A_1646, %sort3A_1647 = tpu.sort %get3A_1640, %get3A_1640 masked %sort3A : (vector<16xf32>, vector<16xf32>, vector<16xi1>) -> (vector<16xi1>, vector<16xf32>, vector<16xf32>)
        %rev3A = arith.constant 15 : i32
        %rev3A_1648 = vector.broadcast %rev3A : i32 to vector<16xi32>
        %rev3A_1649 = tpu.iota {dimensions = array<i32: 0>} : vector<16xi32>
        %rev3A_1650 = arith.subi %rev3A_1648, %rev3A_1649 : vector<16xi32>
        %rev3A_1651 = tpu.dynamic_gather %sort3A_1646[%rev3A_1650] in [0] : vector<16xf32>, vector<16xi32> -> vector<16xf32>
        %min3A = arith.minimumf %while3A_1635, %rev3A_1651 : vector<16xf32>
        %sort3A_1652 = arith.constant dense<true> : vector<16xi1>
        %sort3A_1653, %sort3A_1654, %sort3A_1655 = tpu.sort %min3A, %min3A masked %sort3A_1652 : (vector<16xf32>, vector<16xf32>, vector<16xi1>) -> (vector<16xi1>, vector<16xf32>, vector<16xf32>)
        %sort3A_1656 = arith.constant dense<true> : vector<16xi1>
        %sort3A_1657, %sort3A_1658, %sort3A_1659 = tpu.sort %get3A_1644, %get3A_1644 masked %sort3A_1656 : (vector<16xf32>, vector<16xf32>, vector<16xi1>) -> (vector<16xi1>, vector<16xf32>, vector<16xf32>)
        %rev3A_1660 = arith.constant 15 : i32
        %rev3A_1661 = vector.broadcast %rev3A_1660 : i32 to vector<16xi32>
        %rev3A_1662 = tpu.iota {dimensions = array<i32: 0>} : vector<16xi32>
        %rev3A_1663 = arith.subi %rev3A_1661, %rev3A_1662 : vector<16xi32>
        %rev3A_1664 = tpu.dynamic_gather %sort3A_1658[%rev3A_1663] in [0] : vector<16xf32>, vector<16xi32> -> vector<16xf32>
        %min3A_1665 = arith.minimumf %while3A_1636, %rev3A_1664 : vector<16xf32>
        %sort3A_1666 = arith.constant dense<true> : vector<16xi1>
        %sort3A_1667, %sort3A_1668, %sort3A_1669 = tpu.sort %min3A_1665, %min3A_1665 masked %sort3A_1666 : (vector<16xf32>, vector<16xf32>, vector<16xi1>) -> (vector<16xi1>, vector<16xf32>, vector<16xf32>)
        %lt3A_1670 = arith.cmpi slt, %while3A_1634, %select_n3A_1305 : i32
        %select_n3A_1671 = arith.select %lt3A_1670, %sort3A_1654, %while3A_1635 : vector<16xf32>
        %lt3A_1672 = arith.cmpi slt, %while3A_1634, %select_n3A_1331 : i32
        %select_n3A_1673 = arith.select %lt3A_1672, %sort3A_1668, %while3A_1636 : vector<16xf32>
        scf.yield %select_n3A_1671, %select_n3A_1673 : vector<16xf32>, vector<16xf32>
      }
      %while3A_1342 = arith.constant 1 : i32
      %while3A_1343:2 = scf.for %while3A_1634 = %while3A_1339 to %while3A_1335 step %while3A_1342 iter_args(%while3A_1635 = %while3A_1341#0, %while3A_1636 = %while3A_1341#1) -> (vector<16xf32>, vector<16xf32>)  : i32 {
        %mul3A_1637 = arith.constant 16 : i32
        %mul3A_1638 = arith.muli %while3A_1634, %mul3A_1637 : i32
        %get3A_1639 = arith.index_cast %mul3A_1638 : i32 to index
        %get3A_1640 = tpu.vector_load %arg9[%get3A_1639] {strides = array<i32>} : memref<2064xf32, #tpu.memory_space<vmem>>, vector<16xf32>,
        %mul3A_1641 = arith.constant 16 : i32
        %mul3A_1642 = arith.muli %while3A_1634, %mul3A_1641 : i32
        %get3A_1643 = arith.index_cast %mul3A_1642 : i32 to index
        %get3A_1644 = tpu.vector_load %arg10[%get3A_1643] {strides = array<i32>} : memref<2064xf32, #tpu.memory_space<vmem>>, vector<16xf32>,
        %sort3A = arith.constant dense<true> : vector<16xi1>
        %sort3A_1645, %sort3A_1646, %sort3A_1647 = tpu.sort %get3A_1640, %get3A_1640 masked %sort3A : (vector<16xf32>, vector<16xf32>, vector<16xi1>) -> (vector<16xi1>, vector<16xf32>, vector<16xf32>)
        %rev3A = arith.constant 15 : i32
        %rev3A_1648 = vector.broadcast %rev3A : i32 to vector<16xi32>
        %rev3A_1649 = tpu.iota {dimensions = array<i32: 0>} : vector<16xi32>
        %rev3A_1650 = arith.subi %rev3A_1648, %rev3A_1649 : vector<16xi32>
        %rev3A_1651 = tpu.dynamic_gather %sort3A_1646[%rev3A_1650] in [0] : vector<16xf32>, vector<16xi32> -> vector<16xf32>
        %min3A = arith.minimumf %while3A_1635, %rev3A_1651 : vector<16xf32>
        %sort3A_1652 = arith.constant dense<true> : vector<16xi1>
        %sort3A_1653, %sort3A_1654, %sort3A_1655 = tpu.sort %min3A, %min3A masked %sort3A_1652 : (vector<16xf32>, vector<16xf32>, vector<16xi1>) -> (vector<16xi1>, vector<16xf32>, vector<16xf32>)
        %sort3A_1656 = arith.constant dense<true> : vector<16xi1>
        %sort3A_1657, %sort3A_1658, %sort3A_1659 = tpu.sort %get3A_1644, %get3A_1644 masked %sort3A_1656 : (vector<16xf32>, vector<16xf32>, vector<16xi1>) -> (vector<16xi1>, vector<16xf32>, vector<16xf32>)
        %rev3A_1660 = arith.constant 15 : i32
        %rev3A_1661 = vector.broadcast %rev3A_1660 : i32 to vector<16xi32>
        %rev3A_1662 = tpu.iota {dimensions = array<i32: 0>} : vector<16xi32>
        %rev3A_1663 = arith.subi %rev3A_1661, %rev3A_1662 : vector<16xi32>
        %rev3A_1664 = tpu.dynamic_gather %sort3A_1658[%rev3A_1663] in [0] : vector<16xf32>, vector<16xi32> -> vector<16xf32>
        %min3A_1665 = arith.minimumf %while3A_1636, %rev3A_1664 : vector<16xf32>
        %sort3A_1666 = arith.constant dense<true> : vector<16xi1>
        %sort3A_1667, %sort3A_1668, %sort3A_1669 = tpu.sort %min3A_1665, %min3A_1665 masked %sort3A_1666 : (vector<16xf32>, vector<16xf32>, vector<16xi1>) -> (vector<16xi1>, vector<16xf32>, vector<16xf32>)
        %lt3A_1670 = arith.cmpi slt, %while3A_1634, %select_n3A_1305 : i32
        %select_n3A_1671 = arith.select %lt3A_1670, %sort3A_1654, %while3A_1635 : vector<16xf32>
        %lt3A_1672 = arith.cmpi slt, %while3A_1634, %select_n3A_1331 : i32
        %select_n3A_1673 = arith.select %lt3A_1672, %sort3A_1668, %while3A_1636 : vector<16xf32>
        scf.yield %select_n3A_1671, %select_n3A_1673 : vector<16xf32>, vector<16xf32>
      }
      %add3A_1344 = arith.constant 9.99999996E-13 : f32
      %add3A_1345 = vector.broadcast %add3A_1344 : f32 to vector<16xf32>
      %add3A_1346 = arith.addf %while3A_1343#0, %add3A_1345 : vector<16xf32>
      %bitcast_convert_type3A_1347 = tpu.bitcast %add3A_1346 : vector<16xf32> -> vector<16xi32>
      %shift_right_logical3A_1348 = arith.constant 1 : i32
      %shift_right_logical3A_1349 = vector.broadcast %shift_right_logical3A_1348 : i32 to vector<16xi32>
      %shift_right_logical3A_1350 = arith.shrui %bitcast_convert_type3A_1347, %shift_right_logical3A_1349 : vector<16xi32>
      %sub3A_1351 = arith.constant 1597463007 : i32
      %sub3A_1352 = vector.broadcast %sub3A_1351 : i32 to vector<16xi32>
      %sub3A_1353 = arith.subi %sub3A_1352, %shift_right_logical3A_1350 : vector<16xi32>
      %bitcast_convert_type3A_1354 = tpu.bitcast %sub3A_1353 : vector<16xi32> -> vector<16xf32>
      %mul3A_1355 = arith.constant 5.000000e-01 : f32
      %mul3A_1356 = vector.broadcast %mul3A_1355 : f32 to vector<16xf32>
      %mul3A_1357 = arith.mulf %mul3A_1356, %add3A_1346 : vector<16xf32>
      %mul3A_1358 = arith.mulf %mul3A_1357, %bitcast_convert_type3A_1354 : vector<16xf32>
      %mul3A_1359 = arith.mulf %mul3A_1358, %bitcast_convert_type3A_1354 : vector<16xf32>
      %sub3A_1360 = arith.constant 1.500000e+00 : f32
      %sub3A_1361 = vector.broadcast %sub3A_1360 : f32 to vector<16xf32>
      %sub3A_1362 = arith.subf %sub3A_1361, %mul3A_1359 : vector<16xf32>
      %mul3A_1363 = arith.mulf %bitcast_convert_type3A_1354, %sub3A_1362 : vector<16xf32>
      %mul3A_1364 = arith.mulf %mul3A_1357, %mul3A_1363 : vector<16xf32>
      %mul3A_1365 = arith.mulf %mul3A_1364, %mul3A_1363 : vector<16xf32>
      %sub3A_1366 = arith.constant 1.500000e+00 : f32
      %sub3A_1367 = vector.broadcast %sub3A_1366 : f32 to vector<16xf32>
      %sub3A_1368 = arith.subf %sub3A_1367, %mul3A_1365 : vector<16xf32>
      %mul3A_1369 = arith.mulf %mul3A_1363, %sub3A_1368 : vector<16xf32>
      %mul3A_1370 = arith.mulf %mul3A_1357, %mul3A_1369 : vector<16xf32>
      %mul3A_1371 = arith.mulf %mul3A_1370, %mul3A_1369 : vector<16xf32>
      %sub3A_1372 = arith.constant 1.500000e+00 : f32
      %sub3A_1373 = vector.broadcast %sub3A_1372 : f32 to vector<16xf32>
      %sub3A_1374 = arith.subf %sub3A_1373, %mul3A_1371 : vector<16xf32>
      %mul3A_1375 = arith.mulf %mul3A_1369, %sub3A_1374 : vector<16xf32>
      %mul3A_1376 = arith.mulf %add3A_1346, %mul3A_1375 : vector<16xf32>
      %reduce_sum3A_1377 = arith.constant true
      %reduce_sum3A_1378 = vector.broadcast %reduce_sum3A_1377 : i1 to vector<16xi1>
      %reduce_sum3A_1379 = tpu.scan <sum>, %mul3A_1376 masked %reduce_sum3A_1378 : vector<16xf32>, vector<16xi1> -> vector<16xf32>
      %reduce_sum3A_1380 = vector.extract %reduce_sum3A_1379[15] : f32 from vector<16xf32>
      %reduce_min3A_1381 = arith.constant true
      %reduce_min3A_1382 = vector.broadcast %reduce_min3A_1381 : i1 to vector<16xi1>
      %reduce_min3A_1383 = tpu.scan <min>, %mul3A_1376 masked %reduce_min3A_1382 : vector<16xf32>, vector<16xi1> -> vector<16xf32>
      %reduce_min3A_1384 = vector.extract %reduce_min3A_1383[15] : f32 from vector<16xf32>
      %sub3A_1385 = arith.subf %reduce_sum3A_1380, %reduce_min3A_1384 : f32
      %mul3A_1386 = arith.constant 0.0666666701 : f32
      %mul3A_1387 = arith.mulf %sub3A_1385, %mul3A_1386 : f32
      %add3A_1388 = arith.addf %add3A_1239, %mul3A_1387 : f32
      %mul3A_1389 = arith.mulf %mul3A_1387, %mul3A_1387 : f32
      %add3A_1390 = arith.addf %add3A_1241, %mul3A_1389 : f32
      %add3A_1391 = arith.constant 9.99999996E-13 : f32
      %add3A_1392 = vector.broadcast %add3A_1391 : f32 to vector<16xf32>
      %add3A_1393 = arith.addf %while3A_1343#1, %add3A_1392 : vector<16xf32>
      %bitcast_convert_type3A_1394 = tpu.bitcast %add3A_1393 : vector<16xf32> -> vector<16xi32>
      %shift_right_logical3A_1395 = arith.constant 1 : i32
      %shift_right_logical3A_1396 = vector.broadcast %shift_right_logical3A_1395 : i32 to vector<16xi32>
      %shift_right_logical3A_1397 = arith.shrui %bitcast_convert_type3A_1394, %shift_right_logical3A_1396 : vector<16xi32>
      %sub3A_1398 = arith.constant 1597463007 : i32
      %sub3A_1399 = vector.broadcast %sub3A_1398 : i32 to vector<16xi32>
      %sub3A_1400 = arith.subi %sub3A_1399, %shift_right_logical3A_1397 : vector<16xi32>
      %bitcast_convert_type3A_1401 = tpu.bitcast %sub3A_1400 : vector<16xi32> -> vector<16xf32>
      %mul3A_1402 = arith.constant 5.000000e-01 : f32
      %mul3A_1403 = vector.broadcast %mul3A_1402 : f32 to vector<16xf32>
      %mul3A_1404 = arith.mulf %mul3A_1403, %add3A_1393 : vector<16xf32>
      %mul3A_1405 = arith.mulf %mul3A_1404, %bitcast_convert_type3A_1401 : vector<16xf32>
      %mul3A_1406 = arith.mulf %mul3A_1405, %bitcast_convert_type3A_1401 : vector<16xf32>
      %sub3A_1407 = arith.constant 1.500000e+00 : f32
      %sub3A_1408 = vector.broadcast %sub3A_1407 : f32 to vector<16xf32>
      %sub3A_1409 = arith.subf %sub3A_1408, %mul3A_1406 : vector<16xf32>
      %mul3A_1410 = arith.mulf %bitcast_convert_type3A_1401, %sub3A_1409 : vector<16xf32>
      %mul3A_1411 = arith.mulf %mul3A_1404, %mul3A_1410 : vector<16xf32>
      %mul3A_1412 = arith.mulf %mul3A_1411, %mul3A_1410 : vector<16xf32>
      %sub3A_1413 = arith.constant 1.500000e+00 : f32
      %sub3A_1414 = vector.broadcast %sub3A_1413 : f32 to vector<16xf32>
      %sub3A_1415 = arith.subf %sub3A_1414, %mul3A_1412 : vector<16xf32>
      %mul3A_1416 = arith.mulf %mul3A_1410, %sub3A_1415 : vector<16xf32>
      %mul3A_1417 = arith.mulf %mul3A_1404, %mul3A_1416 : vector<16xf32>
      %mul3A_1418 = arith.mulf %mul3A_1417, %mul3A_1416 : vector<16xf32>
      %sub3A_1419 = arith.constant 1.500000e+00 : f32
      %sub3A_1420 = vector.broadcast %sub3A_1419 : f32 to vector<16xf32>
      %sub3A_1421 = arith.subf %sub3A_1420, %mul3A_1418 : vector<16xf32>
      %mul3A_1422 = arith.mulf %mul3A_1416, %sub3A_1421 : vector<16xf32>
      %mul3A_1423 = arith.mulf %add3A_1393, %mul3A_1422 : vector<16xf32>
      %reduce_sum3A_1424 = arith.constant true
      %reduce_sum3A_1425 = vector.broadcast %reduce_sum3A_1424 : i1 to vector<16xi1>
      %reduce_sum3A_1426 = tpu.scan <sum>, %mul3A_1423 masked %reduce_sum3A_1425 : vector<16xf32>, vector<16xi1> -> vector<16xf32>
      %reduce_sum3A_1427 = vector.extract %reduce_sum3A_1426[15] : f32 from vector<16xf32>
      %reduce_min3A_1428 = arith.constant true
      %reduce_min3A_1429 = vector.broadcast %reduce_min3A_1428 : i1 to vector<16xi1>
      %reduce_min3A_1430 = tpu.scan <min>, %mul3A_1423 masked %reduce_min3A_1429 : vector<16xf32>, vector<16xi1> -> vector<16xf32>
      %reduce_min3A_1431 = vector.extract %reduce_min3A_1430[15] : f32 from vector<16xf32>
      %sub3A_1432 = arith.subf %reduce_sum3A_1427, %reduce_min3A_1431 : f32
      %mul3A_1433 = arith.constant 0.0666666701 : f32
      %mul3A_1434 = arith.mulf %sub3A_1432, %mul3A_1433 : f32
      %add3A_1435 = arith.addf %add3A_1388, %mul3A_1434 : f32
      %mul3A_1436 = arith.mulf %mul3A_1434, %mul3A_1434 : f32
      %add3A_1437 = arith.addf %add3A_1390, %mul3A_1436 : f32
      %slice3A_1438 = vector.extract_strided_slice %get3A_70 {offsets = [14], sizes = [1], strides = [1]} : vector<16xf32> to vector<1xf32>
      %squeeze3A_1439 = vector.extract %slice3A_1438[0] : f32 from vector<1xf32>
      %slice3A_1440 = vector.extract_strided_slice %get3A_70 {offsets = [15], sizes = [1], strides = [1]} : vector<16xf32> to vector<1xf32>
      %squeeze3A_1441 = vector.extract %slice3A_1440[0] : f32 from vector<1xf32>
      %slice3A_1442 = vector.extract_strided_slice %get3A_72 {offsets = [14], sizes = [1], strides = [1]} : vector<16xf32> to vector<1xf32>
      %squeeze3A_1443 = vector.extract %slice3A_1442[0] : f32 from vector<1xf32>
      %slice3A_1444 = vector.extract_strided_slice %get3A_72 {offsets = [15], sizes = [1], strides = [1]} : vector<16xf32> to vector<1xf32>
      %squeeze3A_1445 = vector.extract %slice3A_1444[0] : f32 from vector<1xf32>
      %slice3A_1446 = vector.extract_strided_slice %get3A_74 {offsets = [14], sizes = [1], strides = [1]} : vector<16xf32> to vector<1xf32>
      %squeeze3A_1447 = vector.extract %slice3A_1446[0] : f32 from vector<1xf32>
      %slice3A_1448 = vector.extract_strided_slice %get3A_74 {offsets = [15], sizes = [1], strides = [1]} : vector<16xf32> to vector<1xf32>
      %squeeze3A_1449 = vector.extract %slice3A_1448[0] : f32 from vector<1xf32>
      %scan3A_1450 = arith.constant 0 : i32
      %scan3A_1451 = arith.constant 128 : i32
      %scan3A_1452 = arith.addi %scan3A_1450, %scan3A_1451 : i32
      %scan3A_1453 = arith.constant 1 : i32
      %scan3A_1454:2 = scf.for %scan3A_1634 = %scan3A_1450 to %scan3A_1452 step %scan3A_1453 iter_args(%scan3A_1635 = %broadcast_in_dim3A_43, %scan3A_1636 = %broadcast_in_dim3A_43) -> (vector<16xf32>, vector<16xf32>)  : i32 {
        %mul3A_1637 = arith.constant 16 : i32
        %mul3A_1638 = arith.muli %scan3A_1634, %mul3A_1637 : i32
        %multiple_of3A_1639 = tpu.assume_multiple %mul3A_1638, 16 : i32
        %get3A_1640 = arith.index_cast %multiple_of3A_1639 : i32 to index
        %get3A_1641 = tpu.vector_load %arg4[%get3A_1640] {strides = array<i32>} : memref<2048xf32, #tpu.memory_space<vmem>>, vector<16xf32>,
        %get3A_1642 = arith.index_cast %multiple_of3A_1639 : i32 to index
        %get3A_1643 = tpu.vector_load %arg5[%get3A_1642] {strides = array<i32>} : memref<2048xf32, #tpu.memory_space<vmem>>, vector<16xf32>,
        %get3A_1644 = arith.index_cast %multiple_of3A_1639 : i32 to index
        %get3A_1645 = tpu.vector_load %arg6[%get3A_1644] {strides = array<i32>} : memref<2048xf32, #tpu.memory_space<vmem>>, vector<16xf32>,
        %sub3A_1646 = vector.broadcast %squeeze3A_1439 : f32 to vector<16xf32>
        %sub3A_1647 = arith.subf %get3A_1641, %sub3A_1646 : vector<16xf32>
        %sub3A_1648 = vector.broadcast %squeeze3A_1443 : f32 to vector<16xf32>
        %sub3A_1649 = arith.subf %get3A_1643, %sub3A_1648 : vector<16xf32>
        %sub3A_1650 = vector.broadcast %squeeze3A_1447 : f32 to vector<16xf32>
        %sub3A_1651 = arith.subf %get3A_1645, %sub3A_1650 : vector<16xf32>
        %mul3A_1652 = arith.mulf %sub3A_1647, %sub3A_1647 : vector<16xf32>
        %mul3A_1653 = arith.mulf %sub3A_1649, %sub3A_1649 : vector<16xf32>
        %add3A_1654 = arith.addf %mul3A_1652, %mul3A_1653 : vector<16xf32>
        %mul3A_1655 = arith.mulf %sub3A_1651, %sub3A_1651 : vector<16xf32>
        %add3A_1656 = arith.addf %add3A_1654, %mul3A_1655 : vector<16xf32>
        %sub3A_1657 = vector.broadcast %squeeze3A_1441 : f32 to vector<16xf32>
        %sub3A_1658 = arith.subf %get3A_1641, %sub3A_1657 : vector<16xf32>
        %sub3A_1659 = vector.broadcast %squeeze3A_1445 : f32 to vector<16xf32>
        %sub3A_1660 = arith.subf %get3A_1643, %sub3A_1659 : vector<16xf32>
        %sub3A_1661 = vector.broadcast %squeeze3A_1449 : f32 to vector<16xf32>
        %sub3A_1662 = arith.subf %get3A_1645, %sub3A_1661 : vector<16xf32>
        %mul3A_1663 = arith.mulf %sub3A_1658, %sub3A_1658 : vector<16xf32>
        %mul3A_1664 = arith.mulf %sub3A_1660, %sub3A_1660 : vector<16xf32>
        %add3A_1665 = arith.addf %mul3A_1663, %mul3A_1664 : vector<16xf32>
        %mul3A_1666 = arith.mulf %sub3A_1662, %sub3A_1662 : vector<16xf32>
        %add3A_1667 = arith.addf %add3A_1665, %mul3A_1666 : vector<16xf32>
        %swap3A_1668 = arith.index_cast %multiple_of3A_1639 : i32 to index
        %swap3A_1669 = tpu.vector_load %arg7[%swap3A_1668] {strides = array<i32>} : memref<2048xf32, #tpu.memory_space<vmem>>, vector<16xf32>,
        tpu.vector_store %arg7[%swap3A_1668], %add3A_1656 {strides = array<i32>} : memref<2048xf32, #tpu.memory_space<vmem>>, vector<16xf32>,
        %swap3A_1670 = arith.index_cast %multiple_of3A_1639 : i32 to index
        %swap3A_1671 = tpu.vector_load %arg8[%swap3A_1670] {strides = array<i32>} : memref<2048xf32, #tpu.memory_space<vmem>>, vector<16xf32>,
        tpu.vector_store %arg8[%swap3A_1670], %add3A_1667 {strides = array<i32>} : memref<2048xf32, #tpu.memory_space<vmem>>, vector<16xf32>,
        %min3A = arith.minimumf %scan3A_1635, %add3A_1656 : vector<16xf32>
        %min3A_1672 = arith.minimumf %scan3A_1636, %add3A_1667 : vector<16xf32>
        scf.yield %min3A, %min3A_1672 : vector<16xf32>, vector<16xf32>
      }
      %scan3A_1455 = arith.constant 128 : i32
      %reduce_max3A_1456 = arith.constant true
      %reduce_max3A_1457 = vector.broadcast %reduce_max3A_1456 : i1 to vector<16xi1>
      %reduce_max3A_1458 = tpu.scan <max>, %scan3A_1454#0 masked %reduce_max3A_1457 : vector<16xf32>, vector<16xi1> -> vector<16xf32>
      %reduce_max3A_1459 = vector.extract %reduce_max3A_1458[15] : f32 from vector<16xf32>
      %reduce_max3A_1460 = arith.constant true
      %reduce_max3A_1461 = vector.broadcast %reduce_max3A_1460 : i1 to vector<16xi1>
      %reduce_max3A_1462 = tpu.scan <max>, %scan3A_1454#1 masked %reduce_max3A_1461 : vector<16xf32>, vector<16xi1> -> vector<16xf32>
      %reduce_max3A_1463 = vector.extract %reduce_max3A_1462[15] : f32 from vector<16xf32>
      %scan3A_1464 = arith.constant 0 : i32
      %scan3A_1465 = arith.constant 0 : i32
      %scan3A_1466 = arith.constant 0 : i32
      %scan3A_1467 = arith.constant 128 : i32
      %scan3A_1468 = arith.addi %scan3A_1466, %scan3A_1467 : i32
      %scan3A_1469 = arith.constant 1 : i32
      %scan3A_1470:2 = scf.for %scan3A_1634 = %scan3A_1466 to %scan3A_1468 step %scan3A_1469 iter_args(%scan3A_1635 = %scan3A_1464, %scan3A_1636 = %scan3A_1465) -> (i32, i32)  : i32 {
        %mul3A_1637 = arith.constant 16 : i32
        %mul3A_1638 = arith.muli %scan3A_1634, %mul3A_1637 : i32
        %multiple_of3A_1639 = tpu.assume_multiple %mul3A_1638, 16 : i32
        %get3A_1640 = arith.index_cast %multiple_of3A_1639 : i32 to index
        %get3A_1641 = tpu.vector_load %arg7[%get3A_1640] {strides = array<i32>} : memref<2048xf32, #tpu.memory_space<vmem>>, vector<16xf32>,
        %get3A_1642 = arith.index_cast %multiple_of3A_1639 : i32 to index
        %get3A_1643 = tpu.vector_load %arg8[%get3A_1642] {strides = array<i32>} : memref<2048xf32, #tpu.memory_space<vmem>>, vector<16xf32>,
        %le3A = vector.broadcast %reduce_max3A_1459 : f32 to vector<16xf32>
        %le3A_1644 = arith.cmpf ole, %get3A_1641, %le3A : vector<16xf32>
        %le3A_1645 = vector.broadcast %reduce_max3A_1463 : f32 to vector<16xf32>
        %le3A_1646 = arith.cmpf ole, %get3A_1643, %le3A_1645 : vector<16xf32>
        %all_reduce_population_count3A = tpu.all_reduce %le3A_1644 {dim = 0 : i64, kind = #tpu.reduction_kind<sum>} : vector<16xi1> -> vector<16xi32>
        %slice3A_1647 = vector.extract_strided_slice %all_reduce_population_count3A {offsets = [0], sizes = [1], strides = [1]} : vector<16xi32> to vector<1xi32>
        %squeeze3A_1648 = vector.extract %slice3A_1647[0] : i32 from vector<1xi32>
        %all_reduce_population_count3A_1649 = tpu.all_reduce %le3A_1646 {dim = 0 : i64, kind = #tpu.reduction_kind<sum>} : vector<16xi1> -> vector<16xi32>
        %slice3A_1650 = vector.extract_strided_slice %all_reduce_population_count3A_1649 {offsets = [0], sizes = [1], strides = [1]} : vector<16xi32> to vector<1xi32>
        %squeeze3A_1651 = vector.extract %slice3A_1650[0] : i32 from vector<1xi32>
        %swap3A_1652 = arith.index_cast %scan3A_1635 : i32 to index
        %swap3A_1653 = tpu.vector_load %arg9[%swap3A_1652] masked %le3A_1644 {strides = array<i32>} : memref<2064xf32, #tpu.memory_space<vmem>>, vector<16xf32>, vector<16xi1>
        tpu.vector_store %arg9[%swap3A_1652], %get3A_1641 masked %le3A_1644 {strides = array<i32>} : memref<2064xf32, #tpu.memory_space<vmem>>, vector<16xf32>, vector<16xi1>
        %swap3A_1654 = arith.index_cast %scan3A_1636 : i32 to index
        %swap3A_1655 = tpu.vector_load %arg10[%swap3A_1654] masked %le3A_1646 {strides = array<i32>} : memref<2064xf32, #tpu.memory_space<vmem>>, vector<16xf32>, vector<16xi1>
        tpu.vector_store %arg10[%swap3A_1654], %get3A_1643 masked %le3A_1646 {strides = array<i32>} : memref<2064xf32, #tpu.memory_space<vmem>>, vector<16xf32>, vector<16xi1>
        %add3A_1656 = arith.addi %scan3A_1635, %squeeze3A_1648 : i32
        %add3A_1657 = arith.addi %scan3A_1636, %squeeze3A_1651 : i32
        scf.yield %add3A_1656, %add3A_1657 : i32, i32
      }
      %scan3A_1471 = arith.constant 128 : i32
      %swap3A_1472 = arith.index_cast %scan3A_1470#0 : i32 to index
      %swap3A_1473 = tpu.vector_load %arg9[%swap3A_1472] {strides = array<i32>} : memref<2064xf32, #tpu.memory_space<vmem>>, vector<16xf32>,
      tpu.vector_store %arg9[%swap3A_1472], %broadcast_in_dim3A_43 {strides = array<i32>} : memref<2064xf32, #tpu.memory_space<vmem>>, vector<16xf32>,
      %swap3A_1474 = arith.index_cast %scan3A_1470#1 : i32 to index
      %swap3A_1475 = tpu.vector_load %arg10[%swap3A_1474] {strides = array<i32>} : memref<2064xf32, #tpu.memory_space<vmem>>, vector<16xf32>,
      tpu.vector_store %arg10[%swap3A_1474], %broadcast_in_dim3A_43 {strides = array<i32>} : memref<2064xf32, #tpu.memory_space<vmem>>, vector<16xf32>,
      %add3A_1476 = arith.constant 15 : i32
      %add3A_1477 = arith.addi %scan3A_1470#0, %add3A_1476 : i32
      %jit3A_1478 = arith.constant 16 : i32
      %div3A_1479 = arith.divsi %add3A_1477, %jit3A_1478 : i32
      %sign3A_1480 = arith.constant 0 : i32
      %sign3A_1481 = arith.cmpi sgt, %add3A_1477, %sign3A_1480 : i32
      %sign3A_1482 = arith.extui %sign3A_1481 : i1 to i32
      %sign3A_1483 = arith.constant 0 : i32
      %sign3A_1484 = arith.cmpi slt, %add3A_1477, %sign3A_1483 : i32
      %sign3A_1485 = arith.extui %sign3A_1484 : i1 to i32
      %sign3A_1486 = arith.subi %sign3A_1482, %sign3A_1485 : i32
      %sign3A_1487 = arith.constant 0 : i32
      %sign3A_1488 = arith.cmpi sgt, %jit3A_1478, %sign3A_1487 : i32
      %sign3A_1489 = arith.extui %sign3A_1488 : i1 to i32
      %sign3A_1490 = arith.constant 0 : i32
      %sign3A_1491 = arith.cmpi slt, %jit3A_1478, %sign3A_1490 : i32
      %sign3A_1492 = arith.extui %sign3A_1491 : i1 to i32
      %sign3A_1493 = arith.subi %sign3A_1489, %sign3A_1492 : i32
      %ne3A_1494 = arith.cmpi ne, %sign3A_1486, %sign3A_1493 : i32
      %rem3A_1495 = arith.remsi %add3A_1477, %jit3A_1478 : i32
      %ne3A_1496 = arith.constant 0 : i32
      %ne3A_1497 = arith.cmpi ne, %rem3A_1495, %ne3A_1496 : i32
      %and3A_1498 = arith.andi %ne3A_1494, %ne3A_1497 : i1
      %sub3A_1499 = arith.constant 1 : i32
      %sub3A_1500 = arith.subi %div3A_1479, %sub3A_1499 : i32
      %select_n3A_1501 = arith.select %and3A_1498, %sub3A_1500, %div3A_1479 : i32
      %add3A_1502 = arith.constant 15 : i32
      %add3A_1503 = arith.addi %scan3A_1470#1, %add3A_1502 : i32
      %jit3A_1504 = arith.constant 16 : i32
      %div3A_1505 = arith.divsi %add3A_1503, %jit3A_1504 : i32
      %sign3A_1506 = arith.constant 0 : i32
      %sign3A_1507 = arith.cmpi sgt, %add3A_1503, %sign3A_1506 : i32
      %sign3A_1508 = arith.extui %sign3A_1507 : i1 to i32
      %sign3A_1509 = arith.constant 0 : i32
      %sign3A_1510 = arith.cmpi slt, %add3A_1503, %sign3A_1509 : i32
      %sign3A_1511 = arith.extui %sign3A_1510 : i1 to i32
      %sign3A_1512 = arith.subi %sign3A_1508, %sign3A_1511 : i32
      %sign3A_1513 = arith.constant 0 : i32
      %sign3A_1514 = arith.cmpi sgt, %jit3A_1504, %sign3A_1513 : i32
      %sign3A_1515 = arith.extui %sign3A_1514 : i1 to i32
      %sign3A_1516 = arith.constant 0 : i32
      %sign3A_1517 = arith.cmpi slt, %jit3A_1504, %sign3A_1516 : i32
      %sign3A_1518 = arith.extui %sign3A_1517 : i1 to i32
      %sign3A_1519 = arith.subi %sign3A_1515, %sign3A_1518 : i32
      %ne3A_1520 = arith.cmpi ne, %sign3A_1512, %sign3A_1519 : i32
      %rem3A_1521 = arith.remsi %add3A_1503, %jit3A_1504 : i32
      %ne3A_1522 = arith.constant 0 : i32
      %ne3A_1523 = arith.cmpi ne, %rem3A_1521, %ne3A_1522 : i32
      %and3A_1524 = arith.andi %ne3A_1520, %ne3A_1523 : i1
      %sub3A_1525 = arith.constant 1 : i32
      %sub3A_1526 = arith.subi %div3A_1505, %sub3A_1525 : i32
      %select_n3A_1527 = arith.select %and3A_1524, %sub3A_1526, %div3A_1505 : i32
      %max3A_1528 = arith.maxsi %select_n3A_1501, %select_n3A_1527 : i32
      %while3A_1529 = arith.constant 0 : i32
      %while3A_1530 = arith.subi %max3A_1528, %while3A_1529 : i32
      %while3A_1531 = arith.addi %while3A_1529, %while3A_1530 : i32
      %while3A_1532 = arith.constant 1 : i32
      %while3A_1533 = arith.divsi %while3A_1530, %while3A_1532 : i32
      %while3A_1534 = arith.muli %while3A_1533, %while3A_1532 : i32
      %while3A_1535 = arith.addi %while3A_1529, %while3A_1534 : i32
      %while3A_1536 = arith.constant 1 : i32
      %while3A_1537:2 = scf.for %while3A_1634 = %while3A_1529 to %while3A_1535 step %while3A_1536 iter_args(%while3A_1635 = %broadcast_in_dim3A_43, %while3A_1636 = %broadcast_in_dim3A_43) -> (vector<16xf32>, vector<16xf32>)  : i32 {
        %mul3A_1637 = arith.constant 16 : i32
        %mul3A_1638 = arith.muli %while3A_1634, %mul3A_1637 : i32
        %get3A_1639 = arith.index_cast %mul3A_1638 : i32 to index
        %get3A_1640 = tpu.vector_load %arg9[%get3A_1639] {strides = array<i32>} : memref<2064xf32, #tpu.memory_space<vmem>>, vector<16xf32>,
        %mul3A_1641 = arith.constant 16 : i32
        %mul3A_1642 = arith.muli %while3A_1634, %mul3A_1641 : i32
        %get3A_1643 = arith.index_cast %mul3A_1642 : i32 to index
        %get3A_1644 = tpu.vector_load %arg10[%get3A_1643] {strides = array<i32>} : memref<2064xf32, #tpu.memory_space<vmem>>, vector<16xf32>,
        %sort3A = arith.constant dense<true> : vector<16xi1>
        %sort3A_1645, %sort3A_1646, %sort3A_1647 = tpu.sort %get3A_1640, %get3A_1640 masked %sort3A : (vector<16xf32>, vector<16xf32>, vector<16xi1>) -> (vector<16xi1>, vector<16xf32>, vector<16xf32>)
        %rev3A = arith.constant 15 : i32
        %rev3A_1648 = vector.broadcast %rev3A : i32 to vector<16xi32>
        %rev3A_1649 = tpu.iota {dimensions = array<i32: 0>} : vector<16xi32>
        %rev3A_1650 = arith.subi %rev3A_1648, %rev3A_1649 : vector<16xi32>
        %rev3A_1651 = tpu.dynamic_gather %sort3A_1646[%rev3A_1650] in [0] : vector<16xf32>, vector<16xi32> -> vector<16xf32>
        %min3A = arith.minimumf %while3A_1635, %rev3A_1651 : vector<16xf32>
        %sort3A_1652 = arith.constant dense<true> : vector<16xi1>
        %sort3A_1653, %sort3A_1654, %sort3A_1655 = tpu.sort %min3A, %min3A masked %sort3A_1652 : (vector<16xf32>, vector<16xf32>, vector<16xi1>) -> (vector<16xi1>, vector<16xf32>, vector<16xf32>)
        %sort3A_1656 = arith.constant dense<true> : vector<16xi1>
        %sort3A_1657, %sort3A_1658, %sort3A_1659 = tpu.sort %get3A_1644, %get3A_1644 masked %sort3A_1656 : (vector<16xf32>, vector<16xf32>, vector<16xi1>) -> (vector<16xi1>, vector<16xf32>, vector<16xf32>)
        %rev3A_1660 = arith.constant 15 : i32
        %rev3A_1661 = vector.broadcast %rev3A_1660 : i32 to vector<16xi32>
        %rev3A_1662 = tpu.iota {dimensions = array<i32: 0>} : vector<16xi32>
        %rev3A_1663 = arith.subi %rev3A_1661, %rev3A_1662 : vector<16xi32>
        %rev3A_1664 = tpu.dynamic_gather %sort3A_1658[%rev3A_1663] in [0] : vector<16xf32>, vector<16xi32> -> vector<16xf32>
        %min3A_1665 = arith.minimumf %while3A_1636, %rev3A_1664 : vector<16xf32>
        %sort3A_1666 = arith.constant dense<true> : vector<16xi1>
        %sort3A_1667, %sort3A_1668, %sort3A_1669 = tpu.sort %min3A_1665, %min3A_1665 masked %sort3A_1666 : (vector<16xf32>, vector<16xf32>, vector<16xi1>) -> (vector<16xi1>, vector<16xf32>, vector<16xf32>)
        %lt3A_1670 = arith.cmpi slt, %while3A_1634, %select_n3A_1501 : i32
        %select_n3A_1671 = arith.select %lt3A_1670, %sort3A_1654, %while3A_1635 : vector<16xf32>
        %lt3A_1672 = arith.cmpi slt, %while3A_1634, %select_n3A_1527 : i32
        %select_n3A_1673 = arith.select %lt3A_1672, %sort3A_1668, %while3A_1636 : vector<16xf32>
        scf.yield %select_n3A_1671, %select_n3A_1673 : vector<16xf32>, vector<16xf32>
      }
      %while3A_1538 = arith.constant 1 : i32
      %while3A_1539:2 = scf.for %while3A_1634 = %while3A_1535 to %while3A_1531 step %while3A_1538 iter_args(%while3A_1635 = %while3A_1537#0, %while3A_1636 = %while3A_1537#1) -> (vector<16xf32>, vector<16xf32>)  : i32 {
        %mul3A_1637 = arith.constant 16 : i32
        %mul3A_1638 = arith.muli %while3A_1634, %mul3A_1637 : i32
        %get3A_1639 = arith.index_cast %mul3A_1638 : i32 to index
        %get3A_1640 = tpu.vector_load %arg9[%get3A_1639] {strides = array<i32>} : memref<2064xf32, #tpu.memory_space<vmem>>, vector<16xf32>,
        %mul3A_1641 = arith.constant 16 : i32
        %mul3A_1642 = arith.muli %while3A_1634, %mul3A_1641 : i32
        %get3A_1643 = arith.index_cast %mul3A_1642 : i32 to index
        %get3A_1644 = tpu.vector_load %arg10[%get3A_1643] {strides = array<i32>} : memref<2064xf32, #tpu.memory_space<vmem>>, vector<16xf32>,
        %sort3A = arith.constant dense<true> : vector<16xi1>
        %sort3A_1645, %sort3A_1646, %sort3A_1647 = tpu.sort %get3A_1640, %get3A_1640 masked %sort3A : (vector<16xf32>, vector<16xf32>, vector<16xi1>) -> (vector<16xi1>, vector<16xf32>, vector<16xf32>)
        %rev3A = arith.constant 15 : i32
        %rev3A_1648 = vector.broadcast %rev3A : i32 to vector<16xi32>
        %rev3A_1649 = tpu.iota {dimensions = array<i32: 0>} : vector<16xi32>
        %rev3A_1650 = arith.subi %rev3A_1648, %rev3A_1649 : vector<16xi32>
        %rev3A_1651 = tpu.dynamic_gather %sort3A_1646[%rev3A_1650] in [0] : vector<16xf32>, vector<16xi32> -> vector<16xf32>
        %min3A = arith.minimumf %while3A_1635, %rev3A_1651 : vector<16xf32>
        %sort3A_1652 = arith.constant dense<true> : vector<16xi1>
        %sort3A_1653, %sort3A_1654, %sort3A_1655 = tpu.sort %min3A, %min3A masked %sort3A_1652 : (vector<16xf32>, vector<16xf32>, vector<16xi1>) -> (vector<16xi1>, vector<16xf32>, vector<16xf32>)
        %sort3A_1656 = arith.constant dense<true> : vector<16xi1>
        %sort3A_1657, %sort3A_1658, %sort3A_1659 = tpu.sort %get3A_1644, %get3A_1644 masked %sort3A_1656 : (vector<16xf32>, vector<16xf32>, vector<16xi1>) -> (vector<16xi1>, vector<16xf32>, vector<16xf32>)
        %rev3A_1660 = arith.constant 15 : i32
        %rev3A_1661 = vector.broadcast %rev3A_1660 : i32 to vector<16xi32>
        %rev3A_1662 = tpu.iota {dimensions = array<i32: 0>} : vector<16xi32>
        %rev3A_1663 = arith.subi %rev3A_1661, %rev3A_1662 : vector<16xi32>
        %rev3A_1664 = tpu.dynamic_gather %sort3A_1658[%rev3A_1663] in [0] : vector<16xf32>, vector<16xi32> -> vector<16xf32>
        %min3A_1665 = arith.minimumf %while3A_1636, %rev3A_1664 : vector<16xf32>
        %sort3A_1666 = arith.constant dense<true> : vector<16xi1>
        %sort3A_1667, %sort3A_1668, %sort3A_1669 = tpu.sort %min3A_1665, %min3A_1665 masked %sort3A_1666 : (vector<16xf32>, vector<16xf32>, vector<16xi1>) -> (vector<16xi1>, vector<16xf32>, vector<16xf32>)
        %lt3A_1670 = arith.cmpi slt, %while3A_1634, %select_n3A_1501 : i32
        %select_n3A_1671 = arith.select %lt3A_1670, %sort3A_1654, %while3A_1635 : vector<16xf32>
        %lt3A_1672 = arith.cmpi slt, %while3A_1634, %select_n3A_1527 : i32
        %select_n3A_1673 = arith.select %lt3A_1672, %sort3A_1668, %while3A_1636 : vector<16xf32>
        scf.yield %select_n3A_1671, %select_n3A_1673 : vector<16xf32>, vector<16xf32>
      }
      %add3A_1540 = arith.constant 9.99999996E-13 : f32
      %add3A_1541 = vector.broadcast %add3A_1540 : f32 to vector<16xf32>
      %add3A_1542 = arith.addf %while3A_1539#0, %add3A_1541 : vector<16xf32>
      %bitcast_convert_type3A_1543 = tpu.bitcast %add3A_1542 : vector<16xf32> -> vector<16xi32>
      %shift_right_logical3A_1544 = arith.constant 1 : i32
      %shift_right_logical3A_1545 = vector.broadcast %shift_right_logical3A_1544 : i32 to vector<16xi32>
      %shift_right_logical3A_1546 = arith.shrui %bitcast_convert_type3A_1543, %shift_right_logical3A_1545 : vector<16xi32>
      %sub3A_1547 = arith.constant 1597463007 : i32
      %sub3A_1548 = vector.broadcast %sub3A_1547 : i32 to vector<16xi32>
      %sub3A_1549 = arith.subi %sub3A_1548, %shift_right_logical3A_1546 : vector<16xi32>
      %bitcast_convert_type3A_1550 = tpu.bitcast %sub3A_1549 : vector<16xi32> -> vector<16xf32>
      %mul3A_1551 = arith.constant 5.000000e-01 : f32
      %mul3A_1552 = vector.broadcast %mul3A_1551 : f32 to vector<16xf32>
      %mul3A_1553 = arith.mulf %mul3A_1552, %add3A_1542 : vector<16xf32>
      %mul3A_1554 = arith.mulf %mul3A_1553, %bitcast_convert_type3A_1550 : vector<16xf32>
      %mul3A_1555 = arith.mulf %mul3A_1554, %bitcast_convert_type3A_1550 : vector<16xf32>
      %sub3A_1556 = arith.constant 1.500000e+00 : f32
      %sub3A_1557 = vector.broadcast %sub3A_1556 : f32 to vector<16xf32>
      %sub3A_1558 = arith.subf %sub3A_1557, %mul3A_1555 : vector<16xf32>
      %mul3A_1559 = arith.mulf %bitcast_convert_type3A_1550, %sub3A_1558 : vector<16xf32>
      %mul3A_1560 = arith.mulf %mul3A_1553, %mul3A_1559 : vector<16xf32>
      %mul3A_1561 = arith.mulf %mul3A_1560, %mul3A_1559 : vector<16xf32>
      %sub3A_1562 = arith.constant 1.500000e+00 : f32
      %sub3A_1563 = vector.broadcast %sub3A_1562 : f32 to vector<16xf32>
      %sub3A_1564 = arith.subf %sub3A_1563, %mul3A_1561 : vector<16xf32>
      %mul3A_1565 = arith.mulf %mul3A_1559, %sub3A_1564 : vector<16xf32>
      %mul3A_1566 = arith.mulf %mul3A_1553, %mul3A_1565 : vector<16xf32>
      %mul3A_1567 = arith.mulf %mul3A_1566, %mul3A_1565 : vector<16xf32>
      %sub3A_1568 = arith.constant 1.500000e+00 : f32
      %sub3A_1569 = vector.broadcast %sub3A_1568 : f32 to vector<16xf32>
      %sub3A_1570 = arith.subf %sub3A_1569, %mul3A_1567 : vector<16xf32>
      %mul3A_1571 = arith.mulf %mul3A_1565, %sub3A_1570 : vector<16xf32>
      %mul3A_1572 = arith.mulf %add3A_1542, %mul3A_1571 : vector<16xf32>
      %reduce_sum3A_1573 = arith.constant true
      %reduce_sum3A_1574 = vector.broadcast %reduce_sum3A_1573 : i1 to vector<16xi1>
      %reduce_sum3A_1575 = tpu.scan <sum>, %mul3A_1572 masked %reduce_sum3A_1574 : vector<16xf32>, vector<16xi1> -> vector<16xf32>
      %reduce_sum3A_1576 = vector.extract %reduce_sum3A_1575[15] : f32 from vector<16xf32>
      %reduce_min3A_1577 = arith.constant true
      %reduce_min3A_1578 = vector.broadcast %reduce_min3A_1577 : i1 to vector<16xi1>
      %reduce_min3A_1579 = tpu.scan <min>, %mul3A_1572 masked %reduce_min3A_1578 : vector<16xf32>, vector<16xi1> -> vector<16xf32>
      %reduce_min3A_1580 = vector.extract %reduce_min3A_1579[15] : f32 from vector<16xf32>
      %sub3A_1581 = arith.subf %reduce_sum3A_1576, %reduce_min3A_1580 : f32
      %mul3A_1582 = arith.constant 0.0666666701 : f32
      %mul3A_1583 = arith.mulf %sub3A_1581, %mul3A_1582 : f32
      %add3A_1584 = arith.addf %add3A_1435, %mul3A_1583 : f32
      %mul3A_1585 = arith.mulf %mul3A_1583, %mul3A_1583 : f32
      %add3A_1586 = arith.addf %add3A_1437, %mul3A_1585 : f32
      %add3A_1587 = arith.constant 9.99999996E-13 : f32
      %add3A_1588 = vector.broadcast %add3A_1587 : f32 to vector<16xf32>
      %add3A_1589 = arith.addf %while3A_1539#1, %add3A_1588 : vector<16xf32>
      %bitcast_convert_type3A_1590 = tpu.bitcast %add3A_1589 : vector<16xf32> -> vector<16xi32>
      %shift_right_logical3A_1591 = arith.constant 1 : i32
      %shift_right_logical3A_1592 = vector.broadcast %shift_right_logical3A_1591 : i32 to vector<16xi32>
      %shift_right_logical3A_1593 = arith.shrui %bitcast_convert_type3A_1590, %shift_right_logical3A_1592 : vector<16xi32>
      %sub3A_1594 = arith.constant 1597463007 : i32
      %sub3A_1595 = vector.broadcast %sub3A_1594 : i32 to vector<16xi32>
      %sub3A_1596 = arith.subi %sub3A_1595, %shift_right_logical3A_1593 : vector<16xi32>
      %bitcast_convert_type3A_1597 = tpu.bitcast %sub3A_1596 : vector<16xi32> -> vector<16xf32>
      %mul3A_1598 = arith.constant 5.000000e-01 : f32
      %mul3A_1599 = vector.broadcast %mul3A_1598 : f32 to vector<16xf32>
      %mul3A_1600 = arith.mulf %mul3A_1599, %add3A_1589 : vector<16xf32>
      %mul3A_1601 = arith.mulf %mul3A_1600, %bitcast_convert_type3A_1597 : vector<16xf32>
      %mul3A_1602 = arith.mulf %mul3A_1601, %bitcast_convert_type3A_1597 : vector<16xf32>
      %sub3A_1603 = arith.constant 1.500000e+00 : f32
      %sub3A_1604 = vector.broadcast %sub3A_1603 : f32 to vector<16xf32>
      %sub3A_1605 = arith.subf %sub3A_1604, %mul3A_1602 : vector<16xf32>
      %mul3A_1606 = arith.mulf %bitcast_convert_type3A_1597, %sub3A_1605 : vector<16xf32>
      %mul3A_1607 = arith.mulf %mul3A_1600, %mul3A_1606 : vector<16xf32>
      %mul3A_1608 = arith.mulf %mul3A_1607, %mul3A_1606 : vector<16xf32>
      %sub3A_1609 = arith.constant 1.500000e+00 : f32
      %sub3A_1610 = vector.broadcast %sub3A_1609 : f32 to vector<16xf32>
      %sub3A_1611 = arith.subf %sub3A_1610, %mul3A_1608 : vector<16xf32>
      %mul3A_1612 = arith.mulf %mul3A_1606, %sub3A_1611 : vector<16xf32>
      %mul3A_1613 = arith.mulf %mul3A_1600, %mul3A_1612 : vector<16xf32>
      %mul3A_1614 = arith.mulf %mul3A_1613, %mul3A_1612 : vector<16xf32>
      %sub3A_1615 = arith.constant 1.500000e+00 : f32
      %sub3A_1616 = vector.broadcast %sub3A_1615 : f32 to vector<16xf32>
      %sub3A_1617 = arith.subf %sub3A_1616, %mul3A_1614 : vector<16xf32>
      %mul3A_1618 = arith.mulf %mul3A_1612, %sub3A_1617 : vector<16xf32>
      %mul3A_1619 = arith.mulf %add3A_1589, %mul3A_1618 : vector<16xf32>
      %reduce_sum3A_1620 = arith.constant true
      %reduce_sum3A_1621 = vector.broadcast %reduce_sum3A_1620 : i1 to vector<16xi1>
      %reduce_sum3A_1622 = tpu.scan <sum>, %mul3A_1619 masked %reduce_sum3A_1621 : vector<16xf32>, vector<16xi1> -> vector<16xf32>
      %reduce_sum3A_1623 = vector.extract %reduce_sum3A_1622[15] : f32 from vector<16xf32>
      %reduce_min3A_1624 = arith.constant true
      %reduce_min3A_1625 = vector.broadcast %reduce_min3A_1624 : i1 to vector<16xi1>
      %reduce_min3A_1626 = tpu.scan <min>, %mul3A_1619 masked %reduce_min3A_1625 : vector<16xf32>, vector<16xi1> -> vector<16xf32>
      %reduce_min3A_1627 = vector.extract %reduce_min3A_1626[15] : f32 from vector<16xf32>
      %sub3A_1628 = arith.subf %reduce_sum3A_1623, %reduce_min3A_1627 : f32
      %mul3A_1629 = arith.constant 0.0666666701 : f32
      %mul3A_1630 = arith.mulf %sub3A_1628, %mul3A_1629 : f32
      %add3A_1631 = arith.addf %add3A_1584, %mul3A_1630 : f32
      %mul3A_1632 = arith.mulf %mul3A_1630, %mul3A_1630 : f32
      %add3A_1633 = arith.addf %add3A_1586, %mul3A_1632 : f32
      scf.yield %add3A_1631, %add3A_1633 : f32, f32
    }
    %scan3A_50 = arith.constant 64 : i32
    %iota3A = tpu.iota {dimensions = array<i32: 0>} : vector<16xi32>
    %eq3A_51 = arith.constant 0 : i32
    %eq3A_52 = vector.broadcast %eq3A_51 : i32 to vector<16xi32>
    %eq3A_53 = arith.cmpi eq, %iota3A, %eq3A_52 : vector<16xi32>
    %eq3A_54 = arith.constant 1 : i32
    %eq3A_55 = vector.broadcast %eq3A_54 : i32 to vector<16xi32>
    %eq3A_56 = arith.cmpi eq, %iota3A, %eq3A_55 : vector<16xi32>
    %jit3A_57 = arith.constant 0.000000e+00 : f32
    %broadcast_in_dim3A_58 = vector.broadcast %scan3A_49#1 : f32 to vector<16xf32>
    %broadcast_in_dim3A_59 = vector.broadcast %jit3A_57 : f32 to vector<16xf32>
    %select_n3A_60 = arith.select %eq3A_56, %broadcast_in_dim3A_58, %broadcast_in_dim3A_59 : vector<16xi1>, vector<16xf32>
    %broadcast_in_dim3A_61 = vector.broadcast %scan3A_49#0 : f32 to vector<16xf32>
    %select_n3A_62 = arith.select %eq3A_53, %broadcast_in_dim3A_61, %select_n3A_60 : vector<16xi1>, vector<16xf32>
    %swap3A = arith.constant 0 : index
    %swap3A_63 = tpu.vector_load %arg11[%swap3A] {strides = array<i32>} : memref<16xf32, #tpu.memory_space<vmem>>, vector<16xf32>,
    tpu.vector_store %arg11[%swap3A], %select_n3A_62 {strides = array<i32>} : memref<16xf32, #tpu.memory_space<vmem>>, vector<16xf32>,
    "tpu.region"() ({
      %run_scoped3A = tpu.sem_alloc : memref<!tpu.dma_semaphore, #tpu.memory_space<semaphore_mem>>
      %dma_start3A = arith.constant 0 : i32
      %dma_start3A_64 = tpu.memref_slice %arg3[%add3A, %dma_start3A] : memref<32x16xf32, #tpu.memory_space<hbm>> -> memref<1x16xf32, #tpu.memory_space<hbm>>
      %dma_start3A_65 = tpu.memref_squeeze %dma_start3A_64 : memref<1x16xf32, #tpu.memory_space<hbm>> -> memref<16xf32, #tpu.memory_space<hbm>>
      %dma_start3A_66 = arith.constant 0 : i32
      %dma_start3A_67 = tpu.memref_slice %arg3[%add3A, %dma_start3A_66] : memref<32x16xf32, #tpu.memory_space<hbm>> -> memref<1x16xf32, #tpu.memory_space<hbm>>
      %dma_start3A_68 = tpu.memref_squeeze %dma_start3A_67 : memref<1x16xf32, #tpu.memory_space<hbm>> -> memref<16xf32, #tpu.memory_space<hbm>>
      tpu.enqueue_dma source(%arg11 : memref<16xf32, #tpu.memory_space<vmem>>) target(%dma_start3A_68 : memref<16xf32, #tpu.memory_space<hbm>>) target_semaphore(%run_scoped3A : memref<!tpu.dma_semaphore, #tpu.memory_space<semaphore_mem>>)
      %dma_wait3A = arith.constant 0 : i32
      %dma_wait3A_69 = tpu.memref_slice %arg3[%add3A, %dma_wait3A] : memref<32x16xf32, #tpu.memory_space<hbm>> -> memref<1x16xf32, #tpu.memory_space<hbm>>
      %dma_wait3A_70 = tpu.memref_squeeze %dma_wait3A_69 : memref<1x16xf32, #tpu.memory_space<hbm>> -> memref<16xf32, #tpu.memory_space<hbm>>
      %dma_wait3A_71 = arith.constant 0 : i32
      %dma_wait3A_72 = tpu.memref_slice %arg3[%add3A, %dma_wait3A_71] : memref<32x16xf32, #tpu.memory_space<hbm>> -> memref<1x16xf32, #tpu.memory_space<hbm>>
      %dma_wait3A_73 = tpu.memref_squeeze %dma_wait3A_72 : memref<1x16xf32, #tpu.memory_space<hbm>> -> memref<16xf32, #tpu.memory_space<hbm>>
      tpu.wait_dma2 semaphore(%run_scoped3A : memref<!tpu.dma_semaphore, #tpu.memory_space<semaphore_mem>>) src(%arg11 : memref<16xf32, #tpu.memory_space<vmem>>) dst(%dma_wait3A_73 : memref<16xf32, #tpu.memory_space<hbm>>)
      tpu.yield
    }) : () -> ()
    return
  }
}

</mosaic_0001>

<sc_bundles>
// kernel: kernel.3.cloned.1.call-start
scs
__scs_entry_jumppad:
0x0: {  	(pc) =	sbr.rel $0x88, $3  }
0x1: {  	(tag) =	ssettag $0x0;
	lr =	simm.s32 $0x1  }
0x2: {  	[smem:$0x3FA0] =	sst lr;
	_ =	strace $0xD0000000  }
0x3: {  	_ = 	snop  }
0x4: {  	_ = 	snop  }
0x5: {  	_ = 	snop  }
0x6: {  	_ = 	snop  }
0x7: {  	_ = 	snop  }
__scs_overlays_trampoline_lowered:
0x8: {  	[smem:$0x3FAF] =	sst s0  }
0x9: {  	[smem:$0x3FB0] =	sst s1  }
0xa: {  	[smem:$0x3FB1] =	sst s2  }
0xb: {  	[smem:$0x3FB2] =	sst s3  }
0xc: {  	[smem:$0x3FB3] =	sst s4  }
0xd: {  	[smem:$0x3FB4] =	sst s5  }
0xe: {  	[smem:$0x3FB5] =	sst s6  }
0xf: {  	[smem:$0x3FB6] =	sst s7  }
0x10: {  	[smem:$0x3FB7] =	sst s8  }
0x11: {  	[smem:$0x3FB8] =	sst s9;
	s0 =	simm.s32 @!p0 $0x0  }
0x12: {  	s1 =	sld [smem:$0x3F9E];
	s0 =	simm.s32 @p0 $0x1  }
0x13: {  	[smem:$0x3FB9] =	sst s0;
	s0 =	simm.s32 @!p1 $0x0  }
0x14: {  	s2 =	sld [smem:$0x3F9D];
	s0 =	simm.s32 @p1 $0x1  }
0x15: {  	[smem:$0x3FBA] =	sst s0;
	s0 =	simm.s32 @!p2 $0x0  }
0x16: {  	s3 =	sld [smem:$0x3FDB];
	s0 =	simm.s32 @p2 $0x1  }
0x17: {  	s4 =	simm.s32 $0x1BF5;
	[smem:$0x3FBC] =	sst s0  }
0x18: {  	s0 =	sld [smem:$0x3F9F];
	_ =	swait.ge [sflag:s4], $0x0  }
0x19: {  	s7 =	sld [smem:$0x3FA0]  }
0x1a: {  	s8 =	sadd.s32 $0xFFFFE003, lr  }
0x1b: {  	s9 =	sadd.s32 $0xFFFFFEF7, lr;
	s5 =	simm.s32 $0xFFFFFFFF;
	p2 =	slt.u32 s8, $0xFFFFF086  }
0x1c: {  	p1 =	slt.u32 s9, $0xF7A;
	s5 =	simm.s32 @!p2 $0x0  }
0x1d: {  	s5 =	simm.s32 @p1 $0x1;
	p0 =	seq.s32 s7, s2  }
0x1e: {  	s7 =	smul.u32 @!p0 $0xF7A, s2;
	p2 =	seq.s32 @!p0 s5, $0x0  }
0x1f: {  	s9 =	smul.u32 $0xF7A, s1;
	s8 =	simm.s32 @!p0 $0x1BF5;
	p2 =	por !p2, p0  }
0x20: {  	[sflag:s8] =	ssyncset.s32 @!p0 $0xFFFFF086;
	s6 =	sadd.s32 @!p0 s3, s7;
	s7 =	simm.s32 @!p0 $0x108  }
0x21: {  	s3 =	sadd.s32 s3, s9;
	s6 =	sadd.s32 @!p0 $0x88, s6;
	s7 =	simm.s32 @p2 $0x1082  }
0x22: {  	[simem:s7], [sflag:s8] =	dma.local @!p0 [hbm:s6], $0xF7A  }
0x23: {  	s9 =	sor.u32 $0xD0000000, s2;
	s6 =	simm.s32 $0x108;
	_ =	swait.ge @!p0 [sflag:s8], $0x0  }
0x24: {  	s3 =	sadd.s32 $0x88, s3;
	s6 =	simm.s32 @!p1 $0x1082;
	[sflag:s4] =	ssyncset.s32 $0xFFFFF086  }
0x25: {  	[simem:s6], [sflag:s4] =	dma.local [hbm:s3], $0xF7A  }
0x26: {  	[smem:$0x3FA0] =	sst s1;
	(tag) =	ssettag s2;
	_ =	strace s9  }
0x27: {  	s1 =	sld [smem:$0x3FB0]  }
0x28: {  	s2 =	sld [smem:$0x3FB1]  }
0x29: {  	s4 =	sld [smem:$0x3FB3]  }
0x2a: {  	p0 =	seq.s32 s5, $0x0;
	s5 =	sld [smem:$0x3FB4]  }
0x2b: {  	s6 =	sld [smem:$0x3FB5]  }
0x2c: {  	s7 =	sld [smem:$0x3FB6]  }
0x2d: {  	s3 =	simm.s32 $0x108;
	s8 =	sld [smem:$0x3FB7]  }
0x2e: {  	s3 =	simm.s32 @!p0 $0x1082;
	s9 =	sld [smem:$0x3FB8]  }
0x2f: {  	lr =	sadd.s32 s0, s3;
	s0 =	sld [smem:$0x3FAF]  }
0x30: {  	s3 =	sld [smem:$0x3FB2]  }
0x31: {  	[smem:$0x3FBB] =	sst s10  }
0x32: {  	s10 =	sld [smem:$0x3FB9];
	_ =	sdelay $0x3  }
0x33: {  	p0 =	seq.s32 s10, $0x1;
	s10 =	sld [smem:$0x3FBB];
	_ =	sdelay $0x3  }
0x34: {  	[smem:$0x3FBB] =	sst s10  }
0x35: {  	s10 =	sld [smem:$0x3FBA];
	_ =	sdelay $0x3  }
0x36: {  	p1 =	seq.s32 s10, $0x1;
	s10 =	sld [smem:$0x3FBB];
	_ =	sdelay $0x3  }
0x37: {  	[smem:$0x3FBB] =	sst s10  }
0x38: {  	s10 =	sld [smem:$0x3FBC]  }
0x39: {  	_ = 	snop;
	(pc) =	sbr.ind lr, $3  }
0x3a: {  	_ = 	snop  }
0x3b: {  	_ = 	snop  }
0x3c: {  	p2 =	seq.s32 s10, $0x1;
	s10 =	sld [smem:$0x3FBB]  }
0x3d: {  	_ =	shalt  }
0x3e: {  	_ =	shalt  }
0x3f: {  	_ =	shalt  }
0x40: {  	_ =	shalt  }
0x41: {  	_ =	shalt  }
0x42: {  	_ =	shalt  }
0x43: {  	_ =	shalt  }
0x44: {  	_ =	shalt  }
0x45: {  	_ =	shalt  }
0x46: {  	_ =	shalt  }
0x47: {  	_ =	shalt  }
0x48: {  	_ =	shalt  }
0x49: {  	_ =	shalt  }
0x4a: {  	_ =	shalt  }
0x4b: {  	_ =	shalt  }
0x4c: {  	_ =	shalt  }
0x4d: {  	_ =	shalt  }
0x4e: {  	_ =	shalt  }
0x4f: {  	_ =	shalt  }
0x50: {  	_ =	shalt  }
0x51: {  	_ =	shalt  }
0x52: {  	_ =	shalt  }
0x53: {  	_ =	shalt  }
0x54: {  	_ =	shalt  }
0x55: {  	_ =	shalt  }
0x56: {  	_ =	shalt  }
0x57: {  	_ =	shalt  }
0x58: {  	_ =	shalt  }
0x59: {  	_ =	shalt  }
0x5a: {  	_ =	shalt  }
0x5b: {  	_ =	shalt  }
0x5c: {  	_ =	shalt  }
0x5d: {  	_ =	shalt  }
0x5e: {  	_ =	shalt  }
0x5f: {  	_ =	shalt  }
0x60: {  	_ =	shalt  }
0x61: {  	_ =	shalt  }
0x62: {  	_ =	shalt  }
0x63: {  	_ =	shalt  }
0x64: {  	_ =	shalt  }
0x65: {  	_ =	shalt  }
0x66: {  	_ =	shalt  }
0x67: {  	_ =	shalt  }
0x68: {  	_ =	shalt  }
0x69: {  	_ =	shalt  }
0x6a: {  	_ =	shalt  }
0x6b: {  	_ =	shalt  }
0x6c: {  	_ =	shalt  }
0x6d: {  	_ =	shalt  }
0x6e: {  	_ =	shalt  }
0x6f: {  	_ =	shalt  }
0x70: {  	_ =	shalt  }
0x71: {  	_ =	shalt  }
0x72: {  	_ =	shalt  }
0x73: {  	_ =	shalt  }
0x74: {  	_ =	shalt  }
0x75: {  	_ =	shalt  }
0x76: {  	_ =	shalt  }
0x77: {  	_ =	shalt  }
0x78: {  	_ =	shalt  }
0x79: {  	_ =	shalt  }
0x7a: {  	_ =	shalt  }
0x7b: {  	_ =	shalt  }
0x7c: {  	_ =	shalt  }
0x7d: {  	_ =	shalt  }
0x7e: {  	_ =	shalt  }
0x7f: {  	_ =	shalt  }
0x80: {  	_ =	shalt  }
0x81: {  	_ =	shalt  }
0x82: {  	_ =	shalt  }
0x83: {  	_ =	shalt  }
0x84: {  	_ =	shalt  }
0x85: {  	_ =	shalt  }
0x86: {  	_ =	shalt  }
0x87: {  	_ =	shalt  }
.Lfunc_end0:
.L_simem_size_0:
called_computation_lowered:
.L_overlay_start_0:
0x88: {  	s2 =	sld [smem:$0x3FD9]  }
0x89: {  	s3 =	sld [smem:$0x3FFE];
	_ =	sdelay $0x1  }
0x8a: {  	s1 =	srdreg.scid  }
0x8b: {  	s0 =	sand.u32 $0x1, s1  }
0x8c: {  	s16 =	sshll.u32 s0, $0xA;
	s2 =	sadd.s32 s3, s2  }
0x8d: {  	s2 =	sadd.s32 s2, s16  }
0x8e: {  	[smem:$0x3FC7] =	sst s2  }
0x8f: {  	_ = 	snop  }
0x90: {  	(tm) =	ssettm $0x1  }
0x91: {  	s17 =	sld [smem:$0x3FFB];
	_ =	sdelay $0x3  }
0x92: {  	_ =	strace s17  }
0x93: {  	s2 =	sld [smem:$0x3FFC];
	_ =	sdelay $0x3  }
0x94: {  	_ =	strace s2  }
0x95: {  	s2 =	sld [smem:$0x3FFD];
	_ =	sdelay $0x3  }
0x96: {  	_ =	strace s2  }
0x97: {  	_ =	strace $0x8FFFFFFF  }
0x98: {  	s18 =	sld [smem:$0x3FDB];
	_ =	sdelay $0x1  }
0x99: {  	s19 =	simm.s32 $_scs_section_size  }
0x9a: {  	s4 =	simm.s32 $_size__tile_overlayer_lowered;
	s5 =	simm.s32 $_tile_overlayer_lowered  }
0x9b: {  	s22 =	simm.s32 $0x1BFF;
	s21 =	sshll.u32 s5, $0x1;
	s2 =	sadd.s32 s19, s18  }
0x9c: {  	s6 =	simm.s32 $0x0;
	s20 =	sshll.u32 s4, $0x1;
	s4 =	sadd.s32 s21, s2  }
0x9d: {  	[timem:s6], [sflag:s22] =	dma.local [hbm:s4], s20  }
0x9e: {  	_ =	swait.ge [sflag:s22], s20  }
0x9f: {  	s3 =	ssub.s32 $0x0, s20;
	[sflag:s22] =	ssyncset.done $0x0  }
0xa0: {  	[sflag:s22] =	ssyncadd.s32 s3;
	_ =	sdelay $0x1  }
0xa1: {  	s23 =	simm.s32 $0x1B8B  }
0xa2: {  	_ =	swait.ge [sflag:s23], $0x1  }
0xa3: {  	[sflag:s23] =	ssyncset.done $0x0  }
0xa4: {  	s25 =	simm.s32 $0x1B8E;
	s24 =	sld [smem:$0x3FFE];
	[sflag:s23] =	ssyncadd.s32 $0xFFFFFFFF  }
0xa5: {  	s26 =	simm.s32 $execute0_lowered;
	[smem:$0x3FD2] =	sst s25  }
0xa6: {  	s4 =	sshll.u32 s26, $0x1;
	_ =	strace $0x80000046;
	[dreg:$0x1] =	wrdreg $0xFFFFFFFF  }
0xa7: {  	s28 =	simm.s32 $_size_execute0_lowered;
	s2 =	sadd.s32 s2, s4;
	[dreg:$0x0] =	wrdreg $0x0  }
0xa8: {  	s4 =	sshll.u32 s28, $0x1;
	[dreg:$0x2] =	wrdreg s2  }
0xa9: {  	[dreg:$0x3] =	wrdreg s4  }
0xaa: {  	[dreg:$0x4] =	wrdreg $0xC0  }
0xab: {  	_ =	task [dreg:s6], $0x5FFFF  }
0xac: {  	[dreg:$0x1] =	wrdreg $0xFFFFFFFF  }
0xad: {  	[dreg:$0x0] =	wrdreg $0x60  }
0xae: {  	[dreg:$0x2] =	wrdreg s24  }
0xaf: {  	[dreg:$0x3] =	wrdreg $0x9  }
0xb0: {  	_ =	task.clear_ibuf [dreg:s6], $0x4FFFF;
	_ =	strace $0x90000046  }
0xb1: {  	s29 =	simm.s32 $0x9;
	_ =	strace $0x80000048  }
0xb2: {  	_ =	swait.ge [sflag:s29], $0x1  }
0xb3: {  	[sflag:s29] =	ssyncadd.s32 $0xFFFFFFFF  }
0xb4: {  	_ =	strace $0x90000048  }
0xb5: {  	_ =	sfence  }
0xb6: {  	s30 =	sld [smem:$0x0];
	_ =	sdelay $0x2  }
0xb7: {  	s31 =	sshll.u32 s1, $0xD;
	s1 =	sshrl.u32 s1, $0x2  }
0xb8: {  	s3 =	sand.u32 $0x4000, s31;
	s1 =	sadd.s32 s1, s30  }
0xb9: {  	s0 =	sor.u32 s3, s0;
	s1 =	sshll.u32 s1, $0x11  }
0xba: {  	s0 =	sor.u32 s1, s0  }
0xbb: {  	s0 =	sadd.s32 $0x8F2B, s0  }
0xbc: {  	[sflag:s0] =	ssyncadd.remote.s32 $0x1  }
0xbd: {  	_ =	sfence.sel $0xFFFF  }
0xbe: {  	[dreg:$0x0] =	wrdreg $0xFFFFFFFF;
	(pc) =	sbr.abs _section_cstart, $3  }
0xbf: {  	[dreg:$0x1] =	wrdreg $0xFFFFFFFF  }
0xc0: {  	_ =	task.clear_ibuf [dreg:s6], $0x2FFFF;
	_ =	strace $0x9FFFFFFF  }
0xc1: {  	(tm) =	ssettm $0x7FFFFFFF  }
tec
execute0_lowered:
.L_overlay_start_1:
0x0: {  	(tag) =	ssettag $0x1  }
0x1: {  	s1 =	srdreg.scid;
	s0 =	stileid.u32  }
0x2: {  	s5 =	rddreg [dreg:$0x0];
	s4 =	sand.u32 $0x1, s1;
	s28 =	sshll.u32 s0, $0x1  }
0x3: {  	s2 =	simm.s32 $0x0;
	s6 =	simm.s32 $0x1;
	s3 =	sor.u32 s4, s28  }
0x4: {  	s1 =	rddreg [dreg:$0x1];
	p1 =	seq.s32 s4, $0x1;
	p0 =	seq.s32 s3, $0x0  }
0x5: {  	[smem:$0x7FF] =	sst s2;
	s7 =	sadd.s32 $0x600, s5;
	p0 =	por !p0, !p1  }
0x6: {  	_ =	strace $0x80000047;
	s8 =	ssub.s32 $0x2, s4;
	p0 =	por !p0, !p0  }
0x7: {  	s12 =	sshll.u32 s4, $0xA;
	s3 =	sshll.u32 s3, $0x4;
	s6 =	simm.s32 @!p0 $0x0  }
0x8: {  	s9 =	sshrl.u32 s8, $0x1;
	v1 =	vmov s12;
	s12 =	simm.s32 $0x0;
	s6 =	ssub.s32 s0, s6  }
0x9: {  	s10 =	sadd.s32 s3, s5;
	s8 =	ssub.s32 s8, s9;
	s6 =	smul.u32 $0x1800, s6  }
.Ltmp0:
0xa: {  	s3 =	simm.s32 $0x1;
	s9 =	simm.s32 $0x800;
	(pc) =	sbr.rel .LBB2_1-.Ltmp0, $4  }
0xb: {  	v0 =	vlaneseq.u32;
	s8 =	smax.u32 s8, $0x1;
	s29 =	sadd.s32 $0x800, s6;
	s30 =	sadd.s32 $0x1000, s6  }
0xc: {  	v0 =	vmul.u32 $0xFFFFFFFF, v0;
	s6 =	sshrl.u32 s6, $0x3;
	s31 =	sshrl.u32 s29, $0x3;
	s11 =	sshrl.u32 s30, $0x3  }
0xd: {  	s4 =	sadd.s32 s7, s6;
	s5 =	sadd.s32 s7, s31;
	s6 =	sadd.s32 s7, s11  }
0xe: {  	vm0 =	vcmask $0x300;
	vm1 =	vcmask $0x704;
	v0 =	vadd.s32 $0xF, v0;
	s7 =	sadd.s32 $0x3600, s10;
	s10 =	simm.s32 $0x1000;
	s11 =	simm.s32 $0x3900  }
.LBB2_116:
0xf: {  	v2 =	vmov s15  }
0x10: {  	s12 =	sadd.s32 $0x1, s12;
	v2 =	vnsel vm0, $0x0, v2  }
0x11: {  	p0 =	sne.s32 s12, s8;
	v2 =	vsel vm1, s14, v2  }
.Ltmp1:
0x12: {  	[tilespmem:$0x3900] =	vst v2;
	(pc) =	sbr.rel @!p0 .LBB2_117-.Ltmp1, $4  }
0x13: {  	[hbm4b:s7+s2] =	stream.linear.scatter [tilespmem:s11], [sflag:$0x1], $0x80, $0x38;
	[tilespmem:$0x3980] =	vst v63  }
0x14: {  	_ =	swait.ge [sflag:s3], $0x80  }
0x15: {  	[sflag:s3] =	ssyncset.done $0x0  }
0x16: {  	[sflag:s3] =	ssyncadd.s32 $0xFFFFFF80  }
.LBB2_1:
0x17: {  	[tilespmem:s2], [sflag:$0x1] =	stream.linear.gather [hbm4b:s4+s2], $0x800, $0x38;
	[tilespmem:$0x3980] =	vst v63  }
0x18: {  	_ =	swait.ge [sflag:s3], $0x800  }
0x19: {  	[sflag:s3] =	ssyncset.done $0x0  }
0x1a: {  	[sflag:s3] =	ssyncadd.s32 $0xFFFFF800  }
0x1b: {  	[tilespmem:s9], [sflag:$0x1] =	stream.linear.gather [hbm4b:s5+s2], $0x800, $0x38;
	[tilespmem:$0x3980] =	vst v63  }
0x1c: {  	_ =	swait.ge [sflag:s3], $0x800  }
0x1d: {  	[sflag:s3] =	ssyncset.done $0x0  }
.Ltmp2:
0x1e: {  	[sflag:s3] =	ssyncadd.s32 $0xFFFFF800;
	(pc) =	sbr.rel .LBB2_2-.Ltmp2, $4  }
0x1f: {  	[tilespmem:s10], [sflag:$0x1] =	stream.linear.gather [hbm4b:s6+s2], $0x800, $0x38;
	[tilespmem:$0x3980] =	vst v63  }
0x20: {  	_ =	swait.ge [sflag:s3], $0x800  }
0x21: {  	s14 =	simm.f32 $0.0e+00;
	[sflag:s3] =	ssyncset.done $0x0  }
0x22: {  	s15 =	simm.f32 $0.0e+00;
	s13 =	simm.s32 $0x0;
	[sflag:s3] =	ssyncadd.s32 $0xFFFFF800  }
.LBB2_105:
0x23: {  	v3 =	vimm.f32 $+Inf  }
.LBB2_115:
0x24: {  	v4 =	vshrl.u32 v2, $0x1;
	v5 =	vmul.f32 $5.000000000e-01, v2  }
0x25: {  	v4 =	vsub.s32 $0x5F3759DF, v4  }
0x26: {  	v6 =	vmul.f32 v4, v5  }
0x27: {  	v7 =	vshrl.u32 v3, $0x1;
	v8 =	vmul.f32 $5.000000000e-01, v3  }
0x28: {  	v7 =	vsub.s32 $0x5F3759DF, v7;
	v6 =	vmul.f32 v4, v6  }
0x29: {  	v9 =	vmul.f32 v7, v8  }
0x2a: {  	v6 =	vsub.f32 $1.500000000e+00, v6  }
0x2b: {  	v9 =	vmul.f32 v7, v9  }
0x2c: {  	v4 =	vmul.f32 v4, v6  }
0x2d: {  	v57 =	vsub.f32 $1.500000000e+00, v9  }
0x2e: {  	v58 =	vmul.f32 v4, v5  }
0x2f: {  	v6 =	vmul.f32 v7, v57  }
0x30: {  	v59 =	vmul.f32 v58, v4  }
0x31: {  	v60 =	vmul.f32 v6, v8  }
0x32: {  	v7 =	vsub.f32 $1.500000000e+00, v59  }
0x33: {  	v9 =	vmul.f32 v60, v6  }
0x34: {  	v4 =	vmul.f32 v7, v4  }
0x35: {  	v61 =	vsub.f32 $1.500000000e+00, v9  }
0x36: {  	v5 =	vmul.f32 v4, v5  }
0x37: {  	v6 =	vmul.f32 v61, v6  }
0x38: {  	v5 =	vmul.f32 v5, v4  }
0x39: {  	v7 =	vmul.f32 v6, v8  }
0x3a: {  	v5 =	vsub.f32 $1.500000000e+00, v5  }
0x3b: {  	v7 =	vmul.f32 v7, v6  }
0x3c: {  	v4 =	vmul.f32 v5, v4  }
0x3d: {  	v62 =	vsub.f32 $1.500000000e+00, v7  }
0x3e: {  	v2 =	vmul.f32 v4, v2  }
0x3f: {  	v63 =	vmul.f32 v62, v6  }
0x40: {  	(xrf2) =	vadd.scan.msk.f32 $0xffff, v2  }
0x41: {  	v3 =	vmul.f32 v63, v3;
	_ =	sdelay $0x1  }
0x42: {  	(xrf2) =	vadd.scan.msk.f32 $0xffff, v3;
	_ =	sdelay $0x1  }
0x43: {  	(xrf0) =	vmin.scan.msk.f32 $0xffff, v2;
	_ =	sdelay $0x2  }
0x44: {  	(xrf0) =	vmin.scan.msk.f32 $0xffff, v3;
	_ =	sdelay $0x1  }
0x45: {  	v2, _, _ =	vpop (xrf2)  }
0x46: {  	v3, _, _ =	vpop (xrf0);
	(v2sf) =	vpush v2, $0xF  }
0x47: {  	(v2sf) =	vpush v3, $0xF  }
0x48: {  	v2, _, _ =	vpop (xrf2)  }
0x49: {  	(v2sf) =	vpush v2, $0xF;
	v2, _, _ =	vpop (xrf0)  }
0x4a: {  	(v2sf) =	vpush v2, $0xF;
	_ =	sdelay $0x7  }
0x4b: {  	s16 =	ssub.f32 s16, s17;
	_ =	sdelay $0x1  }
0x4c: {  	s16 =	smul.f32 $6.666667010e-02, s16  }
0x4d: {  	s18 =	ssub.f32 s18, s19;
	s23 =	spop (v2sf)  }
0x4e: {  	s14 =	sadd.f32 s16, s14;
	s24 =	spop (v2sf)  }
0x4f: {  	s26 =	smul.f32 $6.666667010e-02, s18;
	s17 =	ssub.f32 s23, s24  }
0x50: {  	s16 =	smul.f32 s16, s16;
	s25 =	spop (v2sf)  }
0x51: {  	s28 =	spop (v2sf);
	s17 =	smul.f32 $6.666667010e-02, s17  }
0x52: {  	s29 =	smul.f32 s26, s26;
	s18 =	ssub.f32 s25, s28  }
0x53: {  	s13 =	sadd.s32 $0x1, s13;
	s15 =	sadd.f32 s16, s15;
	s30 =	smul.f32 s17, s17  }
0x54: {  	p0 =	sne.s32 s13, $0x40;
	s14 =	sadd.f32 s26, s14;
	s18 =	smul.f32 $6.666667010e-02, s18  }
.Ltmp3:
0x55: {  	s15 =	sadd.f32 s29, s15;
	(pc) =	sbr.rel @!p0 .LBB2_116-.Ltmp3, $4  }
0x56: {  	s14 =	sadd.f32 s17, s14  }
0x57: {  	s16 =	sadd.f32 s30, s15;
	s31 =	smul.f32 s18, s18  }
0x58: {  	s15 =	sadd.f32 s18, s14  }
0x59: {  	s14 =	sadd.f32 s31, s16  }
.LBB2_2:
0x5a: {  	_ =	sdelay $0x2  }
0x5b: {  	s16 =	sshll.u32 s13, $0x4  }
0x5c: {  	v4 =	vld.idx.msk [tilespmem:v1+s16+$0x0 ss:$0x1], $0xffff  }
0x5d: {  	v2 =	vld.idx.msk [tilespmem:v1+s16+$0x800 ss:$0x1], $0xffff  }
0x5e: {  	s17 =	simm.s32 $0x0;
	v3 =	vld.idx.msk [tilespmem:v1+s16+$0x1000 ss:$0x1], $0xffff  }
0x5f: {  	v12 =	vld [tilespmem:s17+$0x0]  }
0x60: {  	v13 =	vld [tilespmem:s17+$0x800]  }
0x61: {  	v14 =	vld [tilespmem:s17+$0x1000]  }
0x62: {  	s16 =	simm.s32 $0x10  }
0x63: {  	v18 =	vld [tilespmem:s16+$0x800];
	v7 =	vbroadcast v4, $0x1;
	v6 =	vbroadcast v2, $0x1  }
0x64: {  	v11 =	vbroadcast v4, $0x0;
	v8 =	vbroadcast v3, $0x1  }
0x65: {  	s18 =	simm.s32 $0x20;
	v15 =	vld [tilespmem:s16+$0x0];
	v9 =	vbroadcast v2, $0x0;
	v16 =	vsub.f32 v12, v7;
	v17 =	vsub.f32 v13, v6  }
0x66: {  	v23 =	vld [tilespmem:s18+$0x1000];
	v10 =	vbroadcast v3, $0x0;
	v12 =	vsub.f32 v12, v11;
	v19 =	vsub.f32 v14, v8  }
0x67: {  	v13 =	vsub.f32 v13, v9;
	v16 =	vmul.f32 v16, v16;
	v17 =	vmul.f32 v17, v17  }
0x68: {  	v5 =	vimm.f32 $+Inf;
	v20 =	vld [tilespmem:s16+$0x1000];
	v14 =	vsub.f32 v14, v10;
	v22 =	vsub.f32 v18, v6  }
0x69: {  	v12 =	vmul.f32 v12, v12;
	v16 =	vadd.f32 v17, v16;
	v17 =	vmul.f32 v19, v19  }
0x6a: {  	v21 =	vld [tilespmem:s18+$0x0];
	v13 =	vmul.f32 v13, v13;
	v19 =	vsub.f32 v15, v11;
	v15 =	vsub.f32 v15, v7  }
0x6b: {  	v28 =	vsub.f32 v23, v8;
	v24 =	vmul.f32 v14, v14;
	v14 =	vadd.f32 v17, v16;
	v16 =	vld [tilespmem:s18+$0x800]  }
0x6c: {  	v22 =	vmul.f32 v22, v22;
	v26 =	vadd.f32 v13, v12;
	v15 =	vmul.f32 v15, v15  }
0x6d: {  	v17 =	vsub.f32 v18, v9;
	v18 =	vsub.f32 v20, v8;
	v19 =	vmul.f32 v19, v19  }
0x6e: {  	v20 =	vsub.f32 v20, v10;
	v25 =	vmin.f32 v5, v14;
	v12 =	vadd.f32 v22, v15  }
0x6f: {  	s19 =	simm.s32 $0x30;
	v15 =	vmul.f32 v18, v18;
	v22 =	vmul.f32 v17, v17;
	v18 =	vsub.f32 v21, v11;
	[tilespmem:s17+$0x2000] =	vst v14  }
0x70: {  	v21 =	vsub.f32 v21, v7;
	v13 =	vmul.f32 v20, v20;
	v17 =	vld [tilespmem:s19+$0x0];
	v20 =	vsub.f32 v16, v6  }
0x71: {  	v27 =	vadd.f32 v15, v12;
	v14 =	vmul.f32 v18, v18;
	v15 =	vsub.f32 v16, v9;
	v16 =	vld [tilespmem:s19+$0x800]  }
0x72: {  	v29 =	vmul.f32 v21, v21;
	v18 =	vld [tilespmem:s19+$0x1000];
	v21 =	vsub.f32 v23, v10;
	v30 =	vmul.f32 v20, v20  }
0x73: {  	v23 =	vmul.f32 v28, v28;
	v12 =	vmin.f32 v25, v27;
	v20 =	vadd.f32 v22, v19  }
0x74: {  	s20 =	simm.s32 $0x100;
	[tilespmem:s16+$0x2000] =	vst v27;
	v15 =	vmul.f32 v15, v15;
	v19 =	vadd.f32 v24, v26;
	v22 =	vadd.f32 v30, v29  }
.LBB2_3:
0x75: {  	s21 =	sshra.s32 s20, $0x2;
	v28 =	vsub.f32 v17, v11;
	v25 =	vsub.f32 v17, v7;
	v26 =	vmul.f32 v21, v21;
	v27 =	vmovc v20;
	p0 =	sne.s32 s20, $0x1FC0  }
.Ltmp4:
0x76: {  	s20 =	sadd.s32 $0x40, s20;
	v17 =	vld [tilespmem:s21+$0x0];
	v20 =	vsub.f32 v16, v6;
	v21 =	vadd.f32 v23, v22;
	[tilespmem:s17+$0x1800] =	vst v19;
	v5 =	vmin.f32 v5, v19;
	(pc) =	sbr.rel @p0 .LBB2_3-.Ltmp4, $4  }
0x77: {  	v19 =	vsub.f32 v16, v9;
	s17 =	smov.u32 s16;
	s16 =	smov.u32 s18;
	s18 =	smov.u32 s19;
	v16 =	vld [tilespmem:s21+$0x800];
	v22 =	vmul.f32 v28, v28;
	v23 =	vsub.f32 v18, v8;
	v24 =	vmovc v18  }
0x78: {  	s19 =	smov.u32 s21;
	v25 =	vmul.f32 v25, v25;
	v18 =	vld [tilespmem:s21+$0x1000];
	v28 =	vmul.f32 v20, v20;
	[tilespmem:s16+$0x2000] =	vst v21;
	v12 =	vmin.f32 v12, v21  }
0x79: {  	v21 =	vsub.f32 v24, v10;
	v20 =	vadd.f32 v15, v14;
	v15 =	vmul.f32 v19, v19;
	v14 =	vmovc v22  }
0x7a: {  	v19 =	vadd.f32 v13, v27;
	v13 =	vmovc v26;
	v23 =	vmul.f32 v23, v23;
	v22 =	vadd.f32 v28, v25  }
0x7b: {  	v11 =	vsub.f32 v17, v11;
	v7 =	vsub.f32 v17, v7  }
0x7c: {  	v14 =	vadd.f32 v15, v14;
	v9 =	vsub.f32 v16, v9  }
0x7d: {  	v62 =	vmul.f32 v21, v21;
	v13 =	vadd.f32 v13, v20;
	v6 =	vsub.f32 v16, v6  }
0x7e: {  	v11 =	vmul.f32 v11, v11;
	v10 =	vsub.f32 v18, v10;
	v9 =	vmul.f32 v9, v9  }
0x7f: {  	v63 =	vadd.f32 v23, v22;
	v7 =	vmul.f32 v7, v7;
	v6 =	vmul.f32 v6, v6  }
0x80: {  	v8 =	vsub.f32 v18, v8;
	v10 =	vmul.f32 v10, v10;
	v9 =	vadd.f32 v9, v11  }
0x81: {  	v5 =	vmin.f32 v5, v19;
	v6 =	vadd.f32 v6, v7;
	v7 =	vadd.f32 v62, v14  }
0x82: {  	v5 =	vmin.f32 v5, v13;
	v8 =	vmul.f32 v8, v8;
	v9 =	vadd.f32 v10, v9  }
0x83: {  	[tilespmem:s17+$0x1800] =	vst v19;
	v5 =	vmin.f32 v5, v7  }
0x84: {  	[tilespmem:s18+$0x2000] =	vst v63;
	v6 =	vadd.f32 v8, v6;
	v5 =	vmin.f32 v5, v9  }
0x85: {  	[tilespmem:s16+$0x1800] =	vst v13;
	(xrf0) =	vmax.scan.msk.f32 $0xffff, v5  }
0x86: {  	[tilespmem:s19+$0x2000] =	vst v6  }
0x87: {  	[tilespmem:s18+$0x1800] =	vst v7  }
0x88: {  	s30 =	simm.s32 $0x0;
	v7 =	vmin.f32 v12, v63;
	[tilespmem:s19+$0x1800] =	vst v9  }
0x89: {  	v5 =	vld [tilespmem:s30+$0x1800];
	_ =	sdelay $0x1  }
0x8a: {  	v6 =	vmin.f32 v7, v6;
	v7, _, _ =	vpop (xrf0)  }
0x8b: {  	v7 =	vbroadcast v7, $0xF  }
0x8c: {  	(xrf0) =	vmax.scan.msk.f32 $0xffff, v6  }
0x8d: {  	vm2 =	vle.f32 v5, v7  }
0x8e: {  	v6 =	vmpcnt.ones.xlane vm2;
	_ =	sdelay $0x1  }
0x8f: {  	v9 =	vld [tilespmem:s30+$0x2000];
	_ =	sdelay $0x1  }
0x90: {  	(v2sf) =	vpush v6, $0x0;
	v6, _, _ =	vpop (xrf0)  }
0x91: {  	v8 =	vbroadcast v6, $0xF  }
0x92: {  	s16 =	simm.s32 $0x0  }
0x93: {  	[tilespmem:s16+$0x2800] =	vst.msk vm2, v5;
	vm3 =	vle.f32 v9, v8  }
0x94: {  	[tilespmem:s16+$0x3080] =	vst.msk vm3, v9;
	v9 =	vmpcnt.ones.xlane vm3;
	_ =	sdelay $0x1  }
0x95: {  	(v2sf) =	vpush v9, $0x0;
	_ =	sdelay $0x2  }
0x96: {  	s31 =	simm.s32 $0x10  }
0x97: {  	v6 =	vld [tilespmem:s31+$0x1800]  }
0x98: {  	v5 =	vld [tilespmem:s31+$0x2000];
	_ =	sdelay $0x3  }
0x99: {  	vm3 =	vle.f32 v6, v7  }
0x9a: {  	vm2 =	vle.f32 v5, v8;
	v10 =	vmpcnt.ones.xlane vm3  }
0x9b: {  	v9 =	vmpcnt.ones.xlane vm2  }
0x9c: {  	(v2sf) =	vpush v10, $0x0  }
0x9d: {  	s17 =	simm.s32 $0x0;
	s18 =	simm.s32 $0x80;
	s19 =	spop (v2sf);
	(v2sf) =	vpush v9, $0x0  }
.LBB2_5:
0x9e: {  	s16 =	sadd.s32 s16, s19  }
0x9f: {  	s19 =	spop (v2sf);
	s20 =	smov.u32 s18;
	s21 =	sadd.s32 $0x40, s18  }
0xa0: {  	p0 =	sne.s32 s18, $0x1FC0;
	[tilespmem:s16+$0x2800] =	vst.msk vm3, v6;
	s17 =	sadd.s32 s17, s19  }
0xa1: {  	[tilespmem:s17+$0x3080] =	vst.msk vm2, v5  }
0xa2: {  	s18 =	sshra.s32 s20, $0x2  }
0xa3: {  	v6 =	vld [tilespmem:s18+$0x1800]  }
0xa4: {  	v5 =	vld [tilespmem:s18+$0x2000];
	_ =	sdelay $0x3  }
.Ltmp5:
0xa5: {  	vm3 =	vle.f32 v6, v7;
	(pc) =	sbr.rel @p0 .LBB2_5-.Ltmp5, $4  }
0xa6: {  	vm2 =	vle.f32 v5, v8;
	v9 =	vmpcnt.ones.xlane vm3  }
0xa7: {  	v10 =	vmpcnt.ones.xlane vm2  }
0xa8: {  	(v2sf) =	vpush v9, $0x0  }
0xa9: {  	s18 =	smov.u32 s21;
	(v2sf) =	vpush v10, $0x0;
	s19 =	spop (v2sf)  }
0xaa: {  	_ =	sdelay $0xb  }
0xab: {  	s18 =	spop (v2sf)  }
0xac: {  	s19 =	sadd.s32 s16, s19;
	s24 =	spop (v2sf)  }
0xad: {  	s20 =	sadd.s32 s19, s24  }
0xae: {  	s18 =	sadd.s32 s17, s18;
	s25 =	spop (v2sf);
	s16 =	sadd.s32 $0xF, s20  }
0xaf: {  	s22 =	sadd.s32 s18, s25;
	s21 =	sshra.s32 s16, $0x1F;
	s28 =	sand.u32 $0xF, s16  }
0xb0: {  	s23 =	sadd.s32 $0xF, s22;
	p0 =	slt.s32 s16, $0x1;
	s26 =	sshrl.u32 s21, $0x1C  }
0xb1: {  	p1 =	sne.s32 s28, $0x0;
	s29 =	sand.u32 $0xF, s23;
	p6 =	slt.s32 s23, $0x1  }
0xb2: {  	s31 =	sshra.s32 s23, $0x1F;
	s21 =	simm.s32 $0x1;
	p2 =	sne.s32 s29, $0x0  }
0xb3: {  	s17 =	sadd.s32 s26, s16;
	p0 =	por !p0, !p1;
	p1 =	por !p6, !p2  }
0xb4: {  	s30 =	sshra.s32 s17, $0x4;
	p0 =	por !p0, !p0;
	s17 =	sshrl.u32 s31, $0x1C  }
0xb5: {  	s17 =	sadd.s32 s17, s23;
	p1 =	por !p1, !p1;
	s23 =	simm.s32 $0x1  }
0xb6: {  	s21 =	simm.s32 @!p0 $0x0;
	s17 =	sshra.s32 s17, $0x4;
	s23 =	simm.s32 @!p1 $0x0  }
0xb7: {  	s16 =	ssub.s32 s30, s21;
	s17 =	ssub.s32 s17, s23  }
0xb8: {  	[tilespmem:s19+$0x2800] =	vst.msk vm3, v6;
	p0 =	sgt.s32 s16, s17;
	s19 =	smov.u32 s17  }
0xb9: {  	s19 =	smov.u32 @p0 s16  }
0xba: {  	p0 =	slt.s32 s19, $0x1  }
.Ltmp6:
0xbb: {  	_ = 	snop;
	(pc) =	sbr.rel @p0 .LBB2_16-.Ltmp6, $4  }
0xbc: {  	_ = 	snop  }
0xbd: {  	[tilespmem:s18+$0x3080] =	vst.msk vm2, v5;
	v5 =	vimm.f32 $+Inf  }
0xbe: {  	[tilespmem:s20+$0x2800] =	vst v5  }
0xbf: {  	v7 =	vimm.f32 $+Inf;
	v6 =	vimm.f32 $+Inf;
	[tilespmem:s22+$0x3080] =	vst v5  }
0xc0: {  	p2 =	sne.s32 s19, $0x1  }
.Ltmp7:
0xc1: {  	_ = 	snop;
	(pc) =	sbr.rel @!p2 .LBB2_8-.Ltmp7, $4  }
0xc2: {  	_ = 	snop  }
0xc3: {  	s18 =	simm.s32 $0x2800  }
0xc4: {  	s21 =	simm.s32 $0x0;
	s22 =	simm.s32 $0x3080;
	v6 =	vld [tilespmem:s18+$0x0]  }
0xc5: {  	s20 =	simm.s32 $0x1;
	p0 =	por $0x0, $0x0;
	p1 =	por $0x0, $0x0;
	v7 =	vld [tilespmem:s22+$0x0]  }
0xc6: {  	_ =	sdelay $0x2  }
0xc7: {  	(xrf1) =	vsort.ascd.msk.f32 $0xffff, v6, v6  }
0xc8: {  	(xrf1) =	vsort.ascd.msk.f32 $0xffff, v7, v7;
	_ =	sdelay $0x9  }
0xc9: {  	p2 =	sne.s32 s19, $0x2  }
.Ltmp8:
0xca: {  	_ = 	snop;
	(pc) =	sbr.rel @!p2 .LBB2_10-.Ltmp8, $4  }
0xcb: {  	_ = 	snop  }
0xcc: {  	s18 =	simm.s32 $0x2810;
	v8, _, _ =	vpop (xrf1)  }
0xcd: {  	s22 =	simm.s32 $0x3090;
	v6 =	vld [tilespmem:s18+$0x0];
	v9, _, _ =	vpop (xrf1)  }
0xce: {  	p0 =	por $0x1, $0x1;
	s18 =	simm.s32 $0x2;
	v7 =	vld [tilespmem:s22+$0x0];
	v8 =	vperm.xlane v8, v0;
	v11 =	vperm.xlane v9, v0  }
0xcf: {  	_ =	sdelay $0x2  }
0xd0: {  	(xrf1) =	vsort.ascd.msk.f32 $0xffff, v6, v6;
	_ =	sdelay $0xb  }
0xd1: {  	v6 =	vmin.f32 v5, v11;
	(xrf1) =	vsort.ascd.msk.f32 $0xffff, v7, v7  }
0xd2: {  	v7 =	vmin.f32 v5, v8;
	(xrf1) =	vsort.ascd.msk.f32 $0xffff, v6, v6  }
0xd3: {  	v8, _, _ =	vpop (xrf1);
	(xrf1) =	vsort.ascd.msk.f32 $0xffff, v7, v7;
	_ =	sdelay $0x7  }
0xd4: {  	s21 =	simm.s32 $0x2820;
	p4 =	sne.s32 s19, $0x3  }
.Ltmp9:
0xd5: {  	s23 =	simm.s32 $0x30A0;
	v6 =	vld [tilespmem:s21+$0x0];
	(pc) =	sbr.rel @!p4 .LBB2_12-.Ltmp9, $3  }
0xd6: {  	v7 =	vld [tilespmem:s23+$0x0];
	_ =	sdelay $0x1  }
0xd7: {  	s22 =	simm.s32 $0x3;
	v10 =	vimm.f32 $+Inf;
	v9, _, _ =	vpop (xrf1)  }
0xd8: {  	p2 =	sgt.s32 s16, $0x0;
	p3 =	sgt.s32 s17, $0x0;
	p1 =	por $0x1, $0x1;
	v8 =	vperm.xlane v8, v0;
	v11 =	vperm.xlane v9, v0;
	v12, _, _ =	vpop (xrf1);
	v9 =	vimm.f32 $+Inf  }
.LBB2_13:
0xd9: {  	(xrf1) =	vsort.ascd.msk.f32 $0xffff, v6, v6;
	v9 =	vpsel p3, v12, v9;
	v6, _, _ =	vpop (xrf1);
	s24 =	smov.u32 s18;
	s18 =	smov.u32 s22;
	s22 =	sadd.s32 $0x1, s22  }
0xda: {  	p4 =	sne.s32 s19, s22;
	(xrf1) =	vsort.ascd.msk.f32 $0xffff, v7, v7;
	v7 =	vmin.f32 v9, v11;
	v10 =	vpsel p2, v6, v10  }
0xdb: {  	v6 =	vmin.f32 v10, v8;
	(xrf1) =	vsort.ascd.msk.f32 $0xffff, v7, v7  }
0xdc: {  	(xrf1) =	vsort.ascd.msk.f32 $0xffff, v6, v6;
	_ =	sdelay $0x7  }
0xdd: {  	s21 =	sadd.s32 $0x10, s21  }
.Ltmp10:
0xde: {  	s23 =	sadd.s32 $0x10, s23;
	v6 =	vld [tilespmem:s21+$0x0];
	(pc) =	sbr.rel @p4 .LBB2_13-.Ltmp10, $4  }
0xdf: {  	v7 =	vld [tilespmem:s23+$0x0]  }
0xe0: {  	v8, _, _ =	vpop (xrf1)  }
0xe1: {  	v8 =	vperm.xlane v8, v0;
	v11, _, _ =	vpop (xrf1)  }
0xe2: {  	p3 =	slt.s32 s20, s17;
	p2 =	slt.s32 s20, s16;
	s20 =	smov.u32 s24;
	v11 =	vperm.xlane v11, v0;
	v12, _, _ =	vpop (xrf1)  }
0xe3: {  	s21 =	smov.u32 s20  }
.LBB2_15:
0xe4: {  	p3 =	por !p3, !p1  }
0xe5: {  	v9 =	vpsel p3, v9, v12  }
0xe6: {  	(xrf1) =	vsort.ascd.msk.f32 $0xffff, v6, v6;
	v9 =	vpsel p1, v9, v5  }
0xe7: {  	v6, _, _ =	vpop @p1 (xrf1);
	(xrf1) =	vsort.ascd.msk.f32 $0xffff, v7, v7;
	v7 =	vmin.f32 @p0 v9, v11  }
0xe8: {  	p2 =	por !p2, !p1;
	(xrf1) =	vsort.ascd.msk.f32 @p0 $0xffff, v7, v7  }
0xe9: {  	v6 =	vpsel p2, v10, v6  }
0xea: {  	v6 =	vpsel p1, v6, v5  }
0xeb: {  	v7 =	vmin.f32 @p0 v6, v8  }
0xec: {  	(xrf1) =	vsort.ascd.msk.f32 @p0 $0xffff, v7, v7;
	_ =	sdelay $0x7  }
0xed: {  	v7, _, _ =	vpop (xrf1)  }
0xee: {  	v8, _, _ =	vpop (xrf1)  }
0xef: {  	v10, _, _ =	vpop @p0 (xrf1)  }
0xf0: {  	p1 =	slt.s32 @p0 s21, s17;
	v10 =	vpsel p0, v10, v0  }
0xf1: {  	p2 =	slt.s32 @p0 s21, s16;
	p1 =	por @!p0 p0, p0  }
0xf2: {  	p2 =	por @!p0 p0, p0;
	p1 =	por !p1, !p0  }
0xf3: {  	p4 =	por !p2, !p0;
	v8 =	vperm.xlane v8, v0;
	v9 =	vpsel p1, v9, v10;
	v10, _, _ =	vpop @p0 (xrf1)  }
0xf4: {  	v7 =	vperm.xlane v7, v0;
	v9 =	vpsel p0, v9, v5;
	v6 =	vpsel p4, v6, v10  }
0xf5: {  	v8 =	vmin.f32 v9, v8;
	v6 =	vpsel p0, v6, v5  }
0xf6: {  	(xrf1) =	vsort.ascd.msk.f32 $0xffff, v8, v8;
	v7 =	vmin.f32 v6, v7  }
0xf7: {  	(xrf1) =	vsort.ascd.msk.f32 $0xffff, v7, v7;
	_ =	sdelay $0xc  }
0xf8: {  	v7, _, _ =	vpop (xrf1)  }
0xf9: {  	p5 =	slt.s32 s18, s16;
	p6 =	slt.s32 s18, s17;
	v8, _, _ =	vpop (xrf1)  }
0xfa: {  	v7 =	vpsel p6, v7, v9;
	v6 =	vpsel p5, v8, v6  }
0xfb: {  	v7 =	vadd.f32 $9.999999960e-13, v7;
	v6 =	vadd.f32 $9.999999960e-13, v6  }
.LBB2_16:
0xfc: {  	s17 =	simm.s32 $0x0  }
0xfd: {  	v14 =	vld [tilespmem:s17+$0x0]  }
0xfe: {  	v15 =	vld [tilespmem:s17+$0x800]  }
0xff: {  	v16 =	vld [tilespmem:s17+$0x1000]  }
0x100: {  	s16 =	simm.s32 $0x10  }
0x101: {  	v10 =	vbroadcast v4, $0x3;
	v8 =	vbroadcast v2, $0x3;
	v20 =	vld [tilespmem:s16+$0x800]  }
0x102: {  	v12 =	vbroadcast v4, $0x2;
	v9 =	vbroadcast v3, $0x3  }
0x103: {  	v13 =	vbroadcast v2, $0x2;
	s18 =	simm.s32 $0x20;
	v17 =	vld [tilespmem:s16+$0x0];
	v18 =	vsub.f32 v14, v10;
	v19 =	vsub.f32 v15, v8  }
0x104: {  	v11 =	vbroadcast v3, $0x2;
	v25 =	vld [tilespmem:s18+$0x1000];
	v14 =	vsub.f32 v14, v12;
	v21 =	vsub.f32 v16, v9  }
0x105: {  	v15 =	vsub.f32 v15, v13;
	v18 =	vmul.f32 v18, v18;
	v19 =	vmul.f32 v19, v19  }
0x106: {  	v22 =	vld [tilespmem:s16+$0x1000];
	v16 =	vsub.f32 v16, v11;
	v24 =	vsub.f32 v20, v8  }
0x107: {  	v14 =	vmul.f32 v14, v14;
	v18 =	vadd.f32 v19, v18;
	v19 =	vmul.f32 v21, v21  }
0x108: {  	v23 =	vld [tilespmem:s18+$0x0];
	v15 =	vmul.f32 v15, v15;
	v21 =	vsub.f32 v17, v12;
	v17 =	vsub.f32 v17, v10  }
0x109: {  	v30 =	vsub.f32 v25, v9;
	v26 =	vmul.f32 v16, v16;
	v16 =	vadd.f32 v19, v18;
	v18 =	vld [tilespmem:s18+$0x800]  }
0x10a: {  	v24 =	vmul.f32 v24, v24;
	v28 =	vadd.f32 v15, v14;
	v17 =	vmul.f32 v17, v17  }
0x10b: {  	v19 =	vsub.f32 v20, v13;
	v20 =	vsub.f32 v22, v9;
	v21 =	vmul.f32 v21, v21  }
0x10c: {  	v22 =	vsub.f32 v22, v11;
	v27 =	vmin.f32 v5, v16;
	v14 =	vadd.f32 v24, v17  }
0x10d: {  	s19 =	simm.s32 $0x30;
	v17 =	vmul.f32 v20, v20;
	v24 =	vmul.f32 v19, v19;
	v20 =	vsub.f32 v23, v12;
	[tilespmem:s17+$0x2000] =	vst v16  }
0x10e: {  	v23 =	vsub.f32 v23, v10;
	v15 =	vmul.f32 v22, v22;
	v19 =	vld [tilespmem:s19+$0x0];
	v22 =	vsub.f32 v18, v8  }
0x10f: {  	v29 =	vadd.f32 v17, v14;
	v16 =	vmul.f32 v20, v20;
	v17 =	vsub.f32 v18, v13;
	v18 =	vld [tilespmem:s19+$0x800]  }
0x110: {  	v31 =	vmul.f32 v23, v23;
	v20 =	vld [tilespmem:s19+$0x1000];
	v23 =	vsub.f32 v25, v11;
	v32 =	vmul.f32 v22, v22  }
0x111: {  	v25 =	vmul.f32 v30, v30;
	v14 =	vmin.f32 v27, v29;
	v22 =	vadd.f32 v24, v21  }
0x112: {  	s20 =	simm.s32 $0x100;
	[tilespmem:s16+$0x2000] =	vst v29;
	v17 =	vmul.f32 v17, v17;
	v21 =	vadd.f32 v26, v28;
	v24 =	vadd.f32 v32, v31  }
.LBB2_17:
0x113: {  	s21 =	sshra.s32 s20, $0x2;
	v30 =	vsub.f32 v19, v12;
	v27 =	vsub.f32 v19, v10;
	v28 =	vmul.f32 v23, v23;
	v29 =	vmovc v22;
	p0 =	sne.s32 s20, $0x1FC0  }
.Ltmp11:
0x114: {  	s20 =	sadd.s32 $0x40, s20;
	v19 =	vld [tilespmem:s21+$0x0];
	v22 =	vsub.f32 v18, v8;
	v23 =	vadd.f32 v25, v24;
	[tilespmem:s17+$0x1800] =	vst v21;
	v5 =	vmin.f32 v5, v21;
	(pc) =	sbr.rel @p0 .LBB2_17-.Ltmp11, $4  }
0x115: {  	v21 =	vsub.f32 v18, v13;
	s17 =	smov.u32 s16;
	s16 =	smov.u32 s18;
	s18 =	smov.u32 s19;
	v18 =	vld [tilespmem:s21+$0x800];
	v24 =	vmul.f32 v30, v30;
	v25 =	vsub.f32 v20, v9;
	v26 =	vmovc v20  }
0x116: {  	s19 =	smov.u32 s21;
	v27 =	vmul.f32 v27, v27;
	v20 =	vld [tilespmem:s21+$0x1000];
	v30 =	vmul.f32 v22, v22;
	[tilespmem:s16+$0x2000] =	vst v23;
	v14 =	vmin.f32 v14, v23  }
0x117: {  	v23 =	vsub.f32 v26, v11;
	v22 =	vadd.f32 v17, v16;
	v17 =	vmul.f32 v21, v21;
	v16 =	vmovc v24  }
0x118: {  	v21 =	vadd.f32 v15, v29;
	v15 =	vmovc v28;
	v25 =	vmul.f32 v25, v25;
	v24 =	vadd.f32 v30, v27  }
0x119: {  	v12 =	vsub.f32 v19, v12;
	v10 =	vsub.f32 v19, v10  }
0x11a: {  	v16 =	vadd.f32 v17, v16;
	v13 =	vsub.f32 v18, v13  }
0x11b: {  	v61 =	vmul.f32 v23, v23;
	v15 =	vadd.f32 v15, v22;
	v8 =	vsub.f32 v18, v8  }
0x11c: {  	v12 =	vmul.f32 v12, v12;
	v11 =	vsub.f32 v20, v11;
	v13 =	vmul.f32 v13, v13  }
0x11d: {  	v62 =	vadd.f32 v25, v24;
	v10 =	vmul.f32 v10, v10;
	v8 =	vmul.f32 v8, v8  }
0x11e: {  	v9 =	vsub.f32 v20, v9;
	v11 =	vmul.f32 v11, v11;
	v12 =	vadd.f32 v13, v12  }
0x11f: {  	v5 =	vmin.f32 v5, v21;
	v8 =	vadd.f32 v8, v10;
	v10 =	vadd.f32 v61, v16  }
0x120: {  	v5 =	vmin.f32 v5, v15;
	v9 =	vmul.f32 v9, v9;
	v11 =	vadd.f32 v11, v12  }
0x121: {  	[tilespmem:s17+$0x1800] =	vst v21;
	v5 =	vmin.f32 v5, v10  }
0x122: {  	[tilespmem:s18+$0x2000] =	vst v62;
	v8 =	vadd.f32 v9, v8;
	v5 =	vmin.f32 v5, v11  }
0x123: {  	[tilespmem:s16+$0x1800] =	vst v15;
	(xrf0) =	vmax.scan.msk.f32 $0xffff, v5  }
0x124: {  	[tilespmem:s19+$0x2000] =	vst v8  }
0x125: {  	[tilespmem:s18+$0x1800] =	vst v10  }
0x126: {  	s30 =	simm.s32 $0x0;
	v9 =	vmin.f32 v14, v62;
	[tilespmem:s19+$0x1800] =	vst v11  }
0x127: {  	v5 =	vld [tilespmem:s30+$0x1800];
	_ =	sdelay $0x1  }
0x128: {  	v8 =	vmin.f32 v9, v8;
	v9, _, _ =	vpop (xrf0)  }
0x129: {  	v9 =	vbroadcast v9, $0xF  }
0x12a: {  	(xrf0) =	vmax.scan.msk.f32 $0xffff, v8  }
0x12b: {  	vm2 =	vle.f32 v5, v9  }
0x12c: {  	v8 =	vmpcnt.ones.xlane vm2;
	_ =	sdelay $0x1  }
0x12d: {  	v11 =	vld [tilespmem:s30+$0x2000];
	_ =	sdelay $0x1  }
0x12e: {  	(v2sf) =	vpush v8, $0x0;
	v8, _, _ =	vpop (xrf0)  }
0x12f: {  	v10 =	vbroadcast v8, $0xF  }
0x130: {  	s16 =	simm.s32 $0x0  }
0x131: {  	[tilespmem:s16+$0x2800] =	vst.msk vm2, v5;
	vm3 =	vle.f32 v11, v10  }
0x132: {  	[tilespmem:s16+$0x3080] =	vst.msk vm3, v11;
	v11 =	vmpcnt.ones.xlane vm3;
	_ =	sdelay $0x1  }
0x133: {  	(v2sf) =	vpush v11, $0x0;
	_ =	sdelay $0x2  }
0x134: {  	s31 =	simm.s32 $0x10  }
0x135: {  	v8 =	vld [tilespmem:s31+$0x1800]  }
0x136: {  	v5 =	vld [tilespmem:s31+$0x2000];
	_ =	sdelay $0x3  }
0x137: {  	vm3 =	vle.f32 v8, v9  }
0x138: {  	vm2 =	vle.f32 v5, v10;
	v63 =	vmpcnt.ones.xlane vm3  }
0x139: {  	v11 =	vmpcnt.ones.xlane vm2  }
0x13a: {  	(v2sf) =	vpush v63, $0x0  }
0x13b: {  	s17 =	simm.s32 $0x0;
	s19 =	simm.s32 $0x80;
	s18 =	spop (v2sf);
	(v2sf) =	vpush v11, $0x0  }
.LBB2_19:
0x13c: {  	s16 =	sadd.s32 s16, s18  }
0x13d: {  	s18 =	spop (v2sf);
	s20 =	smov.u32 s19;
	s21 =	sadd.s32 $0x40, s19  }
0x13e: {  	p0 =	sne.s32 s19, $0x1FC0;
	[tilespmem:s16+$0x2800] =	vst.msk vm3, v8;
	s17 =	sadd.s32 s17, s18  }
0x13f: {  	[tilespmem:s17+$0x3080] =	vst.msk vm2, v5  }
0x140: {  	s18 =	sshra.s32 s20, $0x2  }
0x141: {  	v8 =	vld [tilespmem:s18+$0x1800]  }
0x142: {  	v5 =	vld [tilespmem:s18+$0x2000];
	_ =	sdelay $0x3  }
.Ltmp12:
0x143: {  	vm3 =	vle.f32 v8, v9;
	(pc) =	sbr.rel @p0 .LBB2_19-.Ltmp12, $4  }
0x144: {  	vm2 =	vle.f32 v5, v10;
	v11 =	vmpcnt.ones.xlane vm3  }
0x145: {  	v12 =	vmpcnt.ones.xlane vm2  }
0x146: {  	(v2sf) =	vpush v11, $0x0  }
0x147: {  	s19 =	smov.u32 s21;
	(v2sf) =	vpush v12, $0x0;
	s18 =	spop (v2sf)  }
0x148: {  	v9 =	vshrl.u32 v6, $0x1;
	v10 =	vmul.f32 $5.000000000e-01, v6  }
0x149: {  	v9 =	vsub.s32 $0x5F3759DF, v9  }
0x14a: {  	v12 =	vshrl.u32 v7, $0x1;
	v13 =	vmul.f32 $5.000000000e-01, v7;
	v11 =	vmul.f32 v9, v10  }
0x14b: {  	v12 =	vsub.s32 $0x5F3759DF, v12  }
0x14c: {  	v14 =	vmul.f32 v12, v13;
	v11 =	vmul.f32 v9, v11;
	_ =	sdelay $0x1  }
0x14d: {  	v14 =	vmul.f32 v12, v14;
	v11 =	vsub.f32 $1.500000000e+00, v11;
	_ =	sdelay $0x1  }
0x14e: {  	v57 =	vsub.f32 $1.500000000e+00, v14;
	v9 =	vmul.f32 v9, v11;
	_ =	sdelay $0x1  }
0x14f: {  	v11 =	vmul.f32 v12, v57;
	v58 =	vmul.f32 v9, v10;
	_ =	sdelay $0x1  }
0x150: {  	v60 =	vmul.f32 v11, v13;
	v59 =	vmul.f32 v58, v9;
	_ =	sdelay $0x1  }
0x151: {  	v14 =	vmul.f32 v60, v11;
	v12 =	vsub.f32 $1.500000000e+00, v59;
	_ =	sdelay $0x1  }
0x152: {  	v61 =	vsub.f32 $1.500000000e+00, v14;
	v9 =	vmul.f32 v12, v9;
	_ =	sdelay $0x1  }
0x153: {  	v11 =	vmul.f32 v61, v11;
	v10 =	vmul.f32 v9, v10;
	_ =	sdelay $0x1  }
0x154: {  	v12 =	vmul.f32 v11, v13;
	v10 =	vmul.f32 v10, v9;
	_ =	sdelay $0x1  }
0x155: {  	v12 =	vmul.f32 v12, v11;
	v10 =	vsub.f32 $1.500000000e+00, v10;
	_ =	sdelay $0x1  }
0x156: {  	v62 =	vsub.f32 $1.500000000e+00, v12;
	v9 =	vmul.f32 v10, v9;
	_ =	sdelay $0x1  }
0x157: {  	v63 =	vmul.f32 v62, v11;
	v6 =	vmul.f32 v9, v6;
	_ =	sdelay $0x1  }
0x158: {  	v7 =	vmul.f32 v63, v7;
	(xrf2) =	vadd.scan.msk.f32 $0xffff, v6;
	_ =	sdelay $0x1  }
0x159: {  	(xrf2) =	vadd.scan.msk.f32 $0xffff, v7;
	_ =	sdelay $0x2  }
0x15a: {  	(xrf0) =	vmin.scan.msk.f32 $0xffff, v6;
	_ =	sdelay $0x1  }
0x15b: {  	(xrf0) =	vmin.scan.msk.f32 $0xffff, v7;
	_ =	sdelay $0x1  }
0x15c: {  	s19 =	spop (v2sf)  }
0x15d: {  	s16 =	sadd.s32 s16, s18;
	s25 =	spop (v2sf);
	v6, _, _ =	vpop (xrf2)  }
0x15e: {  	s22 =	sadd.s32 s16, s25;
	v7, _, _ =	vpop (xrf0);
	(v2sf) =	vpush v6, $0xF  }
0x15f: {  	s17 =	sadd.s32 s17, s19;
	s20 =	spop (v2sf);
	s18 =	sadd.s32 $0xF, s22;
	v6, _, _ =	vpop (xrf2);
	(v2sf) =	vpush v7, $0xF  }
0x160: {  	s24 =	sadd.s32 s17, s20;
	s20 =	simm.s32 $0x1;
	s26 =	sshra.s32 s18, $0x1F;
	(v2sf) =	vpush v6, $0xF;
	v6, _, _ =	vpop (xrf0)  }
0x161: {  	s28 =	sand.u32 $0xF, s18;
	s21 =	sadd.s32 $0xF, s24;
	p0 =	slt.s32 s18, $0x1;
	(v2sf) =	vpush v6, $0xF  }
0x162: {  	s19 =	sshrl.u32 s26, $0x1C;
	p1 =	sne.s32 s28, $0x0;
	s29 =	sand.u32 $0xF, s21  }
0x163: {  	p6 =	slt.s32 s21, $0x1;
	s31 =	sshra.s32 s21, $0x1F;
	p2 =	sne.s32 s29, $0x0  }
0x164: {  	s19 =	sadd.s32 s19, s18;
	p0 =	por !p0, !p1;
	p1 =	por !p6, !p2  }
0x165: {  	s30 =	sshra.s32 s19, $0x4;
	p0 =	por !p0, !p0;
	s19 =	sshrl.u32 s31, $0x1C  }
0x166: {  	s19 =	sadd.s32 s19, s21;
	p1 =	por !p1, !p1;
	s21 =	simm.s32 $0x1  }
0x167: {  	s20 =	simm.s32 @!p0 $0x0;
	s19 =	sshra.s32 s19, $0x4;
	s21 =	simm.s32 @!p1 $0x0  }
0x168: {  	s20 =	ssub.s32 s30, s20;
	s21 =	ssub.s32 s19, s21  }
0x169: {  	p0 =	sgt.s32 s20, s21;
	s23 =	smov.u32 s21  }
0x16a: {  	s23 =	smov.u32 @p0 s20  }
0x16b: {  	p0 =	slt.s32 s23, $0x1  }
.Ltmp13:
0x16c: {  	_ = 	snop;
	(pc) =	sbr.rel @p0 .LBB2_30-.Ltmp13, $4  }
0x16d: {  	[tilespmem:s16+$0x2800] =	vst.msk vm3, v8;
	s18 =	spop (v2sf)  }
0x16e: {  	[tilespmem:s17+$0x3080] =	vst.msk vm2, v5;
	v5 =	vimm.f32 $+Inf;
	s19 =	spop (v2sf)  }
0x16f: {  	[tilespmem:s22+$0x2800] =	vst v5;
	s16 =	spop (v2sf)  }
0x170: {  	[tilespmem:s24+$0x3080] =	vst v5;
	v7 =	vimm.f32 $+Inf;
	v6 =	vimm.f32 $+Inf;
	s17 =	spop (v2sf)  }
0x171: {  	p2 =	sne.s32 s23, $0x1  }
.Ltmp14:
0x172: {  	_ = 	snop;
	(pc) =	sbr.rel @!p2 .LBB2_22-.Ltmp14, $4  }
0x173: {  	_ = 	snop  }
0x174: {  	s22 =	simm.s32 $0x2800  }
0x175: {  	s25 =	simm.s32 $0x0;
	s26 =	simm.s32 $0x3080;
	v6 =	vld [tilespmem:s22+$0x0]  }
0x176: {  	s24 =	simm.s32 $0x1;
	p0 =	por $0x0, $0x0;
	p1 =	por $0x0, $0x0;
	v7 =	vld [tilespmem:s26+$0x0]  }
0x177: {  	_ =	sdelay $0x2  }
0x178: {  	(xrf1) =	vsort.ascd.msk.f32 $0xffff, v6, v6  }
0x179: {  	(xrf1) =	vsort.ascd.msk.f32 $0xffff, v7, v7;
	_ =	sdelay $0x9  }
0x17a: {  	p2 =	sne.s32 s23, $0x2  }
.Ltmp15:
0x17b: {  	_ = 	snop;
	(pc) =	sbr.rel @!p2 .LBB2_24-.Ltmp15, $4  }
0x17c: {  	_ = 	snop  }
0x17d: {  	s22 =	simm.s32 $0x2810;
	v8, _, _ =	vpop (xrf1)  }
0x17e: {  	s26 =	simm.s32 $0x3090;
	v6 =	vld [tilespmem:s22+$0x0];
	v9, _, _ =	vpop (xrf1)  }
0x17f: {  	p0 =	por $0x1, $0x1;
	s22 =	simm.s32 $0x2;
	v7 =	vld [tilespmem:s26+$0x0];
	v8 =	vperm.xlane v8, v0;
	v11 =	vperm.xlane v9, v0  }
0x180: {  	_ =	sdelay $0x2  }
0x181: {  	(xrf1) =	vsort.ascd.msk.f32 $0xffff, v6, v6;
	_ =	sdelay $0xb  }
0x182: {  	v6 =	vmin.f32 v5, v11;
	(xrf1) =	vsort.ascd.msk.f32 $0xffff, v7, v7  }
0x183: {  	v7 =	vmin.f32 v5, v8;
	(xrf1) =	vsort.ascd.msk.f32 $0xffff, v6, v6  }
0x184: {  	v8, _, _ =	vpop (xrf1);
	(xrf1) =	vsort.ascd.msk.f32 $0xffff, v7, v7;
	_ =	sdelay $0x7  }
0x185: {  	s25 =	simm.s32 $0x2820;
	p4 =	sne.s32 s23, $0x3  }
.Ltmp16:
0x186: {  	s28 =	simm.s32 $0x30A0;
	v6 =	vld [tilespmem:s25+$0x0];
	(pc) =	sbr.rel @!p4 .LBB2_26-.Ltmp16, $3  }
0x187: {  	v7 =	vld [tilespmem:s28+$0x0];
	_ =	sdelay $0x1  }
0x188: {  	s26 =	simm.s32 $0x3;
	v10 =	vimm.f32 $+Inf;
	v9, _, _ =	vpop (xrf1)  }
0x189: {  	p2 =	sgt.s32 s20, $0x0;
	p3 =	sgt.s32 s21, $0x0;
	p1 =	por $0x1, $0x1;
	v8 =	vperm.xlane v8, v0;
	v11 =	vperm.xlane v9, v0;
	v12, _, _ =	vpop (xrf1);
	v9 =	vimm.f32 $+Inf  }
.LBB2_27:
0x18a: {  	(xrf1) =	vsort.ascd.msk.f32 $0xffff, v6, v6;
	v9 =	vpsel p3, v12, v9;
	v6, _, _ =	vpop (xrf1);
	s29 =	smov.u32 s22;
	s22 =	smov.u32 s26;
	s26 =	sadd.s32 $0x1, s26  }
0x18b: {  	p4 =	sne.s32 s23, s26;
	(xrf1) =	vsort.ascd.msk.f32 $0xffff, v7, v7;
	v7 =	vmin.f32 v9, v11;
	v10 =	vpsel p2, v6, v10  }
0x18c: {  	v6 =	vmin.f32 v10, v8;
	(xrf1) =	vsort.ascd.msk.f32 $0xffff, v7, v7  }
0x18d: {  	(xrf1) =	vsort.ascd.msk.f32 $0xffff, v6, v6;
	_ =	sdelay $0x7  }
0x18e: {  	s25 =	sadd.s32 $0x10, s25  }
.Ltmp17:
0x18f: {  	s28 =	sadd.s32 $0x10, s28;
	v6 =	vld [tilespmem:s25+$0x0];
	(pc) =	sbr.rel @p4 .LBB2_27-.Ltmp17, $4  }
0x190: {  	v7 =	vld [tilespmem:s28+$0x0]  }
0x191: {  	v8, _, _ =	vpop (xrf1)  }
0x192: {  	v8 =	vperm.xlane v8, v0;
	v11, _, _ =	vpop (xrf1)  }
0x193: {  	p3 =	slt.s32 s24, s21;
	p2 =	slt.s32 s24, s20;
	s24 =	smov.u32 s29;
	v11 =	vperm.xlane v11, v0;
	v12, _, _ =	vpop (xrf1)  }
0x194: {  	s25 =	smov.u32 s24  }
.LBB2_29:
0x195: {  	p3 =	por !p3, !p1  }
0x196: {  	v9 =	vpsel p3, v9, v12  }
0x197: {  	(xrf1) =	vsort.ascd.msk.f32 $0xffff, v6, v6;
	v9 =	vpsel p1, v9, v5  }
0x198: {  	v6, _, _ =	vpop @p1 (xrf1);
	(xrf1) =	vsort.ascd.msk.f32 $0xffff, v7, v7;
	v7 =	vmin.f32 @p0 v9, v11  }
0x199: {  	p2 =	por !p2, !p1;
	(xrf1) =	vsort.ascd.msk.f32 @p0 $0xffff, v7, v7  }
0x19a: {  	v6 =	vpsel p2, v10, v6  }
0x19b: {  	v6 =	vpsel p1, v6, v5  }
0x19c: {  	v7 =	vmin.f32 @p0 v6, v8  }
0x19d: {  	(xrf1) =	vsort.ascd.msk.f32 @p0 $0xffff, v7, v7;
	_ =	sdelay $0x7  }
0x19e: {  	v7, _, _ =	vpop (xrf1)  }
0x19f: {  	v8, _, _ =	vpop (xrf1)  }
0x1a0: {  	v10, _, _ =	vpop @p0 (xrf1)  }
0x1a1: {  	p1 =	slt.s32 @p0 s25, s21;
	v10 =	vpsel p0, v10, v0  }
0x1a2: {  	p2 =	slt.s32 @p0 s25, s20;
	p1 =	por @!p0 p0, p0  }
0x1a3: {  	p2 =	por @!p0 p0, p0;
	p1 =	por !p1, !p0  }
0x1a4: {  	p4 =	por !p2, !p0;
	v8 =	vperm.xlane v8, v0;
	v9 =	vpsel p1, v9, v10;
	v10, _, _ =	vpop @p0 (xrf1)  }
0x1a5: {  	v7 =	vperm.xlane v7, v0;
	v9 =	vpsel p0, v9, v5;
	v6 =	vpsel p4, v6, v10  }
0x1a6: {  	v8 =	vmin.f32 v9, v8;
	v6 =	vpsel p0, v6, v5  }
0x1a7: {  	(xrf1) =	vsort.ascd.msk.f32 $0xffff, v8, v8;
	v7 =	vmin.f32 v6, v7  }
0x1a8: {  	(xrf1) =	vsort.ascd.msk.f32 $0xffff, v7, v7;
	_ =	sdelay $0xc  }
0x1a9: {  	v7, _, _ =	vpop (xrf1)  }
0x1aa: {  	p5 =	slt.s32 s22, s20;
	p6 =	slt.s32 s22, s21;
	v8, _, _ =	vpop (xrf1)  }
0x1ab: {  	v7 =	vpsel p6, v7, v9;
	v6 =	vpsel p5, v8, v6  }
0x1ac: {  	v7 =	vadd.f32 $9.999999960e-13, v7;
	v6 =	vadd.f32 $9.999999960e-13, v6  }
.LBB2_30:
0x1ad: {  	s21 =	simm.s32 $0x0  }
0x1ae: {  	v14 =	vld [tilespmem:s21+$0x0]  }
0x1af: {  	v15 =	vld [tilespmem:s21+$0x800]  }
0x1b0: {  	v16 =	vld [tilespmem:s21+$0x1000]  }
0x1b1: {  	s20 =	simm.s32 $0x10  }
0x1b2: {  	v10 =	vbroadcast v4, $0x5;
	v8 =	vbroadcast v2, $0x5;
	v20 =	vld [tilespmem:s20+$0x800]  }
0x1b3: {  	v12 =	vbroadcast v4, $0x4;
	v9 =	vbroadcast v3, $0x5  }
0x1b4: {  	v13 =	vbroadcast v2, $0x4;
	s22 =	simm.s32 $0x20;
	v17 =	vld [tilespmem:s20+$0x0];
	v18 =	vsub.f32 v14, v10;
	v19 =	vsub.f32 v15, v8  }
0x1b5: {  	v11 =	vbroadcast v3, $0x4;
	v25 =	vld [tilespmem:s22+$0x1000];
	v14 =	vsub.f32 v14, v12;
	v21 =	vsub.f32 v16, v9  }
0x1b6: {  	v15 =	vsub.f32 v15, v13;
	v18 =	vmul.f32 v18, v18;
	v19 =	vmul.f32 v19, v19  }
0x1b7: {  	v22 =	vld [tilespmem:s20+$0x1000];
	v16 =	vsub.f32 v16, v11;
	v24 =	vsub.f32 v20, v8  }
0x1b8: {  	v14 =	vmul.f32 v14, v14;
	v18 =	vadd.f32 v19, v18;
	v19 =	vmul.f32 v21, v21  }
0x1b9: {  	v23 =	vld [tilespmem:s22+$0x0];
	v15 =	vmul.f32 v15, v15;
	v21 =	vsub.f32 v17, v12;
	v17 =	vsub.f32 v17, v10  }
0x1ba: {  	v30 =	vsub.f32 v25, v9;
	v26 =	vmul.f32 v16, v16;
	v16 =	vadd.f32 v19, v18;
	v19 =	vld [tilespmem:s22+$0x800]  }
0x1bb: {  	s18 =	ssub.f32 s18, s19;
	v24 =	vmul.f32 v24, v24;
	v28 =	vadd.f32 v15, v14;
	v17 =	vmul.f32 v17, v17  }
0x1bc: {  	s16 =	ssub.f32 s16, s17;
	v18 =	vsub.f32 v20, v13;
	v20 =	vsub.f32 v22, v9;
	v21 =	vmul.f32 v21, v21  }
0x1bd: {  	s18 =	smul.f32 $6.666667010e-02, s18;
	v22 =	vsub.f32 v22, v11;
	v27 =	vmin.f32 v5, v16;
	v14 =	vadd.f32 v24, v17  }
0x1be: {  	s30 =	smul.f32 $6.666667010e-02, s16;
	s16 =	simm.s32 $0x30;
	v17 =	vmul.f32 v20, v20;
	v24 =	vmul.f32 v18, v18;
	v20 =	vsub.f32 v23, v12;
	[tilespmem:s21+$0x2000] =	vst v16  }
0x1bf: {  	s29 =	smul.f32 s18, s18;
	v23 =	vsub.f32 v23, v10;
	v15 =	vmul.f32 v22, v22;
	v18 =	vld [tilespmem:s16+$0x0];
	v22 =	vsub.f32 v19, v8  }
0x1c0: {  	s15 =	sadd.f32 s18, s15;
	v29 =	vadd.f32 v17, v14;
	v16 =	vmul.f32 v20, v20;
	v17 =	vsub.f32 v19, v13;
	v19 =	vld [tilespmem:s16+$0x800]  }
0x1c1: {  	s31 =	smul.f32 s30, s30;
	s17 =	sadd.f32 s29, s14;
	v31 =	vmul.f32 v23, v23;
	v20 =	vld [tilespmem:s16+$0x1000];
	v23 =	vsub.f32 v25, v11;
	v32 =	vmul.f32 v22, v22  }
0x1c2: {  	s14 =	sadd.f32 s30, s15;
	v25 =	vmul.f32 v30, v30;
	v14 =	vmin.f32 v27, v29;
	v22 =	vadd.f32 v24, v21  }
0x1c3: {  	s15 =	sadd.f32 s31, s17;
	s17 =	simm.s32 $0x100;
	[tilespmem:s20+$0x2000] =	vst v29;
	v17 =	vmul.f32 v17, v17;
	v21 =	vadd.f32 v26, v28;
	v24 =	vadd.f32 v32, v31  }
.LBB2_31:
0x1c4: {  	s18 =	sshra.s32 s17, $0x2;
	v30 =	vsub.f32 v18, v12;
	v27 =	vsub.f32 v18, v10;
	v28 =	vmul.f32 v23, v23;
	v29 =	vmovc v22;
	p0 =	sne.s32 s17, $0x1FC0  }
.Ltmp18:
0x1c5: {  	s17 =	sadd.s32 $0x40, s17;
	v18 =	vld [tilespmem:s18+$0x0];
	v22 =	vsub.f32 v19, v8;
	v23 =	vadd.f32 v25, v24;
	[tilespmem:s21+$0x1800] =	vst v21;
	v5 =	vmin.f32 v5, v21;
	(pc) =	sbr.rel @p0 .LBB2_31-.Ltmp18, $4  }
0x1c6: {  	v21 =	vsub.f32 v19, v13;
	s21 =	smov.u32 s20;
	s20 =	smov.u32 s22;
	s22 =	smov.u32 s16;
	v19 =	vld [tilespmem:s18+$0x800];
	v24 =	vmul.f32 v30, v30;
	v25 =	vsub.f32 v20, v9;
	v26 =	vmovc v20  }
0x1c7: {  	s16 =	smov.u32 s18;
	v27 =	vmul.f32 v27, v27;
	v20 =	vld [tilespmem:s18+$0x1000];
	v30 =	vmul.f32 v22, v22;
	[tilespmem:s20+$0x2000] =	vst v23;
	v14 =	vmin.f32 v14, v23  }
0x1c8: {  	v23 =	vsub.f32 v26, v11;
	v22 =	vadd.f32 v17, v16;
	v17 =	vmul.f32 v21, v21;
	v16 =	vmovc v24  }
0x1c9: {  	v21 =	vadd.f32 v15, v29;
	v15 =	vmovc v28;
	v25 =	vmul.f32 v25, v25;
	v24 =	vadd.f32 v30, v27  }
0x1ca: {  	v12 =	vsub.f32 v18, v12;
	v10 =	vsub.f32 v18, v10  }
0x1cb: {  	v16 =	vadd.f32 v17, v16;
	v13 =	vsub.f32 v19, v13  }
0x1cc: {  	v61 =	vmul.f32 v23, v23;
	v15 =	vadd.f32 v15, v22;
	v8 =	vsub.f32 v19, v8  }
0x1cd: {  	v12 =	vmul.f32 v12, v12;
	v11 =	vsub.f32 v20, v11;
	v13 =	vmul.f32 v13, v13  }
0x1ce: {  	v62 =	vadd.f32 v25, v24;
	v10 =	vmul.f32 v10, v10;
	v8 =	vmul.f32 v8, v8  }
0x1cf: {  	v9 =	vsub.f32 v20, v9;
	v11 =	vmul.f32 v11, v11;
	v12 =	vadd.f32 v13, v12  }
0x1d0: {  	v5 =	vmin.f32 v5, v21;
	v8 =	vadd.f32 v8, v10;
	v10 =	vadd.f32 v61, v16  }
0x1d1: {  	v5 =	vmin.f32 v5, v15;
	v9 =	vmul.f32 v9, v9;
	v11 =	vadd.f32 v11, v12  }
0x1d2: {  	[tilespmem:s21+$0x1800] =	vst v21;
	v5 =	vmin.f32 v5, v10  }
0x1d3: {  	[tilespmem:s22+$0x2000] =	vst v62;
	v8 =	vadd.f32 v9, v8;
	v5 =	vmin.f32 v5, v11  }
0x1d4: {  	[tilespmem:s20+$0x1800] =	vst v15;
	(xrf0) =	vmax.scan.msk.f32 $0xffff, v5  }
0x1d5: {  	[tilespmem:s16+$0x2000] =	vst v8  }
0x1d6: {  	[tilespmem:s22+$0x1800] =	vst v10  }
0x1d7: {  	s31 =	simm.s32 $0x0;
	v9 =	vmin.f32 v14, v62;
	[tilespmem:s16+$0x1800] =	vst v11  }
0x1d8: {  	v5 =	vld [tilespmem:s31+$0x1800];
	_ =	sdelay $0x1  }
0x1d9: {  	v8 =	vmin.f32 v9, v8;
	v9, _, _ =	vpop (xrf0)  }
0x1da: {  	v9 =	vbroadcast v9, $0xF  }
0x1db: {  	(xrf0) =	vmax.scan.msk.f32 $0xffff, v8  }
0x1dc: {  	vm2 =	vle.f32 v5, v9  }
0x1dd: {  	v8 =	vmpcnt.ones.xlane vm2;
	_ =	sdelay $0x1  }
0x1de: {  	v11 =	vld [tilespmem:s31+$0x2000];
	_ =	sdelay $0x1  }
0x1df: {  	(v2sf) =	vpush v8, $0x0;
	v8, _, _ =	vpop (xrf0)  }
0x1e0: {  	v10 =	vbroadcast v8, $0xF  }
0x1e1: {  	s16 =	simm.s32 $0x0  }
0x1e2: {  	[tilespmem:s16+$0x2800] =	vst.msk vm2, v5;
	vm3 =	vle.f32 v11, v10  }
0x1e3: {  	[tilespmem:s16+$0x3080] =	vst.msk vm3, v11;
	v11 =	vmpcnt.ones.xlane vm3;
	_ =	sdelay $0x1  }
0x1e4: {  	(v2sf) =	vpush v11, $0x0;
	_ =	sdelay $0x2  }
0x1e5: {  	s17 =	simm.s32 $0x10  }
0x1e6: {  	v8 =	vld [tilespmem:s17+$0x1800]  }
0x1e7: {  	v5 =	vld [tilespmem:s17+$0x2000];
	_ =	sdelay $0x3  }
0x1e8: {  	vm3 =	vle.f32 v8, v9  }
0x1e9: {  	vm2 =	vle.f32 v5, v10;
	v63 =	vmpcnt.ones.xlane vm3  }
0x1ea: {  	v11 =	vmpcnt.ones.xlane vm2  }
0x1eb: {  	(v2sf) =	vpush v63, $0x0  }
0x1ec: {  	s19 =	simm.s32 $0x80;
	s17 =	simm.s32 $0x0;
	s18 =	spop (v2sf);
	(v2sf) =	vpush v11, $0x0  }
.LBB2_33:
0x1ed: {  	s16 =	sadd.s32 s16, s18  }
0x1ee: {  	s18 =	spop (v2sf);
	s20 =	smov.u32 s19;
	s21 =	sadd.s32 $0x40, s19  }
0x1ef: {  	p0 =	sne.s32 s19, $0x1FC0;
	[tilespmem:s16+$0x2800] =	vst.msk vm3, v8;
	s17 =	sadd.s32 s17, s18  }
0x1f0: {  	[tilespmem:s17+$0x3080] =	vst.msk vm2, v5  }
0x1f1: {  	s18 =	sshra.s32 s20, $0x2  }
0x1f2: {  	v8 =	vld [tilespmem:s18+$0x1800]  }
0x1f3: {  	v5 =	vld [tilespmem:s18+$0x2000];
	_ =	sdelay $0x3  }
.Ltmp19:
0x1f4: {  	vm3 =	vle.f32 v8, v9;
	(pc) =	sbr.rel @p0 .LBB2_33-.Ltmp19, $4  }
0x1f5: {  	vm2 =	vle.f32 v5, v10;
	v11 =	vmpcnt.ones.xlane vm3  }
0x1f6: {  	v12 =	vmpcnt.ones.xlane vm2  }
0x1f7: {  	(v2sf) =	vpush v11, $0x0  }
0x1f8: {  	s19 =	smov.u32 s21;
	(v2sf) =	vpush v12, $0x0;
	s18 =	spop (v2sf)  }
0x1f9: {  	v9 =	vshrl.u32 v6, $0x1;
	v10 =	vmul.f32 $5.000000000e-01, v6  }
0x1fa: {  	v9 =	vsub.s32 $0x5F3759DF, v9  }
0x1fb: {  	v12 =	vshrl.u32 v7, $0x1;
	v13 =	vmul.f32 $5.000000000e-01, v7;
	v11 =	vmul.f32 v9, v10  }
0x1fc: {  	v12 =	vsub.s32 $0x5F3759DF, v12  }
0x1fd: {  	v14 =	vmul.f32 v12, v13;
	v11 =	vmul.f32 v9, v11;
	_ =	sdelay $0x1  }
0x1fe: {  	v14 =	vmul.f32 v12, v14;
	v11 =	vsub.f32 $1.500000000e+00, v11;
	_ =	sdelay $0x1  }
0x1ff: {  	v57 =	vsub.f32 $1.500000000e+00, v14;
	v9 =	vmul.f32 v9, v11;
	_ =	sdelay $0x1  }
0x200: {  	v11 =	vmul.f32 v12, v57;
	v58 =	vmul.f32 v9, v10;
	_ =	sdelay $0x1  }
0x201: {  	v60 =	vmul.f32 v11, v13;
	v59 =	vmul.f32 v58, v9;
	_ =	sdelay $0x1  }
0x202: {  	v14 =	vmul.f32 v60, v11;
	v12 =	vsub.f32 $1.500000000e+00, v59;
	_ =	sdelay $0x1  }
0x203: {  	v61 =	vsub.f32 $1.500000000e+00, v14;
	v9 =	vmul.f32 v12, v9;
	_ =	sdelay $0x1  }
0x204: {  	v11 =	vmul.f32 v61, v11;
	v10 =	vmul.f32 v9, v10;
	_ =	sdelay $0x1  }
0x205: {  	v12 =	vmul.f32 v11, v13;
	v10 =	vmul.f32 v10, v9;
	_ =	sdelay $0x1  }
0x206: {  	v12 =	vmul.f32 v12, v11;
	v10 =	vsub.f32 $1.500000000e+00, v10;
	_ =	sdelay $0x1  }
0x207: {  	v62 =	vsub.f32 $1.500000000e+00, v12;
	v9 =	vmul.f32 v10, v9;
	_ =	sdelay $0x1  }
0x208: {  	v63 =	vmul.f32 v62, v11;
	v6 =	vmul.f32 v9, v6;
	_ =	sdelay $0x1  }
0x209: {  	v7 =	vmul.f32 v63, v7;
	(xrf2) =	vadd.scan.msk.f32 $0xffff, v6;
	_ =	sdelay $0x1  }
0x20a: {  	(xrf2) =	vadd.scan.msk.f32 $0xffff, v7;
	_ =	sdelay $0x2  }
0x20b: {  	(xrf0) =	vmin.scan.msk.f32 $0xffff, v6;
	_ =	sdelay $0x1  }
0x20c: {  	(xrf0) =	vmin.scan.msk.f32 $0xffff, v7;
	_ =	sdelay $0x1  }
0x20d: {  	s19 =	spop (v2sf)  }
0x20e: {  	s16 =	sadd.s32 s16, s18;
	s25 =	spop (v2sf);
	v6, _, _ =	vpop (xrf2)  }
0x20f: {  	s22 =	sadd.s32 s16, s25;
	v7, _, _ =	vpop (xrf0);
	(v2sf) =	vpush v6, $0xF  }
0x210: {  	s17 =	sadd.s32 s17, s19;
	s20 =	spop (v2sf);
	s18 =	sadd.s32 $0xF, s22;
	v6, _, _ =	vpop (xrf2);
	(v2sf) =	vpush v7, $0xF  }
0x211: {  	s24 =	sadd.s32 s17, s20;
	s20 =	simm.s32 $0x1;
	s26 =	sshra.s32 s18, $0x1F;
	(v2sf) =	vpush v6, $0xF;
	v6, _, _ =	vpop (xrf0)  }
0x212: {  	s28 =	sand.u32 $0xF, s18;
	s21 =	sadd.s32 $0xF, s24;
	p0 =	slt.s32 s18, $0x1;
	(v2sf) =	vpush v6, $0xF  }
0x213: {  	s19 =	sshrl.u32 s26, $0x1C;
	p1 =	sne.s32 s28, $0x0;
	s29 =	sand.u32 $0xF, s21  }
0x214: {  	p6 =	slt.s32 s21, $0x1;
	s31 =	sshra.s32 s21, $0x1F;
	p2 =	sne.s32 s29, $0x0  }
0x215: {  	s19 =	sadd.s32 s19, s18;
	p0 =	por !p0, !p1;
	p1 =	por !p6, !p2  }
0x216: {  	s30 =	sshra.s32 s19, $0x4;
	p0 =	por !p0, !p0;
	s19 =	sshrl.u32 s31, $0x1C  }
0x217: {  	s19 =	sadd.s32 s19, s21;
	p1 =	por !p1, !p1;
	s21 =	simm.s32 $0x1  }
0x218: {  	s20 =	simm.s32 @!p0 $0x0;
	s19 =	sshra.s32 s19, $0x4;
	s21 =	simm.s32 @!p1 $0x0  }
0x219: {  	s20 =	ssub.s32 s30, s20;
	s21 =	ssub.s32 s19, s21  }
0x21a: {  	p0 =	sgt.s32 s20, s21;
	s23 =	smov.u32 s21  }
0x21b: {  	s23 =	smov.u32 @p0 s20  }
0x21c: {  	p0 =	slt.s32 s23, $0x1  }
.Ltmp20:
0x21d: {  	_ = 	snop;
	(pc) =	sbr.rel @p0 .LBB2_44-.Ltmp20, $4  }
0x21e: {  	[tilespmem:s16+$0x2800] =	vst.msk vm3, v8;
	s18 =	spop (v2sf)  }
0x21f: {  	[tilespmem:s17+$0x3080] =	vst.msk vm2, v5;
	v5 =	vimm.f32 $+Inf;
	s19 =	spop (v2sf)  }
0x220: {  	[tilespmem:s22+$0x2800] =	vst v5;
	s16 =	spop (v2sf)  }
0x221: {  	[tilespmem:s24+$0x3080] =	vst v5;
	v7 =	vimm.f32 $+Inf;
	v6 =	vimm.f32 $+Inf;
	s17 =	spop (v2sf)  }
0x222: {  	p2 =	sne.s32 s23, $0x1  }
.Ltmp21:
0x223: {  	_ = 	snop;
	(pc) =	sbr.rel @!p2 .LBB2_36-.Ltmp21, $4  }
0x224: {  	_ = 	snop  }
0x225: {  	s22 =	simm.s32 $0x2800  }
0x226: {  	s25 =	simm.s32 $0x0;
	s26 =	simm.s32 $0x3080;
	v6 =	vld [tilespmem:s22+$0x0]  }
0x227: {  	s24 =	simm.s32 $0x1;
	p0 =	por $0x0, $0x0;
	p1 =	por $0x0, $0x0;
	v7 =	vld [tilespmem:s26+$0x0]  }
0x228: {  	_ =	sdelay $0x2  }
0x229: {  	(xrf1) =	vsort.ascd.msk.f32 $0xffff, v6, v6  }
0x22a: {  	(xrf1) =	vsort.ascd.msk.f32 $0xffff, v7, v7;
	_ =	sdelay $0x9  }
0x22b: {  	p2 =	sne.s32 s23, $0x2  }
.Ltmp22:
0x22c: {  	_ = 	snop;
	(pc) =	sbr.rel @!p2 .LBB2_38-.Ltmp22, $4  }
0x22d: {  	_ = 	snop  }
0x22e: {  	s22 =	simm.s32 $0x2810;
	v8, _, _ =	vpop (xrf1)  }
0x22f: {  	s26 =	simm.s32 $0x3090;
	v6 =	vld [tilespmem:s22+$0x0];
	v9, _, _ =	vpop (xrf1)  }
0x230: {  	p0 =	por $0x1, $0x1;
	s22 =	simm.s32 $0x2;
	v7 =	vld [tilespmem:s26+$0x0];
	v8 =	vperm.xlane v8, v0;
	v11 =	vperm.xlane v9, v0  }
0x231: {  	_ =	sdelay $0x2  }
0x232: {  	(xrf1) =	vsort.ascd.msk.f32 $0xffff, v6, v6;
	_ =	sdelay $0xb  }
0x233: {  	v6 =	vmin.f32 v5, v11;
	(xrf1) =	vsort.ascd.msk.f32 $0xffff, v7, v7  }
0x234: {  	v7 =	vmin.f32 v5, v8;
	(xrf1) =	vsort.ascd.msk.f32 $0xffff, v6, v6  }
0x235: {  	v8, _, _ =	vpop (xrf1);
	(xrf1) =	vsort.ascd.msk.f32 $0xffff, v7, v7;
	_ =	sdelay $0x7  }
0x236: {  	s25 =	simm.s32 $0x2820;
	p4 =	sne.s32 s23, $0x3  }
.Ltmp23:
0x237: {  	s28 =	simm.s32 $0x30A0;
	v6 =	vld [tilespmem:s25+$0x0];
	(pc) =	sbr.rel @!p4 .LBB2_40-.Ltmp23, $3  }
0x238: {  	v7 =	vld [tilespmem:s28+$0x0];
	_ =	sdelay $0x1  }
0x239: {  	s26 =	simm.s32 $0x3;
	v10 =	vimm.f32 $+Inf;
	v9, _, _ =	vpop (xrf1)  }
0x23a: {  	p2 =	sgt.s32 s20, $0x0;
	p3 =	sgt.s32 s21, $0x0;
	p1 =	por $0x1, $0x1;
	v8 =	vperm.xlane v8, v0;
	v11 =	vperm.xlane v9, v0;
	v12, _, _ =	vpop (xrf1);
	v9 =	vimm.f32 $+Inf  }
.LBB2_41:
0x23b: {  	(xrf1) =	vsort.ascd.msk.f32 $0xffff, v6, v6;
	v9 =	vpsel p3, v12, v9;
	v6, _, _ =	vpop (xrf1);
	s29 =	smov.u32 s22;
	s22 =	smov.u32 s26;
	s26 =	sadd.s32 $0x1, s26  }
0x23c: {  	p4 =	sne.s32 s23, s26;
	(xrf1) =	vsort.ascd.msk.f32 $0xffff, v7, v7;
	v7 =	vmin.f32 v9, v11;
	v10 =	vpsel p2, v6, v10  }
0x23d: {  	v6 =	vmin.f32 v10, v8;
	(xrf1) =	vsort.ascd.msk.f32 $0xffff, v7, v7  }
0x23e: {  	(xrf1) =	vsort.ascd.msk.f32 $0xffff, v6, v6;
	_ =	sdelay $0x7  }
0x23f: {  	s25 =	sadd.s32 $0x10, s25  }
.Ltmp24:
0x240: {  	s28 =	sadd.s32 $0x10, s28;
	v6 =	vld [tilespmem:s25+$0x0];
	(pc) =	sbr.rel @p4 .LBB2_41-.Ltmp24, $4  }
0x241: {  	v7 =	vld [tilespmem:s28+$0x0]  }
0x242: {  	v8, _, _ =	vpop (xrf1)  }
0x243: {  	v8 =	vperm.xlane v8, v0;
	v11, _, _ =	vpop (xrf1)  }
0x244: {  	p3 =	slt.s32 s24, s21;
	p2 =	slt.s32 s24, s20;
	s24 =	smov.u32 s29;
	v11 =	vperm.xlane v11, v0;
	v12, _, _ =	vpop (xrf1)  }
0x245: {  	s25 =	smov.u32 s24  }
.LBB2_43:
0x246: {  	p3 =	por !p3, !p1  }
0x247: {  	v9 =	vpsel p3, v9, v12  }
0x248: {  	(xrf1) =	vsort.ascd.msk.f32 $0xffff, v6, v6;
	v9 =	vpsel p1, v9, v5  }
0x249: {  	v6, _, _ =	vpop @p1 (xrf1);
	(xrf1) =	vsort.ascd.msk.f32 $0xffff, v7, v7;
	v7 =	vmin.f32 @p0 v9, v11  }
0x24a: {  	p2 =	por !p2, !p1;
	(xrf1) =	vsort.ascd.msk.f32 @p0 $0xffff, v7, v7  }
0x24b: {  	v6 =	vpsel p2, v10, v6  }
0x24c: {  	v6 =	vpsel p1, v6, v5  }
0x24d: {  	v7 =	vmin.f32 @p0 v6, v8  }
0x24e: {  	(xrf1) =	vsort.ascd.msk.f32 @p0 $0xffff, v7, v7;
	_ =	sdelay $0x7  }
0x24f: {  	v7, _, _ =	vpop (xrf1)  }
0x250: {  	v8, _, _ =	vpop (xrf1)  }
0x251: {  	v10, _, _ =	vpop @p0 (xrf1)  }
0x252: {  	p1 =	slt.s32 @p0 s25, s21;
	v10 =	vpsel p0, v10, v0  }
0x253: {  	p2 =	slt.s32 @p0 s25, s20;
	p1 =	por @!p0 p0, p0  }
0x254: {  	p2 =	por @!p0 p0, p0;
	p1 =	por !p1, !p0  }
0x255: {  	p4 =	por !p2, !p0;
	v8 =	vperm.xlane v8, v0;
	v9 =	vpsel p1, v9, v10;
	v10, _, _ =	vpop @p0 (xrf1)  }
0x256: {  	v7 =	vperm.xlane v7, v0;
	v9 =	vpsel p0, v9, v5;
	v6 =	vpsel p4, v6, v10  }
0x257: {  	v8 =	vmin.f32 v9, v8;
	v6 =	vpsel p0, v6, v5  }
0x258: {  	(xrf1) =	vsort.ascd.msk.f32 $0xffff, v8, v8;
	v7 =	vmin.f32 v6, v7  }
0x259: {  	(xrf1) =	vsort.ascd.msk.f32 $0xffff, v7, v7;
	_ =	sdelay $0xc  }
0x25a: {  	v7, _, _ =	vpop (xrf1)  }
0x25b: {  	p5 =	slt.s32 s22, s20;
	p6 =	slt.s32 s22, s21;
	v8, _, _ =	vpop (xrf1)  }
0x25c: {  	v7 =	vpsel p6, v7, v9;
	v6 =	vpsel p5, v8, v6  }
0x25d: {  	v7 =	vadd.f32 $9.999999960e-13, v7;
	v6 =	vadd.f32 $9.999999960e-13, v6  }
.LBB2_44:
0x25e: {  	s21 =	simm.s32 $0x0  }
0x25f: {  	v14 =	vld [tilespmem:s21+$0x0]  }
0x260: {  	v15 =	vld [tilespmem:s21+$0x800]  }
0x261: {  	v16 =	vld [tilespmem:s21+$0x1000]  }
0x262: {  	s20 =	simm.s32 $0x10  }
0x263: {  	v10 =	vbroadcast v4, $0x7;
	v8 =	vbroadcast v2, $0x7;
	v20 =	vld [tilespmem:s20+$0x800]  }
0x264: {  	v12 =	vbroadcast v4, $0x6;
	v9 =	vbroadcast v3, $0x7  }
0x265: {  	v13 =	vbroadcast v2, $0x6;
	s22 =	simm.s32 $0x20;
	v17 =	vld [tilespmem:s20+$0x0];
	v18 =	vsub.f32 v14, v10;
	v19 =	vsub.f32 v15, v8  }
0x266: {  	v11 =	vbroadcast v3, $0x6;
	v25 =	vld [tilespmem:s22+$0x1000];
	v14 =	vsub.f32 v14, v12;
	v21 =	vsub.f32 v16, v9  }
0x267: {  	v15 =	vsub.f32 v15, v13;
	v18 =	vmul.f32 v18, v18;
	v19 =	vmul.f32 v19, v19  }
0x268: {  	v22 =	vld [tilespmem:s20+$0x1000];
	v16 =	vsub.f32 v16, v11;
	v24 =	vsub.f32 v20, v8  }
0x269: {  	v14 =	vmul.f32 v14, v14;
	v18 =	vadd.f32 v19, v18;
	v19 =	vmul.f32 v21, v21  }
0x26a: {  	v23 =	vld [tilespmem:s22+$0x0];
	v15 =	vmul.f32 v15, v15;
	v21 =	vsub.f32 v17, v12;
	v17 =	vsub.f32 v17, v10  }
0x26b: {  	v30 =	vsub.f32 v25, v9;
	v26 =	vmul.f32 v16, v16;
	v16 =	vadd.f32 v19, v18;
	v19 =	vld [tilespmem:s22+$0x800]  }
0x26c: {  	s18 =	ssub.f32 s18, s19;
	v24 =	vmul.f32 v24, v24;
	v28 =	vadd.f32 v15, v14;
	v17 =	vmul.f32 v17, v17  }
0x26d: {  	s16 =	ssub.f32 s16, s17;
	v18 =	vsub.f32 v20, v13;
	v20 =	vsub.f32 v22, v9;
	v21 =	vmul.f32 v21, v21  }
0x26e: {  	s18 =	smul.f32 $6.666667010e-02, s18;
	v22 =	vsub.f32 v22, v11;
	v27 =	vmin.f32 v5, v16;
	v14 =	vadd.f32 v24, v17  }
0x26f: {  	s30 =	smul.f32 $6.666667010e-02, s16;
	s16 =	simm.s32 $0x30;
	v17 =	vmul.f32 v20, v20;
	v24 =	vmul.f32 v18, v18;
	v20 =	vsub.f32 v23, v12;
	[tilespmem:s21+$0x2000] =	vst v16  }
0x270: {  	s29 =	smul.f32 s18, s18;
	v23 =	vsub.f32 v23, v10;
	v15 =	vmul.f32 v22, v22;
	v18 =	vld [tilespmem:s16+$0x0];
	v22 =	vsub.f32 v19, v8  }
0x271: {  	s14 =	sadd.f32 s18, s14;
	v29 =	vadd.f32 v17, v14;
	v16 =	vmul.f32 v20, v20;
	v17 =	vsub.f32 v19, v13;
	v19 =	vld [tilespmem:s16+$0x800]  }
0x272: {  	s31 =	smul.f32 s30, s30;
	s15 =	sadd.f32 s29, s15;
	v31 =	vmul.f32 v23, v23;
	v20 =	vld [tilespmem:s16+$0x1000];
	v23 =	vsub.f32 v25, v11;
	v32 =	vmul.f32 v22, v22  }
0x273: {  	s14 =	sadd.f32 s30, s14;
	v25 =	vmul.f32 v30, v30;
	v14 =	vmin.f32 v27, v29;
	v22 =	vadd.f32 v24, v21  }
0x274: {  	s17 =	simm.s32 $0x100;
	s15 =	sadd.f32 s31, s15;
	[tilespmem:s20+$0x2000] =	vst v29;
	v17 =	vmul.f32 v17, v17;
	v21 =	vadd.f32 v26, v28;
	v24 =	vadd.f32 v32, v31  }
.LBB2_45:
0x275: {  	s18 =	sshra.s32 s17, $0x2;
	v30 =	vsub.f32 v18, v12;
	v27 =	vsub.f32 v18, v10;
	v28 =	vmul.f32 v23, v23;
	v29 =	vmovc v22;
	p0 =	sne.s32 s17, $0x1FC0  }
.Ltmp25:
0x276: {  	s17 =	sadd.s32 $0x40, s17;
	v18 =	vld [tilespmem:s18+$0x0];
	v22 =	vsub.f32 v19, v8;
	v23 =	vadd.f32 v25, v24;
	[tilespmem:s21+$0x1800] =	vst v21;
	v5 =	vmin.f32 v5, v21;
	(pc) =	sbr.rel @p0 .LBB2_45-.Ltmp25, $4  }
0x277: {  	v21 =	vsub.f32 v19, v13;
	s21 =	smov.u32 s20;
	s20 =	smov.u32 s22;
	s22 =	smov.u32 s16;
	v19 =	vld [tilespmem:s18+$0x800];
	v24 =	vmul.f32 v30, v30;
	v25 =	vsub.f32 v20, v9;
	v26 =	vmovc v20  }
0x278: {  	s16 =	smov.u32 s18;
	v27 =	vmul.f32 v27, v27;
	v20 =	vld [tilespmem:s18+$0x1000];
	v30 =	vmul.f32 v22, v22;
	[tilespmem:s20+$0x2000] =	vst v23;
	v14 =	vmin.f32 v14, v23  }
0x279: {  	v23 =	vsub.f32 v26, v11;
	v22 =	vadd.f32 v17, v16;
	v17 =	vmul.f32 v21, v21;
	v16 =	vmovc v24  }
0x27a: {  	v21 =	vadd.f32 v15, v29;
	v15 =	vmovc v28;
	v25 =	vmul.f32 v25, v25;
	v24 =	vadd.f32 v30, v27  }
0x27b: {  	v12 =	vsub.f32 v18, v12;
	v10 =	vsub.f32 v18, v10  }
0x27c: {  	v16 =	vadd.f32 v17, v16;
	v13 =	vsub.f32 v19, v13  }
0x27d: {  	v61 =	vmul.f32 v23, v23;
	v15 =	vadd.f32 v15, v22;
	v8 =	vsub.f32 v19, v8  }
0x27e: {  	v12 =	vmul.f32 v12, v12;
	v11 =	vsub.f32 v20, v11;
	v13 =	vmul.f32 v13, v13  }
0x27f: {  	v62 =	vadd.f32 v25, v24;
	v10 =	vmul.f32 v10, v10;
	v8 =	vmul.f32 v8, v8  }
0x280: {  	v9 =	vsub.f32 v20, v9;
	v11 =	vmul.f32 v11, v11;
	v12 =	vadd.f32 v13, v12  }
0x281: {  	v5 =	vmin.f32 v5, v21;
	v8 =	vadd.f32 v8, v10;
	v10 =	vadd.f32 v61, v16  }
0x282: {  	v5 =	vmin.f32 v5, v15;
	v9 =	vmul.f32 v9, v9;
	v11 =	vadd.f32 v11, v12  }
0x283: {  	[tilespmem:s21+$0x1800] =	vst v21;
	v5 =	vmin.f32 v5, v10  }
0x284: {  	[tilespmem:s22+$0x2000] =	vst v62;
	v8 =	vadd.f32 v9, v8;
	v5 =	vmin.f32 v5, v11  }
0x285: {  	[tilespmem:s20+$0x1800] =	vst v15;
	(xrf0) =	vmax.scan.msk.f32 $0xffff, v5  }
0x286: {  	[tilespmem:s16+$0x2000] =	vst v8  }
0x287: {  	[tilespmem:s22+$0x1800] =	vst v10  }
0x288: {  	s31 =	simm.s32 $0x0;
	v9 =	vmin.f32 v14, v62;
	[tilespmem:s16+$0x1800] =	vst v11  }
0x289: {  	v5 =	vld [tilespmem:s31+$0x1800];
	_ =	sdelay $0x1  }
0x28a: {  	v8 =	vmin.f32 v9, v8;
	v9, _, _ =	vpop (xrf0)  }
0x28b: {  	v9 =	vbroadcast v9, $0xF  }
0x28c: {  	(xrf0) =	vmax.scan.msk.f32 $0xffff, v8  }
0x28d: {  	vm2 =	vle.f32 v5, v9  }
0x28e: {  	v8 =	vmpcnt.ones.xlane vm2;
	_ =	sdelay $0x1  }
0x28f: {  	v11 =	vld [tilespmem:s31+$0x2000];
	_ =	sdelay $0x1  }
0x290: {  	(v2sf) =	vpush v8, $0x0;
	v8, _, _ =	vpop (xrf0)  }
0x291: {  	v10 =	vbroadcast v8, $0xF  }
0x292: {  	s16 =	simm.s32 $0x0  }
0x293: {  	[tilespmem:s16+$0x2800] =	vst.msk vm2, v5;
	vm3 =	vle.f32 v11, v10  }
0x294: {  	[tilespmem:s16+$0x3080] =	vst.msk vm3, v11;
	v11 =	vmpcnt.ones.xlane vm3;
	_ =	sdelay $0x1  }
0x295: {  	(v2sf) =	vpush v11, $0x0;
	_ =	sdelay $0x2  }
0x296: {  	s17 =	simm.s32 $0x10  }
0x297: {  	v8 =	vld [tilespmem:s17+$0x1800]  }
0x298: {  	v5 =	vld [tilespmem:s17+$0x2000];
	_ =	sdelay $0x3  }
0x299: {  	vm3 =	vle.f32 v8, v9  }
0x29a: {  	vm2 =	vle.f32 v5, v10;
	v63 =	vmpcnt.ones.xlane vm3  }
0x29b: {  	v11 =	vmpcnt.ones.xlane vm2  }
0x29c: {  	(v2sf) =	vpush v63, $0x0  }
0x29d: {  	s19 =	simm.s32 $0x80;
	s17 =	simm.s32 $0x0;
	s18 =	spop (v2sf);
	(v2sf) =	vpush v11, $0x0  }
.LBB2_47:
0x29e: {  	s16 =	sadd.s32 s16, s18  }
0x29f: {  	s18 =	spop (v2sf);
	s20 =	smov.u32 s19;
	s21 =	sadd.s32 $0x40, s19  }
0x2a0: {  	p0 =	sne.s32 s19, $0x1FC0;
	[tilespmem:s16+$0x2800] =	vst.msk vm3, v8;
	s17 =	sadd.s32 s17, s18  }
0x2a1: {  	[tilespmem:s17+$0x3080] =	vst.msk vm2, v5  }
0x2a2: {  	s18 =	sshra.s32 s20, $0x2  }
0x2a3: {  	v8 =	vld [tilespmem:s18+$0x1800]  }
0x2a4: {  	v5 =	vld [tilespmem:s18+$0x2000];
	_ =	sdelay $0x3  }
.Ltmp26:
0x2a5: {  	vm3 =	vle.f32 v8, v9;
	(pc) =	sbr.rel @p0 .LBB2_47-.Ltmp26, $4  }
0x2a6: {  	vm2 =	vle.f32 v5, v10;
	v11 =	vmpcnt.ones.xlane vm3  }
0x2a7: {  	v12 =	vmpcnt.ones.xlane vm2  }
0x2a8: {  	(v2sf) =	vpush v11, $0x0  }
0x2a9: {  	s19 =	smov.u32 s21;
	(v2sf) =	vpush v12, $0x0;
	s18 =	spop (v2sf)  }
0x2aa: {  	v9 =	vshrl.u32 v6, $0x1;
	v10 =	vmul.f32 $5.000000000e-01, v6  }
0x2ab: {  	v9 =	vsub.s32 $0x5F3759DF, v9  }
0x2ac: {  	v12 =	vshrl.u32 v7, $0x1;
	v13 =	vmul.f32 $5.000000000e-01, v7;
	v11 =	vmul.f32 v9, v10  }
0x2ad: {  	v12 =	vsub.s32 $0x5F3759DF, v12  }
0x2ae: {  	v14 =	vmul.f32 v12, v13;
	v11 =	vmul.f32 v9, v11;
	_ =	sdelay $0x1  }
0x2af: {  	v14 =	vmul.f32 v12, v14;
	v11 =	vsub.f32 $1.500000000e+00, v11;
	_ =	sdelay $0x1  }
0x2b0: {  	v57 =	vsub.f32 $1.500000000e+00, v14;
	v9 =	vmul.f32 v9, v11;
	_ =	sdelay $0x1  }
0x2b1: {  	v11 =	vmul.f32 v12, v57;
	v58 =	vmul.f32 v9, v10;
	_ =	sdelay $0x1  }
0x2b2: {  	v60 =	vmul.f32 v11, v13;
	v59 =	vmul.f32 v58, v9;
	_ =	sdelay $0x1  }
0x2b3: {  	v14 =	vmul.f32 v60, v11;
	v12 =	vsub.f32 $1.500000000e+00, v59;
	_ =	sdelay $0x1  }
0x2b4: {  	v61 =	vsub.f32 $1.500000000e+00, v14;
	v9 =	vmul.f32 v12, v9;
	_ =	sdelay $0x1  }
0x2b5: {  	v11 =	vmul.f32 v61, v11;
	v10 =	vmul.f32 v9, v10;
	_ =	sdelay $0x1  }
0x2b6: {  	v12 =	vmul.f32 v11, v13;
	v10 =	vmul.f32 v10, v9;
	_ =	sdelay $0x1  }
0x2b7: {  	v12 =	vmul.f32 v12, v11;
	v10 =	vsub.f32 $1.500000000e+00, v10;
	_ =	sdelay $0x1  }
0x2b8: {  	v62 =	vsub.f32 $1.500000000e+00, v12;
	v9 =	vmul.f32 v10, v9;
	_ =	sdelay $0x1  }
0x2b9: {  	v63 =	vmul.f32 v62, v11;
	v6 =	vmul.f32 v9, v6;
	_ =	sdelay $0x1  }
0x2ba: {  	v7 =	vmul.f32 v63, v7;
	(xrf2) =	vadd.scan.msk.f32 $0xffff, v6;
	_ =	sdelay $0x1  }
0x2bb: {  	(xrf2) =	vadd.scan.msk.f32 $0xffff, v7;
	_ =	sdelay $0x2  }
0x2bc: {  	(xrf0) =	vmin.scan.msk.f32 $0xffff, v6;
	_ =	sdelay $0x1  }
0x2bd: {  	(xrf0) =	vmin.scan.msk.f32 $0xffff, v7;
	_ =	sdelay $0x1  }
0x2be: {  	s19 =	spop (v2sf)  }
0x2bf: {  	s16 =	sadd.s32 s16, s18;
	s25 =	spop (v2sf);
	v6, _, _ =	vpop (xrf2)  }
0x2c0: {  	s22 =	sadd.s32 s16, s25;
	v7, _, _ =	vpop (xrf0);
	(v2sf) =	vpush v6, $0xF  }
0x2c1: {  	s17 =	sadd.s32 s17, s19;
	s20 =	spop (v2sf);
	s18 =	sadd.s32 $0xF, s22;
	v6, _, _ =	vpop (xrf2);
	(v2sf) =	vpush v7, $0xF  }
0x2c2: {  	s24 =	sadd.s32 s17, s20;
	s20 =	simm.s32 $0x1;
	s26 =	sshra.s32 s18, $0x1F;
	(v2sf) =	vpush v6, $0xF;
	v6, _, _ =	vpop (xrf0)  }
0x2c3: {  	s28 =	sand.u32 $0xF, s18;
	s21 =	sadd.s32 $0xF, s24;
	p0 =	slt.s32 s18, $0x1;
	(v2sf) =	vpush v6, $0xF  }
0x2c4: {  	s19 =	sshrl.u32 s26, $0x1C;
	p1 =	sne.s32 s28, $0x0;
	s29 =	sand.u32 $0xF, s21  }
0x2c5: {  	p6 =	slt.s32 s21, $0x1;
	s31 =	sshra.s32 s21, $0x1F;
	p2 =	sne.s32 s29, $0x0  }
0x2c6: {  	s19 =	sadd.s32 s19, s18;
	p0 =	por !p0, !p1;
	p1 =	por !p6, !p2  }
0x2c7: {  	s30 =	sshra.s32 s19, $0x4;
	p0 =	por !p0, !p0;
	s19 =	sshrl.u32 s31, $0x1C  }
0x2c8: {  	s19 =	sadd.s32 s19, s21;
	p1 =	por !p1, !p1;
	s21 =	simm.s32 $0x1  }
0x2c9: {  	s20 =	simm.s32 @!p0 $0x0;
	s19 =	sshra.s32 s19, $0x4;
	s21 =	simm.s32 @!p1 $0x0  }
0x2ca: {  	s20 =	ssub.s32 s30, s20;
	s21 =	ssub.s32 s19, s21  }
0x2cb: {  	p0 =	sgt.s32 s20, s21;
	s23 =	smov.u32 s21  }
0x2cc: {  	s23 =	smov.u32 @p0 s20  }
0x2cd: {  	p0 =	slt.s32 s23, $0x1  }
.Ltmp27:
0x2ce: {  	_ = 	snop;
	(pc) =	sbr.rel @p0 .LBB2_58-.Ltmp27, $4  }
0x2cf: {  	[tilespmem:s16+$0x2800] =	vst.msk vm3, v8;
	s18 =	spop (v2sf)  }
0x2d0: {  	[tilespmem:s17+$0x3080] =	vst.msk vm2, v5;
	v5 =	vimm.f32 $+Inf;
	s19 =	spop (v2sf)  }
0x2d1: {  	[tilespmem:s22+$0x2800] =	vst v5;
	s16 =	spop (v2sf)  }
0x2d2: {  	[tilespmem:s24+$0x3080] =	vst v5;
	v7 =	vimm.f32 $+Inf;
	v6 =	vimm.f32 $+Inf;
	s17 =	spop (v2sf)  }
0x2d3: {  	p2 =	sne.s32 s23, $0x1  }
.Ltmp28:
0x2d4: {  	_ = 	snop;
	(pc) =	sbr.rel @!p2 .LBB2_50-.Ltmp28, $4  }
0x2d5: {  	_ = 	snop  }
0x2d6: {  	s22 =	simm.s32 $0x2800  }
0x2d7: {  	s25 =	simm.s32 $0x0;
	s26 =	simm.s32 $0x3080;
	v6 =	vld [tilespmem:s22+$0x0]  }
0x2d8: {  	s24 =	simm.s32 $0x1;
	p0 =	por $0x0, $0x0;
	p1 =	por $0x0, $0x0;
	v7 =	vld [tilespmem:s26+$0x0]  }
0x2d9: {  	_ =	sdelay $0x2  }
0x2da: {  	(xrf1) =	vsort.ascd.msk.f32 $0xffff, v6, v6  }
0x2db: {  	(xrf1) =	vsort.ascd.msk.f32 $0xffff, v7, v7;
	_ =	sdelay $0x9  }
0x2dc: {  	p2 =	sne.s32 s23, $0x2  }
.Ltmp29:
0x2dd: {  	_ = 	snop;
	(pc) =	sbr.rel @!p2 .LBB2_52-.Ltmp29, $4  }
0x2de: {  	_ = 	snop  }
0x2df: {  	s22 =	simm.s32 $0x2810;
	v8, _, _ =	vpop (xrf1)  }
0x2e0: {  	s26 =	simm.s32 $0x3090;
	v6 =	vld [tilespmem:s22+$0x0];
	v9, _, _ =	vpop (xrf1)  }
0x2e1: {  	p0 =	por $0x1, $0x1;
	s22 =	simm.s32 $0x2;
	v7 =	vld [tilespmem:s26+$0x0];
	v8 =	vperm.xlane v8, v0;
	v11 =	vperm.xlane v9, v0  }
0x2e2: {  	_ =	sdelay $0x2  }
0x2e3: {  	(xrf1) =	vsort.ascd.msk.f32 $0xffff, v6, v6;
	_ =	sdelay $0xb  }
0x2e4: {  	v6 =	vmin.f32 v5, v11;
	(xrf1) =	vsort.ascd.msk.f32 $0xffff, v7, v7  }
0x2e5: {  	v7 =	vmin.f32 v5, v8;
	(xrf1) =	vsort.ascd.msk.f32 $0xffff, v6, v6  }
0x2e6: {  	v8, _, _ =	vpop (xrf1);
	(xrf1) =	vsort.ascd.msk.f32 $0xffff, v7, v7;
	_ =	sdelay $0x7  }
0x2e7: {  	s25 =	simm.s32 $0x2820;
	p4 =	sne.s32 s23, $0x3  }
.Ltmp30:
0x2e8: {  	s28 =	simm.s32 $0x30A0;
	v6 =	vld [tilespmem:s25+$0x0];
	(pc) =	sbr.rel @!p4 .LBB2_54-.Ltmp30, $3  }
0x2e9: {  	v7 =	vld [tilespmem:s28+$0x0];
	_ =	sdelay $0x1  }
0x2ea: {  	s26 =	simm.s32 $0x3;
	v10 =	vimm.f32 $+Inf;
	v9, _, _ =	vpop (xrf1)  }
0x2eb: {  	p2 =	sgt.s32 s20, $0x0;
	p3 =	sgt.s32 s21, $0x0;
	p1 =	por $0x1, $0x1;
	v8 =	vperm.xlane v8, v0;
	v11 =	vperm.xlane v9, v0;
	v12, _, _ =	vpop (xrf1);
	v9 =	vimm.f32 $+Inf  }
.LBB2_55:
0x2ec: {  	(xrf1) =	vsort.ascd.msk.f32 $0xffff, v6, v6;
	v9 =	vpsel p3, v12, v9;
	v6, _, _ =	vpop (xrf1);
	s29 =	smov.u32 s22;
	s22 =	smov.u32 s26;
	s26 =	sadd.s32 $0x1, s26  }
0x2ed: {  	p4 =	sne.s32 s23, s26;
	(xrf1) =	vsort.ascd.msk.f32 $0xffff, v7, v7;
	v7 =	vmin.f32 v9, v11;
	v10 =	vpsel p2, v6, v10  }
0x2ee: {  	v6 =	vmin.f32 v10, v8;
	(xrf1) =	vsort.ascd.msk.f32 $0xffff, v7, v7  }
0x2ef: {  	(xrf1) =	vsort.ascd.msk.f32 $0xffff, v6, v6;
	_ =	sdelay $0x7  }
0x2f0: {  	s25 =	sadd.s32 $0x10, s25  }
.Ltmp31:
0x2f1: {  	s28 =	sadd.s32 $0x10, s28;
	v6 =	vld [tilespmem:s25+$0x0];
	(pc) =	sbr.rel @p4 .LBB2_55-.Ltmp31, $4  }
0x2f2: {  	v7 =	vld [tilespmem:s28+$0x0]  }
0x2f3: {  	v8, _, _ =	vpop (xrf1)  }
0x2f4: {  	v8 =	vperm.xlane v8, v0;
	v11, _, _ =	vpop (xrf1)  }
0x2f5: {  	p3 =	slt.s32 s24, s21;
	p2 =	slt.s32 s24, s20;
	s24 =	smov.u32 s29;
	v11 =	vperm.xlane v11, v0;
	v12, _, _ =	vpop (xrf1)  }
0x2f6: {  	s25 =	smov.u32 s24  }
.LBB2_57:
0x2f7: {  	p3 =	por !p3, !p1  }
0x2f8: {  	v9 =	vpsel p3, v9, v12  }
0x2f9: {  	(xrf1) =	vsort.ascd.msk.f32 $0xffff, v6, v6;
	v9 =	vpsel p1, v9, v5  }
0x2fa: {  	v6, _, _ =	vpop @p1 (xrf1);
	(xrf1) =	vsort.ascd.msk.f32 $0xffff, v7, v7;
	v7 =	vmin.f32 @p0 v9, v11  }
0x2fb: {  	p2 =	por !p2, !p1;
	(xrf1) =	vsort.ascd.msk.f32 @p0 $0xffff, v7, v7  }
0x2fc: {  	v6 =	vpsel p2, v10, v6  }
0x2fd: {  	v6 =	vpsel p1, v6, v5  }
0x2fe: {  	v7 =	vmin.f32 @p0 v6, v8  }
0x2ff: {  	(xrf1) =	vsort.ascd.msk.f32 @p0 $0xffff, v7, v7;
	_ =	sdelay $0x7  }
0x300: {  	v7, _, _ =	vpop (xrf1)  }
0x301: {  	v8, _, _ =	vpop (xrf1)  }
0x302: {  	v10, _, _ =	vpop @p0 (xrf1)  }
0x303: {  	p1 =	slt.s32 @p0 s25, s21;
	v10 =	vpsel p0, v10, v0  }
0x304: {  	p2 =	slt.s32 @p0 s25, s20;
	p1 =	por @!p0 p0, p0  }
0x305: {  	p2 =	por @!p0 p0, p0;
	p1 =	por !p1, !p0  }
0x306: {  	p4 =	por !p2, !p0;
	v8 =	vperm.xlane v8, v0;
	v9 =	vpsel p1, v9, v10;
	v10, _, _ =	vpop @p0 (xrf1)  }
0x307: {  	v7 =	vperm.xlane v7, v0;
	v9 =	vpsel p0, v9, v5;
	v6 =	vpsel p4, v6, v10  }
0x308: {  	v8 =	vmin.f32 v9, v8;
	v6 =	vpsel p0, v6, v5  }
0x309: {  	(xrf1) =	vsort.ascd.msk.f32 $0xffff, v8, v8;
	v7 =	vmin.f32 v6, v7  }
0x30a: {  	(xrf1) =	vsort.ascd.msk.f32 $0xffff, v7, v7;
	_ =	sdelay $0xc  }
0x30b: {  	v7, _, _ =	vpop (xrf1)  }
0x30c: {  	p5 =	slt.s32 s22, s20;
	p6 =	slt.s32 s22, s21;
	v8, _, _ =	vpop (xrf1)  }
0x30d: {  	v7 =	vpsel p6, v7, v9;
	v6 =	vpsel p5, v8, v6  }
0x30e: {  	v7 =	vadd.f32 $9.999999960e-13, v7;
	v6 =	vadd.f32 $9.999999960e-13, v6  }
.LBB2_58:
0x30f: {  	s21 =	simm.s32 $0x0  }
0x310: {  	v14 =	vld [tilespmem:s21+$0x0]  }
0x311: {  	v15 =	vld [tilespmem:s21+$0x800]  }
0x312: {  	v16 =	vld [tilespmem:s21+$0x1000]  }
0x313: {  	s20 =	simm.s32 $0x10  }
0x314: {  	v10 =	vbroadcast v4, $0x9;
	v8 =	vbroadcast v2, $0x9;
	v20 =	vld [tilespmem:s20+$0x800]  }
0x315: {  	v12 =	vbroadcast v4, $0x8;
	v9 =	vbroadcast v3, $0x9  }
0x316: {  	v13 =	vbroadcast v2, $0x8;
	s22 =	simm.s32 $0x20;
	v17 =	vld [tilespmem:s20+$0x0];
	v18 =	vsub.f32 v14, v10;
	v19 =	vsub.f32 v15, v8  }
0x317: {  	v11 =	vbroadcast v3, $0x8;
	v25 =	vld [tilespmem:s22+$0x1000];
	v14 =	vsub.f32 v14, v12;
	v21 =	vsub.f32 v16, v9  }
0x318: {  	v15 =	vsub.f32 v15, v13;
	v18 =	vmul.f32 v18, v18;
	v19 =	vmul.f32 v19, v19  }
0x319: {  	v22 =	vld [tilespmem:s20+$0x1000];
	v16 =	vsub.f32 v16, v11;
	v24 =	vsub.f32 v20, v8  }
0x31a: {  	v14 =	vmul.f32 v14, v14;
	v18 =	vadd.f32 v19, v18;
	v19 =	vmul.f32 v21, v21  }
0x31b: {  	v23 =	vld [tilespmem:s22+$0x0];
	v15 =	vmul.f32 v15, v15;
	v21 =	vsub.f32 v17, v12;
	v17 =	vsub.f32 v17, v10  }
0x31c: {  	v30 =	vsub.f32 v25, v9;
	v26 =	vmul.f32 v16, v16;
	v16 =	vadd.f32 v19, v18;
	v19 =	vld [tilespmem:s22+$0x800]  }
0x31d: {  	s18 =	ssub.f32 s18, s19;
	v24 =	vmul.f32 v24, v24;
	v28 =	vadd.f32 v15, v14;
	v17 =	vmul.f32 v17, v17  }
0x31e: {  	s16 =	ssub.f32 s16, s17;
	v18 =	vsub.f32 v20, v13;
	v20 =	vsub.f32 v22, v9;
	v21 =	vmul.f32 v21, v21  }
0x31f: {  	s18 =	smul.f32 $6.666667010e-02, s18;
	v22 =	vsub.f32 v22, v11;
	v27 =	vmin.f32 v5, v16;
	v14 =	vadd.f32 v24, v17  }
0x320: {  	s30 =	smul.f32 $6.666667010e-02, s16;
	s16 =	simm.s32 $0x30;
	v17 =	vmul.f32 v20, v20;
	v24 =	vmul.f32 v18, v18;
	v20 =	vsub.f32 v23, v12;
	[tilespmem:s21+$0x2000] =	vst v16  }
0x321: {  	s29 =	smul.f32 s18, s18;
	v23 =	vsub.f32 v23, v10;
	v15 =	vmul.f32 v22, v22;
	v18 =	vld [tilespmem:s16+$0x0];
	v22 =	vsub.f32 v19, v8  }
0x322: {  	s14 =	sadd.f32 s18, s14;
	v29 =	vadd.f32 v17, v14;
	v16 =	vmul.f32 v20, v20;
	v17 =	vsub.f32 v19, v13;
	v19 =	vld [tilespmem:s16+$0x800]  }
0x323: {  	s31 =	smul.f32 s30, s30;
	s15 =	sadd.f32 s29, s15;
	v31 =	vmul.f32 v23, v23;
	v20 =	vld [tilespmem:s16+$0x1000];
	v23 =	vsub.f32 v25, v11;
	v32 =	vmul.f32 v22, v22  }
0x324: {  	s14 =	sadd.f32 s30, s14;
	v25 =	vmul.f32 v30, v30;
	v14 =	vmin.f32 v27, v29;
	v22 =	vadd.f32 v24, v21  }
0x325: {  	s17 =	simm.s32 $0x100;
	s15 =	sadd.f32 s31, s15;
	[tilespmem:s20+$0x2000] =	vst v29;
	v17 =	vmul.f32 v17, v17;
	v21 =	vadd.f32 v26, v28;
	v24 =	vadd.f32 v32, v31  }
.LBB2_59:
0x326: {  	s18 =	sshra.s32 s17, $0x2;
	v30 =	vsub.f32 v18, v12;
	v27 =	vsub.f32 v18, v10;
	v28 =	vmul.f32 v23, v23;
	v29 =	vmovc v22;
	p0 =	sne.s32 s17, $0x1FC0  }
.Ltmp32:
0x327: {  	s17 =	sadd.s32 $0x40, s17;
	v18 =	vld [tilespmem:s18+$0x0];
	v22 =	vsub.f32 v19, v8;
	v23 =	vadd.f32 v25, v24;
	[tilespmem:s21+$0x1800] =	vst v21;
	v5 =	vmin.f32 v5, v21;
	(pc) =	sbr.rel @p0 .LBB2_59-.Ltmp32, $4  }
0x328: {  	v21 =	vsub.f32 v19, v13;
	s21 =	smov.u32 s20;
	s20 =	smov.u32 s22;
	s22 =	smov.u32 s16;
	v19 =	vld [tilespmem:s18+$0x800];
	v24 =	vmul.f32 v30, v30;
	v25 =	vsub.f32 v20, v9;
	v26 =	vmovc v20  }
0x329: {  	s16 =	smov.u32 s18;
	v27 =	vmul.f32 v27, v27;
	v20 =	vld [tilespmem:s18+$0x1000];
	v30 =	vmul.f32 v22, v22;
	[tilespmem:s20+$0x2000] =	vst v23;
	v14 =	vmin.f32 v14, v23  }
0x32a: {  	v23 =	vsub.f32 v26, v11;
	v22 =	vadd.f32 v17, v16;
	v17 =	vmul.f32 v21, v21;
	v16 =	vmovc v24  }
0x32b: {  	v21 =	vadd.f32 v15, v29;
	v15 =	vmovc v28;
	v25 =	vmul.f32 v25, v25;
	v24 =	vadd.f32 v30, v27  }
0x32c: {  	v12 =	vsub.f32 v18, v12;
	v10 =	vsub.f32 v18, v10  }
0x32d: {  	v16 =	vadd.f32 v17, v16;
	v13 =	vsub.f32 v19, v13  }
0x32e: {  	v61 =	vmul.f32 v23, v23;
	v15 =	vadd.f32 v15, v22;
	v8 =	vsub.f32 v19, v8  }
0x32f: {  	v12 =	vmul.f32 v12, v12;
	v11 =	vsub.f32 v20, v11;
	v13 =	vmul.f32 v13, v13  }
0x330: {  	v62 =	vadd.f32 v25, v24;
	v10 =	vmul.f32 v10, v10;
	v8 =	vmul.f32 v8, v8  }
0x331: {  	v9 =	vsub.f32 v20, v9;
	v11 =	vmul.f32 v11, v11;
	v12 =	vadd.f32 v13, v12  }
0x332: {  	v5 =	vmin.f32 v5, v21;
	v8 =	vadd.f32 v8, v10;
	v10 =	vadd.f32 v61, v16  }
0x333: {  	v5 =	vmin.f32 v5, v15;
	v9 =	vmul.f32 v9, v9;
	v11 =	vadd.f32 v11, v12  }
0x334: {  	[tilespmem:s21+$0x1800] =	vst v21;
	v5 =	vmin.f32 v5, v10  }
0x335: {  	[tilespmem:s22+$0x2000] =	vst v62;
	v8 =	vadd.f32 v9, v8;
	v5 =	vmin.f32 v5, v11  }
0x336: {  	[tilespmem:s20+$0x1800] =	vst v15;
	(xrf0) =	vmax.scan.msk.f32 $0xffff, v5  }
0x337: {  	[tilespmem:s16+$0x2000] =	vst v8  }
0x338: {  	[tilespmem:s22+$0x1800] =	vst v10  }
0x339: {  	s31 =	simm.s32 $0x0;
	v9 =	vmin.f32 v14, v62;
	[tilespmem:s16+$0x1800] =	vst v11  }
0x33a: {  	v5 =	vld [tilespmem:s31+$0x1800];
	_ =	sdelay $0x1  }
0x33b: {  	v8 =	vmin.f32 v9, v8;
	v9, _, _ =	vpop (xrf0)  }
0x33c: {  	v9 =	vbroadcast v9, $0xF  }
0x33d: {  	(xrf0) =	vmax.scan.msk.f32 $0xffff, v8  }
0x33e: {  	vm2 =	vle.f32 v5, v9  }
0x33f: {  	v8 =	vmpcnt.ones.xlane vm2;
	_ =	sdelay $0x1  }
0x340: {  	v11 =	vld [tilespmem:s31+$0x2000];
	_ =	sdelay $0x1  }
0x341: {  	(v2sf) =	vpush v8, $0x0;
	v8, _, _ =	vpop (xrf0)  }
0x342: {  	v10 =	vbroadcast v8, $0xF  }
0x343: {  	s16 =	simm.s32 $0x0  }
0x344: {  	[tilespmem:s16+$0x2800] =	vst.msk vm2, v5;
	vm3 =	vle.f32 v11, v10  }
0x345: {  	[tilespmem:s16+$0x3080] =	vst.msk vm3, v11;
	v11 =	vmpcnt.ones.xlane vm3;
	_ =	sdelay $0x1  }
0x346: {  	(v2sf) =	vpush v11, $0x0;
	_ =	sdelay $0x2  }
0x347: {  	s17 =	simm.s32 $0x10  }
0x348: {  	v8 =	vld [tilespmem:s17+$0x1800]  }
0x349: {  	v5 =	vld [tilespmem:s17+$0x2000];
	_ =	sdelay $0x3  }
0x34a: {  	vm3 =	vle.f32 v8, v9  }
0x34b: {  	vm2 =	vle.f32 v5, v10;
	v63 =	vmpcnt.ones.xlane vm3  }
0x34c: {  	v11 =	vmpcnt.ones.xlane vm2  }
0x34d: {  	(v2sf) =	vpush v63, $0x0  }
0x34e: {  	s19 =	simm.s32 $0x80;
	s17 =	simm.s32 $0x0;
	s18 =	spop (v2sf);
	(v2sf) =	vpush v11, $0x0  }
.LBB2_61:
0x34f: {  	s16 =	sadd.s32 s16, s18  }
0x350: {  	s18 =	spop (v2sf);
	s20 =	smov.u32 s19;
	s21 =	sadd.s32 $0x40, s19  }
0x351: {  	p0 =	sne.s32 s19, $0x1FC0;
	[tilespmem:s16+$0x2800] =	vst.msk vm3, v8;
	s17 =	sadd.s32 s17, s18  }
0x352: {  	[tilespmem:s17+$0x3080] =	vst.msk vm2, v5  }
0x353: {  	s18 =	sshra.s32 s20, $0x2  }
0x354: {  	v8 =	vld [tilespmem:s18+$0x1800]  }
0x355: {  	v5 =	vld [tilespmem:s18+$0x2000];
	_ =	sdelay $0x3  }
.Ltmp33:
0x356: {  	vm3 =	vle.f32 v8, v9;
	(pc) =	sbr.rel @p0 .LBB2_61-.Ltmp33, $4  }
0x357: {  	vm2 =	vle.f32 v5, v10;
	v11 =	vmpcnt.ones.xlane vm3  }
0x358: {  	v12 =	vmpcnt.ones.xlane vm2  }
0x359: {  	(v2sf) =	vpush v11, $0x0  }
0x35a: {  	s19 =	smov.u32 s21;
	(v2sf) =	vpush v12, $0x0;
	s18 =	spop (v2sf)  }
0x35b: {  	v9 =	vshrl.u32 v6, $0x1;
	v10 =	vmul.f32 $5.000000000e-01, v6  }
0x35c: {  	v9 =	vsub.s32 $0x5F3759DF, v9  }
0x35d: {  	v12 =	vshrl.u32 v7, $0x1;
	v13 =	vmul.f32 $5.000000000e-01, v7;
	v11 =	vmul.f32 v9, v10  }
0x35e: {  	v12 =	vsub.s32 $0x5F3759DF, v12  }
0x35f: {  	v14 =	vmul.f32 v12, v13;
	v11 =	vmul.f32 v9, v11;
	_ =	sdelay $0x1  }
0x360: {  	v14 =	vmul.f32 v12, v14;
	v11 =	vsub.f32 $1.500000000e+00, v11;
	_ =	sdelay $0x1  }
0x361: {  	v57 =	vsub.f32 $1.500000000e+00, v14;
	v9 =	vmul.f32 v9, v11;
	_ =	sdelay $0x1  }
0x362: {  	v11 =	vmul.f32 v12, v57;
	v58 =	vmul.f32 v9, v10;
	_ =	sdelay $0x1  }
0x363: {  	v60 =	vmul.f32 v11, v13;
	v59 =	vmul.f32 v58, v9;
	_ =	sdelay $0x1  }
0x364: {  	v14 =	vmul.f32 v60, v11;
	v12 =	vsub.f32 $1.500000000e+00, v59;
	_ =	sdelay $0x1  }
0x365: {  	v61 =	vsub.f32 $1.500000000e+00, v14;
	v9 =	vmul.f32 v12, v9;
	_ =	sdelay $0x1  }
0x366: {  	v11 =	vmul.f32 v61, v11;
	v10 =	vmul.f32 v9, v10;
	_ =	sdelay $0x1  }
0x367: {  	v12 =	vmul.f32 v11, v13;
	v10 =	vmul.f32 v10, v9;
	_ =	sdelay $0x1  }
0x368: {  	v12 =	vmul.f32 v12, v11;
	v10 =	vsub.f32 $1.500000000e+00, v10;
	_ =	sdelay $0x1  }
0x369: {  	v62 =	vsub.f32 $1.500000000e+00, v12;
	v9 =	vmul.f32 v10, v9;
	_ =	sdelay $0x1  }
0x36a: {  	v63 =	vmul.f32 v62, v11;
	v6 =	vmul.f32 v9, v6;
	_ =	sdelay $0x1  }
0x36b: {  	v7 =	vmul.f32 v63, v7;
	(xrf2) =	vadd.scan.msk.f32 $0xffff, v6;
	_ =	sdelay $0x1  }
0x36c: {  	(xrf2) =	vadd.scan.msk.f32 $0xffff, v7;
	_ =	sdelay $0x2  }
0x36d: {  	(xrf0) =	vmin.scan.msk.f32 $0xffff, v6;
	_ =	sdelay $0x1  }
0x36e: {  	(xrf0) =	vmin.scan.msk.f32 $0xffff, v7;
	_ =	sdelay $0x1  }
0x36f: {  	s19 =	spop (v2sf)  }
0x370: {  	s16 =	sadd.s32 s16, s18;
	s25 =	spop (v2sf);
	v6, _, _ =	vpop (xrf2)  }
0x371: {  	s22 =	sadd.s32 s16, s25;
	v7, _, _ =	vpop (xrf0);
	(v2sf) =	vpush v6, $0xF  }
0x372: {  	s17 =	sadd.s32 s17, s19;
	s20 =	spop (v2sf);
	s18 =	sadd.s32 $0xF, s22;
	v6, _, _ =	vpop (xrf2);
	(v2sf) =	vpush v7, $0xF  }
0x373: {  	s24 =	sadd.s32 s17, s20;
	s20 =	simm.s32 $0x1;
	s26 =	sshra.s32 s18, $0x1F;
	(v2sf) =	vpush v6, $0xF;
	v6, _, _ =	vpop (xrf0)  }
0x374: {  	s28 =	sand.u32 $0xF, s18;
	s21 =	sadd.s32 $0xF, s24;
	p0 =	slt.s32 s18, $0x1;
	(v2sf) =	vpush v6, $0xF  }
0x375: {  	s19 =	sshrl.u32 s26, $0x1C;
	p1 =	sne.s32 s28, $0x0;
	s29 =	sand.u32 $0xF, s21  }
0x376: {  	p6 =	slt.s32 s21, $0x1;
	s31 =	sshra.s32 s21, $0x1F;
	p2 =	sne.s32 s29, $0x0  }
0x377: {  	s19 =	sadd.s32 s19, s18;
	p0 =	por !p0, !p1;
	p1 =	por !p6, !p2  }
0x378: {  	s30 =	sshra.s32 s19, $0x4;
	p0 =	por !p0, !p0;
	s19 =	sshrl.u32 s31, $0x1C  }
0x379: {  	s19 =	sadd.s32 s19, s21;
	p1 =	por !p1, !p1;
	s21 =	simm.s32 $0x1  }
0x37a: {  	s20 =	simm.s32 @!p0 $0x0;
	s19 =	sshra.s32 s19, $0x4;
	s21 =	simm.s32 @!p1 $0x0  }
0x37b: {  	s20 =	ssub.s32 s30, s20;
	s21 =	ssub.s32 s19, s21  }
0x37c: {  	p0 =	sgt.s32 s20, s21;
	s23 =	smov.u32 s21  }
0x37d: {  	s23 =	smov.u32 @p0 s20  }
0x37e: {  	p0 =	slt.s32 s23, $0x1  }
.Ltmp34:
0x37f: {  	_ = 	snop;
	(pc) =	sbr.rel @p0 .LBB2_72-.Ltmp34, $4  }
0x380: {  	[tilespmem:s16+$0x2800] =	vst.msk vm3, v8;
	s18 =	spop (v2sf)  }
0x381: {  	[tilespmem:s17+$0x3080] =	vst.msk vm2, v5;
	v5 =	vimm.f32 $+Inf;
	s19 =	spop (v2sf)  }
0x382: {  	[tilespmem:s22+$0x2800] =	vst v5;
	s16 =	spop (v2sf)  }
0x383: {  	[tilespmem:s24+$0x3080] =	vst v5;
	v7 =	vimm.f32 $+Inf;
	v6 =	vimm.f32 $+Inf;
	s17 =	spop (v2sf)  }
0x384: {  	p2 =	sne.s32 s23, $0x1  }
.Ltmp35:
0x385: {  	_ = 	snop;
	(pc) =	sbr.rel @!p2 .LBB2_64-.Ltmp35, $4  }
0x386: {  	_ = 	snop  }
0x387: {  	s22 =	simm.s32 $0x2800  }
0x388: {  	s25 =	simm.s32 $0x0;
	s26 =	simm.s32 $0x3080;
	v6 =	vld [tilespmem:s22+$0x0]  }
0x389: {  	s24 =	simm.s32 $0x1;
	p0 =	por $0x0, $0x0;
	p1 =	por $0x0, $0x0;
	v7 =	vld [tilespmem:s26+$0x0]  }
0x38a: {  	_ =	sdelay $0x2  }
0x38b: {  	(xrf1) =	vsort.ascd.msk.f32 $0xffff, v6, v6  }
0x38c: {  	(xrf1) =	vsort.ascd.msk.f32 $0xffff, v7, v7;
	_ =	sdelay $0x9  }
0x38d: {  	p2 =	sne.s32 s23, $0x2  }
.Ltmp36:
0x38e: {  	_ = 	snop;
	(pc) =	sbr.rel @!p2 .LBB2_66-.Ltmp36, $4  }
0x38f: {  	_ = 	snop  }
0x390: {  	s22 =	simm.s32 $0x2810;
	v8, _, _ =	vpop (xrf1)  }
0x391: {  	s26 =	simm.s32 $0x3090;
	v6 =	vld [tilespmem:s22+$0x0];
	v9, _, _ =	vpop (xrf1)  }
0x392: {  	p0 =	por $0x1, $0x1;
	s22 =	simm.s32 $0x2;
	v7 =	vld [tilespmem:s26+$0x0];
	v8 =	vperm.xlane v8, v0;
	v11 =	vperm.xlane v9, v0  }
0x393: {  	_ =	sdelay $0x2  }
0x394: {  	(xrf1) =	vsort.ascd.msk.f32 $0xffff, v6, v6;
	_ =	sdelay $0xb  }
0x395: {  	v6 =	vmin.f32 v5, v11;
	(xrf1) =	vsort.ascd.msk.f32 $0xffff, v7, v7  }
0x396: {  	v7 =	vmin.f32 v5, v8;
	(xrf1) =	vsort.ascd.msk.f32 $0xffff, v6, v6  }
0x397: {  	v8, _, _ =	vpop (xrf1);
	(xrf1) =	vsort.ascd.msk.f32 $0xffff, v7, v7;
	_ =	sdelay $0x7  }
0x398: {  	s25 =	simm.s32 $0x2820;
	p4 =	sne.s32 s23, $0x3  }
.Ltmp37:
0x399: {  	s28 =	simm.s32 $0x30A0;
	v6 =	vld [tilespmem:s25+$0x0];
	(pc) =	sbr.rel @!p4 .LBB2_68-.Ltmp37, $3  }
0x39a: {  	v7 =	vld [tilespmem:s28+$0x0];
	_ =	sdelay $0x1  }
0x39b: {  	s26 =	simm.s32 $0x3;
	v10 =	vimm.f32 $+Inf;
	v9, _, _ =	vpop (xrf1)  }
0x39c: {  	p2 =	sgt.s32 s20, $0x0;
	p3 =	sgt.s32 s21, $0x0;
	p1 =	por $0x1, $0x1;
	v8 =	vperm.xlane v8, v0;
	v11 =	vperm.xlane v9, v0;
	v12, _, _ =	vpop (xrf1);
	v9 =	vimm.f32 $+Inf  }
.LBB2_69:
0x39d: {  	(xrf1) =	vsort.ascd.msk.f32 $0xffff, v6, v6;
	v9 =	vpsel p3, v12, v9;
	v6, _, _ =	vpop (xrf1);
	s29 =	smov.u32 s22;
	s22 =	smov.u32 s26;
	s26 =	sadd.s32 $0x1, s26  }
0x39e: {  	p4 =	sne.s32 s23, s26;
	(xrf1) =	vsort.ascd.msk.f32 $0xffff, v7, v7;
	v7 =	vmin.f32 v9, v11;
	v10 =	vpsel p2, v6, v10  }
0x39f: {  	v6 =	vmin.f32 v10, v8;
	(xrf1) =	vsort.ascd.msk.f32 $0xffff, v7, v7  }
0x3a0: {  	(xrf1) =	vsort.ascd.msk.f32 $0xffff, v6, v6;
	_ =	sdelay $0x7  }
0x3a1: {  	s25 =	sadd.s32 $0x10, s25  }
.Ltmp38:
0x3a2: {  	s28 =	sadd.s32 $0x10, s28;
	v6 =	vld [tilespmem:s25+$0x0];
	(pc) =	sbr.rel @p4 .LBB2_69-.Ltmp38, $4  }
0x3a3: {  	v7 =	vld [tilespmem:s28+$0x0]  }
0x3a4: {  	v8, _, _ =	vpop (xrf1)  }
0x3a5: {  	v8 =	vperm.xlane v8, v0;
	v11, _, _ =	vpop (xrf1)  }
0x3a6: {  	p3 =	slt.s32 s24, s21;
	p2 =	slt.s32 s24, s20;
	s24 =	smov.u32 s29;
	v11 =	vperm.xlane v11, v0;
	v12, _, _ =	vpop (xrf1)  }
0x3a7: {  	s25 =	smov.u32 s24  }
.LBB2_71:
0x3a8: {  	p3 =	por !p3, !p1  }
0x3a9: {  	v9 =	vpsel p3, v9, v12  }
0x3aa: {  	(xrf1) =	vsort.ascd.msk.f32 $0xffff, v6, v6;
	v9 =	vpsel p1, v9, v5  }
0x3ab: {  	v6, _, _ =	vpop @p1 (xrf1);
	(xrf1) =	vsort.ascd.msk.f32 $0xffff, v7, v7;
	v7 =	vmin.f32 @p0 v9, v11  }
0x3ac: {  	p2 =	por !p2, !p1;
	(xrf1) =	vsort.ascd.msk.f32 @p0 $0xffff, v7, v7  }
0x3ad: {  	v6 =	vpsel p2, v10, v6  }
0x3ae: {  	v6 =	vpsel p1, v6, v5  }
0x3af: {  	v7 =	vmin.f32 @p0 v6, v8  }
0x3b0: {  	(xrf1) =	vsort.ascd.msk.f32 @p0 $0xffff, v7, v7;
	_ =	sdelay $0x7  }
0x3b1: {  	v7, _, _ =	vpop (xrf1)  }
0x3b2: {  	v8, _, _ =	vpop (xrf1)  }
0x3b3: {  	v10, _, _ =	vpop @p0 (xrf1)  }
0x3b4: {  	p1 =	slt.s32 @p0 s25, s21;
	v10 =	vpsel p0, v10, v0  }
0x3b5: {  	p2 =	slt.s32 @p0 s25, s20;
	p1 =	por @!p0 p0, p0  }
0x3b6: {  	p2 =	por @!p0 p0, p0;
	p1 =	por !p1, !p0  }
0x3b7: {  	p4 =	por !p2, !p0;
	v8 =	vperm.xlane v8, v0;
	v9 =	vpsel p1, v9, v10;
	v10, _, _ =	vpop @p0 (xrf1)  }
0x3b8: {  	v7 =	vperm.xlane v7, v0;
	v9 =	vpsel p0, v9, v5;
	v6 =	vpsel p4, v6, v10  }
0x3b9: {  	v8 =	vmin.f32 v9, v8;
	v6 =	vpsel p0, v6, v5  }
0x3ba: {  	(xrf1) =	vsort.ascd.msk.f32 $0xffff, v8, v8;
	v7 =	vmin.f32 v6, v7  }
0x3bb: {  	(xrf1) =	vsort.ascd.msk.f32 $0xffff, v7, v7;
	_ =	sdelay $0xc  }
0x3bc: {  	v7, _, _ =	vpop (xrf1)  }
0x3bd: {  	p5 =	slt.s32 s22, s20;
	p6 =	slt.s32 s22, s21;
	v8, _, _ =	vpop (xrf1)  }
0x3be: {  	v7 =	vpsel p6, v7, v9;
	v6 =	vpsel p5, v8, v6  }
0x3bf: {  	v7 =	vadd.f32 $9.999999960e-13, v7;
	v6 =	vadd.f32 $9.999999960e-13, v6  }
.LBB2_72:
0x3c0: {  	s21 =	simm.s32 $0x0  }
0x3c1: {  	v14 =	vld [tilespmem:s21+$0x0]  }
0x3c2: {  	v15 =	vld [tilespmem:s21+$0x800]  }
0x3c3: {  	v16 =	vld [tilespmem:s21+$0x1000]  }
0x3c4: {  	s20 =	simm.s32 $0x10  }
0x3c5: {  	v10 =	vbroadcast v4, $0xB;
	v8 =	vbroadcast v2, $0xB;
	v20 =	vld [tilespmem:s20+$0x800]  }
0x3c6: {  	v12 =	vbroadcast v4, $0xA;
	v9 =	vbroadcast v3, $0xB  }
0x3c7: {  	v13 =	vbroadcast v2, $0xA;
	s22 =	simm.s32 $0x20;
	v17 =	vld [tilespmem:s20+$0x0];
	v18 =	vsub.f32 v14, v10;
	v19 =	vsub.f32 v15, v8  }
0x3c8: {  	v11 =	vbroadcast v3, $0xA;
	v25 =	vld [tilespmem:s22+$0x1000];
	v14 =	vsub.f32 v14, v12;
	v21 =	vsub.f32 v16, v9  }
0x3c9: {  	v15 =	vsub.f32 v15, v13;
	v18 =	vmul.f32 v18, v18;
	v19 =	vmul.f32 v19, v19  }
0x3ca: {  	v22 =	vld [tilespmem:s20+$0x1000];
	v16 =	vsub.f32 v16, v11;
	v24 =	vsub.f32 v20, v8  }
0x3cb: {  	v14 =	vmul.f32 v14, v14;
	v18 =	vadd.f32 v19, v18;
	v19 =	vmul.f32 v21, v21  }
0x3cc: {  	v23 =	vld [tilespmem:s22+$0x0];
	v15 =	vmul.f32 v15, v15;
	v21 =	vsub.f32 v17, v12;
	v17 =	vsub.f32 v17, v10  }
0x3cd: {  	v30 =	vsub.f32 v25, v9;
	v26 =	vmul.f32 v16, v16;
	v16 =	vadd.f32 v19, v18;
	v19 =	vld [tilespmem:s22+$0x800]  }
0x3ce: {  	s18 =	ssub.f32 s18, s19;
	v24 =	vmul.f32 v24, v24;
	v28 =	vadd.f32 v15, v14;
	v17 =	vmul.f32 v17, v17  }
0x3cf: {  	s16 =	ssub.f32 s16, s17;
	v18 =	vsub.f32 v20, v13;
	v20 =	vsub.f32 v22, v9;
	v21 =	vmul.f32 v21, v21  }
0x3d0: {  	s18 =	smul.f32 $6.666667010e-02, s18;
	v22 =	vsub.f32 v22, v11;
	v27 =	vmin.f32 v5, v16;
	v14 =	vadd.f32 v24, v17  }
0x3d1: {  	s30 =	smul.f32 $6.666667010e-02, s16;
	s16 =	simm.s32 $0x30;
	v17 =	vmul.f32 v20, v20;
	v24 =	vmul.f32 v18, v18;
	v20 =	vsub.f32 v23, v12;
	[tilespmem:s21+$0x2000] =	vst v16  }
0x3d2: {  	s29 =	smul.f32 s18, s18;
	v23 =	vsub.f32 v23, v10;
	v15 =	vmul.f32 v22, v22;
	v18 =	vld [tilespmem:s16+$0x0];
	v22 =	vsub.f32 v19, v8  }
0x3d3: {  	s14 =	sadd.f32 s18, s14;
	v29 =	vadd.f32 v17, v14;
	v16 =	vmul.f32 v20, v20;
	v17 =	vsub.f32 v19, v13;
	v19 =	vld [tilespmem:s16+$0x800]  }
0x3d4: {  	s31 =	smul.f32 s30, s30;
	s15 =	sadd.f32 s29, s15;
	v31 =	vmul.f32 v23, v23;
	v20 =	vld [tilespmem:s16+$0x1000];
	v23 =	vsub.f32 v25, v11;
	v32 =	vmul.f32 v22, v22  }
0x3d5: {  	s14 =	sadd.f32 s30, s14;
	v25 =	vmul.f32 v30, v30;
	v14 =	vmin.f32 v27, v29;
	v22 =	vadd.f32 v24, v21  }
0x3d6: {  	s17 =	simm.s32 $0x100;
	s15 =	sadd.f32 s31, s15;
	[tilespmem:s20+$0x2000] =	vst v29;
	v17 =	vmul.f32 v17, v17;
	v21 =	vadd.f32 v26, v28;
	v24 =	vadd.f32 v32, v31  }
.LBB2_73:
0x3d7: {  	s18 =	sshra.s32 s17, $0x2;
	v30 =	vsub.f32 v18, v12;
	v27 =	vsub.f32 v18, v10;
	v28 =	vmul.f32 v23, v23;
	v29 =	vmovc v22;
	p0 =	sne.s32 s17, $0x1FC0  }
.Ltmp39:
0x3d8: {  	s17 =	sadd.s32 $0x40, s17;
	v18 =	vld [tilespmem:s18+$0x0];
	v22 =	vsub.f32 v19, v8;
	v23 =	vadd.f32 v25, v24;
	[tilespmem:s21+$0x1800] =	vst v21;
	v5 =	vmin.f32 v5, v21;
	(pc) =	sbr.rel @p0 .LBB2_73-.Ltmp39, $4  }
0x3d9: {  	v21 =	vsub.f32 v19, v13;
	s21 =	smov.u32 s20;
	s20 =	smov.u32 s22;
	s22 =	smov.u32 s16;
	v19 =	vld [tilespmem:s18+$0x800];
	v24 =	vmul.f32 v30, v30;
	v25 =	vsub.f32 v20, v9;
	v26 =	vmovc v20  }
0x3da: {  	s16 =	smov.u32 s18;
	v27 =	vmul.f32 v27, v27;
	v20 =	vld [tilespmem:s18+$0x1000];
	v30 =	vmul.f32 v22, v22;
	[tilespmem:s20+$0x2000] =	vst v23;
	v14 =	vmin.f32 v14, v23  }
0x3db: {  	v23 =	vsub.f32 v26, v11;
	v22 =	vadd.f32 v17, v16;
	v17 =	vmul.f32 v21, v21;
	v16 =	vmovc v24  }
0x3dc: {  	v21 =	vadd.f32 v15, v29;
	v15 =	vmovc v28;
	v25 =	vmul.f32 v25, v25;
	v24 =	vadd.f32 v30, v27  }
0x3dd: {  	v12 =	vsub.f32 v18, v12;
	v10 =	vsub.f32 v18, v10  }
0x3de: {  	v16 =	vadd.f32 v17, v16;
	v13 =	vsub.f32 v19, v13  }
0x3df: {  	v61 =	vmul.f32 v23, v23;
	v15 =	vadd.f32 v15, v22;
	v8 =	vsub.f32 v19, v8  }
0x3e0: {  	v12 =	vmul.f32 v12, v12;
	v11 =	vsub.f32 v20, v11;
	v13 =	vmul.f32 v13, v13  }
0x3e1: {  	v62 =	vadd.f32 v25, v24;
	v10 =	vmul.f32 v10, v10;
	v8 =	vmul.f32 v8, v8  }
0x3e2: {  	v9 =	vsub.f32 v20, v9;
	v11 =	vmul.f32 v11, v11;
	v12 =	vadd.f32 v13, v12  }
0x3e3: {  	v5 =	vmin.f32 v5, v21;
	v8 =	vadd.f32 v8, v10;
	v10 =	vadd.f32 v61, v16  }
0x3e4: {  	v5 =	vmin.f32 v5, v15;
	v9 =	vmul.f32 v9, v9;
	v11 =	vadd.f32 v11, v12  }
0x3e5: {  	[tilespmem:s21+$0x1800] =	vst v21;
	v5 =	vmin.f32 v5, v10  }
0x3e6: {  	[tilespmem:s22+$0x2000] =	vst v62;
	v8 =	vadd.f32 v9, v8;
	v5 =	vmin.f32 v5, v11  }
0x3e7: {  	[tilespmem:s20+$0x1800] =	vst v15;
	(xrf0) =	vmax.scan.msk.f32 $0xffff, v5  }
0x3e8: {  	[tilespmem:s16+$0x2000] =	vst v8  }
0x3e9: {  	[tilespmem:s22+$0x1800] =	vst v10  }
0x3ea: {  	s31 =	simm.s32 $0x0;
	v9 =	vmin.f32 v14, v62;
	[tilespmem:s16+$0x1800] =	vst v11  }
0x3eb: {  	v5 =	vld [tilespmem:s31+$0x1800];
	_ =	sdelay $0x1  }
0x3ec: {  	v8 =	vmin.f32 v9, v8;
	v9, _, _ =	vpop (xrf0)  }
0x3ed: {  	v9 =	vbroadcast v9, $0xF  }
0x3ee: {  	(xrf0) =	vmax.scan.msk.f32 $0xffff, v8  }
0x3ef: {  	vm2 =	vle.f32 v5, v9  }
0x3f0: {  	v8 =	vmpcnt.ones.xlane vm2;
	_ =	sdelay $0x1  }
0x3f1: {  	v11 =	vld [tilespmem:s31+$0x2000];
	_ =	sdelay $0x1  }
0x3f2: {  	(v2sf) =	vpush v8, $0x0;
	v8, _, _ =	vpop (xrf0)  }
0x3f3: {  	v10 =	vbroadcast v8, $0xF  }
0x3f4: {  	s16 =	simm.s32 $0x0  }
0x3f5: {  	[tilespmem:s16+$0x2800] =	vst.msk vm2, v5;
	vm3 =	vle.f32 v11, v10  }
0x3f6: {  	[tilespmem:s16+$0x3080] =	vst.msk vm3, v11;
	v11 =	vmpcnt.ones.xlane vm3;
	_ =	sdelay $0x1  }
0x3f7: {  	(v2sf) =	vpush v11, $0x0;
	_ =	sdelay $0x2  }
0x3f8: {  	s17 =	simm.s32 $0x10  }
0x3f9: {  	v8 =	vld [tilespmem:s17+$0x1800]  }
0x3fa: {  	v5 =	vld [tilespmem:s17+$0x2000];
	_ =	sdelay $0x3  }
0x3fb: {  	vm3 =	vle.f32 v8, v9  }
0x3fc: {  	vm2 =	vle.f32 v5, v10;
	v63 =	vmpcnt.ones.xlane vm3  }
0x3fd: {  	v11 =	vmpcnt.ones.xlane vm2  }
0x3fe: {  	(v2sf) =	vpush v63, $0x0  }
0x3ff: {  	s19 =	simm.s32 $0x80;
	s17 =	simm.s32 $0x0;
	s18 =	spop (v2sf);
	(v2sf) =	vpush v11, $0x0  }
.LBB2_75:
0x400: {  	s16 =	sadd.s32 s16, s18  }
0x401: {  	s18 =	spop (v2sf);
	s20 =	smov.u32 s19;
	s21 =	sadd.s32 $0x40, s19  }
0x402: {  	p0 =	sne.s32 s19, $0x1FC0;
	[tilespmem:s16+$0x2800] =	vst.msk vm3, v8;
	s17 =	sadd.s32 s17, s18  }
0x403: {  	[tilespmem:s17+$0x3080] =	vst.msk vm2, v5  }
0x404: {  	s18 =	sshra.s32 s20, $0x2  }
0x405: {  	v8 =	vld [tilespmem:s18+$0x1800]  }
0x406: {  	v5 =	vld [tilespmem:s18+$0x2000];
	_ =	sdelay $0x3  }
.Ltmp40:
0x407: {  	vm3 =	vle.f32 v8, v9;
	(pc) =	sbr.rel @p0 .LBB2_75-.Ltmp40, $4  }
0x408: {  	vm2 =	vle.f32 v5, v10;
	v11 =	vmpcnt.ones.xlane vm3  }
0x409: {  	v12 =	vmpcnt.ones.xlane vm2  }
0x40a: {  	(v2sf) =	vpush v11, $0x0  }
0x40b: {  	s19 =	smov.u32 s21;
	(v2sf) =	vpush v12, $0x0;
	s18 =	spop (v2sf)  }
0x40c: {  	v9 =	vshrl.u32 v6, $0x1;
	v10 =	vmul.f32 $5.000000000e-01, v6  }
0x40d: {  	v9 =	vsub.s32 $0x5F3759DF, v9  }
0x40e: {  	v12 =	vshrl.u32 v7, $0x1;
	v13 =	vmul.f32 $5.000000000e-01, v7;
	v11 =	vmul.f32 v9, v10  }
0x40f: {  	v12 =	vsub.s32 $0x5F3759DF, v12  }
0x410: {  	v14 =	vmul.f32 v12, v13;
	v11 =	vmul.f32 v9, v11;
	_ =	sdelay $0x1  }
0x411: {  	v14 =	vmul.f32 v12, v14;
	v11 =	vsub.f32 $1.500000000e+00, v11;
	_ =	sdelay $0x1  }
0x412: {  	v57 =	vsub.f32 $1.500000000e+00, v14;
	v9 =	vmul.f32 v9, v11;
	_ =	sdelay $0x1  }
0x413: {  	v11 =	vmul.f32 v12, v57;
	v58 =	vmul.f32 v9, v10;
	_ =	sdelay $0x1  }
0x414: {  	v60 =	vmul.f32 v11, v13;
	v59 =	vmul.f32 v58, v9;
	_ =	sdelay $0x1  }
0x415: {  	v14 =	vmul.f32 v60, v11;
	v12 =	vsub.f32 $1.500000000e+00, v59;
	_ =	sdelay $0x1  }
0x416: {  	v61 =	vsub.f32 $1.500000000e+00, v14;
	v9 =	vmul.f32 v12, v9;
	_ =	sdelay $0x1  }
0x417: {  	v11 =	vmul.f32 v61, v11;
	v10 =	vmul.f32 v9, v10;
	_ =	sdelay $0x1  }
0x418: {  	v12 =	vmul.f32 v11, v13;
	v10 =	vmul.f32 v10, v9;
	_ =	sdelay $0x1  }
0x419: {  	v12 =	vmul.f32 v12, v11;
	v10 =	vsub.f32 $1.500000000e+00, v10;
	_ =	sdelay $0x1  }
0x41a: {  	v62 =	vsub.f32 $1.500000000e+00, v12;
	v9 =	vmul.f32 v10, v9;
	_ =	sdelay $0x1  }
0x41b: {  	v63 =	vmul.f32 v62, v11;
	v6 =	vmul.f32 v9, v6;
	_ =	sdelay $0x1  }
0x41c: {  	v7 =	vmul.f32 v63, v7;
	(xrf2) =	vadd.scan.msk.f32 $0xffff, v6;
	_ =	sdelay $0x1  }
0x41d: {  	(xrf2) =	vadd.scan.msk.f32 $0xffff, v7;
	_ =	sdelay $0x2  }
0x41e: {  	(xrf0) =	vmin.scan.msk.f32 $0xffff, v6;
	_ =	sdelay $0x1  }
0x41f: {  	(xrf0) =	vmin.scan.msk.f32 $0xffff, v7;
	_ =	sdelay $0x1  }
0x420: {  	s19 =	spop (v2sf)  }
0x421: {  	s16 =	sadd.s32 s16, s18;
	s25 =	spop (v2sf);
	v6, _, _ =	vpop (xrf2)  }
0x422: {  	s22 =	sadd.s32 s16, s25;
	v7, _, _ =	vpop (xrf0);
	(v2sf) =	vpush v6, $0xF  }
0x423: {  	s17 =	sadd.s32 s17, s19;
	s20 =	spop (v2sf);
	s18 =	sadd.s32 $0xF, s22;
	v6, _, _ =	vpop (xrf2);
	(v2sf) =	vpush v7, $0xF  }
0x424: {  	s24 =	sadd.s32 s17, s20;
	s20 =	simm.s32 $0x1;
	s26 =	sshra.s32 s18, $0x1F;
	(v2sf) =	vpush v6, $0xF;
	v6, _, _ =	vpop (xrf0)  }
0x425: {  	s28 =	sand.u32 $0xF, s18;
	s21 =	sadd.s32 $0xF, s24;
	p0 =	slt.s32 s18, $0x1;
	(v2sf) =	vpush v6, $0xF  }
0x426: {  	s19 =	sshrl.u32 s26, $0x1C;
	p1 =	sne.s32 s28, $0x0;
	s29 =	sand.u32 $0xF, s21  }
0x427: {  	p6 =	slt.s32 s21, $0x1;
	s31 =	sshra.s32 s21, $0x1F;
	p2 =	sne.s32 s29, $0x0  }
0x428: {  	s19 =	sadd.s32 s19, s18;
	p0 =	por !p0, !p1;
	p1 =	por !p6, !p2  }
0x429: {  	s30 =	sshra.s32 s19, $0x4;
	p0 =	por !p0, !p0;
	s19 =	sshrl.u32 s31, $0x1C  }
0x42a: {  	s19 =	sadd.s32 s19, s21;
	p1 =	por !p1, !p1;
	s21 =	simm.s32 $0x1  }
0x42b: {  	s20 =	simm.s32 @!p0 $0x0;
	s19 =	sshra.s32 s19, $0x4;
	s21 =	simm.s32 @!p1 $0x0  }
0x42c: {  	s20 =	ssub.s32 s30, s20;
	s21 =	ssub.s32 s19, s21  }
0x42d: {  	p0 =	sgt.s32 s20, s21;
	s23 =	smov.u32 s21  }
0x42e: {  	s23 =	smov.u32 @p0 s20  }
0x42f: {  	p0 =	slt.s32 s23, $0x1  }
.Ltmp41:
0x430: {  	_ = 	snop;
	(pc) =	sbr.rel @p0 .LBB2_86-.Ltmp41, $4  }
0x431: {  	[tilespmem:s16+$0x2800] =	vst.msk vm3, v8;
	s18 =	spop (v2sf)  }
0x432: {  	[tilespmem:s17+$0x3080] =	vst.msk vm2, v5;
	v5 =	vimm.f32 $+Inf;
	s19 =	spop (v2sf)  }
0x433: {  	[tilespmem:s22+$0x2800] =	vst v5;
	s16 =	spop (v2sf)  }
0x434: {  	[tilespmem:s24+$0x3080] =	vst v5;
	v7 =	vimm.f32 $+Inf;
	v6 =	vimm.f32 $+Inf;
	s17 =	spop (v2sf)  }
0x435: {  	p2 =	sne.s32 s23, $0x1  }
.Ltmp42:
0x436: {  	_ = 	snop;
	(pc) =	sbr.rel @!p2 .LBB2_78-.Ltmp42, $4  }
0x437: {  	_ = 	snop  }
0x438: {  	s22 =	simm.s32 $0x2800  }
0x439: {  	s25 =	simm.s32 $0x0;
	s26 =	simm.s32 $0x3080;
	v6 =	vld [tilespmem:s22+$0x0]  }
0x43a: {  	s24 =	simm.s32 $0x1;
	p0 =	por $0x0, $0x0;
	p1 =	por $0x0, $0x0;
	v7 =	vld [tilespmem:s26+$0x0]  }
0x43b: {  	_ =	sdelay $0x2  }
0x43c: {  	(xrf1) =	vsort.ascd.msk.f32 $0xffff, v6, v6  }
0x43d: {  	(xrf1) =	vsort.ascd.msk.f32 $0xffff, v7, v7;
	_ =	sdelay $0x9  }
0x43e: {  	p2 =	sne.s32 s23, $0x2  }
.Ltmp43:
0x43f: {  	_ = 	snop;
	(pc) =	sbr.rel @!p2 .LBB2_80-.Ltmp43, $4  }
0x440: {  	_ = 	snop  }
0x441: {  	s22 =	simm.s32 $0x2810;
	v8, _, _ =	vpop (xrf1)  }
0x442: {  	s26 =	simm.s32 $0x3090;
	v6 =	vld [tilespmem:s22+$0x0];
	v9, _, _ =	vpop (xrf1)  }
0x443: {  	p0 =	por $0x1, $0x1;
	s22 =	simm.s32 $0x2;
	v7 =	vld [tilespmem:s26+$0x0];
	v8 =	vperm.xlane v8, v0;
	v11 =	vperm.xlane v9, v0  }
0x444: {  	_ =	sdelay $0x2  }
0x445: {  	(xrf1) =	vsort.ascd.msk.f32 $0xffff, v6, v6;
	_ =	sdelay $0xb  }
0x446: {  	v6 =	vmin.f32 v5, v11;
	(xrf1) =	vsort.ascd.msk.f32 $0xffff, v7, v7  }
0x447: {  	v7 =	vmin.f32 v5, v8;
	(xrf1) =	vsort.ascd.msk.f32 $0xffff, v6, v6  }
0x448: {  	v8, _, _ =	vpop (xrf1);
	(xrf1) =	vsort.ascd.msk.f32 $0xffff, v7, v7;
	_ =	sdelay $0x7  }
0x449: {  	s25 =	simm.s32 $0x2820;
	p4 =	sne.s32 s23, $0x3  }
.Ltmp44:
0x44a: {  	s28 =	simm.s32 $0x30A0;
	v6 =	vld [tilespmem:s25+$0x0];
	(pc) =	sbr.rel @!p4 .LBB2_82-.Ltmp44, $3  }
0x44b: {  	v7 =	vld [tilespmem:s28+$0x0];
	_ =	sdelay $0x1  }
0x44c: {  	s26 =	simm.s32 $0x3;
	v10 =	vimm.f32 $+Inf;
	v9, _, _ =	vpop (xrf1)  }
0x44d: {  	p2 =	sgt.s32 s20, $0x0;
	p3 =	sgt.s32 s21, $0x0;
	p1 =	por $0x1, $0x1;
	v8 =	vperm.xlane v8, v0;
	v11 =	vperm.xlane v9, v0;
	v12, _, _ =	vpop (xrf1);
	v9 =	vimm.f32 $+Inf  }
.LBB2_83:
0x44e: {  	(xrf1) =	vsort.ascd.msk.f32 $0xffff, v6, v6;
	v9 =	vpsel p3, v12, v9;
	v6, _, _ =	vpop (xrf1);
	s29 =	smov.u32 s22;
	s22 =	smov.u32 s26;
	s26 =	sadd.s32 $0x1, s26  }
0x44f: {  	p4 =	sne.s32 s23, s26;
	(xrf1) =	vsort.ascd.msk.f32 $0xffff, v7, v7;
	v7 =	vmin.f32 v9, v11;
	v10 =	vpsel p2, v6, v10  }
0x450: {  	v6 =	vmin.f32 v10, v8;
	(xrf1) =	vsort.ascd.msk.f32 $0xffff, v7, v7  }
0x451: {  	(xrf1) =	vsort.ascd.msk.f32 $0xffff, v6, v6;
	_ =	sdelay $0x7  }
0x452: {  	s25 =	sadd.s32 $0x10, s25  }
.Ltmp45:
0x453: {  	s28 =	sadd.s32 $0x10, s28;
	v6 =	vld [tilespmem:s25+$0x0];
	(pc) =	sbr.rel @p4 .LBB2_83-.Ltmp45, $4  }
0x454: {  	v7 =	vld [tilespmem:s28+$0x0]  }
0x455: {  	v8, _, _ =	vpop (xrf1)  }
0x456: {  	v8 =	vperm.xlane v8, v0;
	v11, _, _ =	vpop (xrf1)  }
0x457: {  	p3 =	slt.s32 s24, s21;
	p2 =	slt.s32 s24, s20;
	s24 =	smov.u32 s29;
	v11 =	vperm.xlane v11, v0;
	v12, _, _ =	vpop (xrf1)  }
0x458: {  	s25 =	smov.u32 s24  }
.LBB2_85:
0x459: {  	p3 =	por !p3, !p1  }
0x45a: {  	v9 =	vpsel p3, v9, v12  }
0x45b: {  	(xrf1) =	vsort.ascd.msk.f32 $0xffff, v6, v6;
	v9 =	vpsel p1, v9, v5  }
0x45c: {  	v6, _, _ =	vpop @p1 (xrf1);
	(xrf1) =	vsort.ascd.msk.f32 $0xffff, v7, v7;
	v7 =	vmin.f32 @p0 v9, v11  }
0x45d: {  	p2 =	por !p2, !p1;
	(xrf1) =	vsort.ascd.msk.f32 @p0 $0xffff, v7, v7  }
0x45e: {  	v6 =	vpsel p2, v10, v6  }
0x45f: {  	v6 =	vpsel p1, v6, v5  }
0x460: {  	v7 =	vmin.f32 @p0 v6, v8  }
0x461: {  	(xrf1) =	vsort.ascd.msk.f32 @p0 $0xffff, v7, v7;
	_ =	sdelay $0x7  }
0x462: {  	v7, _, _ =	vpop (xrf1)  }
0x463: {  	v8, _, _ =	vpop (xrf1)  }
0x464: {  	v10, _, _ =	vpop @p0 (xrf1)  }
0x465: {  	p1 =	slt.s32 @p0 s25, s21;
	v10 =	vpsel p0, v10, v0  }
0x466: {  	p2 =	slt.s32 @p0 s25, s20;
	p1 =	por @!p0 p0, p0  }
0x467: {  	p2 =	por @!p0 p0, p0;
	p1 =	por !p1, !p0  }
0x468: {  	p4 =	por !p2, !p0;
	v8 =	vperm.xlane v8, v0;
	v9 =	vpsel p1, v9, v10;
	v10, _, _ =	vpop @p0 (xrf1)  }
0x469: {  	v7 =	vperm.xlane v7, v0;
	v9 =	vpsel p0, v9, v5;
	v6 =	vpsel p4, v6, v10  }
0x46a: {  	v8 =	vmin.f32 v9, v8;
	v6 =	vpsel p0, v6, v5  }
0x46b: {  	(xrf1) =	vsort.ascd.msk.f32 $0xffff, v8, v8;
	v7 =	vmin.f32 v6, v7  }
0x46c: {  	(xrf1) =	vsort.ascd.msk.f32 $0xffff, v7, v7;
	_ =	sdelay $0xc  }
0x46d: {  	v7, _, _ =	vpop (xrf1)  }
0x46e: {  	p5 =	slt.s32 s22, s20;
	p6 =	slt.s32 s22, s21;
	v8, _, _ =	vpop (xrf1)  }
0x46f: {  	v7 =	vpsel p6, v7, v9;
	v6 =	vpsel p5, v8, v6  }
0x470: {  	v7 =	vadd.f32 $9.999999960e-13, v7;
	v6 =	vadd.f32 $9.999999960e-13, v6  }
.LBB2_86:
0x471: {  	s21 =	simm.s32 $0x0  }
0x472: {  	v14 =	vld [tilespmem:s21+$0x0]  }
0x473: {  	v15 =	vld [tilespmem:s21+$0x800]  }
0x474: {  	v16 =	vld [tilespmem:s21+$0x1000]  }
0x475: {  	s20 =	simm.s32 $0x10  }
0x476: {  	v10 =	vbroadcast v4, $0xD;
	v8 =	vbroadcast v2, $0xD;
	v20 =	vld [tilespmem:s20+$0x800]  }
0x477: {  	v12 =	vbroadcast v4, $0xC;
	v9 =	vbroadcast v3, $0xD  }
0x478: {  	v13 =	vbroadcast v2, $0xC;
	s22 =	simm.s32 $0x20;
	v17 =	vld [tilespmem:s20+$0x0];
	v18 =	vsub.f32 v14, v10;
	v19 =	vsub.f32 v15, v8  }
0x479: {  	v11 =	vbroadcast v3, $0xC;
	v25 =	vld [tilespmem:s22+$0x1000];
	v14 =	vsub.f32 v14, v12;
	v21 =	vsub.f32 v16, v9  }
0x47a: {  	v15 =	vsub.f32 v15, v13;
	v18 =	vmul.f32 v18, v18;
	v19 =	vmul.f32 v19, v19  }
0x47b: {  	v22 =	vld [tilespmem:s20+$0x1000];
	v16 =	vsub.f32 v16, v11;
	v24 =	vsub.f32 v20, v8  }
0x47c: {  	v14 =	vmul.f32 v14, v14;
	v18 =	vadd.f32 v19, v18;
	v19 =	vmul.f32 v21, v21  }
0x47d: {  	v23 =	vld [tilespmem:s22+$0x0];
	v15 =	vmul.f32 v15, v15;
	v21 =	vsub.f32 v17, v12;
	v17 =	vsub.f32 v17, v10  }
0x47e: {  	v30 =	vsub.f32 v25, v9;
	v26 =	vmul.f32 v16, v16;
	v16 =	vadd.f32 v19, v18;
	v19 =	vld [tilespmem:s22+$0x800]  }
0x47f: {  	s18 =	ssub.f32 s18, s19;
	v24 =	vmul.f32 v24, v24;
	v28 =	vadd.f32 v15, v14;
	v17 =	vmul.f32 v17, v17  }
0x480: {  	s16 =	ssub.f32 s16, s17;
	v18 =	vsub.f32 v20, v13;
	v20 =	vsub.f32 v22, v9;
	v21 =	vmul.f32 v21, v21  }
0x481: {  	s18 =	smul.f32 $6.666667010e-02, s18;
	v22 =	vsub.f32 v22, v11;
	v27 =	vmin.f32 v5, v16;
	v14 =	vadd.f32 v24, v17  }
0x482: {  	s30 =	smul.f32 $6.666667010e-02, s16;
	s16 =	simm.s32 $0x30;
	v17 =	vmul.f32 v20, v20;
	v24 =	vmul.f32 v18, v18;
	v20 =	vsub.f32 v23, v12;
	[tilespmem:s21+$0x2000] =	vst v16  }
0x483: {  	s29 =	smul.f32 s18, s18;
	v23 =	vsub.f32 v23, v10;
	v15 =	vmul.f32 v22, v22;
	v18 =	vld [tilespmem:s16+$0x0];
	v22 =	vsub.f32 v19, v8  }
0x484: {  	s14 =	sadd.f32 s18, s14;
	v29 =	vadd.f32 v17, v14;
	v16 =	vmul.f32 v20, v20;
	v17 =	vsub.f32 v19, v13;
	v19 =	vld [tilespmem:s16+$0x800]  }
0x485: {  	s31 =	smul.f32 s30, s30;
	s15 =	sadd.f32 s29, s15;
	v31 =	vmul.f32 v23, v23;
	v20 =	vld [tilespmem:s16+$0x1000];
	v23 =	vsub.f32 v25, v11;
	v32 =	vmul.f32 v22, v22  }
0x486: {  	s14 =	sadd.f32 s30, s14;
	v25 =	vmul.f32 v30, v30;
	v14 =	vmin.f32 v27, v29;
	v22 =	vadd.f32 v24, v21  }
0x487: {  	s17 =	simm.s32 $0x100;
	s15 =	sadd.f32 s31, s15;
	[tilespmem:s20+$0x2000] =	vst v29;
	v17 =	vmul.f32 v17, v17;
	v21 =	vadd.f32 v26, v28;
	v24 =	vadd.f32 v32, v31  }
.LBB2_87:
0x488: {  	s18 =	sshra.s32 s17, $0x2;
	v30 =	vsub.f32 v18, v12;
	v27 =	vsub.f32 v18, v10;
	v28 =	vmul.f32 v23, v23;
	v29 =	vmovc v22;
	p0 =	sne.s32 s17, $0x1FC0  }
.Ltmp46:
0x489: {  	s17 =	sadd.s32 $0x40, s17;
	v18 =	vld [tilespmem:s18+$0x0];
	v22 =	vsub.f32 v19, v8;
	v23 =	vadd.f32 v25, v24;
	[tilespmem:s21+$0x1800] =	vst v21;
	v5 =	vmin.f32 v5, v21;
	(pc) =	sbr.rel @p0 .LBB2_87-.Ltmp46, $4  }
0x48a: {  	v21 =	vsub.f32 v19, v13;
	s21 =	smov.u32 s20;
	s20 =	smov.u32 s22;
	s22 =	smov.u32 s16;
	v19 =	vld [tilespmem:s18+$0x800];
	v24 =	vmul.f32 v30, v30;
	v25 =	vsub.f32 v20, v9;
	v26 =	vmovc v20  }
0x48b: {  	s16 =	smov.u32 s18;
	v27 =	vmul.f32 v27, v27;
	v20 =	vld [tilespmem:s18+$0x1000];
	v30 =	vmul.f32 v22, v22;
	[tilespmem:s20+$0x2000] =	vst v23;
	v14 =	vmin.f32 v14, v23  }
0x48c: {  	v23 =	vsub.f32 v26, v11;
	v22 =	vadd.f32 v17, v16;
	v17 =	vmul.f32 v21, v21;
	v16 =	vmovc v24  }
0x48d: {  	v21 =	vadd.f32 v15, v29;
	v15 =	vmovc v28;
	v25 =	vmul.f32 v25, v25;
	v24 =	vadd.f32 v30, v27  }
0x48e: {  	v12 =	vsub.f32 v18, v12;
	v10 =	vsub.f32 v18, v10  }
0x48f: {  	v16 =	vadd.f32 v17, v16;
	v13 =	vsub.f32 v19, v13  }
0x490: {  	v61 =	vmul.f32 v23, v23;
	v15 =	vadd.f32 v15, v22;
	v8 =	vsub.f32 v19, v8  }
0x491: {  	v12 =	vmul.f32 v12, v12;
	v11 =	vsub.f32 v20, v11;
	v13 =	vmul.f32 v13, v13  }
0x492: {  	v62 =	vadd.f32 v25, v24;
	v10 =	vmul.f32 v10, v10;
	v8 =	vmul.f32 v8, v8  }
0x493: {  	v9 =	vsub.f32 v20, v9;
	v11 =	vmul.f32 v11, v11;
	v12 =	vadd.f32 v13, v12  }
0x494: {  	v5 =	vmin.f32 v5, v21;
	v8 =	vadd.f32 v8, v10;
	v10 =	vadd.f32 v61, v16  }
0x495: {  	v5 =	vmin.f32 v5, v15;
	v9 =	vmul.f32 v9, v9;
	v11 =	vadd.f32 v11, v12  }
0x496: {  	[tilespmem:s21+$0x1800] =	vst v21;
	v5 =	vmin.f32 v5, v10  }
0x497: {  	[tilespmem:s22+$0x2000] =	vst v62;
	v8 =	vadd.f32 v9, v8;
	v5 =	vmin.f32 v5, v11  }
0x498: {  	[tilespmem:s20+$0x1800] =	vst v15;
	(xrf0) =	vmax.scan.msk.f32 $0xffff, v5  }
0x499: {  	[tilespmem:s16+$0x2000] =	vst v8  }
0x49a: {  	[tilespmem:s22+$0x1800] =	vst v10  }
0x49b: {  	s31 =	simm.s32 $0x0;
	v9 =	vmin.f32 v14, v62;
	[tilespmem:s16+$0x1800] =	vst v11  }
0x49c: {  	v5 =	vld [tilespmem:s31+$0x1800];
	_ =	sdelay $0x1  }
0x49d: {  	v8 =	vmin.f32 v9, v8;
	v9, _, _ =	vpop (xrf0)  }
0x49e: {  	v9 =	vbroadcast v9, $0xF  }
0x49f: {  	(xrf0) =	vmax.scan.msk.f32 $0xffff, v8  }
0x4a0: {  	vm2 =	vle.f32 v5, v9  }
0x4a1: {  	v8 =	vmpcnt.ones.xlane vm2;
	_ =	sdelay $0x1  }
0x4a2: {  	v11 =	vld [tilespmem:s31+$0x2000];
	_ =	sdelay $0x1  }
0x4a3: {  	(v2sf) =	vpush v8, $0x0;
	v8, _, _ =	vpop (xrf0)  }
0x4a4: {  	v10 =	vbroadcast v8, $0xF  }
0x4a5: {  	s16 =	simm.s32 $0x0  }
0x4a6: {  	[tilespmem:s16+$0x2800] =	vst.msk vm2, v5;
	vm3 =	vle.f32 v11, v10  }
0x4a7: {  	[tilespmem:s16+$0x3080] =	vst.msk vm3, v11;
	v11 =	vmpcnt.ones.xlane vm3;
	_ =	sdelay $0x1  }
0x4a8: {  	(v2sf) =	vpush v11, $0x0;
	_ =	sdelay $0x2  }
0x4a9: {  	s17 =	simm.s32 $0x10  }
0x4aa: {  	v8 =	vld [tilespmem:s17+$0x1800]  }
0x4ab: {  	v5 =	vld [tilespmem:s17+$0x2000];
	_ =	sdelay $0x3  }
0x4ac: {  	vm3 =	vle.f32 v8, v9  }
0x4ad: {  	vm2 =	vle.f32 v5, v10;
	v63 =	vmpcnt.ones.xlane vm3  }
0x4ae: {  	v11 =	vmpcnt.ones.xlane vm2  }
0x4af: {  	(v2sf) =	vpush v63, $0x0  }
0x4b0: {  	s19 =	simm.s32 $0x80;
	s17 =	simm.s32 $0x0;
	s18 =	spop (v2sf);
	(v2sf) =	vpush v11, $0x0  }
.LBB2_89:
0x4b1: {  	s16 =	sadd.s32 s16, s18  }
0x4b2: {  	s18 =	spop (v2sf);
	s20 =	smov.u32 s19;
	s21 =	sadd.s32 $0x40, s19  }
0x4b3: {  	p0 =	sne.s32 s19, $0x1FC0;
	[tilespmem:s16+$0x2800] =	vst.msk vm3, v8;
	s17 =	sadd.s32 s17, s18  }
0x4b4: {  	[tilespmem:s17+$0x3080] =	vst.msk vm2, v5  }
0x4b5: {  	s18 =	sshra.s32 s20, $0x2  }
0x4b6: {  	v8 =	vld [tilespmem:s18+$0x1800]  }
0x4b7: {  	v5 =	vld [tilespmem:s18+$0x2000];
	_ =	sdelay $0x3  }
.Ltmp47:
0x4b8: {  	vm3 =	vle.f32 v8, v9;
	(pc) =	sbr.rel @p0 .LBB2_89-.Ltmp47, $4  }
0x4b9: {  	vm2 =	vle.f32 v5, v10;
	v11 =	vmpcnt.ones.xlane vm3  }
0x4ba: {  	v12 =	vmpcnt.ones.xlane vm2  }
0x4bb: {  	(v2sf) =	vpush v11, $0x0  }
0x4bc: {  	s19 =	smov.u32 s21;
	(v2sf) =	vpush v12, $0x0;
	s18 =	spop (v2sf)  }
0x4bd: {  	v9 =	vshrl.u32 v6, $0x1;
	v10 =	vmul.f32 $5.000000000e-01, v6  }
0x4be: {  	v9 =	vsub.s32 $0x5F3759DF, v9  }
0x4bf: {  	v12 =	vshrl.u32 v7, $0x1;
	v13 =	vmul.f32 $5.000000000e-01, v7;
	v11 =	vmul.f32 v9, v10  }
0x4c0: {  	v12 =	vsub.s32 $0x5F3759DF, v12  }
0x4c1: {  	v14 =	vmul.f32 v12, v13;
	v11 =	vmul.f32 v9, v11;
	_ =	sdelay $0x1  }
0x4c2: {  	v14 =	vmul.f32 v12, v14;
	v11 =	vsub.f32 $1.500000000e+00, v11;
	_ =	sdelay $0x1  }
0x4c3: {  	v57 =	vsub.f32 $1.500000000e+00, v14;
	v9 =	vmul.f32 v9, v11;
	_ =	sdelay $0x1  }
0x4c4: {  	v11 =	vmul.f32 v12, v57;
	v58 =	vmul.f32 v9, v10;
	_ =	sdelay $0x1  }
0x4c5: {  	v60 =	vmul.f32 v11, v13;
	v59 =	vmul.f32 v58, v9;
	_ =	sdelay $0x1  }
0x4c6: {  	v14 =	vmul.f32 v60, v11;
	v12 =	vsub.f32 $1.500000000e+00, v59;
	_ =	sdelay $0x1  }
0x4c7: {  	v61 =	vsub.f32 $1.500000000e+00, v14;
	v9 =	vmul.f32 v12, v9;
	_ =	sdelay $0x1  }
0x4c8: {  	v11 =	vmul.f32 v61, v11;
	v10 =	vmul.f32 v9, v10;
	_ =	sdelay $0x1  }
0x4c9: {  	v12 =	vmul.f32 v11, v13;
	v10 =	vmul.f32 v10, v9;
	_ =	sdelay $0x1  }
0x4ca: {  	v12 =	vmul.f32 v12, v11;
	v10 =	vsub.f32 $1.500000000e+00, v10;
	_ =	sdelay $0x1  }
0x4cb: {  	v62 =	vsub.f32 $1.500000000e+00, v12;
	v9 =	vmul.f32 v10, v9;
	_ =	sdelay $0x1  }
0x4cc: {  	v63 =	vmul.f32 v62, v11;
	v6 =	vmul.f32 v9, v6;
	_ =	sdelay $0x1  }
0x4cd: {  	v7 =	vmul.f32 v63, v7;
	(xrf2) =	vadd.scan.msk.f32 $0xffff, v6;
	_ =	sdelay $0x1  }
0x4ce: {  	(xrf2) =	vadd.scan.msk.f32 $0xffff, v7;
	_ =	sdelay $0x2  }
0x4cf: {  	(xrf0) =	vmin.scan.msk.f32 $0xffff, v6;
	_ =	sdelay $0x1  }
0x4d0: {  	(xrf0) =	vmin.scan.msk.f32 $0xffff, v7;
	_ =	sdelay $0x1  }
0x4d1: {  	s19 =	spop (v2sf)  }
0x4d2: {  	s16 =	sadd.s32 s16, s18;
	s25 =	spop (v2sf);
	v6, _, _ =	vpop (xrf2)  }
0x4d3: {  	s22 =	sadd.s32 s16, s25;
	v7, _, _ =	vpop (xrf0);
	(v2sf) =	vpush v6, $0xF  }
0x4d4: {  	s17 =	sadd.s32 s17, s19;
	s20 =	spop (v2sf);
	s18 =	sadd.s32 $0xF, s22;
	v6, _, _ =	vpop (xrf2);
	(v2sf) =	vpush v7, $0xF  }
0x4d5: {  	s24 =	sadd.s32 s17, s20;
	s20 =	simm.s32 $0x1;
	s26 =	sshra.s32 s18, $0x1F;
	(v2sf) =	vpush v6, $0xF;
	v6, _, _ =	vpop (xrf0)  }
0x4d6: {  	s28 =	sand.u32 $0xF, s18;
	s21 =	sadd.s32 $0xF, s24;
	p0 =	slt.s32 s18, $0x1;
	(v2sf) =	vpush v6, $0xF  }
0x4d7: {  	s19 =	sshrl.u32 s26, $0x1C;
	p1 =	sne.s32 s28, $0x0;
	s29 =	sand.u32 $0xF, s21  }
0x4d8: {  	p6 =	slt.s32 s21, $0x1;
	s31 =	sshra.s32 s21, $0x1F;
	p2 =	sne.s32 s29, $0x0  }
0x4d9: {  	s19 =	sadd.s32 s19, s18;
	p0 =	por !p0, !p1;
	p1 =	por !p6, !p2  }
0x4da: {  	s30 =	sshra.s32 s19, $0x4;
	p0 =	por !p0, !p0;
	s19 =	sshrl.u32 s31, $0x1C  }
0x4db: {  	s19 =	sadd.s32 s19, s21;
	p1 =	por !p1, !p1;
	s21 =	simm.s32 $0x1  }
0x4dc: {  	s20 =	simm.s32 @!p0 $0x0;
	s19 =	sshra.s32 s19, $0x4;
	s21 =	simm.s32 @!p1 $0x0  }
0x4dd: {  	s20 =	ssub.s32 s30, s20;
	s21 =	ssub.s32 s19, s21  }
0x4de: {  	p0 =	sgt.s32 s20, s21;
	s23 =	smov.u32 s21  }
0x4df: {  	s23 =	smov.u32 @p0 s20  }
0x4e0: {  	p0 =	slt.s32 s23, $0x1  }
.Ltmp48:
0x4e1: {  	_ = 	snop;
	(pc) =	sbr.rel @p0 .LBB2_100-.Ltmp48, $4  }
0x4e2: {  	[tilespmem:s16+$0x2800] =	vst.msk vm3, v8;
	s18 =	spop (v2sf)  }
0x4e3: {  	[tilespmem:s17+$0x3080] =	vst.msk vm2, v5;
	v5 =	vimm.f32 $+Inf;
	s19 =	spop (v2sf)  }
0x4e4: {  	[tilespmem:s22+$0x2800] =	vst v5;
	s16 =	spop (v2sf)  }
0x4e5: {  	[tilespmem:s24+$0x3080] =	vst v5;
	v7 =	vimm.f32 $+Inf;
	v6 =	vimm.f32 $+Inf;
	s17 =	spop (v2sf)  }
0x4e6: {  	p2 =	sne.s32 s23, $0x1  }
.Ltmp49:
0x4e7: {  	_ = 	snop;
	(pc) =	sbr.rel @!p2 .LBB2_92-.Ltmp49, $4  }
0x4e8: {  	_ = 	snop  }
0x4e9: {  	s22 =	simm.s32 $0x2800  }
0x4ea: {  	s25 =	simm.s32 $0x0;
	s26 =	simm.s32 $0x3080;
	v6 =	vld [tilespmem:s22+$0x0]  }
0x4eb: {  	s24 =	simm.s32 $0x1;
	p0 =	por $0x0, $0x0;
	p1 =	por $0x0, $0x0;
	v7 =	vld [tilespmem:s26+$0x0]  }
0x4ec: {  	_ =	sdelay $0x2  }
0x4ed: {  	(xrf1) =	vsort.ascd.msk.f32 $0xffff, v6, v6  }
0x4ee: {  	(xrf1) =	vsort.ascd.msk.f32 $0xffff, v7, v7;
	_ =	sdelay $0x9  }
0x4ef: {  	p2 =	sne.s32 s23, $0x2  }
.Ltmp50:
0x4f0: {  	_ = 	snop;
	(pc) =	sbr.rel @!p2 .LBB2_94-.Ltmp50, $4  }
0x4f1: {  	_ = 	snop  }
0x4f2: {  	s22 =	simm.s32 $0x2810;
	v8, _, _ =	vpop (xrf1)  }
0x4f3: {  	s26 =	simm.s32 $0x3090;
	v6 =	vld [tilespmem:s22+$0x0];
	v9, _, _ =	vpop (xrf1)  }
0x4f4: {  	p0 =	por $0x1, $0x1;
	s22 =	simm.s32 $0x2;
	v7 =	vld [tilespmem:s26+$0x0];
	v8 =	vperm.xlane v8, v0;
	v11 =	vperm.xlane v9, v0  }
0x4f5: {  	_ =	sdelay $0x2  }
0x4f6: {  	(xrf1) =	vsort.ascd.msk.f32 $0xffff, v6, v6;
	_ =	sdelay $0xb  }
0x4f7: {  	v6 =	vmin.f32 v5, v11;
	(xrf1) =	vsort.ascd.msk.f32 $0xffff, v7, v7  }
0x4f8: {  	v7 =	vmin.f32 v5, v8;
	(xrf1) =	vsort.ascd.msk.f32 $0xffff, v6, v6  }
0x4f9: {  	v8, _, _ =	vpop (xrf1);
	(xrf1) =	vsort.ascd.msk.f32 $0xffff, v7, v7;
	_ =	sdelay $0x7  }
0x4fa: {  	s25 =	simm.s32 $0x2820;
	p4 =	sne.s32 s23, $0x3  }
.Ltmp51:
0x4fb: {  	s28 =	simm.s32 $0x30A0;
	v6 =	vld [tilespmem:s25+$0x0];
	(pc) =	sbr.rel @!p4 .LBB2_96-.Ltmp51, $3  }
0x4fc: {  	v7 =	vld [tilespmem:s28+$0x0];
	_ =	sdelay $0x1  }
0x4fd: {  	s26 =	simm.s32 $0x3;
	v10 =	vimm.f32 $+Inf;
	v9, _, _ =	vpop (xrf1)  }
0x4fe: {  	p2 =	sgt.s32 s20, $0x0;
	p3 =	sgt.s32 s21, $0x0;
	p1 =	por $0x1, $0x1;
	v8 =	vperm.xlane v8, v0;
	v11 =	vperm.xlane v9, v0;
	v12, _, _ =	vpop (xrf1);
	v9 =	vimm.f32 $+Inf  }
.LBB2_97:
0x4ff: {  	(xrf1) =	vsort.ascd.msk.f32 $0xffff, v6, v6;
	v9 =	vpsel p3, v12, v9;
	v6, _, _ =	vpop (xrf1);
	s29 =	smov.u32 s22;
	s22 =	smov.u32 s26;
	s26 =	sadd.s32 $0x1, s26  }
0x500: {  	p4 =	sne.s32 s23, s26;
	(xrf1) =	vsort.ascd.msk.f32 $0xffff, v7, v7;
	v7 =	vmin.f32 v9, v11;
	v10 =	vpsel p2, v6, v10  }
0x501: {  	v6 =	vmin.f32 v10, v8;
	(xrf1) =	vsort.ascd.msk.f32 $0xffff, v7, v7  }
0x502: {  	(xrf1) =	vsort.ascd.msk.f32 $0xffff, v6, v6;
	_ =	sdelay $0x7  }
0x503: {  	s25 =	sadd.s32 $0x10, s25  }
.Ltmp52:
0x504: {  	s28 =	sadd.s32 $0x10, s28;
	v6 =	vld [tilespmem:s25+$0x0];
	(pc) =	sbr.rel @p4 .LBB2_97-.Ltmp52, $4  }
0x505: {  	v7 =	vld [tilespmem:s28+$0x0]  }
0x506: {  	v8, _, _ =	vpop (xrf1)  }
0x507: {  	v8 =	vperm.xlane v8, v0;
	v11, _, _ =	vpop (xrf1)  }
0x508: {  	p3 =	slt.s32 s24, s21;
	p2 =	slt.s32 s24, s20;
	s24 =	smov.u32 s29;
	v11 =	vperm.xlane v11, v0;
	v12, _, _ =	vpop (xrf1)  }
0x509: {  	s25 =	smov.u32 s24  }
.LBB2_99:
0x50a: {  	p3 =	por !p3, !p1  }
0x50b: {  	v9 =	vpsel p3, v9, v12  }
0x50c: {  	(xrf1) =	vsort.ascd.msk.f32 $0xffff, v6, v6;
	v9 =	vpsel p1, v9, v5  }
0x50d: {  	v6, _, _ =	vpop @p1 (xrf1);
	(xrf1) =	vsort.ascd.msk.f32 $0xffff, v7, v7;
	v7 =	vmin.f32 @p0 v9, v11  }
0x50e: {  	p2 =	por !p2, !p1;
	(xrf1) =	vsort.ascd.msk.f32 @p0 $0xffff, v7, v7  }
0x50f: {  	v6 =	vpsel p2, v10, v6  }
0x510: {  	v6 =	vpsel p1, v6, v5  }
0x511: {  	v7 =	vmin.f32 @p0 v6, v8  }
0x512: {  	(xrf1) =	vsort.ascd.msk.f32 @p0 $0xffff, v7, v7;
	_ =	sdelay $0x7  }
0x513: {  	v7, _, _ =	vpop (xrf1)  }
0x514: {  	v8, _, _ =	vpop (xrf1)  }
0x515: {  	v10, _, _ =	vpop @p0 (xrf1)  }
0x516: {  	p1 =	slt.s32 @p0 s25, s21;
	v10 =	vpsel p0, v10, v0  }
0x517: {  	p2 =	slt.s32 @p0 s25, s20;
	p1 =	por @!p0 p0, p0  }
0x518: {  	p2 =	por @!p0 p0, p0;
	p1 =	por !p1, !p0  }
0x519: {  	p4 =	por !p2, !p0;
	v8 =	vperm.xlane v8, v0;
	v9 =	vpsel p1, v9, v10;
	v10, _, _ =	vpop @p0 (xrf1)  }
0x51a: {  	v7 =	vperm.xlane v7, v0;
	v9 =	vpsel p0, v9, v5;
	v6 =	vpsel p4, v6, v10  }
0x51b: {  	v8 =	vmin.f32 v9, v8;
	v6 =	vpsel p0, v6, v5  }
0x51c: {  	(xrf1) =	vsort.ascd.msk.f32 $0xffff, v8, v8;
	v7 =	vmin.f32 v6, v7  }
0x51d: {  	(xrf1) =	vsort.ascd.msk.f32 $0xffff, v7, v7;
	_ =	sdelay $0xc  }
0x51e: {  	v7, _, _ =	vpop (xrf1)  }
0x51f: {  	p5 =	slt.s32 s22, s20;
	p6 =	slt.s32 s22, s21;
	v8, _, _ =	vpop (xrf1)  }
0x520: {  	v7 =	vpsel p6, v7, v9;
	v6 =	vpsel p5, v8, v6  }
0x521: {  	v7 =	vadd.f32 $9.999999960e-13, v7;
	v6 =	vadd.f32 $9.999999960e-13, v6  }
.LBB2_100:
0x522: {  	s21 =	simm.s32 $0x0  }
0x523: {  	v12 =	vld [tilespmem:s21+$0x0]  }
0x524: {  	v13 =	vld [tilespmem:s21+$0x800]  }
0x525: {  	v14 =	vld [tilespmem:s21+$0x1000]  }
0x526: {  	s20 =	simm.s32 $0x10  }
0x527: {  	v9 =	vbroadcast v4, $0xF;
	v8 =	vbroadcast v2, $0xF;
	v18 =	vld [tilespmem:s20+$0x800]  }
0x528: {  	v10 =	vbroadcast v4, $0xE;
	v4 =	vbroadcast v3, $0xF  }
0x529: {  	v11 =	vbroadcast v2, $0xE;
	v15 =	vld [tilespmem:s20+$0x0];
	v16 =	vsub.f32 v12, v9;
	v17 =	vsub.f32 v13, v8  }
0x52a: {  	v2 =	vbroadcast v3, $0xE;
	v3 =	vsub.f32 v12, v10;
	v12 =	vsub.f32 v14, v4  }
0x52b: {  	v19 =	vld [tilespmem:s20+$0x1000];
	v13 =	vsub.f32 v13, v11;
	v16 =	vmul.f32 v16, v16;
	v17 =	vmul.f32 v17, v17  }
0x52c: {  	v14 =	vsub.f32 v14, v2;
	v21 =	vsub.f32 v18, v8  }
0x52d: {  	s22 =	simm.s32 $0x20;
	v3 =	vmul.f32 v3, v3;
	v12 =	vmul.f32 v12, v12;
	v16 =	vadd.f32 v17, v16  }
0x52e: {  	v20 =	vld [tilespmem:s22+$0x0];
	v13 =	vmul.f32 v13, v13;
	v17 =	vsub.f32 v15, v10;
	v15 =	vsub.f32 v15, v9  }
0x52f: {  	v23 =	vmul.f32 v14, v14;
	v14 =	vld [tilespmem:s22+$0x800];
	v21 =	vmul.f32 v21, v21;
	v12 =	vadd.f32 v12, v16  }
0x530: {  	s18 =	ssub.f32 s18, s19;
	v22 =	vld [tilespmem:s22+$0x1000];
	v16 =	vsub.f32 v18, v11;
	v18 =	vsub.f32 v19, v4;
	v15 =	vmul.f32 v15, v15  }
0x531: {  	s16 =	ssub.f32 s16, s17;
	v25 =	vadd.f32 v13, v3;
	v24 =	vmul.f32 v17, v17;
	v19 =	vsub.f32 v19, v2  }
0x532: {  	s18 =	smul.f32 $6.666667010e-02, s18;
	v17 =	vmin.f32 v5, v12;
	v3 =	vadd.f32 v21, v15;
	v13 =	vmul.f32 v18, v18  }
0x533: {  	s30 =	smul.f32 $6.666667010e-02, s16;
	s16 =	simm.s32 $0x30;
	v18 =	vmul.f32 v16, v16;
	v16 =	vsub.f32 v20, v10;
	v20 =	vsub.f32 v20, v9;
	[tilespmem:s21+$0x2000] =	vst v12  }
0x534: {  	s29 =	smul.f32 s18, s18;
	v12 =	vmul.f32 v19, v19;
	v19 =	vsub.f32 v14, v8;
	v15 =	vld [tilespmem:s16+$0x0];
	v21 =	vadd.f32 v13, v3  }
0x535: {  	s14 =	sadd.f32 s18, s14;
	v26 =	vsub.f32 v22, v4;
	v14 =	vsub.f32 v14, v11;
	v13 =	vmul.f32 v16, v16;
	v16 =	vld [tilespmem:s16+$0x800]  }
0x536: {  	s31 =	smul.f32 s30, s30;
	s15 =	sadd.f32 s29, s15;
	v27 =	vmul.f32 v20, v20;
	v28 =	vmul.f32 v19, v19;
	v3 =	vmin.f32 v17, v21;
	v17 =	vld [tilespmem:s16+$0x1000]  }
0x537: {  	s14 =	sadd.f32 s30, s14;
	v20 =	vsub.f32 v22, v2;
	v14 =	vmul.f32 v14, v14;
	v19 =	vadd.f32 v18, v24  }
0x538: {  	s17 =	simm.s32 $0x100;
	s15 =	sadd.f32 s31, s15;
	v22 =	vmul.f32 v26, v26;
	v18 =	vadd.f32 v23, v25;
	[tilespmem:s20+$0x2000] =	vst v21;
	v21 =	vadd.f32 v28, v27  }
.LBB2_101:
0x539: {  	s18 =	sshra.s32 s17, $0x2;
	v27 =	vsub.f32 v15, v10;
	v24 =	vsub.f32 v15, v9;
	v25 =	vmul.f32 v20, v20;
	v26 =	vmovc v19;
	p0 =	sne.s32 s17, $0x1FC0  }
.Ltmp53:
0x53a: {  	s17 =	sadd.s32 $0x40, s17;
	v15 =	vld [tilespmem:s18+$0x0];
	v19 =	vsub.f32 v16, v8;
	v20 =	vadd.f32 v22, v21;
	[tilespmem:s21+$0x1800] =	vst v18;
	v5 =	vmin.f32 v5, v18;
	(pc) =	sbr.rel @p0 .LBB2_101-.Ltmp53, $4  }
0x53b: {  	v18 =	vsub.f32 v16, v11;
	s21 =	smov.u32 s20;
	s20 =	smov.u32 s22;
	s22 =	smov.u32 s16;
	v16 =	vld [tilespmem:s18+$0x800];
	v21 =	vmul.f32 v27, v27;
	v22 =	vsub.f32 v17, v4;
	v23 =	vmovc v17  }
0x53c: {  	s16 =	smov.u32 s18;
	v24 =	vmul.f32 v24, v24;
	v17 =	vld [tilespmem:s18+$0x1000];
	v27 =	vmul.f32 v19, v19;
	[tilespmem:s20+$0x2000] =	vst v20;
	v3 =	vmin.f32 v3, v20  }
0x53d: {  	v20 =	vsub.f32 v23, v2;
	v19 =	vadd.f32 v14, v13;
	v14 =	vmul.f32 v18, v18;
	v13 =	vmovc v21  }
0x53e: {  	v18 =	vadd.f32 v12, v26;
	v12 =	vmovc v25;
	v22 =	vmul.f32 v22, v22;
	v21 =	vadd.f32 v27, v24  }
0x53f: {  	v10 =	vsub.f32 v15, v10;
	v9 =	vsub.f32 v15, v9  }
0x540: {  	v13 =	vadd.f32 v14, v13;
	v11 =	vsub.f32 v16, v11  }
0x541: {  	v60 =	vmul.f32 v20, v20;
	v12 =	vadd.f32 v12, v19;
	v8 =	vsub.f32 v16, v8  }
0x542: {  	v10 =	vmul.f32 v10, v10;
	v2 =	vsub.f32 v17, v2;
	v11 =	vmul.f32 v11, v11  }
0x543: {  	v5 =	vmin.f32 v5, v18;
	v4 =	vsub.f32 v17, v4;
	v9 =	vmul.f32 v9, v9  }
0x544: {  	v8 =	vmul.f32 v8, v8;
	v2 =	vmul.f32 v2, v2;
	v10 =	vadd.f32 v11, v10  }
0x545: {  	v61 =	vadd.f32 v22, v21;
	v62 =	vadd.f32 v60, v13;
	v5 =	vmin.f32 v5, v12  }
0x546: {  	v4 =	vmul.f32 v4, v4;
	v8 =	vadd.f32 v8, v9;
	v2 =	vadd.f32 v2, v10  }
0x547: {  	[tilespmem:s21+$0x1800] =	vst v18;
	v5 =	vmin.f32 v5, v62  }
0x548: {  	[tilespmem:s22+$0x2000] =	vst v61;
	v4 =	vadd.f32 v4, v8;
	v5 =	vmin.f32 v5, v2  }
0x549: {  	[tilespmem:s20+$0x1800] =	vst v12;
	(xrf0) =	vmax.scan.msk.f32 $0xffff, v5  }
0x54a: {  	[tilespmem:s16+$0x2000] =	vst v4  }
0x54b: {  	[tilespmem:s22+$0x1800] =	vst v62  }
0x54c: {  	s31 =	simm.s32 $0x0;
	[tilespmem:s16+$0x1800] =	vst v2  }
0x54d: {  	v2 =	vld [tilespmem:s31+$0x1800]  }
0x54e: {  	v3 =	vmin.f32 v3, v61  }
0x54f: {  	v3 =	vmin.f32 v3, v4;
	v4, _, _ =	vpop (xrf0)  }
0x550: {  	v4 =	vbroadcast v4, $0xF  }
0x551: {  	(xrf0) =	vmax.scan.msk.f32 $0xffff, v3  }
0x552: {  	vm2 =	vle.f32 v2, v4  }
0x553: {  	v3 =	vmpcnt.ones.xlane vm2;
	_ =	sdelay $0x1  }
0x554: {  	v8 =	vld [tilespmem:s31+$0x2000];
	_ =	sdelay $0x1  }
0x555: {  	(v2sf) =	vpush v3, $0x0;
	v3, _, _ =	vpop (xrf0)  }
0x556: {  	v5 =	vbroadcast v3, $0xF  }
0x557: {  	s16 =	simm.s32 $0x0  }
0x558: {  	[tilespmem:s16+$0x2800] =	vst.msk vm2, v2;
	vm3 =	vle.f32 v8, v5  }
0x559: {  	[tilespmem:s16+$0x3080] =	vst.msk vm3, v8;
	v8 =	vmpcnt.ones.xlane vm3;
	_ =	sdelay $0x1  }
0x55a: {  	(v2sf) =	vpush v8, $0x0;
	_ =	sdelay $0x2  }
0x55b: {  	s17 =	simm.s32 $0x10  }
0x55c: {  	v3 =	vld [tilespmem:s17+$0x1800]  }
0x55d: {  	v2 =	vld [tilespmem:s17+$0x2000];
	_ =	sdelay $0x3  }
0x55e: {  	vm3 =	vle.f32 v3, v4  }
0x55f: {  	vm2 =	vle.f32 v2, v5;
	v63 =	vmpcnt.ones.xlane vm3  }
0x560: {  	v8 =	vmpcnt.ones.xlane vm2  }
0x561: {  	(v2sf) =	vpush v63, $0x0  }
0x562: {  	s19 =	simm.s32 $0x80;
	s17 =	simm.s32 $0x0;
	s18 =	spop (v2sf);
	(v2sf) =	vpush v8, $0x0  }
.LBB2_103:
0x563: {  	s16 =	sadd.s32 s16, s18  }
0x564: {  	s18 =	spop (v2sf);
	s20 =	smov.u32 s19;
	s21 =	sadd.s32 $0x40, s19  }
0x565: {  	p0 =	sne.s32 s19, $0x1FC0;
	[tilespmem:s16+$0x2800] =	vst.msk vm3, v3;
	s17 =	sadd.s32 s17, s18  }
0x566: {  	[tilespmem:s17+$0x3080] =	vst.msk vm2, v2  }
0x567: {  	s18 =	sshra.s32 s20, $0x2  }
0x568: {  	v3 =	vld [tilespmem:s18+$0x1800]  }
0x569: {  	v2 =	vld [tilespmem:s18+$0x2000];
	_ =	sdelay $0x3  }
.Ltmp54:
0x56a: {  	vm3 =	vle.f32 v3, v4;
	(pc) =	sbr.rel @p0 .LBB2_103-.Ltmp54, $4  }
0x56b: {  	vm2 =	vle.f32 v2, v5;
	v8 =	vmpcnt.ones.xlane vm3  }
0x56c: {  	v9 =	vmpcnt.ones.xlane vm2  }
0x56d: {  	(v2sf) =	vpush v8, $0x0  }
0x56e: {  	s19 =	smov.u32 s21;
	(v2sf) =	vpush v9, $0x0;
	s18 =	spop (v2sf)  }
0x56f: {  	v4 =	vshrl.u32 v6, $0x1;
	v5 =	vmul.f32 $5.000000000e-01, v6  }
0x570: {  	v4 =	vsub.s32 $0x5F3759DF, v4  }
0x571: {  	v9 =	vshrl.u32 v7, $0x1;
	v10 =	vmul.f32 $5.000000000e-01, v7;
	v8 =	vmul.f32 v4, v5  }
0x572: {  	v9 =	vsub.s32 $0x5F3759DF, v9  }
0x573: {  	v11 =	vmul.f32 v9, v10;
	v8 =	vmul.f32 v4, v8;
	_ =	sdelay $0x1  }
0x574: {  	v11 =	vmul.f32 v9, v11;
	v8 =	vsub.f32 $1.500000000e+00, v8;
	_ =	sdelay $0x1  }
0x575: {  	v54 =	vsub.f32 $1.500000000e+00, v11;
	v4 =	vmul.f32 v4, v8;
	_ =	sdelay $0x1  }
0x576: {  	v8 =	vmul.f32 v9, v54;
	v55 =	vmul.f32 v4, v5;
	_ =	sdelay $0x1  }
0x577: {  	v57 =	vmul.f32 v8, v10;
	v56 =	vmul.f32 v55, v4;
	_ =	sdelay $0x1  }
0x578: {  	v11 =	vmul.f32 v57, v8;
	v9 =	vsub.f32 $1.500000000e+00, v56;
	_ =	sdelay $0x1  }
0x579: {  	v58 =	vsub.f32 $1.500000000e+00, v11;
	v4 =	vmul.f32 v9, v4;
	_ =	sdelay $0x1  }
0x57a: {  	v8 =	vmul.f32 v58, v8;
	v5 =	vmul.f32 v4, v5;
	_ =	sdelay $0x1  }
0x57b: {  	v9 =	vmul.f32 v8, v10;
	v5 =	vmul.f32 v5, v4;
	_ =	sdelay $0x1  }
0x57c: {  	v9 =	vmul.f32 v9, v8;
	v5 =	vsub.f32 $1.500000000e+00, v5;
	_ =	sdelay $0x1  }
0x57d: {  	v59 =	vsub.f32 $1.500000000e+00, v9;
	v4 =	vmul.f32 v5, v4;
	_ =	sdelay $0x1  }
0x57e: {  	v5 =	vmul.f32 v59, v8;
	v4 =	vmul.f32 v4, v6;
	_ =	sdelay $0x1  }
0x57f: {  	v5 =	vmul.f32 v5, v7;
	(xrf2) =	vadd.scan.msk.f32 $0xffff, v4;
	_ =	sdelay $0x1  }
0x580: {  	(xrf2) =	vadd.scan.msk.f32 $0xffff, v5;
	_ =	sdelay $0x2  }
0x581: {  	(xrf0) =	vmin.scan.msk.f32 $0xffff, v4;
	_ =	sdelay $0x1  }
0x582: {  	(xrf0) =	vmin.scan.msk.f32 $0xffff, v5;
	_ =	sdelay $0x1  }
0x583: {  	s19 =	spop (v2sf)  }
0x584: {  	s18 =	sadd.s32 s16, s18;
	s25 =	spop (v2sf);
	v60, _, _ =	vpop (xrf2)  }
0x585: {  	s22 =	sadd.s32 s18, s25;
	v61, _, _ =	vpop (xrf0);
	(v2sf) =	vpush v60, $0xF  }
0x586: {  	s17 =	sadd.s32 s17, s19;
	s20 =	spop (v2sf);
	s16 =	sadd.s32 $0xF, s22;
	v62, _, _ =	vpop (xrf2);
	(v2sf) =	vpush v61, $0xF  }
0x587: {  	s24 =	sadd.s32 s17, s20;
	s20 =	simm.s32 $0x1;
	s26 =	sshra.s32 s16, $0x1F;
	v63, _, _ =	vpop (xrf0);
	(v2sf) =	vpush v62, $0xF  }
0x588: {  	s28 =	sand.u32 $0xF, s16;
	s21 =	sadd.s32 $0xF, s24;
	p0 =	slt.s32 s16, $0x1;
	(v2sf) =	vpush v63, $0xF  }
0x589: {  	s19 =	sshrl.u32 s26, $0x1C;
	p1 =	sne.s32 s28, $0x0;
	s29 =	sand.u32 $0xF, s21  }
0x58a: {  	p6 =	slt.s32 s21, $0x1;
	s31 =	sshra.s32 s21, $0x1F;
	p2 =	sne.s32 s29, $0x0  }
0x58b: {  	s19 =	sadd.s32 s19, s16;
	p0 =	por !p0, !p1;
	p1 =	por !p6, !p2  }
0x58c: {  	s30 =	sshra.s32 s19, $0x4;
	p0 =	por !p0, !p0;
	s19 =	sshrl.u32 s31, $0x1C  }
0x58d: {  	s19 =	sadd.s32 s19, s21;
	p1 =	por !p1, !p1;
	s21 =	simm.s32 $0x1  }
0x58e: {  	s20 =	simm.s32 @!p0 $0x0;
	s19 =	sshra.s32 s19, $0x4;
	s21 =	simm.s32 @!p1 $0x0  }
0x58f: {  	s20 =	ssub.s32 s30, s20;
	s21 =	ssub.s32 s19, s21  }
0x590: {  	p0 =	sgt.s32 s20, s21;
	s23 =	smov.u32 s21  }
0x591: {  	s23 =	smov.u32 @p0 s20  }
0x592: {  	p0 =	slt.s32 s23, $0x1  }
.Ltmp55:
0x593: {  	_ = 	snop;
	(pc) =	sbr.rel @p0 .LBB2_105-.Ltmp55, $4  }
0x594: {  	[tilespmem:s18+$0x2800] =	vst.msk vm3, v3;
	s16 =	spop (v2sf)  }
0x595: {  	[tilespmem:s17+$0x3080] =	vst.msk vm2, v2;
	v2 =	vimm.f32 $+Inf;
	s17 =	spop (v2sf)  }
0x596: {  	[tilespmem:s22+$0x2800] =	vst v2;
	s18 =	spop (v2sf)  }
0x597: {  	[tilespmem:s24+$0x3080] =	vst v2;
	s19 =	spop (v2sf)  }
0x598: {  	p2 =	sne.s32 s23, $0x1  }
.Ltmp56:
0x599: {  	_ = 	snop;
	(pc) =	sbr.rel @!p2 .LBB2_107-.Ltmp56, $4  }
0x59a: {  	_ = 	snop  }
0x59b: {  	s22 =	simm.s32 $0x2800  }
0x59c: {  	s25 =	simm.s32 $0x0;
	s26 =	simm.s32 $0x3080;
	v3 =	vld [tilespmem:s22+$0x0]  }
0x59d: {  	s24 =	simm.s32 $0x1;
	p0 =	por $0x0, $0x0;
	p1 =	por $0x0, $0x0;
	v4 =	vld [tilespmem:s26+$0x0]  }
0x59e: {  	_ =	sdelay $0x2  }
0x59f: {  	(xrf1) =	vsort.ascd.msk.f32 $0xffff, v3, v3  }
0x5a0: {  	(xrf1) =	vsort.ascd.msk.f32 $0xffff, v4, v4;
	_ =	sdelay $0x9  }
0x5a1: {  	p2 =	sne.s32 s23, $0x2  }
.Ltmp57:
0x5a2: {  	_ = 	snop;
	(pc) =	sbr.rel @!p2 .LBB2_109-.Ltmp57, $4  }
0x5a3: {  	_ = 	snop  }
0x5a4: {  	s22 =	simm.s32 $0x2810;
	v5, _, _ =	vpop (xrf1)  }
0x5a5: {  	s26 =	simm.s32 $0x3090;
	v3 =	vld [tilespmem:s22+$0x0];
	v6, _, _ =	vpop (xrf1)  }
0x5a6: {  	p0 =	por $0x1, $0x1;
	s22 =	simm.s32 $0x2;
	v4 =	vld [tilespmem:s26+$0x0];
	v5 =	vperm.xlane v5, v0;
	v8 =	vperm.xlane v6, v0  }
0x5a7: {  	_ =	sdelay $0x2  }
0x5a8: {  	(xrf1) =	vsort.ascd.msk.f32 $0xffff, v3, v3;
	_ =	sdelay $0xb  }
0x5a9: {  	v3 =	vmin.f32 v2, v8;
	(xrf1) =	vsort.ascd.msk.f32 $0xffff, v4, v4  }
0x5aa: {  	v4 =	vmin.f32 v2, v5;
	(xrf1) =	vsort.ascd.msk.f32 $0xffff, v3, v3  }
0x5ab: {  	v5, _, _ =	vpop (xrf1);
	(xrf1) =	vsort.ascd.msk.f32 $0xffff, v4, v4;
	_ =	sdelay $0x7  }
0x5ac: {  	s25 =	simm.s32 $0x2820;
	p4 =	sne.s32 s23, $0x3  }
.Ltmp58:
0x5ad: {  	s28 =	simm.s32 $0x30A0;
	v3 =	vld [tilespmem:s25+$0x0];
	(pc) =	sbr.rel @!p4 .LBB2_111-.Ltmp58, $3  }
0x5ae: {  	v4 =	vld [tilespmem:s28+$0x0];
	_ =	sdelay $0x1  }
0x5af: {  	s26 =	simm.s32 $0x3;
	v7 =	vimm.f32 $+Inf;
	v6, _, _ =	vpop (xrf1)  }
0x5b0: {  	p2 =	sgt.s32 s20, $0x0;
	p3 =	sgt.s32 s21, $0x0;
	p1 =	por $0x1, $0x1;
	v5 =	vperm.xlane v5, v0;
	v8 =	vperm.xlane v6, v0;
	v9, _, _ =	vpop (xrf1);
	v6 =	vimm.f32 $+Inf  }
.LBB2_112:
0x5b1: {  	(xrf1) =	vsort.ascd.msk.f32 $0xffff, v3, v3;
	v6 =	vpsel p3, v9, v6;
	v3, _, _ =	vpop (xrf1);
	s29 =	smov.u32 s22;
	s22 =	smov.u32 s26;
	s26 =	sadd.s32 $0x1, s26  }
0x5b2: {  	p4 =	sne.s32 s23, s26;
	(xrf1) =	vsort.ascd.msk.f32 $0xffff, v4, v4;
	v4 =	vmin.f32 v6, v8;
	v7 =	vpsel p2, v3, v7  }
0x5b3: {  	v3 =	vmin.f32 v7, v5;
	(xrf1) =	vsort.ascd.msk.f32 $0xffff, v4, v4  }
0x5b4: {  	(xrf1) =	vsort.ascd.msk.f32 $0xffff, v3, v3;
	_ =	sdelay $0x7  }
0x5b5: {  	s25 =	sadd.s32 $0x10, s25  }
.Ltmp59:
0x5b6: {  	s28 =	sadd.s32 $0x10, s28;
	v3 =	vld [tilespmem:s25+$0x0];
	(pc) =	sbr.rel @p4 .LBB2_112-.Ltmp59, $4  }
0x5b7: {  	v4 =	vld [tilespmem:s28+$0x0]  }
0x5b8: {  	v5, _, _ =	vpop (xrf1)  }
0x5b9: {  	v5 =	vperm.xlane v5, v0;
	v8, _, _ =	vpop (xrf1)  }
0x5ba: {  	p3 =	slt.s32 s24, s21;
	p2 =	slt.s32 s24, s20;
	s24 =	smov.u32 s29;
	v8 =	vperm.xlane v8, v0;
	v9, _, _ =	vpop (xrf1)  }
0x5bb: {  	s25 =	smov.u32 s24  }
.LBB2_114:
0x5bc: {  	p3 =	por !p3, !p1  }
0x5bd: {  	v6 =	vpsel p3, v6, v9  }
0x5be: {  	(xrf1) =	vsort.ascd.msk.f32 $0xffff, v3, v3;
	v6 =	vpsel p1, v6, v2  }
0x5bf: {  	v3, _, _ =	vpop @p1 (xrf1);
	(xrf1) =	vsort.ascd.msk.f32 $0xffff, v4, v4;
	v4 =	vmin.f32 @p0 v6, v8  }
0x5c0: {  	p2 =	por !p2, !p1;
	(xrf1) =	vsort.ascd.msk.f32 @p0 $0xffff, v4, v4  }
0x5c1: {  	v3 =	vpsel p2, v7, v3  }
0x5c2: {  	v3 =	vpsel p1, v3, v2  }
0x5c3: {  	v4 =	vmin.f32 @p0 v3, v5  }
0x5c4: {  	(xrf1) =	vsort.ascd.msk.f32 @p0 $0xffff, v4, v4;
	_ =	sdelay $0x7  }
0x5c5: {  	v4, _, _ =	vpop (xrf1)  }
0x5c6: {  	v5, _, _ =	vpop (xrf1)  }
0x5c7: {  	v7, _, _ =	vpop @p0 (xrf1)  }
0x5c8: {  	p1 =	slt.s32 @p0 s25, s21;
	v7 =	vpsel p0, v7, v0  }
0x5c9: {  	p2 =	slt.s32 @p0 s25, s20;
	p1 =	por @!p0 p0, p0  }
0x5ca: {  	p2 =	por @!p0 p0, p0;
	p1 =	por !p1, !p0  }
0x5cb: {  	p4 =	por !p2, !p0;
	v5 =	vperm.xlane v5, v0;
	v6 =	vpsel p1, v6, v7;
	v7, _, _ =	vpop @p0 (xrf1)  }
0x5cc: {  	v4 =	vperm.xlane v4, v0;
	v6 =	vpsel p0, v6, v2;
	v3 =	vpsel p4, v3, v7  }
0x5cd: {  	v5 =	vmin.f32 v6, v5;
	v2 =	vpsel p0, v3, v2  }
0x5ce: {  	(xrf1) =	vsort.ascd.msk.f32 $0xffff, v5, v5;
	v3 =	vmin.f32 v2, v4  }
0x5cf: {  	(xrf1) =	vsort.ascd.msk.f32 $0xffff, v3, v3;
	_ =	sdelay $0xc  }
.Ltmp60:
0x5d0: {  	v3, _, _ =	vpop (xrf1);
	(pc) =	sbr.rel .LBB2_115-.Ltmp60, $4  }
0x5d1: {  	p5 =	slt.s32 s22, s20;
	v4, _, _ =	vpop (xrf1)  }
0x5d2: {  	p6 =	slt.s32 s22, s21;
	v2 =	vpsel p5, v4, v2  }
0x5d3: {  	v3 =	vpsel p6, v3, v6;
	v2 =	vadd.f32 $9.999999960e-13, v2  }
0x5d4: {  	v3 =	vadd.f32 $9.999999960e-13, v3  }
.LBB2_8:
.Ltmp61:
0x5d5: {  	(pc) =	sbr.rel .LBB2_15-.Ltmp61, $2  }
0x5d6: {  	_ =	sdelay $0x2  }
0x5d7: {  	v9 =	vimm.f32 $+Inf;
	s18 =	simm.s32 $0x0;
	v10 =	vimm.f32 $+Inf  }
.LBB2_22:
.Ltmp62:
0x5d8: {  	(pc) =	sbr.rel .LBB2_29-.Ltmp62, $2  }
0x5d9: {  	_ =	sdelay $0x2  }
0x5da: {  	v9 =	vimm.f32 $+Inf;
	s22 =	simm.s32 $0x0;
	v10 =	vimm.f32 $+Inf  }
.LBB2_36:
.Ltmp63:
0x5db: {  	(pc) =	sbr.rel .LBB2_43-.Ltmp63, $2  }
0x5dc: {  	_ =	sdelay $0x2  }
0x5dd: {  	v9 =	vimm.f32 $+Inf;
	s22 =	simm.s32 $0x0;
	v10 =	vimm.f32 $+Inf  }
.LBB2_50:
.Ltmp64:
0x5de: {  	(pc) =	sbr.rel .LBB2_57-.Ltmp64, $2  }
0x5df: {  	_ =	sdelay $0x2  }
0x5e0: {  	v9 =	vimm.f32 $+Inf;
	s22 =	simm.s32 $0x0;
	v10 =	vimm.f32 $+Inf  }
.LBB2_64:
.Ltmp65:
0x5e1: {  	(pc) =	sbr.rel .LBB2_71-.Ltmp65, $2  }
0x5e2: {  	_ =	sdelay $0x2  }
0x5e3: {  	v9 =	vimm.f32 $+Inf;
	s22 =	simm.s32 $0x0;
	v10 =	vimm.f32 $+Inf  }
.LBB2_78:
.Ltmp66:
0x5e4: {  	(pc) =	sbr.rel .LBB2_85-.Ltmp66, $2  }
0x5e5: {  	_ =	sdelay $0x2  }
0x5e6: {  	v9 =	vimm.f32 $+Inf;
	s22 =	simm.s32 $0x0;
	v10 =	vimm.f32 $+Inf  }
.LBB2_92:
.Ltmp67:
0x5e7: {  	(pc) =	sbr.rel .LBB2_99-.Ltmp67, $2  }
0x5e8: {  	_ =	sdelay $0x2  }
0x5e9: {  	v9 =	vimm.f32 $+Inf;
	s22 =	simm.s32 $0x0;
	v10 =	vimm.f32 $+Inf  }
.LBB2_107:
.Ltmp68:
0x5ea: {  	(pc) =	sbr.rel .LBB2_114-.Ltmp68, $2  }
0x5eb: {  	_ =	sdelay $0x2  }
0x5ec: {  	v6 =	vimm.f32 $+Inf;
	s22 =	simm.s32 $0x0;
	v7 =	vimm.f32 $+Inf  }
.LBB2_10:
.Ltmp69:
0x5ed: {  	(pc) =	sbr.rel .LBB2_15-.Ltmp69, $2  }
0x5ee: {  	_ =	sdelay $0x2  }
0x5ef: {  	v9 =	vimm.f32 $+Inf;
	s18 =	simm.s32 $0x1;
	v10 =	vimm.f32 $+Inf  }
.LBB2_24:
.Ltmp70:
0x5f0: {  	(pc) =	sbr.rel .LBB2_29-.Ltmp70, $2  }
0x5f1: {  	_ =	sdelay $0x2  }
0x5f2: {  	v9 =	vimm.f32 $+Inf;
	s22 =	simm.s32 $0x1;
	v10 =	vimm.f32 $+Inf  }
.LBB2_38:
.Ltmp71:
0x5f3: {  	(pc) =	sbr.rel .LBB2_43-.Ltmp71, $2  }
0x5f4: {  	_ =	sdelay $0x2  }
0x5f5: {  	v9 =	vimm.f32 $+Inf;
	s22 =	simm.s32 $0x1;
	v10 =	vimm.f32 $+Inf  }
.LBB2_52:
.Ltmp72:
0x5f6: {  	(pc) =	sbr.rel .LBB2_57-.Ltmp72, $2  }
0x5f7: {  	_ =	sdelay $0x2  }
0x5f8: {  	v9 =	vimm.f32 $+Inf;
	s22 =	simm.s32 $0x1;
	v10 =	vimm.f32 $+Inf  }
.LBB2_66:
.Ltmp73:
0x5f9: {  	(pc) =	sbr.rel .LBB2_71-.Ltmp73, $2  }
0x5fa: {  	_ =	sdelay $0x2  }
0x5fb: {  	v9 =	vimm.f32 $+Inf;
	s22 =	simm.s32 $0x1;
	v10 =	vimm.f32 $+Inf  }
.LBB2_80:
.Ltmp74:
0x5fc: {  	(pc) =	sbr.rel .LBB2_85-.Ltmp74, $2  }
0x5fd: {  	_ =	sdelay $0x2  }
0x5fe: {  	v9 =	vimm.f32 $+Inf;
	s22 =	simm.s32 $0x1;
	v10 =	vimm.f32 $+Inf  }
.LBB2_94:
.Ltmp75:
0x5ff: {  	(pc) =	sbr.rel .LBB2_99-.Ltmp75, $2  }
0x600: {  	_ =	sdelay $0x2  }
0x601: {  	v9 =	vimm.f32 $+Inf;
	s22 =	simm.s32 $0x1;
	v10 =	vimm.f32 $+Inf  }
.LBB2_109:
.Ltmp76:
0x602: {  	(pc) =	sbr.rel .LBB2_114-.Ltmp76, $2  }
0x603: {  	_ =	sdelay $0x2  }
0x604: {  	v6 =	vimm.f32 $+Inf;
	s22 =	simm.s32 $0x1;
	v7 =	vimm.f32 $+Inf  }
.LBB2_12:
.Ltmp77:
0x605: {  	(pc) =	sbr.rel .LBB2_15-.Ltmp77, $2  }
0x606: {  	_ =	sdelay $0x2  }
0x607: {  	v9 =	vimm.f32 $+Inf;
	v10 =	vimm.f32 $+Inf;
	s21 =	simm.s32 $0x1  }
.LBB2_26:
.Ltmp78:
0x608: {  	(pc) =	sbr.rel .LBB2_29-.Ltmp78, $2  }
0x609: {  	_ =	sdelay $0x2  }
0x60a: {  	v9 =	vimm.f32 $+Inf;
	v10 =	vimm.f32 $+Inf;
	s25 =	simm.s32 $0x1  }
.LBB2_40:
.Ltmp79:
0x60b: {  	(pc) =	sbr.rel .LBB2_43-.Ltmp79, $2  }
0x60c: {  	_ =	sdelay $0x2  }
0x60d: {  	v9 =	vimm.f32 $+Inf;
	v10 =	vimm.f32 $+Inf;
	s25 =	simm.s32 $0x1  }
.LBB2_54:
.Ltmp80:
0x60e: {  	(pc) =	sbr.rel .LBB2_57-.Ltmp80, $2  }
0x60f: {  	_ =	sdelay $0x2  }
0x610: {  	v9 =	vimm.f32 $+Inf;
	v10 =	vimm.f32 $+Inf;
	s25 =	simm.s32 $0x1  }
.LBB2_68:
.Ltmp81:
0x611: {  	(pc) =	sbr.rel .LBB2_71-.Ltmp81, $2  }
0x612: {  	_ =	sdelay $0x2  }
0x613: {  	v9 =	vimm.f32 $+Inf;
	v10 =	vimm.f32 $+Inf;
	s25 =	simm.s32 $0x1  }
.LBB2_82:
.Ltmp82:
0x614: {  	(pc) =	sbr.rel .LBB2_85-.Ltmp82, $2  }
0x615: {  	_ =	sdelay $0x2  }
0x616: {  	v9 =	vimm.f32 $+Inf;
	v10 =	vimm.f32 $+Inf;
	s25 =	simm.s32 $0x1  }
.LBB2_96:
.Ltmp83:
0x617: {  	(pc) =	sbr.rel .LBB2_99-.Ltmp83, $2  }
0x618: {  	_ =	sdelay $0x2  }
0x619: {  	v9 =	vimm.f32 $+Inf;
	v10 =	vimm.f32 $+Inf;
	s25 =	simm.s32 $0x1  }
.LBB2_111:
.Ltmp84:
0x61a: {  	(pc) =	sbr.rel .LBB2_114-.Ltmp84, $2  }
0x61b: {  	_ =	sdelay $0x2  }
0x61c: {  	v6 =	vimm.f32 $+Inf;
	v7 =	vimm.f32 $+Inf;
	s25 =	simm.s32 $0x1  }
.LBB2_117:
0x61d: {  	_ =	sfence.sel $0x180000  }
0x61e: {  	[bflag:$0x0] =	sbarrier.arrive $0xFFFF  }
0x61f: {  	p0 =	sne.s32 s0, $0x0;
	_ =	strace $0x90000047  }
0x620: {  	s0 =	sadd.s32 @!p0 $0x100000, s1;
	[bflag:$0x2] =	sbarrier.arrive $0xFFFF  }
0x621: {  	[sflag:s0] =	ssyncadd.tile.s32 @!p0 $0x1;
	_ =	shalt  }
.Lfunc_end2:
_tile_overlayer_lowered:
.L_overlay_start_2:
0x622: {  	(tag) =	ssettag $0x2  }
0x623: {  	s0 =	rddreg [dreg:$0x0];
	s2 =	stileid.u32  }
0x624: {  	s1 =	rddreg [dreg:$0x1];
	p0 =	sne.s32 s2, $0x0  }
0x625: {  	s3 =	rddreg [dreg:$0x2];
	[bflag:$0x3] =	sbarrier.arrive $0xFFFF;
	s2 =	simm.s32 @!p0 $0x1C01  }
0x626: {  	[timem:s3], [sflag:s2] =	dma.local @!p0 [hbm:s0], s1  }
0x627: {  	s0 =	simm.s32 @!p0 $0x1  }
0x628: {  	_ =	swait.ge @!p0 [sflag:s0], s1  }
0x629: {  	s1 =	ssub.s32 @!p0 $0x0, s1;
	[sflag:s0] =	ssyncset.done @!p0 $0x0  }
0x62a: {  	[sflag:s0] =	ssyncadd.s32 @!p0 s1  }
0x62b: {  	[bflag:$0x3] =	sbarrier.arrive $0xFFFF  }
0x62c: {  	_ =	shalt  }

</sc_bundles>
